<compile_context>
chip_gen: v7x
topology: tpu7x:2x2x1
jax: 0.10.2.dev20260603
libtpu: 0.0.44.dev20260713+nightly
codegen_flags: <defaults>
</compile_context>

<pallas_src>
import functools

import jax
import jax.numpy as jnp
from jax import lax
from jax.experimental import pallas as pl
from jax.experimental.pallas import tpu as pltpu
from jax.experimental.pallas import tpu_sc as plsc

B, N, C, K = 2, 4096, 256, 16


T1 = 512


NCH = 32
CW = N // NCH


def _knn_body(p2_ref, p1_ref, idx_ref):
    b = pl.program_id(0)
    a = p2_ref[0]
    db = p1_ref[0]
    sa = jnp.sum(a * a, axis=0)[:, None]
    sb = jnp.sum(db * db, axis=0)[None, :]
    ab = lax.dot_general(a, db, (((0,), (0,)), ((), ())),
                         preferred_element_type=jnp.float32)
    d2 = sa + sb - 2.0 * ab
    chunks = [d2[:, c * CW:(c + 1) * CW] for c in range(NCH)]
    cmin = jnp.concatenate(
        [jnp.min(ch, axis=1, keepdims=True) for ch in chunks], axis=1)
    iota_c = lax.broadcasted_iota(jnp.int32, (T1, NCH), 1)
    iota_w = lax.broadcasted_iota(jnp.int32, (T1, CW), 1)
    inf = jnp.float32(jnp.inf)
    base = b * N
    sel = []
    for j in range(K):
        m = jnp.min(cmin, axis=1, keepdims=True)
        cidx = jnp.min(jnp.where(cmin == m, iota_c, NCH), axis=1,
                       keepdims=True)
        acc = chunks[NCH - 1]
        for c in range(NCH - 2, -1, -1):
            acc = jnp.where(cidx == c, chunks[c], acc)
        gcur = cidx * CW + iota_w
        for p in sel:
            acc = jnp.where(gcur == p, inf, acc)
        lidx = jnp.min(jnp.where(acc == m, iota_w, CW), axis=1,
                       keepdims=True)
        gidx = cidx * CW + lidx
        sel.append(gidx)
        idx_ref[0, :, j:j + 1] = gidx + base
        if j < K - 1:
            nmin = jnp.min(jnp.where(iota_w == lidx, inf, acc), axis=1,
                           keepdims=True)
            cmin = jnp.where(iota_c == cidx, nmin, cmin)


def _knn(points2, points1):
    return pl.pallas_call(
        _knn_body,
        grid=(B, N // T1),
        in_specs=[
            pl.BlockSpec((1, 3, T1), lambda b, i: (b, 0, i)),
            pl.BlockSpec((1, 3, N), lambda b, i: (b, 0, 0)),
        ],
        out_specs=pl.BlockSpec((1, T1, K), lambda b, i: (b, i, 0)),
        out_shape=jax.ShapeDtypeStruct((B, N, K), jnp.int32),
    )(points2, points1)



CHUNK = 128
NC, NS = 2, 16
NW = NC * NS
BTOT = B * N * K
BPW = BTOT // NW


def _sc_gather(table, px, py, pz, ax, ay, az, idx):
    nch = BPW // CHUNK
    mesh = plsc.VectorSubcoreMesh(core_axis_name="c", subcore_axis_name="s",
                                  num_cores=NC, num_subcores=NS)

    @functools.partial(
        pl.kernel, mesh=mesh,
        compiler_params=pltpu.CompilerParams(needs_layout_passes=False),
        out_type=(jax.ShapeDtypeStruct((BTOT, C), jnp.float32),
                  jax.ShapeDtypeStruct((BTOT,), jnp.float32),
                  jax.ShapeDtypeStruct((BTOT,), jnp.float32),
                  jax.ShapeDtypeStruct((BTOT,), jnp.float32),
                  jax.ShapeDtypeStruct((BTOT,), jnp.float32)),
        scratch_types=[
            pltpu.VMEM((CHUNK,), jnp.int32),
            pltpu.VMEM((CHUNK, C), jnp.float32),
            pltpu.VMEM((B * N,), jnp.float32),
            pltpu.VMEM((B * N,), jnp.float32),
            pltpu.VMEM((B * N,), jnp.float32),
            pltpu.VMEM((B * N,), jnp.float32),
            pltpu.VMEM((B * N,), jnp.float32),
            pltpu.VMEM((B * N,), jnp.float32),
            pltpu.VMEM((BPW,), jnp.float32),
            pltpu.VMEM((BPW,), jnp.float32),
            pltpu.VMEM((BPW,), jnp.float32),
            pltpu.VMEM((BPW,), jnp.float32),
            pltpu.SemaphoreType.DMA,
        ],
    )
    def gather(table_hbm, px_hbm, py_hbm, pz_hbm, ax_hbm, ay_hbm, az_hbm,
               idx_hbm, rows_out, xo_out, yo_out, zo_out, d2_out,
               idx_v, rows_v, px_v, py_v, pz_v, ax_v, ay_v, az_v,
               xv, yv, zv, d2v, sem):
        wid = lax.axis_index("s") * NC + lax.axis_index("c")
        base = wid * BPW
        pltpu.sync_copy(px_hbm, px_v)
        pltpu.sync_copy(py_hbm, py_v)
        pltpu.sync_copy(pz_hbm, pz_v)
        pltpu.sync_copy(ax_hbm, ax_v)
        pltpu.sync_copy(ay_hbm, ay_v)
        pltpu.sync_copy(az_hbm, az_v)

        def body(i, carry):
            off = base + i * CHUNK
            pltpu.sync_copy(idx_hbm.at[pl.ds(off, CHUNK)], idx_v)
            pltpu.async_copy(table_hbm.at[idx_v], rows_v, sem).wait()
            pltpu.sync_copy(rows_v, rows_out.at[pl.ds(off, CHUNK)])
            for j in range(CHUNK // 16):
                iv = idx_v[pl.ds(j * 16, 16)]
                dst = i * CHUNK + j * 16
                nvec = jnp.full((16,), off // K + j, jnp.int32)
                gx = plsc.load_gather(px_v, [iv]) - plsc.load_gather(ax_v, [nvec])
                gy = plsc.load_gather(py_v, [iv]) - plsc.load_gather(ay_v, [nvec])
                gz = plsc.load_gather(pz_v, [iv]) - plsc.load_gather(az_v, [nvec])
                xv[pl.ds(dst, 16)] = gx
                yv[pl.ds(dst, 16)] = gy
                zv[pl.ds(dst, 16)] = gz
                d2v[pl.ds(dst, 16)] = gx * gx + gy * gy + gz * gz
            return carry

        lax.fori_loop(0, nch, body, 0)
        pltpu.sync_copy(xv, xo_out.at[pl.ds(base, BPW)])
        pltpu.sync_copy(yv, yo_out.at[pl.ds(base, BPW)])
        pltpu.sync_copy(zv, zo_out.at[pl.ds(base, BPW)])
        pltpu.sync_copy(d2v, d2_out.at[pl.ds(base, BPW)])

    return gather(table, px, py, pz, ax, ay, az, idx)



T3 = 64
M3 = T3 * K


def _mlp_body(y_ref, x4_ref, w1tg_ref, w1tm_ref, b1_ref, w2t_ref,
              b2_ref, out_ref):
    mot = y_ref[0].reshape(M3, C)
    g = x4_ref[0]
    xg = jnp.concatenate([g[:, :3], jnp.sqrt(g[:, 3:4])], axis=1)
    h = (lax.dot_general(mot, w1tm_ref[...], (((1,), (0,)), ((), ())),
                         preferred_element_type=jnp.float32)
         + lax.dot_general(xg, w1tg_ref[...], (((1,), (0,)), ((), ())),
                           preferred_element_type=jnp.float32)
         + b1_ref[...])
    h2 = (lax.dot_general(h, w2t_ref[...], (((1,), (0,)), ((), ())),
                          preferred_element_type=jnp.float32)
          + b2_ref[...])
    wmax = jnp.max(h2, axis=1)
    wk = wmax.reshape(T3, K)
    wk = wk - jnp.max(wk, axis=1, keepdims=True)
    e = jnp.exp(wk)
    sm = e / jnp.sum(e, axis=1, keepdims=True)
    contrib = mot.reshape(T3, K, C) * sm[:, :, None]
    out_ref[0] = jnp.sum(contrib, axis=1)


def _mlp(y, x4, w1tg, w1tm, b1r, w2t, b2r):
    return pl.pallas_call(
        _mlp_body,
        grid=(B, N // T3),
        in_specs=[
            pl.BlockSpec((1, T3, K, C), lambda b, i: (b, i, 0, 0)),
            pl.BlockSpec((1, M3, 4), lambda b, i: (b, i, 0)),
            pl.BlockSpec((4, C // 2), lambda b, i: (0, 0)),
            pl.BlockSpec((C, C // 2), lambda b, i: (0, 0)),
            pl.BlockSpec((1, C // 2), lambda b, i: (0, 0)),
            pl.BlockSpec((C // 2, C // 4), lambda b, i: (0, 0)),
            pl.BlockSpec((1, C // 4), lambda b, i: (0, 0)),
        ],
        out_specs=pl.BlockSpec((1, T3, C), lambda b, i: (b, i, 0)),
        out_shape=jax.ShapeDtypeStruct((B, N, C), jnp.float32),
    )(y, x4, w1tg, w1tm, b1r, w2t, b2r)




def kernel(points1, points2, motion1, W1, b1, W2, b2):
    idx = _knn(points2, points1)

    table = jnp.transpose(motion1, (0, 2, 1)).reshape(B * N, C)
    px = points1[:, 0, :].reshape(-1)
    py = points1[:, 1, :].reshape(-1)
    pz = points1[:, 2, :].reshape(-1)
    ax = points2[:, 0, :].reshape(-1)
    ay = points2[:, 1, :].reshape(-1)
    az = points2[:, 2, :].reshape(-1)

    y, xo, yo, zo, d2o = _sc_gather(table, px, py, pz, ax, ay, az,
                                    idx.reshape(-1))
    y = y.reshape(B, N, K, C)
    x4 = jnp.stack([xo, yo, zo, d2o], axis=1).reshape(B, N * K, 4)

    w1tg = jnp.transpose(W1[:, :4])
    w1tm = jnp.transpose(W1[:, 4:])
    w2t = jnp.transpose(W2)
    out = _mlp(y, x4, w1tg, w1tm, b1.reshape(1, -1), w2t,
               b2.reshape(1, -1))
    return jnp.transpose(out, (0, 2, 1))

# --- scband reference (transcript-rebuilt; emitter-appended) ---
"""Pipeline reference for scband-motion-align-56521769615774 (READ-ONLY COPY).

The authoritative reference and input builder live on the scoring server;
editing this copy changes nothing except your own understanding.
"""

import jax, jax.numpy as jnp
import numpy as np

B, N, C, K = 2, 4096, 256, 16


def setup_inputs(seed: int = 0) -> dict:
    key = jax.random.key(seed)
    ks = jax.random.split(key, 8)
    points1 = jax.random.normal(ks[0], (B, 3, N), dtype=jnp.float32)
    points2 = jax.random.normal(ks[1], (B, 3, N), dtype=jnp.float32)
    motion1 = jax.random.normal(ks[2], (B, C, N), dtype=jnp.float32)
    W1 = jax.random.normal(ks[3], (C // 2, C + 4), dtype=jnp.float32) * 0.05
    b1 = jax.random.normal(ks[4], (C // 2,), dtype=jnp.float32) * 0.01
    W2 = jax.random.normal(ks[5], (C // 4, C // 2), dtype=jnp.float32) * 0.05
    b2 = jax.random.normal(ks[6], (C // 4,), dtype=jnp.float32) * 0.01
    return {"points1": points1, "points2": points2, "motion1": motion1,
            "W1": W1, "b1": b1, "W2": W2, "b2": b2}


def reference(points1, points2, motion1, W1, b1, W2, b2):
    k = K
    # knn_group(points2, points1, k): anchors = points2, database = points1
    anchors = jnp.transpose(points2, (0, 2, 1))   # [B,N,3]
    database = jnp.transpose(points1, (0, 2, 1))  # [B,N,3]
    d2 = (jnp.sum(anchors ** 2, axis=-1)[:, :, None]
          + jnp.sum(database ** 2, axis=-1)[:, None, :]
          - 2.0 * jnp.einsum('bnd,bmd->bnm', anchors, database))  # [B,N,N]
    _, nn_idx = jax.lax.top_k(-d2, k)  # [B,N,k] indices into database (points1)
    nn_points = jax.vmap(lambda db, ix: db[ix])(database, nn_idx)  # [B,N,k,3]
    rela_nn = nn_points - anchors[:, :, None, :]
    rela_dist = jnp.linalg.norm(rela_nn, axis=-1, keepdims=True)
    nn_group = jnp.concatenate([rela_nn, rela_dist], axis=-1)  # [B,N,k,4]
    nn_group = jnp.transpose(nn_group, (0, 3, 1, 2))           # [B,4,N,k]
    # knn_gather of motion features
    m = jnp.transpose(motion1, (0, 2, 1))                      # [B,N,C]
    features2 = jax.vmap(lambda mm, ix: mm[ix])(m, nn_idx)     # [B,N,k,C]
    features2 = jnp.transpose(features2, (0, 3, 1, 2))         # [B,C,N,k]
    x = jnp.concatenate([nn_group, features2], axis=1)         # [B,C+4,N,k]
    # two 1x1 conv2d layers (no activation between, faithful to Sequential)
    h = jnp.einsum('oc,bcnk->bonk', W1, x) + b1[None, :, None, None]
    h = jnp.einsum('oc,bcnk->bonk', W2, h) + b2[None, :, None, None]
    w = jnp.max(h, axis=1, keepdims=True)                      # [B,1,N,k]
    w = jax.nn.softmax(w, axis=-1)
    aligned_motion = jnp.sum(features2 * w, axis=-1)           # [B,C,N]
    return aligned_motion

if __name__ == "__main__":
    import jax
    _d = setup_inputs()
    print(jax.jit(kernel)(*tuple(_d.values())))

</pallas_src>

<mosaic_0001>
#map = affine_map<(d0, d1) -> (0, 0)>
#map1 = affine_map<(d0, d1) -> (0)>
module attributes {stable_mosaic.version = 14 : i64} {
  func.func @gather(%arg0: i32, %arg1: i32, %arg2: memref<8192x256xf32, #tpu.memory_space<hbm>>, %arg3: memref<8192xf32, #tpu.memory_space<hbm>>, %arg4: memref<8192xf32, #tpu.memory_space<hbm>>, %arg5: memref<8192xf32, #tpu.memory_space<hbm>>, %arg6: memref<8192xf32, #tpu.memory_space<hbm>>, %arg7: memref<8192xf32, #tpu.memory_space<hbm>>, %arg8: memref<8192xf32, #tpu.memory_space<hbm>>, %arg9: memref<131072xi32, #tpu.memory_space<hbm>>, %arg10: memref<131072x256xf32, #tpu.memory_space<hbm>>, %arg11: memref<131072xf32, #tpu.memory_space<hbm>>, %arg12: memref<131072xf32, #tpu.memory_space<hbm>>, %arg13: memref<131072xf32, #tpu.memory_space<hbm>>, %arg14: memref<131072xf32, #tpu.memory_space<hbm>>, %arg15: memref<128xi32, #tpu.memory_space<vmem>>, %arg16: memref<128x256xf32, #tpu.memory_space<vmem>>, %arg17: memref<8192xf32, #tpu.memory_space<vmem>>, %arg18: memref<8192xf32, #tpu.memory_space<vmem>>, %arg19: memref<8192xf32, #tpu.memory_space<vmem>>, %arg20: memref<8192xf32, #tpu.memory_space<vmem>>, %arg21: memref<8192xf32, #tpu.memory_space<vmem>>, %arg22: memref<8192xf32, #tpu.memory_space<vmem>>, %arg23: memref<4096xf32, #tpu.memory_space<vmem>>, %arg24: memref<4096xf32, #tpu.memory_space<vmem>>, %arg25: memref<4096xf32, #tpu.memory_space<vmem>>, %arg26: memref<4096xf32, #tpu.memory_space<vmem>>, %arg27: memref<!tpu.dma_semaphore, #tpu.memory_space<semaphore_mem>>) attributes {dimension_semantics = [#tpu.dimension_semantics<core_parallel>, #tpu.dimension_semantics<subcore_parallel>], iteration_bounds = array<i64: 2, 16>, scalar_prefetch = 0 : i64, scratch_operands = 13 : i64, tpu.core_type = #tpu.core_type<sc_vector_subcore>, window_params = [{transform_indices = #map}, {transform_indices = #map1}, {transform_indices = #map1}, {transform_indices = #map1}, {transform_indices = #map1}, {transform_indices = #map1}, {transform_indices = #map1}, {transform_indices = #map1}, {transform_indices = #map}, {transform_indices = #map1}, {transform_indices = #map1}, {transform_indices = #map1}, {transform_indices = #map1}]} {
    %mul3A = arith.constant 2 : i32
    %mul3A_0 = arith.muli %arg1, %mul3A : i32
    %add3A = arith.addi %mul3A_0, %arg0 : i32
    %mul3A_1 = arith.constant 4096 : i32
    %mul3A_2 = arith.muli %add3A, %mul3A_1 : i32
    "tpu.region"() ({
      %run_scoped3A = tpu.sem_alloc : memref<!tpu.dma_semaphore, #tpu.memory_space<semaphore_mem>>
      tpu.enqueue_dma source(%arg3 : memref<8192xf32, #tpu.memory_space<hbm>>) target(%arg17 : memref<8192xf32, #tpu.memory_space<vmem>>) target_semaphore(%run_scoped3A : memref<!tpu.dma_semaphore, #tpu.memory_space<semaphore_mem>>)
      tpu.wait_dma2 semaphore(%run_scoped3A : memref<!tpu.dma_semaphore, #tpu.memory_space<semaphore_mem>>) src(%arg3 : memref<8192xf32, #tpu.memory_space<hbm>>) dst(%arg17 : memref<8192xf32, #tpu.memory_space<vmem>>)
      tpu.yield
    }) : () -> ()
    "tpu.region"() ({
      %run_scoped3A = tpu.sem_alloc : memref<!tpu.dma_semaphore, #tpu.memory_space<semaphore_mem>>
      tpu.enqueue_dma source(%arg4 : memref<8192xf32, #tpu.memory_space<hbm>>) target(%arg18 : memref<8192xf32, #tpu.memory_space<vmem>>) target_semaphore(%run_scoped3A : memref<!tpu.dma_semaphore, #tpu.memory_space<semaphore_mem>>)
      tpu.wait_dma2 semaphore(%run_scoped3A : memref<!tpu.dma_semaphore, #tpu.memory_space<semaphore_mem>>) src(%arg4 : memref<8192xf32, #tpu.memory_space<hbm>>) dst(%arg18 : memref<8192xf32, #tpu.memory_space<vmem>>)
      tpu.yield
    }) : () -> ()
    "tpu.region"() ({
      %run_scoped3A = tpu.sem_alloc : memref<!tpu.dma_semaphore, #tpu.memory_space<semaphore_mem>>
      tpu.enqueue_dma source(%arg5 : memref<8192xf32, #tpu.memory_space<hbm>>) target(%arg19 : memref<8192xf32, #tpu.memory_space<vmem>>) target_semaphore(%run_scoped3A : memref<!tpu.dma_semaphore, #tpu.memory_space<semaphore_mem>>)
      tpu.wait_dma2 semaphore(%run_scoped3A : memref<!tpu.dma_semaphore, #tpu.memory_space<semaphore_mem>>) src(%arg5 : memref<8192xf32, #tpu.memory_space<hbm>>) dst(%arg19 : memref<8192xf32, #tpu.memory_space<vmem>>)
      tpu.yield
    }) : () -> ()
    "tpu.region"() ({
      %run_scoped3A = tpu.sem_alloc : memref<!tpu.dma_semaphore, #tpu.memory_space<semaphore_mem>>
      tpu.enqueue_dma source(%arg6 : memref<8192xf32, #tpu.memory_space<hbm>>) target(%arg20 : memref<8192xf32, #tpu.memory_space<vmem>>) target_semaphore(%run_scoped3A : memref<!tpu.dma_semaphore, #tpu.memory_space<semaphore_mem>>)
      tpu.wait_dma2 semaphore(%run_scoped3A : memref<!tpu.dma_semaphore, #tpu.memory_space<semaphore_mem>>) src(%arg6 : memref<8192xf32, #tpu.memory_space<hbm>>) dst(%arg20 : memref<8192xf32, #tpu.memory_space<vmem>>)
      tpu.yield
    }) : () -> ()
    "tpu.region"() ({
      %run_scoped3A = tpu.sem_alloc : memref<!tpu.dma_semaphore, #tpu.memory_space<semaphore_mem>>
      tpu.enqueue_dma source(%arg7 : memref<8192xf32, #tpu.memory_space<hbm>>) target(%arg21 : memref<8192xf32, #tpu.memory_space<vmem>>) target_semaphore(%run_scoped3A : memref<!tpu.dma_semaphore, #tpu.memory_space<semaphore_mem>>)
      tpu.wait_dma2 semaphore(%run_scoped3A : memref<!tpu.dma_semaphore, #tpu.memory_space<semaphore_mem>>) src(%arg7 : memref<8192xf32, #tpu.memory_space<hbm>>) dst(%arg21 : memref<8192xf32, #tpu.memory_space<vmem>>)
      tpu.yield
    }) : () -> ()
    "tpu.region"() ({
      %run_scoped3A = tpu.sem_alloc : memref<!tpu.dma_semaphore, #tpu.memory_space<semaphore_mem>>
      tpu.enqueue_dma source(%arg8 : memref<8192xf32, #tpu.memory_space<hbm>>) target(%arg22 : memref<8192xf32, #tpu.memory_space<vmem>>) target_semaphore(%run_scoped3A : memref<!tpu.dma_semaphore, #tpu.memory_space<semaphore_mem>>)
      tpu.wait_dma2 semaphore(%run_scoped3A : memref<!tpu.dma_semaphore, #tpu.memory_space<semaphore_mem>>) src(%arg8 : memref<8192xf32, #tpu.memory_space<hbm>>) dst(%arg22 : memref<8192xf32, #tpu.memory_space<vmem>>)
      tpu.yield
    }) : () -> ()
    %scan3A = arith.constant 0 : i32
    %scan3A_3 = arith.constant 0 : i32
    %scan3A_4 = arith.constant 32 : i32
    %scan3A_5 = arith.addi %scan3A_3, %scan3A_4 : i32
    %scan3A_6 = arith.constant 1 : i32
    scf.for %scan3A_8 = %scan3A_3 to %scan3A_5 step %scan3A_6  : i32 {
      %mul3A_9 = arith.constant 128 : i32
      %mul3A_10 = arith.muli %scan3A_8, %mul3A_9 : i32
      %add3A_11 = arith.addi %mul3A_2, %mul3A_10 : i32
      "tpu.region"() ({
        %run_scoped3A = tpu.sem_alloc : memref<!tpu.dma_semaphore, #tpu.memory_space<semaphore_mem>>
        %dma_start3A_444 = tpu.memref_slice %arg9[%add3A_11] : memref<131072xi32, #tpu.memory_space<hbm>> -> memref<128xi32, #tpu.memory_space<hbm>>
        %dma_start3A_445 = tpu.memref_slice %arg9[%add3A_11] : memref<131072xi32, #tpu.memory_space<hbm>> -> memref<128xi32, #tpu.memory_space<hbm>>
        tpu.enqueue_dma source(%dma_start3A_445 : memref<128xi32, #tpu.memory_space<hbm>>) target(%arg15 : memref<128xi32, #tpu.memory_space<vmem>>) target_semaphore(%run_scoped3A : memref<!tpu.dma_semaphore, #tpu.memory_space<semaphore_mem>>)
        %dma_wait3A_446 = tpu.memref_slice %arg9[%add3A_11] : memref<131072xi32, #tpu.memory_space<hbm>> -> memref<128xi32, #tpu.memory_space<hbm>>
        %dma_wait3A_447 = tpu.memref_slice %arg9[%add3A_11] : memref<131072xi32, #tpu.memory_space<hbm>> -> memref<128xi32, #tpu.memory_space<hbm>>
        tpu.wait_dma2 semaphore(%run_scoped3A : memref<!tpu.dma_semaphore, #tpu.memory_space<semaphore_mem>>) src(%dma_wait3A_447 : memref<128xi32, #tpu.memory_space<hbm>>) dst(%arg15 : memref<128xi32, #tpu.memory_space<vmem>>)
        tpu.yield
      }) : () -> ()
      %dma_start3A = arith.constant 0 : i32
      %dma_start3A_12 = arith.constant 0 : i32
      %dma_start3A_13 = tpu.memref_slice %arg2[%dma_start3A, %dma_start3A_12] : memref<8192x256xf32, #tpu.memory_space<hbm>> -> memref<8192x256xf32, #tpu.memory_space<hbm>>
      tpu.enqueue_indirect_dma source(%dma_start3A_13 : memref<8192x256xf32, #tpu.memory_space<hbm>>) target(%arg16 : memref<128x256xf32, #tpu.memory_space<vmem>>) offsets(%arg15 : memref<128xi32, #tpu.memory_space<vmem>>) semaphore(%arg27 : memref<!tpu.dma_semaphore, #tpu.memory_space<semaphore_mem>>)
      %dma_wait3A = arith.constant 0 : i32
      %dma_wait3A_14 = arith.constant 0 : i32
      %dma_wait3A_15 = tpu.memref_slice %arg2[%dma_wait3A, %dma_wait3A_14] : memref<8192x256xf32, #tpu.memory_space<hbm>> -> memref<8192x256xf32, #tpu.memory_space<hbm>>
      tpu.wait_indirect_dma semaphore(%arg27 : memref<!tpu.dma_semaphore, #tpu.memory_space<semaphore_mem>>) src(%dma_wait3A_15 : memref<8192x256xf32, #tpu.memory_space<hbm>>) dst(%arg16 : memref<128x256xf32, #tpu.memory_space<vmem>>)
      "tpu.region"() ({
        %run_scoped3A = tpu.sem_alloc : memref<!tpu.dma_semaphore, #tpu.memory_space<semaphore_mem>>
        %dma_start3A_444 = arith.constant 0 : i32
        %dma_start3A_445 = tpu.memref_slice %arg10[%add3A_11, %dma_start3A_444] : memref<131072x256xf32, #tpu.memory_space<hbm>> -> memref<128x256xf32, #tpu.memory_space<hbm>>
        %dma_start3A_446 = arith.constant 0 : i32
        %dma_start3A_447 = tpu.memref_slice %arg10[%add3A_11, %dma_start3A_446] : memref<131072x256xf32, #tpu.memory_space<hbm>> -> memref<128x256xf32, #tpu.memory_space<hbm>>
        tpu.enqueue_dma source(%arg16 : memref<128x256xf32, #tpu.memory_space<vmem>>) target(%dma_start3A_447 : memref<128x256xf32, #tpu.memory_space<hbm>>) target_semaphore(%run_scoped3A : memref<!tpu.dma_semaphore, #tpu.memory_space<semaphore_mem>>)
        %dma_wait3A_448 = arith.constant 0 : i32
        %dma_wait3A_449 = tpu.memref_slice %arg10[%add3A_11, %dma_wait3A_448] : memref<131072x256xf32, #tpu.memory_space<hbm>> -> memref<128x256xf32, #tpu.memory_space<hbm>>
        %dma_wait3A_450 = arith.constant 0 : i32
        %dma_wait3A_451 = tpu.memref_slice %arg10[%add3A_11, %dma_wait3A_450] : memref<131072x256xf32, #tpu.memory_space<hbm>> -> memref<128x256xf32, #tpu.memory_space<hbm>>
        tpu.wait_dma2 semaphore(%run_scoped3A : memref<!tpu.dma_semaphore, #tpu.memory_space<semaphore_mem>>) src(%arg16 : memref<128x256xf32, #tpu.memory_space<vmem>>) dst(%dma_wait3A_451 : memref<128x256xf32, #tpu.memory_space<hbm>>)
        tpu.yield
      }) : () -> ()
      %get3A = arith.constant 0 : index
      %get3A_16 = tpu.vector_load %arg15[%get3A] {strides = array<i32>} : memref<128xi32, #tpu.memory_space<vmem>>, vector<16xi32>,
      %mul3A_17 = arith.constant 128 : i32
      %mul3A_18 = arith.muli %scan3A_8, %mul3A_17 : i32
      %add3A_19 = arith.constant 0 : i32
      %add3A_20 = arith.addi %mul3A_18, %add3A_19 : i32
      %jit3A = arith.constant 16 : i32
      %div3A = arith.divsi %add3A_11, %jit3A : i32
      %sign3A = arith.constant 0 : i32
      %sign3A_21 = arith.cmpi sgt, %add3A_11, %sign3A : i32
      %sign3A_22 = arith.extui %sign3A_21 : i1 to i32
      %sign3A_23 = arith.constant 0 : i32
      %sign3A_24 = arith.cmpi slt, %add3A_11, %sign3A_23 : i32
      %sign3A_25 = arith.extui %sign3A_24 : i1 to i32
      %sign3A_26 = arith.subi %sign3A_22, %sign3A_25 : i32
      %sign3A_27 = arith.constant 0 : i32
      %sign3A_28 = arith.cmpi sgt, %jit3A, %sign3A_27 : i32
      %sign3A_29 = arith.extui %sign3A_28 : i1 to i32
      %sign3A_30 = arith.constant 0 : i32
      %sign3A_31 = arith.cmpi slt, %jit3A, %sign3A_30 : i32
      %sign3A_32 = arith.extui %sign3A_31 : i1 to i32
      %sign3A_33 = arith.subi %sign3A_29, %sign3A_32 : i32
      %ne3A = arith.cmpi ne, %sign3A_26, %sign3A_33 : i32
      %rem3A = arith.remsi %add3A_11, %jit3A : i32
      %ne3A_34 = arith.constant 0 : i32
      %ne3A_35 = arith.cmpi ne, %rem3A, %ne3A_34 : i32
      %and3A = arith.andi %ne3A, %ne3A_35 : i1
      %sub3A = arith.constant 1 : i32
      %sub3A_36 = arith.subi %div3A, %sub3A : i32
      %select_n3A = arith.select %and3A, %sub3A_36, %div3A : i32
      %add3A_37 = arith.constant 0 : i32
      %add3A_38 = arith.addi %select_n3A, %add3A_37 : i32
      %broadcast_in_dim3A = vector.broadcast %add3A_38 : i32 to vector<16xi32>
      %gather3A = tpu.vector_load_idx %arg17[%get3A_16] : memref<8192xf32, #tpu.memory_space<vmem>>[vector<16xi32>], vector<16xf32>,
      %gather3A_39 = tpu.vector_load_idx %arg20[%broadcast_in_dim3A] : memref<8192xf32, #tpu.memory_space<vmem>>[vector<16xi32>], vector<16xf32>,
      %sub3A_40 = arith.subf %gather3A, %gather3A_39 : vector<16xf32>
      %gather3A_41 = tpu.vector_load_idx %arg18[%get3A_16] : memref<8192xf32, #tpu.memory_space<vmem>>[vector<16xi32>], vector<16xf32>,
      %gather3A_42 = tpu.vector_load_idx %arg21[%broadcast_in_dim3A] : memref<8192xf32, #tpu.memory_space<vmem>>[vector<16xi32>], vector<16xf32>,
      %sub3A_43 = arith.subf %gather3A_41, %gather3A_42 : vector<16xf32>
      %gather3A_44 = tpu.vector_load_idx %arg19[%get3A_16] : memref<8192xf32, #tpu.memory_space<vmem>>[vector<16xi32>], vector<16xf32>,
      %gather3A_45 = tpu.vector_load_idx %arg22[%broadcast_in_dim3A] : memref<8192xf32, #tpu.memory_space<vmem>>[vector<16xi32>], vector<16xf32>,
      %sub3A_46 = arith.subf %gather3A_44, %gather3A_45 : vector<16xf32>
      %swap3A = arith.index_cast %add3A_20 : i32 to index
      %swap3A_47 = tpu.vector_load %arg23[%swap3A] {strides = array<i32>} : memref<4096xf32, #tpu.memory_space<vmem>>, vector<16xf32>,
      tpu.vector_store %arg23[%swap3A], %sub3A_40 {strides = array<i32>} : memref<4096xf32, #tpu.memory_space<vmem>>, vector<16xf32>,
      %swap3A_48 = arith.index_cast %add3A_20 : i32 to index
      %swap3A_49 = tpu.vector_load %arg24[%swap3A_48] {strides = array<i32>} : memref<4096xf32, #tpu.memory_space<vmem>>, vector<16xf32>,
      tpu.vector_store %arg24[%swap3A_48], %sub3A_43 {strides = array<i32>} : memref<4096xf32, #tpu.memory_space<vmem>>, vector<16xf32>,
      %swap3A_50 = arith.index_cast %add3A_20 : i32 to index
      %swap3A_51 = tpu.vector_load %arg25[%swap3A_50] {strides = array<i32>} : memref<4096xf32, #tpu.memory_space<vmem>>, vector<16xf32>,
      tpu.vector_store %arg25[%swap3A_50], %sub3A_46 {strides = array<i32>} : memref<4096xf32, #tpu.memory_space<vmem>>, vector<16xf32>,
      %mul3A_52 = arith.mulf %sub3A_40, %sub3A_40 : vector<16xf32>
      %mul3A_53 = arith.mulf %sub3A_43, %sub3A_43 : vector<16xf32>
      %add3A_54 = arith.addf %mul3A_52, %mul3A_53 : vector<16xf32>
      %mul3A_55 = arith.mulf %sub3A_46, %sub3A_46 : vector<16xf32>
      %add3A_56 = arith.addf %add3A_54, %mul3A_55 : vector<16xf32>
      %swap3A_57 = arith.index_cast %add3A_20 : i32 to index
      %swap3A_58 = tpu.vector_load %arg26[%swap3A_57] {strides = array<i32>} : memref<4096xf32, #tpu.memory_space<vmem>>, vector<16xf32>,
      tpu.vector_store %arg26[%swap3A_57], %add3A_56 {strides = array<i32>} : memref<4096xf32, #tpu.memory_space<vmem>>, vector<16xf32>,
      %get3A_59 = arith.constant 16 : index
      %get3A_60 = tpu.vector_load %arg15[%get3A_59] {strides = array<i32>} : memref<128xi32, #tpu.memory_space<vmem>>, vector<16xi32>,
      %mul3A_61 = arith.constant 128 : i32
      %mul3A_62 = arith.muli %scan3A_8, %mul3A_61 : i32
      %add3A_63 = arith.constant 16 : i32
      %add3A_64 = arith.addi %mul3A_62, %add3A_63 : i32
      %jit3A_65 = arith.constant 16 : i32
      %div3A_66 = arith.divsi %add3A_11, %jit3A_65 : i32
      %sign3A_67 = arith.constant 0 : i32
      %sign3A_68 = arith.cmpi sgt, %add3A_11, %sign3A_67 : i32
      %sign3A_69 = arith.extui %sign3A_68 : i1 to i32
      %sign3A_70 = arith.constant 0 : i32
      %sign3A_71 = arith.cmpi slt, %add3A_11, %sign3A_70 : i32
      %sign3A_72 = arith.extui %sign3A_71 : i1 to i32
      %sign3A_73 = arith.subi %sign3A_69, %sign3A_72 : i32
      %sign3A_74 = arith.constant 0 : i32
      %sign3A_75 = arith.cmpi sgt, %jit3A_65, %sign3A_74 : i32
      %sign3A_76 = arith.extui %sign3A_75 : i1 to i32
      %sign3A_77 = arith.constant 0 : i32
      %sign3A_78 = arith.cmpi slt, %jit3A_65, %sign3A_77 : i32
      %sign3A_79 = arith.extui %sign3A_78 : i1 to i32
      %sign3A_80 = arith.subi %sign3A_76, %sign3A_79 : i32
      %ne3A_81 = arith.cmpi ne, %sign3A_73, %sign3A_80 : i32
      %rem3A_82 = arith.remsi %add3A_11, %jit3A_65 : i32
      %ne3A_83 = arith.constant 0 : i32
      %ne3A_84 = arith.cmpi ne, %rem3A_82, %ne3A_83 : i32
      %and3A_85 = arith.andi %ne3A_81, %ne3A_84 : i1
      %sub3A_86 = arith.constant 1 : i32
      %sub3A_87 = arith.subi %div3A_66, %sub3A_86 : i32
      %select_n3A_88 = arith.select %and3A_85, %sub3A_87, %div3A_66 : i32
      %add3A_89 = arith.constant 1 : i32
      %add3A_90 = arith.addi %select_n3A_88, %add3A_89 : i32
      %broadcast_in_dim3A_91 = vector.broadcast %add3A_90 : i32 to vector<16xi32>
      %gather3A_92 = tpu.vector_load_idx %arg17[%get3A_60] : memref<8192xf32, #tpu.memory_space<vmem>>[vector<16xi32>], vector<16xf32>,
      %gather3A_93 = tpu.vector_load_idx %arg20[%broadcast_in_dim3A_91] : memref<8192xf32, #tpu.memory_space<vmem>>[vector<16xi32>], vector<16xf32>,
      %sub3A_94 = arith.subf %gather3A_92, %gather3A_93 : vector<16xf32>
      %gather3A_95 = tpu.vector_load_idx %arg18[%get3A_60] : memref<8192xf32, #tpu.memory_space<vmem>>[vector<16xi32>], vector<16xf32>,
      %gather3A_96 = tpu.vector_load_idx %arg21[%broadcast_in_dim3A_91] : memref<8192xf32, #tpu.memory_space<vmem>>[vector<16xi32>], vector<16xf32>,
      %sub3A_97 = arith.subf %gather3A_95, %gather3A_96 : vector<16xf32>
      %gather3A_98 = tpu.vector_load_idx %arg19[%get3A_60] : memref<8192xf32, #tpu.memory_space<vmem>>[vector<16xi32>], vector<16xf32>,
      %gather3A_99 = tpu.vector_load_idx %arg22[%broadcast_in_dim3A_91] : memref<8192xf32, #tpu.memory_space<vmem>>[vector<16xi32>], vector<16xf32>,
      %sub3A_100 = arith.subf %gather3A_98, %gather3A_99 : vector<16xf32>
      %swap3A_101 = arith.index_cast %add3A_64 : i32 to index
      %swap3A_102 = tpu.vector_load %arg23[%swap3A_101] {strides = array<i32>} : memref<4096xf32, #tpu.memory_space<vmem>>, vector<16xf32>,
      tpu.vector_store %arg23[%swap3A_101], %sub3A_94 {strides = array<i32>} : memref<4096xf32, #tpu.memory_space<vmem>>, vector<16xf32>,
      %swap3A_103 = arith.index_cast %add3A_64 : i32 to index
      %swap3A_104 = tpu.vector_load %arg24[%swap3A_103] {strides = array<i32>} : memref<4096xf32, #tpu.memory_space<vmem>>, vector<16xf32>,
      tpu.vector_store %arg24[%swap3A_103], %sub3A_97 {strides = array<i32>} : memref<4096xf32, #tpu.memory_space<vmem>>, vector<16xf32>,
      %swap3A_105 = arith.index_cast %add3A_64 : i32 to index
      %swap3A_106 = tpu.vector_load %arg25[%swap3A_105] {strides = array<i32>} : memref<4096xf32, #tpu.memory_space<vmem>>, vector<16xf32>,
      tpu.vector_store %arg25[%swap3A_105], %sub3A_100 {strides = array<i32>} : memref<4096xf32, #tpu.memory_space<vmem>>, vector<16xf32>,
      %mul3A_107 = arith.mulf %sub3A_94, %sub3A_94 : vector<16xf32>
      %mul3A_108 = arith.mulf %sub3A_97, %sub3A_97 : vector<16xf32>
      %add3A_109 = arith.addf %mul3A_107, %mul3A_108 : vector<16xf32>
      %mul3A_110 = arith.mulf %sub3A_100, %sub3A_100 : vector<16xf32>
      %add3A_111 = arith.addf %add3A_109, %mul3A_110 : vector<16xf32>
      %swap3A_112 = arith.index_cast %add3A_64 : i32 to index
      %swap3A_113 = tpu.vector_load %arg26[%swap3A_112] {strides = array<i32>} : memref<4096xf32, #tpu.memory_space<vmem>>, vector<16xf32>,
      tpu.vector_store %arg26[%swap3A_112], %add3A_111 {strides = array<i32>} : memref<4096xf32, #tpu.memory_space<vmem>>, vector<16xf32>,
      %get3A_114 = arith.constant 32 : index
      %get3A_115 = tpu.vector_load %arg15[%get3A_114] {strides = array<i32>} : memref<128xi32, #tpu.memory_space<vmem>>, vector<16xi32>,
      %mul3A_116 = arith.constant 128 : i32
      %mul3A_117 = arith.muli %scan3A_8, %mul3A_116 : i32
      %add3A_118 = arith.constant 32 : i32
      %add3A_119 = arith.addi %mul3A_117, %add3A_118 : i32
      %jit3A_120 = arith.constant 16 : i32
      %div3A_121 = arith.divsi %add3A_11, %jit3A_120 : i32
      %sign3A_122 = arith.constant 0 : i32
      %sign3A_123 = arith.cmpi sgt, %add3A_11, %sign3A_122 : i32
      %sign3A_124 = arith.extui %sign3A_123 : i1 to i32
      %sign3A_125 = arith.constant 0 : i32
      %sign3A_126 = arith.cmpi slt, %add3A_11, %sign3A_125 : i32
      %sign3A_127 = arith.extui %sign3A_126 : i1 to i32
      %sign3A_128 = arith.subi %sign3A_124, %sign3A_127 : i32
      %sign3A_129 = arith.constant 0 : i32
      %sign3A_130 = arith.cmpi sgt, %jit3A_120, %sign3A_129 : i32
      %sign3A_131 = arith.extui %sign3A_130 : i1 to i32
      %sign3A_132 = arith.constant 0 : i32
      %sign3A_133 = arith.cmpi slt, %jit3A_120, %sign3A_132 : i32
      %sign3A_134 = arith.extui %sign3A_133 : i1 to i32
      %sign3A_135 = arith.subi %sign3A_131, %sign3A_134 : i32
      %ne3A_136 = arith.cmpi ne, %sign3A_128, %sign3A_135 : i32
      %rem3A_137 = arith.remsi %add3A_11, %jit3A_120 : i32
      %ne3A_138 = arith.constant 0 : i32
      %ne3A_139 = arith.cmpi ne, %rem3A_137, %ne3A_138 : i32
      %and3A_140 = arith.andi %ne3A_136, %ne3A_139 : i1
      %sub3A_141 = arith.constant 1 : i32
      %sub3A_142 = arith.subi %div3A_121, %sub3A_141 : i32
      %select_n3A_143 = arith.select %and3A_140, %sub3A_142, %div3A_121 : i32
      %add3A_144 = arith.constant 2 : i32
      %add3A_145 = arith.addi %select_n3A_143, %add3A_144 : i32
      %broadcast_in_dim3A_146 = vector.broadcast %add3A_145 : i32 to vector<16xi32>
      %gather3A_147 = tpu.vector_load_idx %arg17[%get3A_115] : memref<8192xf32, #tpu.memory_space<vmem>>[vector<16xi32>], vector<16xf32>,
      %gather3A_148 = tpu.vector_load_idx %arg20[%broadcast_in_dim3A_146] : memref<8192xf32, #tpu.memory_space<vmem>>[vector<16xi32>], vector<16xf32>,
      %sub3A_149 = arith.subf %gather3A_147, %gather3A_148 : vector<16xf32>
      %gather3A_150 = tpu.vector_load_idx %arg18[%get3A_115] : memref<8192xf32, #tpu.memory_space<vmem>>[vector<16xi32>], vector<16xf32>,
      %gather3A_151 = tpu.vector_load_idx %arg21[%broadcast_in_dim3A_146] : memref<8192xf32, #tpu.memory_space<vmem>>[vector<16xi32>], vector<16xf32>,
      %sub3A_152 = arith.subf %gather3A_150, %gather3A_151 : vector<16xf32>
      %gather3A_153 = tpu.vector_load_idx %arg19[%get3A_115] : memref<8192xf32, #tpu.memory_space<vmem>>[vector<16xi32>], vector<16xf32>,
      %gather3A_154 = tpu.vector_load_idx %arg22[%broadcast_in_dim3A_146] : memref<8192xf32, #tpu.memory_space<vmem>>[vector<16xi32>], vector<16xf32>,
      %sub3A_155 = arith.subf %gather3A_153, %gather3A_154 : vector<16xf32>
      %swap3A_156 = arith.index_cast %add3A_119 : i32 to index
      %swap3A_157 = tpu.vector_load %arg23[%swap3A_156] {strides = array<i32>} : memref<4096xf32, #tpu.memory_space<vmem>>, vector<16xf32>,
      tpu.vector_store %arg23[%swap3A_156], %sub3A_149 {strides = array<i32>} : memref<4096xf32, #tpu.memory_space<vmem>>, vector<16xf32>,
      %swap3A_158 = arith.index_cast %add3A_119 : i32 to index
      %swap3A_159 = tpu.vector_load %arg24[%swap3A_158] {strides = array<i32>} : memref<4096xf32, #tpu.memory_space<vmem>>, vector<16xf32>,
      tpu.vector_store %arg24[%swap3A_158], %sub3A_152 {strides = array<i32>} : memref<4096xf32, #tpu.memory_space<vmem>>, vector<16xf32>,
      %swap3A_160 = arith.index_cast %add3A_119 : i32 to index
      %swap3A_161 = tpu.vector_load %arg25[%swap3A_160] {strides = array<i32>} : memref<4096xf32, #tpu.memory_space<vmem>>, vector<16xf32>,
      tpu.vector_store %arg25[%swap3A_160], %sub3A_155 {strides = array<i32>} : memref<4096xf32, #tpu.memory_space<vmem>>, vector<16xf32>,
      %mul3A_162 = arith.mulf %sub3A_149, %sub3A_149 : vector<16xf32>
      %mul3A_163 = arith.mulf %sub3A_152, %sub3A_152 : vector<16xf32>
      %add3A_164 = arith.addf %mul3A_162, %mul3A_163 : vector<16xf32>
      %mul3A_165 = arith.mulf %sub3A_155, %sub3A_155 : vector<16xf32>
      %add3A_166 = arith.addf %add3A_164, %mul3A_165 : vector<16xf32>
      %swap3A_167 = arith.index_cast %add3A_119 : i32 to index
      %swap3A_168 = tpu.vector_load %arg26[%swap3A_167] {strides = array<i32>} : memref<4096xf32, #tpu.memory_space<vmem>>, vector<16xf32>,
      tpu.vector_store %arg26[%swap3A_167], %add3A_166 {strides = array<i32>} : memref<4096xf32, #tpu.memory_space<vmem>>, vector<16xf32>,
      %get3A_169 = arith.constant 48 : index
      %get3A_170 = tpu.vector_load %arg15[%get3A_169] {strides = array<i32>} : memref<128xi32, #tpu.memory_space<vmem>>, vector<16xi32>,
      %mul3A_171 = arith.constant 128 : i32
      %mul3A_172 = arith.muli %scan3A_8, %mul3A_171 : i32
      %add3A_173 = arith.constant 48 : i32
      %add3A_174 = arith.addi %mul3A_172, %add3A_173 : i32
      %jit3A_175 = arith.constant 16 : i32
      %div3A_176 = arith.divsi %add3A_11, %jit3A_175 : i32
      %sign3A_177 = arith.constant 0 : i32
      %sign3A_178 = arith.cmpi sgt, %add3A_11, %sign3A_177 : i32
      %sign3A_179 = arith.extui %sign3A_178 : i1 to i32
      %sign3A_180 = arith.constant 0 : i32
      %sign3A_181 = arith.cmpi slt, %add3A_11, %sign3A_180 : i32
      %sign3A_182 = arith.extui %sign3A_181 : i1 to i32
      %sign3A_183 = arith.subi %sign3A_179, %sign3A_182 : i32
      %sign3A_184 = arith.constant 0 : i32
      %sign3A_185 = arith.cmpi sgt, %jit3A_175, %sign3A_184 : i32
      %sign3A_186 = arith.extui %sign3A_185 : i1 to i32
      %sign3A_187 = arith.constant 0 : i32
      %sign3A_188 = arith.cmpi slt, %jit3A_175, %sign3A_187 : i32
      %sign3A_189 = arith.extui %sign3A_188 : i1 to i32
      %sign3A_190 = arith.subi %sign3A_186, %sign3A_189 : i32
      %ne3A_191 = arith.cmpi ne, %sign3A_183, %sign3A_190 : i32
      %rem3A_192 = arith.remsi %add3A_11, %jit3A_175 : i32
      %ne3A_193 = arith.constant 0 : i32
      %ne3A_194 = arith.cmpi ne, %rem3A_192, %ne3A_193 : i32
      %and3A_195 = arith.andi %ne3A_191, %ne3A_194 : i1
      %sub3A_196 = arith.constant 1 : i32
      %sub3A_197 = arith.subi %div3A_176, %sub3A_196 : i32
      %select_n3A_198 = arith.select %and3A_195, %sub3A_197, %div3A_176 : i32
      %add3A_199 = arith.constant 3 : i32
      %add3A_200 = arith.addi %select_n3A_198, %add3A_199 : i32
      %broadcast_in_dim3A_201 = vector.broadcast %add3A_200 : i32 to vector<16xi32>
      %gather3A_202 = tpu.vector_load_idx %arg17[%get3A_170] : memref<8192xf32, #tpu.memory_space<vmem>>[vector<16xi32>], vector<16xf32>,
      %gather3A_203 = tpu.vector_load_idx %arg20[%broadcast_in_dim3A_201] : memref<8192xf32, #tpu.memory_space<vmem>>[vector<16xi32>], vector<16xf32>,
      %sub3A_204 = arith.subf %gather3A_202, %gather3A_203 : vector<16xf32>
      %gather3A_205 = tpu.vector_load_idx %arg18[%get3A_170] : memref<8192xf32, #tpu.memory_space<vmem>>[vector<16xi32>], vector<16xf32>,
      %gather3A_206 = tpu.vector_load_idx %arg21[%broadcast_in_dim3A_201] : memref<8192xf32, #tpu.memory_space<vmem>>[vector<16xi32>], vector<16xf32>,
      %sub3A_207 = arith.subf %gather3A_205, %gather3A_206 : vector<16xf32>
      %gather3A_208 = tpu.vector_load_idx %arg19[%get3A_170] : memref<8192xf32, #tpu.memory_space<vmem>>[vector<16xi32>], vector<16xf32>,
      %gather3A_209 = tpu.vector_load_idx %arg22[%broadcast_in_dim3A_201] : memref<8192xf32, #tpu.memory_space<vmem>>[vector<16xi32>], vector<16xf32>,
      %sub3A_210 = arith.subf %gather3A_208, %gather3A_209 : vector<16xf32>
      %swap3A_211 = arith.index_cast %add3A_174 : i32 to index
      %swap3A_212 = tpu.vector_load %arg23[%swap3A_211] {strides = array<i32>} : memref<4096xf32, #tpu.memory_space<vmem>>, vector<16xf32>,
      tpu.vector_store %arg23[%swap3A_211], %sub3A_204 {strides = array<i32>} : memref<4096xf32, #tpu.memory_space<vmem>>, vector<16xf32>,
      %swap3A_213 = arith.index_cast %add3A_174 : i32 to index
      %swap3A_214 = tpu.vector_load %arg24[%swap3A_213] {strides = array<i32>} : memref<4096xf32, #tpu.memory_space<vmem>>, vector<16xf32>,
      tpu.vector_store %arg24[%swap3A_213], %sub3A_207 {strides = array<i32>} : memref<4096xf32, #tpu.memory_space<vmem>>, vector<16xf32>,
      %swap3A_215 = arith.index_cast %add3A_174 : i32 to index
      %swap3A_216 = tpu.vector_load %arg25[%swap3A_215] {strides = array<i32>} : memref<4096xf32, #tpu.memory_space<vmem>>, vector<16xf32>,
      tpu.vector_store %arg25[%swap3A_215], %sub3A_210 {strides = array<i32>} : memref<4096xf32, #tpu.memory_space<vmem>>, vector<16xf32>,
      %mul3A_217 = arith.mulf %sub3A_204, %sub3A_204 : vector<16xf32>
      %mul3A_218 = arith.mulf %sub3A_207, %sub3A_207 : vector<16xf32>
      %add3A_219 = arith.addf %mul3A_217, %mul3A_218 : vector<16xf32>
      %mul3A_220 = arith.mulf %sub3A_210, %sub3A_210 : vector<16xf32>
      %add3A_221 = arith.addf %add3A_219, %mul3A_220 : vector<16xf32>
      %swap3A_222 = arith.index_cast %add3A_174 : i32 to index
      %swap3A_223 = tpu.vector_load %arg26[%swap3A_222] {strides = array<i32>} : memref<4096xf32, #tpu.memory_space<vmem>>, vector<16xf32>,
      tpu.vector_store %arg26[%swap3A_222], %add3A_221 {strides = array<i32>} : memref<4096xf32, #tpu.memory_space<vmem>>, vector<16xf32>,
      %get3A_224 = arith.constant 64 : index
      %get3A_225 = tpu.vector_load %arg15[%get3A_224] {strides = array<i32>} : memref<128xi32, #tpu.memory_space<vmem>>, vector<16xi32>,
      %mul3A_226 = arith.constant 128 : i32
      %mul3A_227 = arith.muli %scan3A_8, %mul3A_226 : i32
      %add3A_228 = arith.constant 64 : i32
      %add3A_229 = arith.addi %mul3A_227, %add3A_228 : i32
      %jit3A_230 = arith.constant 16 : i32
      %div3A_231 = arith.divsi %add3A_11, %jit3A_230 : i32
      %sign3A_232 = arith.constant 0 : i32
      %sign3A_233 = arith.cmpi sgt, %add3A_11, %sign3A_232 : i32
      %sign3A_234 = arith.extui %sign3A_233 : i1 to i32
      %sign3A_235 = arith.constant 0 : i32
      %sign3A_236 = arith.cmpi slt, %add3A_11, %sign3A_235 : i32
      %sign3A_237 = arith.extui %sign3A_236 : i1 to i32
      %sign3A_238 = arith.subi %sign3A_234, %sign3A_237 : i32
      %sign3A_239 = arith.constant 0 : i32
      %sign3A_240 = arith.cmpi sgt, %jit3A_230, %sign3A_239 : i32
      %sign3A_241 = arith.extui %sign3A_240 : i1 to i32
      %sign3A_242 = arith.constant 0 : i32
      %sign3A_243 = arith.cmpi slt, %jit3A_230, %sign3A_242 : i32
      %sign3A_244 = arith.extui %sign3A_243 : i1 to i32
      %sign3A_245 = arith.subi %sign3A_241, %sign3A_244 : i32
      %ne3A_246 = arith.cmpi ne, %sign3A_238, %sign3A_245 : i32
      %rem3A_247 = arith.remsi %add3A_11, %jit3A_230 : i32
      %ne3A_248 = arith.constant 0 : i32
      %ne3A_249 = arith.cmpi ne, %rem3A_247, %ne3A_248 : i32
      %and3A_250 = arith.andi %ne3A_246, %ne3A_249 : i1
      %sub3A_251 = arith.constant 1 : i32
      %sub3A_252 = arith.subi %div3A_231, %sub3A_251 : i32
      %select_n3A_253 = arith.select %and3A_250, %sub3A_252, %div3A_231 : i32
      %add3A_254 = arith.constant 4 : i32
      %add3A_255 = arith.addi %select_n3A_253, %add3A_254 : i32
      %broadcast_in_dim3A_256 = vector.broadcast %add3A_255 : i32 to vector<16xi32>
      %gather3A_257 = tpu.vector_load_idx %arg17[%get3A_225] : memref<8192xf32, #tpu.memory_space<vmem>>[vector<16xi32>], vector<16xf32>,
      %gather3A_258 = tpu.vector_load_idx %arg20[%broadcast_in_dim3A_256] : memref<8192xf32, #tpu.memory_space<vmem>>[vector<16xi32>], vector<16xf32>,
      %sub3A_259 = arith.subf %gather3A_257, %gather3A_258 : vector<16xf32>
      %gather3A_260 = tpu.vector_load_idx %arg18[%get3A_225] : memref<8192xf32, #tpu.memory_space<vmem>>[vector<16xi32>], vector<16xf32>,
      %gather3A_261 = tpu.vector_load_idx %arg21[%broadcast_in_dim3A_256] : memref<8192xf32, #tpu.memory_space<vmem>>[vector<16xi32>], vector<16xf32>,
      %sub3A_262 = arith.subf %gather3A_260, %gather3A_261 : vector<16xf32>
      %gather3A_263 = tpu.vector_load_idx %arg19[%get3A_225] : memref<8192xf32, #tpu.memory_space<vmem>>[vector<16xi32>], vector<16xf32>,
      %gather3A_264 = tpu.vector_load_idx %arg22[%broadcast_in_dim3A_256] : memref<8192xf32, #tpu.memory_space<vmem>>[vector<16xi32>], vector<16xf32>,
      %sub3A_265 = arith.subf %gather3A_263, %gather3A_264 : vector<16xf32>
      %swap3A_266 = arith.index_cast %add3A_229 : i32 to index
      %swap3A_267 = tpu.vector_load %arg23[%swap3A_266] {strides = array<i32>} : memref<4096xf32, #tpu.memory_space<vmem>>, vector<16xf32>,
      tpu.vector_store %arg23[%swap3A_266], %sub3A_259 {strides = array<i32>} : memref<4096xf32, #tpu.memory_space<vmem>>, vector<16xf32>,
      %swap3A_268 = arith.index_cast %add3A_229 : i32 to index
      %swap3A_269 = tpu.vector_load %arg24[%swap3A_268] {strides = array<i32>} : memref<4096xf32, #tpu.memory_space<vmem>>, vector<16xf32>,
      tpu.vector_store %arg24[%swap3A_268], %sub3A_262 {strides = array<i32>} : memref<4096xf32, #tpu.memory_space<vmem>>, vector<16xf32>,
      %swap3A_270 = arith.index_cast %add3A_229 : i32 to index
      %swap3A_271 = tpu.vector_load %arg25[%swap3A_270] {strides = array<i32>} : memref<4096xf32, #tpu.memory_space<vmem>>, vector<16xf32>,
      tpu.vector_store %arg25[%swap3A_270], %sub3A_265 {strides = array<i32>} : memref<4096xf32, #tpu.memory_space<vmem>>, vector<16xf32>,
      %mul3A_272 = arith.mulf %sub3A_259, %sub3A_259 : vector<16xf32>
      %mul3A_273 = arith.mulf %sub3A_262, %sub3A_262 : vector<16xf32>
      %add3A_274 = arith.addf %mul3A_272, %mul3A_273 : vector<16xf32>
      %mul3A_275 = arith.mulf %sub3A_265, %sub3A_265 : vector<16xf32>
      %add3A_276 = arith.addf %add3A_274, %mul3A_275 : vector<16xf32>
      %swap3A_277 = arith.index_cast %add3A_229 : i32 to index
      %swap3A_278 = tpu.vector_load %arg26[%swap3A_277] {strides = array<i32>} : memref<4096xf32, #tpu.memory_space<vmem>>, vector<16xf32>,
      tpu.vector_store %arg26[%swap3A_277], %add3A_276 {strides = array<i32>} : memref<4096xf32, #tpu.memory_space<vmem>>, vector<16xf32>,
      %get3A_279 = arith.constant 80 : index
      %get3A_280 = tpu.vector_load %arg15[%get3A_279] {strides = array<i32>} : memref<128xi32, #tpu.memory_space<vmem>>, vector<16xi32>,
      %mul3A_281 = arith.constant 128 : i32
      %mul3A_282 = arith.muli %scan3A_8, %mul3A_281 : i32
      %add3A_283 = arith.constant 80 : i32
      %add3A_284 = arith.addi %mul3A_282, %add3A_283 : i32
      %jit3A_285 = arith.constant 16 : i32
      %div3A_286 = arith.divsi %add3A_11, %jit3A_285 : i32
      %sign3A_287 = arith.constant 0 : i32
      %sign3A_288 = arith.cmpi sgt, %add3A_11, %sign3A_287 : i32
      %sign3A_289 = arith.extui %sign3A_288 : i1 to i32
      %sign3A_290 = arith.constant 0 : i32
      %sign3A_291 = arith.cmpi slt, %add3A_11, %sign3A_290 : i32
      %sign3A_292 = arith.extui %sign3A_291 : i1 to i32
      %sign3A_293 = arith.subi %sign3A_289, %sign3A_292 : i32
      %sign3A_294 = arith.constant 0 : i32
      %sign3A_295 = arith.cmpi sgt, %jit3A_285, %sign3A_294 : i32
      %sign3A_296 = arith.extui %sign3A_295 : i1 to i32
      %sign3A_297 = arith.constant 0 : i32
      %sign3A_298 = arith.cmpi slt, %jit3A_285, %sign3A_297 : i32
      %sign3A_299 = arith.extui %sign3A_298 : i1 to i32
      %sign3A_300 = arith.subi %sign3A_296, %sign3A_299 : i32
      %ne3A_301 = arith.cmpi ne, %sign3A_293, %sign3A_300 : i32
      %rem3A_302 = arith.remsi %add3A_11, %jit3A_285 : i32
      %ne3A_303 = arith.constant 0 : i32
      %ne3A_304 = arith.cmpi ne, %rem3A_302, %ne3A_303 : i32
      %and3A_305 = arith.andi %ne3A_301, %ne3A_304 : i1
      %sub3A_306 = arith.constant 1 : i32
      %sub3A_307 = arith.subi %div3A_286, %sub3A_306 : i32
      %select_n3A_308 = arith.select %and3A_305, %sub3A_307, %div3A_286 : i32
      %add3A_309 = arith.constant 5 : i32
      %add3A_310 = arith.addi %select_n3A_308, %add3A_309 : i32
      %broadcast_in_dim3A_311 = vector.broadcast %add3A_310 : i32 to vector<16xi32>
      %gather3A_312 = tpu.vector_load_idx %arg17[%get3A_280] : memref<8192xf32, #tpu.memory_space<vmem>>[vector<16xi32>], vector<16xf32>,
      %gather3A_313 = tpu.vector_load_idx %arg20[%broadcast_in_dim3A_311] : memref<8192xf32, #tpu.memory_space<vmem>>[vector<16xi32>], vector<16xf32>,
      %sub3A_314 = arith.subf %gather3A_312, %gather3A_313 : vector<16xf32>
      %gather3A_315 = tpu.vector_load_idx %arg18[%get3A_280] : memref<8192xf32, #tpu.memory_space<vmem>>[vector<16xi32>], vector<16xf32>,
      %gather3A_316 = tpu.vector_load_idx %arg21[%broadcast_in_dim3A_311] : memref<8192xf32, #tpu.memory_space<vmem>>[vector<16xi32>], vector<16xf32>,
      %sub3A_317 = arith.subf %gather3A_315, %gather3A_316 : vector<16xf32>
      %gather3A_318 = tpu.vector_load_idx %arg19[%get3A_280] : memref<8192xf32, #tpu.memory_space<vmem>>[vector<16xi32>], vector<16xf32>,
      %gather3A_319 = tpu.vector_load_idx %arg22[%broadcast_in_dim3A_311] : memref<8192xf32, #tpu.memory_space<vmem>>[vector<16xi32>], vector<16xf32>,
      %sub3A_320 = arith.subf %gather3A_318, %gather3A_319 : vector<16xf32>
      %swap3A_321 = arith.index_cast %add3A_284 : i32 to index
      %swap3A_322 = tpu.vector_load %arg23[%swap3A_321] {strides = array<i32>} : memref<4096xf32, #tpu.memory_space<vmem>>, vector<16xf32>,
      tpu.vector_store %arg23[%swap3A_321], %sub3A_314 {strides = array<i32>} : memref<4096xf32, #tpu.memory_space<vmem>>, vector<16xf32>,
      %swap3A_323 = arith.index_cast %add3A_284 : i32 to index
      %swap3A_324 = tpu.vector_load %arg24[%swap3A_323] {strides = array<i32>} : memref<4096xf32, #tpu.memory_space<vmem>>, vector<16xf32>,
      tpu.vector_store %arg24[%swap3A_323], %sub3A_317 {strides = array<i32>} : memref<4096xf32, #tpu.memory_space<vmem>>, vector<16xf32>,
      %swap3A_325 = arith.index_cast %add3A_284 : i32 to index
      %swap3A_326 = tpu.vector_load %arg25[%swap3A_325] {strides = array<i32>} : memref<4096xf32, #tpu.memory_space<vmem>>, vector<16xf32>,
      tpu.vector_store %arg25[%swap3A_325], %sub3A_320 {strides = array<i32>} : memref<4096xf32, #tpu.memory_space<vmem>>, vector<16xf32>,
      %mul3A_327 = arith.mulf %sub3A_314, %sub3A_314 : vector<16xf32>
      %mul3A_328 = arith.mulf %sub3A_317, %sub3A_317 : vector<16xf32>
      %add3A_329 = arith.addf %mul3A_327, %mul3A_328 : vector<16xf32>
      %mul3A_330 = arith.mulf %sub3A_320, %sub3A_320 : vector<16xf32>
      %add3A_331 = arith.addf %add3A_329, %mul3A_330 : vector<16xf32>
      %swap3A_332 = arith.index_cast %add3A_284 : i32 to index
      %swap3A_333 = tpu.vector_load %arg26[%swap3A_332] {strides = array<i32>} : memref<4096xf32, #tpu.memory_space<vmem>>, vector<16xf32>,
      tpu.vector_store %arg26[%swap3A_332], %add3A_331 {strides = array<i32>} : memref<4096xf32, #tpu.memory_space<vmem>>, vector<16xf32>,
      %get3A_334 = arith.constant 96 : index
      %get3A_335 = tpu.vector_load %arg15[%get3A_334] {strides = array<i32>} : memref<128xi32, #tpu.memory_space<vmem>>, vector<16xi32>,
      %mul3A_336 = arith.constant 128 : i32
      %mul3A_337 = arith.muli %scan3A_8, %mul3A_336 : i32
      %add3A_338 = arith.constant 96 : i32
      %add3A_339 = arith.addi %mul3A_337, %add3A_338 : i32
      %jit3A_340 = arith.constant 16 : i32
      %div3A_341 = arith.divsi %add3A_11, %jit3A_340 : i32
      %sign3A_342 = arith.constant 0 : i32
      %sign3A_343 = arith.cmpi sgt, %add3A_11, %sign3A_342 : i32
      %sign3A_344 = arith.extui %sign3A_343 : i1 to i32
      %sign3A_345 = arith.constant 0 : i32
      %sign3A_346 = arith.cmpi slt, %add3A_11, %sign3A_345 : i32
      %sign3A_347 = arith.extui %sign3A_346 : i1 to i32
      %sign3A_348 = arith.subi %sign3A_344, %sign3A_347 : i32
      %sign3A_349 = arith.constant 0 : i32
      %sign3A_350 = arith.cmpi sgt, %jit3A_340, %sign3A_349 : i32
      %sign3A_351 = arith.extui %sign3A_350 : i1 to i32
      %sign3A_352 = arith.constant 0 : i32
      %sign3A_353 = arith.cmpi slt, %jit3A_340, %sign3A_352 : i32
      %sign3A_354 = arith.extui %sign3A_353 : i1 to i32
      %sign3A_355 = arith.subi %sign3A_351, %sign3A_354 : i32
      %ne3A_356 = arith.cmpi ne, %sign3A_348, %sign3A_355 : i32
      %rem3A_357 = arith.remsi %add3A_11, %jit3A_340 : i32
      %ne3A_358 = arith.constant 0 : i32
      %ne3A_359 = arith.cmpi ne, %rem3A_357, %ne3A_358 : i32
      %and3A_360 = arith.andi %ne3A_356, %ne3A_359 : i1
      %sub3A_361 = arith.constant 1 : i32
      %sub3A_362 = arith.subi %div3A_341, %sub3A_361 : i32
      %select_n3A_363 = arith.select %and3A_360, %sub3A_362, %div3A_341 : i32
      %add3A_364 = arith.constant 6 : i32
      %add3A_365 = arith.addi %select_n3A_363, %add3A_364 : i32
      %broadcast_in_dim3A_366 = vector.broadcast %add3A_365 : i32 to vector<16xi32>
      %gather3A_367 = tpu.vector_load_idx %arg17[%get3A_335] : memref<8192xf32, #tpu.memory_space<vmem>>[vector<16xi32>], vector<16xf32>,
      %gather3A_368 = tpu.vector_load_idx %arg20[%broadcast_in_dim3A_366] : memref<8192xf32, #tpu.memory_space<vmem>>[vector<16xi32>], vector<16xf32>,
      %sub3A_369 = arith.subf %gather3A_367, %gather3A_368 : vector<16xf32>
      %gather3A_370 = tpu.vector_load_idx %arg18[%get3A_335] : memref<8192xf32, #tpu.memory_space<vmem>>[vector<16xi32>], vector<16xf32>,
      %gather3A_371 = tpu.vector_load_idx %arg21[%broadcast_in_dim3A_366] : memref<8192xf32, #tpu.memory_space<vmem>>[vector<16xi32>], vector<16xf32>,
      %sub3A_372 = arith.subf %gather3A_370, %gather3A_371 : vector<16xf32>
      %gather3A_373 = tpu.vector_load_idx %arg19[%get3A_335] : memref<8192xf32, #tpu.memory_space<vmem>>[vector<16xi32>], vector<16xf32>,
      %gather3A_374 = tpu.vector_load_idx %arg22[%broadcast_in_dim3A_366] : memref<8192xf32, #tpu.memory_space<vmem>>[vector<16xi32>], vector<16xf32>,
      %sub3A_375 = arith.subf %gather3A_373, %gather3A_374 : vector<16xf32>
      %swap3A_376 = arith.index_cast %add3A_339 : i32 to index
      %swap3A_377 = tpu.vector_load %arg23[%swap3A_376] {strides = array<i32>} : memref<4096xf32, #tpu.memory_space<vmem>>, vector<16xf32>,
      tpu.vector_store %arg23[%swap3A_376], %sub3A_369 {strides = array<i32>} : memref<4096xf32, #tpu.memory_space<vmem>>, vector<16xf32>,
      %swap3A_378 = arith.index_cast %add3A_339 : i32 to index
      %swap3A_379 = tpu.vector_load %arg24[%swap3A_378] {strides = array<i32>} : memref<4096xf32, #tpu.memory_space<vmem>>, vector<16xf32>,
      tpu.vector_store %arg24[%swap3A_378], %sub3A_372 {strides = array<i32>} : memref<4096xf32, #tpu.memory_space<vmem>>, vector<16xf32>,
      %swap3A_380 = arith.index_cast %add3A_339 : i32 to index
      %swap3A_381 = tpu.vector_load %arg25[%swap3A_380] {strides = array<i32>} : memref<4096xf32, #tpu.memory_space<vmem>>, vector<16xf32>,
      tpu.vector_store %arg25[%swap3A_380], %sub3A_375 {strides = array<i32>} : memref<4096xf32, #tpu.memory_space<vmem>>, vector<16xf32>,
      %mul3A_382 = arith.mulf %sub3A_369, %sub3A_369 : vector<16xf32>
      %mul3A_383 = arith.mulf %sub3A_372, %sub3A_372 : vector<16xf32>
      %add3A_384 = arith.addf %mul3A_382, %mul3A_383 : vector<16xf32>
      %mul3A_385 = arith.mulf %sub3A_375, %sub3A_375 : vector<16xf32>
      %add3A_386 = arith.addf %add3A_384, %mul3A_385 : vector<16xf32>
      %swap3A_387 = arith.index_cast %add3A_339 : i32 to index
      %swap3A_388 = tpu.vector_load %arg26[%swap3A_387] {strides = array<i32>} : memref<4096xf32, #tpu.memory_space<vmem>>, vector<16xf32>,
      tpu.vector_store %arg26[%swap3A_387], %add3A_386 {strides = array<i32>} : memref<4096xf32, #tpu.memory_space<vmem>>, vector<16xf32>,
      %get3A_389 = arith.constant 112 : index
      %get3A_390 = tpu.vector_load %arg15[%get3A_389] {strides = array<i32>} : memref<128xi32, #tpu.memory_space<vmem>>, vector<16xi32>,
      %mul3A_391 = arith.constant 128 : i32
      %mul3A_392 = arith.muli %scan3A_8, %mul3A_391 : i32
      %add3A_393 = arith.constant 112 : i32
      %add3A_394 = arith.addi %mul3A_392, %add3A_393 : i32
      %jit3A_395 = arith.constant 16 : i32
      %div3A_396 = arith.divsi %add3A_11, %jit3A_395 : i32
      %sign3A_397 = arith.constant 0 : i32
      %sign3A_398 = arith.cmpi sgt, %add3A_11, %sign3A_397 : i32
      %sign3A_399 = arith.extui %sign3A_398 : i1 to i32
      %sign3A_400 = arith.constant 0 : i32
      %sign3A_401 = arith.cmpi slt, %add3A_11, %sign3A_400 : i32
      %sign3A_402 = arith.extui %sign3A_401 : i1 to i32
      %sign3A_403 = arith.subi %sign3A_399, %sign3A_402 : i32
      %sign3A_404 = arith.constant 0 : i32
      %sign3A_405 = arith.cmpi sgt, %jit3A_395, %sign3A_404 : i32
      %sign3A_406 = arith.extui %sign3A_405 : i1 to i32
      %sign3A_407 = arith.constant 0 : i32
      %sign3A_408 = arith.cmpi slt, %jit3A_395, %sign3A_407 : i32
      %sign3A_409 = arith.extui %sign3A_408 : i1 to i32
      %sign3A_410 = arith.subi %sign3A_406, %sign3A_409 : i32
      %ne3A_411 = arith.cmpi ne, %sign3A_403, %sign3A_410 : i32
      %rem3A_412 = arith.remsi %add3A_11, %jit3A_395 : i32
      %ne3A_413 = arith.constant 0 : i32
      %ne3A_414 = arith.cmpi ne, %rem3A_412, %ne3A_413 : i32
      %and3A_415 = arith.andi %ne3A_411, %ne3A_414 : i1
      %sub3A_416 = arith.constant 1 : i32
      %sub3A_417 = arith.subi %div3A_396, %sub3A_416 : i32
      %select_n3A_418 = arith.select %and3A_415, %sub3A_417, %div3A_396 : i32
      %add3A_419 = arith.constant 7 : i32
      %add3A_420 = arith.addi %select_n3A_418, %add3A_419 : i32
      %broadcast_in_dim3A_421 = vector.broadcast %add3A_420 : i32 to vector<16xi32>
      %gather3A_422 = tpu.vector_load_idx %arg17[%get3A_390] : memref<8192xf32, #tpu.memory_space<vmem>>[vector<16xi32>], vector<16xf32>,
      %gather3A_423 = tpu.vector_load_idx %arg20[%broadcast_in_dim3A_421] : memref<8192xf32, #tpu.memory_space<vmem>>[vector<16xi32>], vector<16xf32>,
      %sub3A_424 = arith.subf %gather3A_422, %gather3A_423 : vector<16xf32>
      %gather3A_425 = tpu.vector_load_idx %arg18[%get3A_390] : memref<8192xf32, #tpu.memory_space<vmem>>[vector<16xi32>], vector<16xf32>,
      %gather3A_426 = tpu.vector_load_idx %arg21[%broadcast_in_dim3A_421] : memref<8192xf32, #tpu.memory_space<vmem>>[vector<16xi32>], vector<16xf32>,
      %sub3A_427 = arith.subf %gather3A_425, %gather3A_426 : vector<16xf32>
      %gather3A_428 = tpu.vector_load_idx %arg19[%get3A_390] : memref<8192xf32, #tpu.memory_space<vmem>>[vector<16xi32>], vector<16xf32>,
      %gather3A_429 = tpu.vector_load_idx %arg22[%broadcast_in_dim3A_421] : memref<8192xf32, #tpu.memory_space<vmem>>[vector<16xi32>], vector<16xf32>,
      %sub3A_430 = arith.subf %gather3A_428, %gather3A_429 : vector<16xf32>
      %swap3A_431 = arith.index_cast %add3A_394 : i32 to index
      %swap3A_432 = tpu.vector_load %arg23[%swap3A_431] {strides = array<i32>} : memref<4096xf32, #tpu.memory_space<vmem>>, vector<16xf32>,
      tpu.vector_store %arg23[%swap3A_431], %sub3A_424 {strides = array<i32>} : memref<4096xf32, #tpu.memory_space<vmem>>, vector<16xf32>,
      %swap3A_433 = arith.index_cast %add3A_394 : i32 to index
      %swap3A_434 = tpu.vector_load %arg24[%swap3A_433] {strides = array<i32>} : memref<4096xf32, #tpu.memory_space<vmem>>, vector<16xf32>,
      tpu.vector_store %arg24[%swap3A_433], %sub3A_427 {strides = array<i32>} : memref<4096xf32, #tpu.memory_space<vmem>>, vector<16xf32>,
      %swap3A_435 = arith.index_cast %add3A_394 : i32 to index
      %swap3A_436 = tpu.vector_load %arg25[%swap3A_435] {strides = array<i32>} : memref<4096xf32, #tpu.memory_space<vmem>>, vector<16xf32>,
      tpu.vector_store %arg25[%swap3A_435], %sub3A_430 {strides = array<i32>} : memref<4096xf32, #tpu.memory_space<vmem>>, vector<16xf32>,
      %mul3A_437 = arith.mulf %sub3A_424, %sub3A_424 : vector<16xf32>
      %mul3A_438 = arith.mulf %sub3A_427, %sub3A_427 : vector<16xf32>
      %add3A_439 = arith.addf %mul3A_437, %mul3A_438 : vector<16xf32>
      %mul3A_440 = arith.mulf %sub3A_430, %sub3A_430 : vector<16xf32>
      %add3A_441 = arith.addf %add3A_439, %mul3A_440 : vector<16xf32>
      %swap3A_442 = arith.index_cast %add3A_394 : i32 to index
      %swap3A_443 = tpu.vector_load %arg26[%swap3A_442] {strides = array<i32>} : memref<4096xf32, #tpu.memory_space<vmem>>, vector<16xf32>,
      tpu.vector_store %arg26[%swap3A_442], %add3A_441 {strides = array<i32>} : memref<4096xf32, #tpu.memory_space<vmem>>, vector<16xf32>,
    }
    %scan3A_7 = arith.constant 32 : i32
    "tpu.region"() ({
      %run_scoped3A = tpu.sem_alloc : memref<!tpu.dma_semaphore, #tpu.memory_space<semaphore_mem>>
      %dma_start3A = tpu.memref_slice %arg11[%mul3A_2] : memref<131072xf32, #tpu.memory_space<hbm>> -> memref<4096xf32, #tpu.memory_space<hbm>>
      %dma_start3A_8 = tpu.memref_slice %arg11[%mul3A_2] : memref<131072xf32, #tpu.memory_space<hbm>> -> memref<4096xf32, #tpu.memory_space<hbm>>
      tpu.enqueue_dma source(%arg23 : memref<4096xf32, #tpu.memory_space<vmem>>) target(%dma_start3A_8 : memref<4096xf32, #tpu.memory_space<hbm>>) target_semaphore(%run_scoped3A : memref<!tpu.dma_semaphore, #tpu.memory_space<semaphore_mem>>)
      %dma_wait3A = tpu.memref_slice %arg11[%mul3A_2] : memref<131072xf32, #tpu.memory_space<hbm>> -> memref<4096xf32, #tpu.memory_space<hbm>>
      %dma_wait3A_9 = tpu.memref_slice %arg11[%mul3A_2] : memref<131072xf32, #tpu.memory_space<hbm>> -> memref<4096xf32, #tpu.memory_space<hbm>>
      tpu.wait_dma2 semaphore(%run_scoped3A : memref<!tpu.dma_semaphore, #tpu.memory_space<semaphore_mem>>) src(%arg23 : memref<4096xf32, #tpu.memory_space<vmem>>) dst(%dma_wait3A_9 : memref<4096xf32, #tpu.memory_space<hbm>>)
      tpu.yield
    }) : () -> ()
    "tpu.region"() ({
      %run_scoped3A = tpu.sem_alloc : memref<!tpu.dma_semaphore, #tpu.memory_space<semaphore_mem>>
      %dma_start3A = tpu.memref_slice %arg12[%mul3A_2] : memref<131072xf32, #tpu.memory_space<hbm>> -> memref<4096xf32, #tpu.memory_space<hbm>>
      %dma_start3A_8 = tpu.memref_slice %arg12[%mul3A_2] : memref<131072xf32, #tpu.memory_space<hbm>> -> memref<4096xf32, #tpu.memory_space<hbm>>
      tpu.enqueue_dma source(%arg24 : memref<4096xf32, #tpu.memory_space<vmem>>) target(%dma_start3A_8 : memref<4096xf32, #tpu.memory_space<hbm>>) target_semaphore(%run_scoped3A : memref<!tpu.dma_semaphore, #tpu.memory_space<semaphore_mem>>)
      %dma_wait3A = tpu.memref_slice %arg12[%mul3A_2] : memref<131072xf32, #tpu.memory_space<hbm>> -> memref<4096xf32, #tpu.memory_space<hbm>>
      %dma_wait3A_9 = tpu.memref_slice %arg12[%mul3A_2] : memref<131072xf32, #tpu.memory_space<hbm>> -> memref<4096xf32, #tpu.memory_space<hbm>>
      tpu.wait_dma2 semaphore(%run_scoped3A : memref<!tpu.dma_semaphore, #tpu.memory_space<semaphore_mem>>) src(%arg24 : memref<4096xf32, #tpu.memory_space<vmem>>) dst(%dma_wait3A_9 : memref<4096xf32, #tpu.memory_space<hbm>>)
      tpu.yield
    }) : () -> ()
    "tpu.region"() ({
      %run_scoped3A = tpu.sem_alloc : memref<!tpu.dma_semaphore, #tpu.memory_space<semaphore_mem>>
      %dma_start3A = tpu.memref_slice %arg13[%mul3A_2] : memref<131072xf32, #tpu.memory_space<hbm>> -> memref<4096xf32, #tpu.memory_space<hbm>>
      %dma_start3A_8 = tpu.memref_slice %arg13[%mul3A_2] : memref<131072xf32, #tpu.memory_space<hbm>> -> memref<4096xf32, #tpu.memory_space<hbm>>
      tpu.enqueue_dma source(%arg25 : memref<4096xf32, #tpu.memory_space<vmem>>) target(%dma_start3A_8 : memref<4096xf32, #tpu.memory_space<hbm>>) target_semaphore(%run_scoped3A : memref<!tpu.dma_semaphore, #tpu.memory_space<semaphore_mem>>)
      %dma_wait3A = tpu.memref_slice %arg13[%mul3A_2] : memref<131072xf32, #tpu.memory_space<hbm>> -> memref<4096xf32, #tpu.memory_space<hbm>>
      %dma_wait3A_9 = tpu.memref_slice %arg13[%mul3A_2] : memref<131072xf32, #tpu.memory_space<hbm>> -> memref<4096xf32, #tpu.memory_space<hbm>>
      tpu.wait_dma2 semaphore(%run_scoped3A : memref<!tpu.dma_semaphore, #tpu.memory_space<semaphore_mem>>) src(%arg25 : memref<4096xf32, #tpu.memory_space<vmem>>) dst(%dma_wait3A_9 : memref<4096xf32, #tpu.memory_space<hbm>>)
      tpu.yield
    }) : () -> ()
    "tpu.region"() ({
      %run_scoped3A = tpu.sem_alloc : memref<!tpu.dma_semaphore, #tpu.memory_space<semaphore_mem>>
      %dma_start3A = tpu.memref_slice %arg14[%mul3A_2] : memref<131072xf32, #tpu.memory_space<hbm>> -> memref<4096xf32, #tpu.memory_space<hbm>>
      %dma_start3A_8 = tpu.memref_slice %arg14[%mul3A_2] : memref<131072xf32, #tpu.memory_space<hbm>> -> memref<4096xf32, #tpu.memory_space<hbm>>
      tpu.enqueue_dma source(%arg26 : memref<4096xf32, #tpu.memory_space<vmem>>) target(%dma_start3A_8 : memref<4096xf32, #tpu.memory_space<hbm>>) target_semaphore(%run_scoped3A : memref<!tpu.dma_semaphore, #tpu.memory_space<semaphore_mem>>)
      %dma_wait3A = tpu.memref_slice %arg14[%mul3A_2] : memref<131072xf32, #tpu.memory_space<hbm>> -> memref<4096xf32, #tpu.memory_space<hbm>>
      %dma_wait3A_9 = tpu.memref_slice %arg14[%mul3A_2] : memref<131072xf32, #tpu.memory_space<hbm>> -> memref<4096xf32, #tpu.memory_space<hbm>>
      tpu.wait_dma2 semaphore(%run_scoped3A : memref<!tpu.dma_semaphore, #tpu.memory_space<semaphore_mem>>) src(%arg26 : memref<4096xf32, #tpu.memory_space<vmem>>) dst(%dma_wait3A_9 : memref<4096xf32, #tpu.memory_space<hbm>>)
      tpu.yield
    }) : () -> ()
    return
  }
}

module attributes {stable_mosaic.version = 14 : i64} {
  func.func @_knn_body(%arg0: i32, %arg1: i32, %arg2: memref<1x3x512xf32, #tpu.memory_space<vmem>>, %arg3: memref<1x3x4096xf32, #tpu.memory_space<vmem>>, %arg4: memref<1x512x16xi32, #tpu.memory_space<vmem>>) attributes {dimension_semantics = [#tpu.dimension_semantics<arbitrary>, #tpu.dimension_semantics<arbitrary>], iteration_bounds = array<i64: 2, 8>, scalar_prefetch = 0 : i64, scratch_operands = 0 : i64, tpu.core_type = #tpu.core_type<tc>, window_params = [{transform_indices = @transform_0, window_bounds = array<i64: 1, 3, 512>}, {transform_indices = @transform_1, window_bounds = array<i64: 1, 3, 4096>}, {transform_indices = @transform_2, window_bounds = array<i64: 1, 512, 16>}]} {
    %get3A = arith.constant 0 : index
    %get3A_0 = arith.constant 0 : index
    %get3A_1 = arith.constant 0 : index
    %get3A_2 = vector.load %arg2[%get3A, %get3A_0, %get3A_1] : memref<1x3x512xf32, #tpu.memory_space<vmem>>, vector<1x3x512xf32>
    %get3A_3 = vector.shape_cast %get3A_2 : vector<1x3x512xf32> to vector<3x512xf32>
    %get3A_4 = arith.constant 0 : index
    %get3A_5 = arith.constant 0 : index
    %get3A_6 = arith.constant 0 : index
    %get3A_7 = vector.load %arg3[%get3A_4, %get3A_5, %get3A_6] : memref<1x3x4096xf32, #tpu.memory_space<vmem>>, vector<1x3x4096xf32>
    %get3A_8 = vector.shape_cast %get3A_7 : vector<1x3x4096xf32> to vector<3x4096xf32>
    %mul3A = arith.mulf %get3A_3, %get3A_3 : vector<3x512xf32>
    %reduce_sum3A = arith.constant dense<0.000000e+00> : vector<512xf32>
    %reduce_sum3A_9 = vector.multi_reduction <add>, %mul3A, %reduce_sum3A [0] : vector<3x512xf32> to vector<512xf32>
    %broadcast_in_dim3A = vector.shape_cast %reduce_sum3A_9 : vector<512xf32> to vector<512x1xf32>
    %mul3A_10 = arith.mulf %get3A_8, %get3A_8 : vector<3x4096xf32>
    %reduce_sum3A_11 = arith.constant dense<0.000000e+00> : vector<4096xf32>
    %reduce_sum3A_12 = vector.multi_reduction <add>, %mul3A_10, %reduce_sum3A_11 [0] : vector<3x4096xf32> to vector<4096xf32>
    %broadcast_in_dim3A_13 = vector.shape_cast %reduce_sum3A_12 : vector<4096xf32> to vector<1x4096xf32>
    %dot_general3A = arith.constant dense<0.000000e+00> : vector<512x4096xf32>
    %dot_general3A_14 = tpu.matmul %get3A_3, %get3A_8, %dot_general3A {dimension_numbers = #tpu.dot_dimension_numbers<[0], [0], [1], [1], [0, 1, 1, 1], [], []>, transpose_lhs_hint = false} : vector<3x512xf32>, vector<3x4096xf32>, vector<512x4096xf32> -> vector<512x4096xf32>
    %add3A = vector.broadcast %broadcast_in_dim3A : vector<512x1xf32> to vector<512x4096xf32>
    %add3A_15 = vector.broadcast %broadcast_in_dim3A_13 : vector<1x4096xf32> to vector<512x4096xf32>
    %add3A_16 = arith.addf %add3A, %add3A_15 : vector<512x4096xf32>
    %mul3A_17 = arith.constant 2.000000e+00 : f32
    %mul3A_18 = vector.broadcast %mul3A_17 : f32 to vector<512x4096xf32>
    %mul3A_19 = arith.mulf %mul3A_18, %dot_general3A_14 : vector<512x4096xf32>
    %sub3A = arith.subf %add3A_16, %mul3A_19 : vector<512x4096xf32>
    %slice3A = vector.extract_strided_slice %sub3A {offsets = [0, 0], sizes = [512, 128], strides = [1, 1]} : vector<512x4096xf32> to vector<512x128xf32>
    %slice3A_20 = vector.extract_strided_slice %sub3A {offsets = [0, 128], sizes = [512, 128], strides = [1, 1]} : vector<512x4096xf32> to vector<512x128xf32>
    %slice3A_21 = vector.extract_strided_slice %sub3A {offsets = [0, 256], sizes = [512, 128], strides = [1, 1]} : vector<512x4096xf32> to vector<512x128xf32>
    %slice3A_22 = vector.extract_strided_slice %sub3A {offsets = [0, 384], sizes = [512, 128], strides = [1, 1]} : vector<512x4096xf32> to vector<512x128xf32>
    %slice3A_23 = vector.extract_strided_slice %sub3A {offsets = [0, 512], sizes = [512, 128], strides = [1, 1]} : vector<512x4096xf32> to vector<512x128xf32>
    %slice3A_24 = vector.extract_strided_slice %sub3A {offsets = [0, 640], sizes = [512, 128], strides = [1, 1]} : vector<512x4096xf32> to vector<512x128xf32>
    %slice3A_25 = vector.extract_strided_slice %sub3A {offsets = [0, 768], sizes = [512, 128], strides = [1, 1]} : vector<512x4096xf32> to vector<512x128xf32>
    %slice3A_26 = vector.extract_strided_slice %sub3A {offsets = [0, 896], sizes = [512, 128], strides = [1, 1]} : vector<512x4096xf32> to vector<512x128xf32>
    %slice3A_27 = vector.extract_strided_slice %sub3A {offsets = [0, 1024], sizes = [512, 128], strides = [1, 1]} : vector<512x4096xf32> to vector<512x128xf32>
    %slice3A_28 = vector.extract_strided_slice %sub3A {offsets = [0, 1152], sizes = [512, 128], strides = [1, 1]} : vector<512x4096xf32> to vector<512x128xf32>
    %slice3A_29 = vector.extract_strided_slice %sub3A {offsets = [0, 1280], sizes = [512, 128], strides = [1, 1]} : vector<512x4096xf32> to vector<512x128xf32>
    %slice3A_30 = vector.extract_strided_slice %sub3A {offsets = [0, 1408], sizes = [512, 128], strides = [1, 1]} : vector<512x4096xf32> to vector<512x128xf32>
    %slice3A_31 = vector.extract_strided_slice %sub3A {offsets = [0, 1536], sizes = [512, 128], strides = [1, 1]} : vector<512x4096xf32> to vector<512x128xf32>
    %slice3A_32 = vector.extract_strided_slice %sub3A {offsets = [0, 1664], sizes = [512, 128], strides = [1, 1]} : vector<512x4096xf32> to vector<512x128xf32>
    %slice3A_33 = vector.extract_strided_slice %sub3A {offsets = [0, 1792], sizes = [512, 128], strides = [1, 1]} : vector<512x4096xf32> to vector<512x128xf32>
    %slice3A_34 = vector.extract_strided_slice %sub3A {offsets = [0, 1920], sizes = [512, 128], strides = [1, 1]} : vector<512x4096xf32> to vector<512x128xf32>
    %slice3A_35 = vector.extract_strided_slice %sub3A {offsets = [0, 2048], sizes = [512, 128], strides = [1, 1]} : vector<512x4096xf32> to vector<512x128xf32>
    %slice3A_36 = vector.extract_strided_slice %sub3A {offsets = [0, 2176], sizes = [512, 128], strides = [1, 1]} : vector<512x4096xf32> to vector<512x128xf32>
    %slice3A_37 = vector.extract_strided_slice %sub3A {offsets = [0, 2304], sizes = [512, 128], strides = [1, 1]} : vector<512x4096xf32> to vector<512x128xf32>
    %slice3A_38 = vector.extract_strided_slice %sub3A {offsets = [0, 2432], sizes = [512, 128], strides = [1, 1]} : vector<512x4096xf32> to vector<512x128xf32>
    %slice3A_39 = vector.extract_strided_slice %sub3A {offsets = [0, 2560], sizes = [512, 128], strides = [1, 1]} : vector<512x4096xf32> to vector<512x128xf32>
    %slice3A_40 = vector.extract_strided_slice %sub3A {offsets = [0, 2688], sizes = [512, 128], strides = [1, 1]} : vector<512x4096xf32> to vector<512x128xf32>
    %slice3A_41 = vector.extract_strided_slice %sub3A {offsets = [0, 2816], sizes = [512, 128], strides = [1, 1]} : vector<512x4096xf32> to vector<512x128xf32>
    %slice3A_42 = vector.extract_strided_slice %sub3A {offsets = [0, 2944], sizes = [512, 128], strides = [1, 1]} : vector<512x4096xf32> to vector<512x128xf32>
    %slice3A_43 = vector.extract_strided_slice %sub3A {offsets = [0, 3072], sizes = [512, 128], strides = [1, 1]} : vector<512x4096xf32> to vector<512x128xf32>
    %slice3A_44 = vector.extract_strided_slice %sub3A {offsets = [0, 3200], sizes = [512, 128], strides = [1, 1]} : vector<512x4096xf32> to vector<512x128xf32>
    %slice3A_45 = vector.extract_strided_slice %sub3A {offsets = [0, 3328], sizes = [512, 128], strides = [1, 1]} : vector<512x4096xf32> to vector<512x128xf32>
    %slice3A_46 = vector.extract_strided_slice %sub3A {offsets = [0, 3456], sizes = [512, 128], strides = [1, 1]} : vector<512x4096xf32> to vector<512x128xf32>
    %slice3A_47 = vector.extract_strided_slice %sub3A {offsets = [0, 3584], sizes = [512, 128], strides = [1, 1]} : vector<512x4096xf32> to vector<512x128xf32>
    %slice3A_48 = vector.extract_strided_slice %sub3A {offsets = [0, 3712], sizes = [512, 128], strides = [1, 1]} : vector<512x4096xf32> to vector<512x128xf32>
    %slice3A_49 = vector.extract_strided_slice %sub3A {offsets = [0, 3840], sizes = [512, 128], strides = [1, 1]} : vector<512x4096xf32> to vector<512x128xf32>
    %slice3A_50 = vector.extract_strided_slice %sub3A {offsets = [0, 3968], sizes = [512, 128], strides = [1, 1]} : vector<512x4096xf32> to vector<512x128xf32>
    %reduce_min3A = arith.constant dense<0x7F800000> : vector<512xf32>
    %reduce_min3A_51 = vector.multi_reduction <minimumf>, %slice3A, %reduce_min3A [1] : vector<512x128xf32> to vector<512xf32>
    %broadcast_in_dim3A_52 = vector.shape_cast %reduce_min3A_51 : vector<512xf32> to vector<512x1xf32>
    %reduce_min3A_53 = arith.constant dense<0x7F800000> : vector<512xf32>
    %reduce_min3A_54 = vector.multi_reduction <minimumf>, %slice3A_20, %reduce_min3A_53 [1] : vector<512x128xf32> to vector<512xf32>
    %broadcast_in_dim3A_55 = vector.shape_cast %reduce_min3A_54 : vector<512xf32> to vector<512x1xf32>
    %reduce_min3A_56 = arith.constant dense<0x7F800000> : vector<512xf32>
    %reduce_min3A_57 = vector.multi_reduction <minimumf>, %slice3A_21, %reduce_min3A_56 [1] : vector<512x128xf32> to vector<512xf32>
    %broadcast_in_dim3A_58 = vector.shape_cast %reduce_min3A_57 : vector<512xf32> to vector<512x1xf32>
    %reduce_min3A_59 = arith.constant dense<0x7F800000> : vector<512xf32>
    %reduce_min3A_60 = vector.multi_reduction <minimumf>, %slice3A_22, %reduce_min3A_59 [1] : vector<512x128xf32> to vector<512xf32>
    %broadcast_in_dim3A_61 = vector.shape_cast %reduce_min3A_60 : vector<512xf32> to vector<512x1xf32>
    %reduce_min3A_62 = arith.constant dense<0x7F800000> : vector<512xf32>
    %reduce_min3A_63 = vector.multi_reduction <minimumf>, %slice3A_23, %reduce_min3A_62 [1] : vector<512x128xf32> to vector<512xf32>
    %broadcast_in_dim3A_64 = vector.shape_cast %reduce_min3A_63 : vector<512xf32> to vector<512x1xf32>
    %reduce_min3A_65 = arith.constant dense<0x7F800000> : vector<512xf32>
    %reduce_min3A_66 = vector.multi_reduction <minimumf>, %slice3A_24, %reduce_min3A_65 [1] : vector<512x128xf32> to vector<512xf32>
    %broadcast_in_dim3A_67 = vector.shape_cast %reduce_min3A_66 : vector<512xf32> to vector<512x1xf32>
    %reduce_min3A_68 = arith.constant dense<0x7F800000> : vector<512xf32>
    %reduce_min3A_69 = vector.multi_reduction <minimumf>, %slice3A_25, %reduce_min3A_68 [1] : vector<512x128xf32> to vector<512xf32>
    %broadcast_in_dim3A_70 = vector.shape_cast %reduce_min3A_69 : vector<512xf32> to vector<512x1xf32>
    %reduce_min3A_71 = arith.constant dense<0x7F800000> : vector<512xf32>
    %reduce_min3A_72 = vector.multi_reduction <minimumf>, %slice3A_26, %reduce_min3A_71 [1] : vector<512x128xf32> to vector<512xf32>
    %broadcast_in_dim3A_73 = vector.shape_cast %reduce_min3A_72 : vector<512xf32> to vector<512x1xf32>
    %reduce_min3A_74 = arith.constant dense<0x7F800000> : vector<512xf32>
    %reduce_min3A_75 = vector.multi_reduction <minimumf>, %slice3A_27, %reduce_min3A_74 [1] : vector<512x128xf32> to vector<512xf32>
    %broadcast_in_dim3A_76 = vector.shape_cast %reduce_min3A_75 : vector<512xf32> to vector<512x1xf32>
    %reduce_min3A_77 = arith.constant dense<0x7F800000> : vector<512xf32>
    %reduce_min3A_78 = vector.multi_reduction <minimumf>, %slice3A_28, %reduce_min3A_77 [1] : vector<512x128xf32> to vector<512xf32>
    %broadcast_in_dim3A_79 = vector.shape_cast %reduce_min3A_78 : vector<512xf32> to vector<512x1xf32>
    %reduce_min3A_80 = arith.constant dense<0x7F800000> : vector<512xf32>
    %reduce_min3A_81 = vector.multi_reduction <minimumf>, %slice3A_29, %reduce_min3A_80 [1] : vector<512x128xf32> to vector<512xf32>
    %broadcast_in_dim3A_82 = vector.shape_cast %reduce_min3A_81 : vector<512xf32> to vector<512x1xf32>
    %reduce_min3A_83 = arith.constant dense<0x7F800000> : vector<512xf32>
    %reduce_min3A_84 = vector.multi_reduction <minimumf>, %slice3A_30, %reduce_min3A_83 [1] : vector<512x128xf32> to vector<512xf32>
    %broadcast_in_dim3A_85 = vector.shape_cast %reduce_min3A_84 : vector<512xf32> to vector<512x1xf32>
    %reduce_min3A_86 = arith.constant dense<0x7F800000> : vector<512xf32>
    %reduce_min3A_87 = vector.multi_reduction <minimumf>, %slice3A_31, %reduce_min3A_86 [1] : vector<512x128xf32> to vector<512xf32>
    %broadcast_in_dim3A_88 = vector.shape_cast %reduce_min3A_87 : vector<512xf32> to vector<512x1xf32>
    %reduce_min3A_89 = arith.constant dense<0x7F800000> : vector<512xf32>
    %reduce_min3A_90 = vector.multi_reduction <minimumf>, %slice3A_32, %reduce_min3A_89 [1] : vector<512x128xf32> to vector<512xf32>
    %broadcast_in_dim3A_91 = vector.shape_cast %reduce_min3A_90 : vector<512xf32> to vector<512x1xf32>
    %reduce_min3A_92 = arith.constant dense<0x7F800000> : vector<512xf32>
    %reduce_min3A_93 = vector.multi_reduction <minimumf>, %slice3A_33, %reduce_min3A_92 [1] : vector<512x128xf32> to vector<512xf32>
    %broadcast_in_dim3A_94 = vector.shape_cast %reduce_min3A_93 : vector<512xf32> to vector<512x1xf32>
    %reduce_min3A_95 = arith.constant dense<0x7F800000> : vector<512xf32>
    %reduce_min3A_96 = vector.multi_reduction <minimumf>, %slice3A_34, %reduce_min3A_95 [1] : vector<512x128xf32> to vector<512xf32>
    %broadcast_in_dim3A_97 = vector.shape_cast %reduce_min3A_96 : vector<512xf32> to vector<512x1xf32>
    %reduce_min3A_98 = arith.constant dense<0x7F800000> : vector<512xf32>
    %reduce_min3A_99 = vector.multi_reduction <minimumf>, %slice3A_35, %reduce_min3A_98 [1] : vector<512x128xf32> to vector<512xf32>
    %broadcast_in_dim3A_100 = vector.shape_cast %reduce_min3A_99 : vector<512xf32> to vector<512x1xf32>
    %reduce_min3A_101 = arith.constant dense<0x7F800000> : vector<512xf32>
    %reduce_min3A_102 = vector.multi_reduction <minimumf>, %slice3A_36, %reduce_min3A_101 [1] : vector<512x128xf32> to vector<512xf32>
    %broadcast_in_dim3A_103 = vector.shape_cast %reduce_min3A_102 : vector<512xf32> to vector<512x1xf32>
    %reduce_min3A_104 = arith.constant dense<0x7F800000> : vector<512xf32>
    %reduce_min3A_105 = vector.multi_reduction <minimumf>, %slice3A_37, %reduce_min3A_104 [1] : vector<512x128xf32> to vector<512xf32>
    %broadcast_in_dim3A_106 = vector.shape_cast %reduce_min3A_105 : vector<512xf32> to vector<512x1xf32>
    %reduce_min3A_107 = arith.constant dense<0x7F800000> : vector<512xf32>
    %reduce_min3A_108 = vector.multi_reduction <minimumf>, %slice3A_38, %reduce_min3A_107 [1] : vector<512x128xf32> to vector<512xf32>
    %broadcast_in_dim3A_109 = vector.shape_cast %reduce_min3A_108 : vector<512xf32> to vector<512x1xf32>
    %reduce_min3A_110 = arith.constant dense<0x7F800000> : vector<512xf32>
    %reduce_min3A_111 = vector.multi_reduction <minimumf>, %slice3A_39, %reduce_min3A_110 [1] : vector<512x128xf32> to vector<512xf32>
    %broadcast_in_dim3A_112 = vector.shape_cast %reduce_min3A_111 : vector<512xf32> to vector<512x1xf32>
    %reduce_min3A_113 = arith.constant dense<0x7F800000> : vector<512xf32>
    %reduce_min3A_114 = vector.multi_reduction <minimumf>, %slice3A_40, %reduce_min3A_113 [1] : vector<512x128xf32> to vector<512xf32>
    %broadcast_in_dim3A_115 = vector.shape_cast %reduce_min3A_114 : vector<512xf32> to vector<512x1xf32>
    %reduce_min3A_116 = arith.constant dense<0x7F800000> : vector<512xf32>
    %reduce_min3A_117 = vector.multi_reduction <minimumf>, %slice3A_41, %reduce_min3A_116 [1] : vector<512x128xf32> to vector<512xf32>
    %broadcast_in_dim3A_118 = vector.shape_cast %reduce_min3A_117 : vector<512xf32> to vector<512x1xf32>
    %reduce_min3A_119 = arith.constant dense<0x7F800000> : vector<512xf32>
    %reduce_min3A_120 = vector.multi_reduction <minimumf>, %slice3A_42, %reduce_min3A_119 [1] : vector<512x128xf32> to vector<512xf32>
    %broadcast_in_dim3A_121 = vector.shape_cast %reduce_min3A_120 : vector<512xf32> to vector<512x1xf32>
    %reduce_min3A_122 = arith.constant dense<0x7F800000> : vector<512xf32>
    %reduce_min3A_123 = vector.multi_reduction <minimumf>, %slice3A_43, %reduce_min3A_122 [1] : vector<512x128xf32> to vector<512xf32>
    %broadcast_in_dim3A_124 = vector.shape_cast %reduce_min3A_123 : vector<512xf32> to vector<512x1xf32>
    %reduce_min3A_125 = arith.constant dense<0x7F800000> : vector<512xf32>
    %reduce_min3A_126 = vector.multi_reduction <minimumf>, %slice3A_44, %reduce_min3A_125 [1] : vector<512x128xf32> to vector<512xf32>
    %broadcast_in_dim3A_127 = vector.shape_cast %reduce_min3A_126 : vector<512xf32> to vector<512x1xf32>
    %reduce_min3A_128 = arith.constant dense<0x7F800000> : vector<512xf32>
    %reduce_min3A_129 = vector.multi_reduction <minimumf>, %slice3A_45, %reduce_min3A_128 [1] : vector<512x128xf32> to vector<512xf32>
    %broadcast_in_dim3A_130 = vector.shape_cast %reduce_min3A_129 : vector<512xf32> to vector<512x1xf32>
    %reduce_min3A_131 = arith.constant dense<0x7F800000> : vector<512xf32>
    %reduce_min3A_132 = vector.multi_reduction <minimumf>, %slice3A_46, %reduce_min3A_131 [1] : vector<512x128xf32> to vector<512xf32>
    %broadcast_in_dim3A_133 = vector.shape_cast %reduce_min3A_132 : vector<512xf32> to vector<512x1xf32>
    %reduce_min3A_134 = arith.constant dense<0x7F800000> : vector<512xf32>
    %reduce_min3A_135 = vector.multi_reduction <minimumf>, %slice3A_47, %reduce_min3A_134 [1] : vector<512x128xf32> to vector<512xf32>
    %broadcast_in_dim3A_136 = vector.shape_cast %reduce_min3A_135 : vector<512xf32> to vector<512x1xf32>
    %reduce_min3A_137 = arith.constant dense<0x7F800000> : vector<512xf32>
    %reduce_min3A_138 = vector.multi_reduction <minimumf>, %slice3A_48, %reduce_min3A_137 [1] : vector<512x128xf32> to vector<512xf32>
    %broadcast_in_dim3A_139 = vector.shape_cast %reduce_min3A_138 : vector<512xf32> to vector<512x1xf32>
    %reduce_min3A_140 = arith.constant dense<0x7F800000> : vector<512xf32>
    %reduce_min3A_141 = vector.multi_reduction <minimumf>, %slice3A_49, %reduce_min3A_140 [1] : vector<512x128xf32> to vector<512xf32>
    %broadcast_in_dim3A_142 = vector.shape_cast %reduce_min3A_141 : vector<512xf32> to vector<512x1xf32>
    %reduce_min3A_143 = arith.constant dense<0x7F800000> : vector<512xf32>
    %reduce_min3A_144 = vector.multi_reduction <minimumf>, %slice3A_50, %reduce_min3A_143 [1] : vector<512x128xf32> to vector<512xf32>
    %broadcast_in_dim3A_145 = vector.shape_cast %reduce_min3A_144 : vector<512xf32> to vector<512x1xf32>
    %concatenate3A = tpu.concatenate %broadcast_in_dim3A_52, %broadcast_in_dim3A_55, %broadcast_in_dim3A_58, %broadcast_in_dim3A_61, %broadcast_in_dim3A_64, %broadcast_in_dim3A_67, %broadcast_in_dim3A_70, %broadcast_in_dim3A_73, %broadcast_in_dim3A_76, %broadcast_in_dim3A_79, %broadcast_in_dim3A_82, %broadcast_in_dim3A_85, %broadcast_in_dim3A_88, %broadcast_in_dim3A_91, %broadcast_in_dim3A_94, %broadcast_in_dim3A_97, %broadcast_in_dim3A_100, %broadcast_in_dim3A_103, %broadcast_in_dim3A_106, %broadcast_in_dim3A_109, %broadcast_in_dim3A_112, %broadcast_in_dim3A_115, %broadcast_in_dim3A_118, %broadcast_in_dim3A_121, %broadcast_in_dim3A_124, %broadcast_in_dim3A_127, %broadcast_in_dim3A_130, %broadcast_in_dim3A_133, %broadcast_in_dim3A_136, %broadcast_in_dim3A_139, %broadcast_in_dim3A_142, %broadcast_in_dim3A_145 in 1 : vector<512x1xf32>, vector<512x1xf32>, vector<512x1xf32>, vector<512x1xf32>, vector<512x1xf32>, vector<512x1xf32>, vector<512x1xf32>, vector<512x1xf32>, vector<512x1xf32>, vector<512x1xf32>, vector<512x1xf32>, vector<512x1xf32>, vector<512x1xf32>, vector<512x1xf32>, vector<512x1xf32>, vector<512x1xf32>, vector<512x1xf32>, vector<512x1xf32>, vector<512x1xf32>, vector<512x1xf32>, vector<512x1xf32>, vector<512x1xf32>, vector<512x1xf32>, vector<512x1xf32>, vector<512x1xf32>, vector<512x1xf32>, vector<512x1xf32>, vector<512x1xf32>, vector<512x1xf32>, vector<512x1xf32>, vector<512x1xf32>, vector<512x1xf32> -> vector<512x32xf32>
    %iota3A = tpu.iota {dimensions = array<i32: 1>} : vector<512x32xi32>
    %iota3A_146 = tpu.iota {dimensions = array<i32: 1>} : vector<512x128xi32>
    %mul3A_147 = arith.constant 4096 : i32
    %mul3A_148 = arith.muli %arg0, %mul3A_147 : i32
    %reduce_min3A_149 = arith.constant dense<0x7F800000> : vector<512xf32>
    %reduce_min3A_150 = vector.multi_reduction <minimumf>, %concatenate3A, %reduce_min3A_149 [1] : vector<512x32xf32> to vector<512xf32>
    %broadcast_in_dim3A_151 = vector.shape_cast %reduce_min3A_150 : vector<512xf32> to vector<512x1xf32>
    %eq3A = vector.broadcast %broadcast_in_dim3A_151 : vector<512x1xf32> to vector<512x32xf32>
    %eq3A_152 = arith.cmpf oeq, %concatenate3A, %eq3A : vector<512x32xf32>
    %jit3A = arith.constant 32 : i32
    %broadcast_in_dim3A_153 = vector.broadcast %jit3A : i32 to vector<512x32xi32>
    %select_n3A = arith.select %eq3A_152, %iota3A, %broadcast_in_dim3A_153 : vector<512x32xi1>, vector<512x32xi32>
    %reduce_min3A_154 = arith.constant dense<2147483647> : vector<512xi32>
    %reduce_min3A_155 = vector.multi_reduction <minsi>, %select_n3A, %reduce_min3A_154 [1] : vector<512x32xi32> to vector<512xi32>
    %broadcast_in_dim3A_156 = vector.shape_cast %reduce_min3A_155 : vector<512xi32> to vector<512x1xi32>
    %eq3A_157 = arith.constant 30 : i32
    %eq3A_158 = vector.broadcast %eq3A_157 : i32 to vector<512x1xi32>
    %eq3A_159 = arith.cmpi eq, %broadcast_in_dim3A_156, %eq3A_158 : vector<512x1xi32>
    %broadcast_in_dim3A_160 = vector.shape_cast %eq3A_159 : vector<512x1xi1> to vector<512x1xi1>
    %broadcast_in_dim3A_161 = vector.broadcast %broadcast_in_dim3A_160 : vector<512x1xi1> to vector<512x128xi1>
    %select_n3A_162 = arith.select %broadcast_in_dim3A_161, %slice3A_49, %slice3A_50 : vector<512x128xi1>, vector<512x128xf32>
    %eq3A_163 = arith.constant 29 : i32
    %eq3A_164 = vector.broadcast %eq3A_163 : i32 to vector<512x1xi32>
    %eq3A_165 = arith.cmpi eq, %broadcast_in_dim3A_156, %eq3A_164 : vector<512x1xi32>
    %broadcast_in_dim3A_166 = vector.shape_cast %eq3A_165 : vector<512x1xi1> to vector<512x1xi1>
    %broadcast_in_dim3A_167 = vector.broadcast %broadcast_in_dim3A_166 : vector<512x1xi1> to vector<512x128xi1>
    %select_n3A_168 = arith.select %broadcast_in_dim3A_167, %slice3A_48, %select_n3A_162 : vector<512x128xi1>, vector<512x128xf32>
    %eq3A_169 = arith.constant 28 : i32
    %eq3A_170 = vector.broadcast %eq3A_169 : i32 to vector<512x1xi32>
    %eq3A_171 = arith.cmpi eq, %broadcast_in_dim3A_156, %eq3A_170 : vector<512x1xi32>
    %broadcast_in_dim3A_172 = vector.shape_cast %eq3A_171 : vector<512x1xi1> to vector<512x1xi1>
    %broadcast_in_dim3A_173 = vector.broadcast %broadcast_in_dim3A_172 : vector<512x1xi1> to vector<512x128xi1>
    %select_n3A_174 = arith.select %broadcast_in_dim3A_173, %slice3A_47, %select_n3A_168 : vector<512x128xi1>, vector<512x128xf32>
    %eq3A_175 = arith.constant 27 : i32
    %eq3A_176 = vector.broadcast %eq3A_175 : i32 to vector<512x1xi32>
    %eq3A_177 = arith.cmpi eq, %broadcast_in_dim3A_156, %eq3A_176 : vector<512x1xi32>
    %broadcast_in_dim3A_178 = vector.shape_cast %eq3A_177 : vector<512x1xi1> to vector<512x1xi1>
    %broadcast_in_dim3A_179 = vector.broadcast %broadcast_in_dim3A_178 : vector<512x1xi1> to vector<512x128xi1>
    %select_n3A_180 = arith.select %broadcast_in_dim3A_179, %slice3A_46, %select_n3A_174 : vector<512x128xi1>, vector<512x128xf32>
    %eq3A_181 = arith.constant 26 : i32
    %eq3A_182 = vector.broadcast %eq3A_181 : i32 to vector<512x1xi32>
    %eq3A_183 = arith.cmpi eq, %broadcast_in_dim3A_156, %eq3A_182 : vector<512x1xi32>
    %broadcast_in_dim3A_184 = vector.shape_cast %eq3A_183 : vector<512x1xi1> to vector<512x1xi1>
    %broadcast_in_dim3A_185 = vector.broadcast %broadcast_in_dim3A_184 : vector<512x1xi1> to vector<512x128xi1>
    %select_n3A_186 = arith.select %broadcast_in_dim3A_185, %slice3A_45, %select_n3A_180 : vector<512x128xi1>, vector<512x128xf32>
    %eq3A_187 = arith.constant 25 : i32
    %eq3A_188 = vector.broadcast %eq3A_187 : i32 to vector<512x1xi32>
    %eq3A_189 = arith.cmpi eq, %broadcast_in_dim3A_156, %eq3A_188 : vector<512x1xi32>
    %broadcast_in_dim3A_190 = vector.shape_cast %eq3A_189 : vector<512x1xi1> to vector<512x1xi1>
    %broadcast_in_dim3A_191 = vector.broadcast %broadcast_in_dim3A_190 : vector<512x1xi1> to vector<512x128xi1>
    %select_n3A_192 = arith.select %broadcast_in_dim3A_191, %slice3A_44, %select_n3A_186 : vector<512x128xi1>, vector<512x128xf32>
    %eq3A_193 = arith.constant 24 : i32
    %eq3A_194 = vector.broadcast %eq3A_193 : i32 to vector<512x1xi32>
    %eq3A_195 = arith.cmpi eq, %broadcast_in_dim3A_156, %eq3A_194 : vector<512x1xi32>
    %broadcast_in_dim3A_196 = vector.shape_cast %eq3A_195 : vector<512x1xi1> to vector<512x1xi1>
    %broadcast_in_dim3A_197 = vector.broadcast %broadcast_in_dim3A_196 : vector<512x1xi1> to vector<512x128xi1>
    %select_n3A_198 = arith.select %broadcast_in_dim3A_197, %slice3A_43, %select_n3A_192 : vector<512x128xi1>, vector<512x128xf32>
    %eq3A_199 = arith.constant 23 : i32
    %eq3A_200 = vector.broadcast %eq3A_199 : i32 to vector<512x1xi32>
    %eq3A_201 = arith.cmpi eq, %broadcast_in_dim3A_156, %eq3A_200 : vector<512x1xi32>
    %broadcast_in_dim3A_202 = vector.shape_cast %eq3A_201 : vector<512x1xi1> to vector<512x1xi1>
    %broadcast_in_dim3A_203 = vector.broadcast %broadcast_in_dim3A_202 : vector<512x1xi1> to vector<512x128xi1>
    %select_n3A_204 = arith.select %broadcast_in_dim3A_203, %slice3A_42, %select_n3A_198 : vector<512x128xi1>, vector<512x128xf32>
    %eq3A_205 = arith.constant 22 : i32
    %eq3A_206 = vector.broadcast %eq3A_205 : i32 to vector<512x1xi32>
    %eq3A_207 = arith.cmpi eq, %broadcast_in_dim3A_156, %eq3A_206 : vector<512x1xi32>
    %broadcast_in_dim3A_208 = vector.shape_cast %eq3A_207 : vector<512x1xi1> to vector<512x1xi1>
    %broadcast_in_dim3A_209 = vector.broadcast %broadcast_in_dim3A_208 : vector<512x1xi1> to vector<512x128xi1>
    %select_n3A_210 = arith.select %broadcast_in_dim3A_209, %slice3A_41, %select_n3A_204 : vector<512x128xi1>, vector<512x128xf32>
    %eq3A_211 = arith.constant 21 : i32
    %eq3A_212 = vector.broadcast %eq3A_211 : i32 to vector<512x1xi32>
    %eq3A_213 = arith.cmpi eq, %broadcast_in_dim3A_156, %eq3A_212 : vector<512x1xi32>
    %broadcast_in_dim3A_214 = vector.shape_cast %eq3A_213 : vector<512x1xi1> to vector<512x1xi1>
    %broadcast_in_dim3A_215 = vector.broadcast %broadcast_in_dim3A_214 : vector<512x1xi1> to vector<512x128xi1>
    %select_n3A_216 = arith.select %broadcast_in_dim3A_215, %slice3A_40, %select_n3A_210 : vector<512x128xi1>, vector<512x128xf32>
    %eq3A_217 = arith.constant 20 : i32
    %eq3A_218 = vector.broadcast %eq3A_217 : i32 to vector<512x1xi32>
    %eq3A_219 = arith.cmpi eq, %broadcast_in_dim3A_156, %eq3A_218 : vector<512x1xi32>
    %broadcast_in_dim3A_220 = vector.shape_cast %eq3A_219 : vector<512x1xi1> to vector<512x1xi1>
    %broadcast_in_dim3A_221 = vector.broadcast %broadcast_in_dim3A_220 : vector<512x1xi1> to vector<512x128xi1>
    %select_n3A_222 = arith.select %broadcast_in_dim3A_221, %slice3A_39, %select_n3A_216 : vector<512x128xi1>, vector<512x128xf32>
    %eq3A_223 = arith.constant 19 : i32
    %eq3A_224 = vector.broadcast %eq3A_223 : i32 to vector<512x1xi32>
    %eq3A_225 = arith.cmpi eq, %broadcast_in_dim3A_156, %eq3A_224 : vector<512x1xi32>
    %broadcast_in_dim3A_226 = vector.shape_cast %eq3A_225 : vector<512x1xi1> to vector<512x1xi1>
    %broadcast_in_dim3A_227 = vector.broadcast %broadcast_in_dim3A_226 : vector<512x1xi1> to vector<512x128xi1>
    %select_n3A_228 = arith.select %broadcast_in_dim3A_227, %slice3A_38, %select_n3A_222 : vector<512x128xi1>, vector<512x128xf32>
    %eq3A_229 = arith.constant 18 : i32
    %eq3A_230 = vector.broadcast %eq3A_229 : i32 to vector<512x1xi32>
    %eq3A_231 = arith.cmpi eq, %broadcast_in_dim3A_156, %eq3A_230 : vector<512x1xi32>
    %broadcast_in_dim3A_232 = vector.shape_cast %eq3A_231 : vector<512x1xi1> to vector<512x1xi1>
    %broadcast_in_dim3A_233 = vector.broadcast %broadcast_in_dim3A_232 : vector<512x1xi1> to vector<512x128xi1>
    %select_n3A_234 = arith.select %broadcast_in_dim3A_233, %slice3A_37, %select_n3A_228 : vector<512x128xi1>, vector<512x128xf32>
    %eq3A_235 = arith.constant 17 : i32
    %eq3A_236 = vector.broadcast %eq3A_235 : i32 to vector<512x1xi32>
    %eq3A_237 = arith.cmpi eq, %broadcast_in_dim3A_156, %eq3A_236 : vector<512x1xi32>
    %broadcast_in_dim3A_238 = vector.shape_cast %eq3A_237 : vector<512x1xi1> to vector<512x1xi1>
    %broadcast_in_dim3A_239 = vector.broadcast %broadcast_in_dim3A_238 : vector<512x1xi1> to vector<512x128xi1>
    %select_n3A_240 = arith.select %broadcast_in_dim3A_239, %slice3A_36, %select_n3A_234 : vector<512x128xi1>, vector<512x128xf32>
    %eq3A_241 = arith.constant 16 : i32
    %eq3A_242 = vector.broadcast %eq3A_241 : i32 to vector<512x1xi32>
    %eq3A_243 = arith.cmpi eq, %broadcast_in_dim3A_156, %eq3A_242 : vector<512x1xi32>
    %broadcast_in_dim3A_244 = vector.shape_cast %eq3A_243 : vector<512x1xi1> to vector<512x1xi1>
    %broadcast_in_dim3A_245 = vector.broadcast %broadcast_in_dim3A_244 : vector<512x1xi1> to vector<512x128xi1>
    %select_n3A_246 = arith.select %broadcast_in_dim3A_245, %slice3A_35, %select_n3A_240 : vector<512x128xi1>, vector<512x128xf32>
    %eq3A_247 = arith.constant 15 : i32
    %eq3A_248 = vector.broadcast %eq3A_247 : i32 to vector<512x1xi32>
    %eq3A_249 = arith.cmpi eq, %broadcast_in_dim3A_156, %eq3A_248 : vector<512x1xi32>
    %broadcast_in_dim3A_250 = vector.shape_cast %eq3A_249 : vector<512x1xi1> to vector<512x1xi1>
    %broadcast_in_dim3A_251 = vector.broadcast %broadcast_in_dim3A_250 : vector<512x1xi1> to vector<512x128xi1>
    %select_n3A_252 = arith.select %broadcast_in_dim3A_251, %slice3A_34, %select_n3A_246 : vector<512x128xi1>, vector<512x128xf32>
    %eq3A_253 = arith.constant 14 : i32
    %eq3A_254 = vector.broadcast %eq3A_253 : i32 to vector<512x1xi32>
    %eq3A_255 = arith.cmpi eq, %broadcast_in_dim3A_156, %eq3A_254 : vector<512x1xi32>
    %broadcast_in_dim3A_256 = vector.shape_cast %eq3A_255 : vector<512x1xi1> to vector<512x1xi1>
    %broadcast_in_dim3A_257 = vector.broadcast %broadcast_in_dim3A_256 : vector<512x1xi1> to vector<512x128xi1>
    %select_n3A_258 = arith.select %broadcast_in_dim3A_257, %slice3A_33, %select_n3A_252 : vector<512x128xi1>, vector<512x128xf32>
    %eq3A_259 = arith.constant 13 : i32
    %eq3A_260 = vector.broadcast %eq3A_259 : i32 to vector<512x1xi32>
    %eq3A_261 = arith.cmpi eq, %broadcast_in_dim3A_156, %eq3A_260 : vector<512x1xi32>
    %broadcast_in_dim3A_262 = vector.shape_cast %eq3A_261 : vector<512x1xi1> to vector<512x1xi1>
    %broadcast_in_dim3A_263 = vector.broadcast %broadcast_in_dim3A_262 : vector<512x1xi1> to vector<512x128xi1>
    %select_n3A_264 = arith.select %broadcast_in_dim3A_263, %slice3A_32, %select_n3A_258 : vector<512x128xi1>, vector<512x128xf32>
    %eq3A_265 = arith.constant 12 : i32
    %eq3A_266 = vector.broadcast %eq3A_265 : i32 to vector<512x1xi32>
    %eq3A_267 = arith.cmpi eq, %broadcast_in_dim3A_156, %eq3A_266 : vector<512x1xi32>
    %broadcast_in_dim3A_268 = vector.shape_cast %eq3A_267 : vector<512x1xi1> to vector<512x1xi1>
    %broadcast_in_dim3A_269 = vector.broadcast %broadcast_in_dim3A_268 : vector<512x1xi1> to vector<512x128xi1>
    %select_n3A_270 = arith.select %broadcast_in_dim3A_269, %slice3A_31, %select_n3A_264 : vector<512x128xi1>, vector<512x128xf32>
    %eq3A_271 = arith.constant 11 : i32
    %eq3A_272 = vector.broadcast %eq3A_271 : i32 to vector<512x1xi32>
    %eq3A_273 = arith.cmpi eq, %broadcast_in_dim3A_156, %eq3A_272 : vector<512x1xi32>
    %broadcast_in_dim3A_274 = vector.shape_cast %eq3A_273 : vector<512x1xi1> to vector<512x1xi1>
    %broadcast_in_dim3A_275 = vector.broadcast %broadcast_in_dim3A_274 : vector<512x1xi1> to vector<512x128xi1>
    %select_n3A_276 = arith.select %broadcast_in_dim3A_275, %slice3A_30, %select_n3A_270 : vector<512x128xi1>, vector<512x128xf32>
    %eq3A_277 = arith.constant 10 : i32
    %eq3A_278 = vector.broadcast %eq3A_277 : i32 to vector<512x1xi32>
    %eq3A_279 = arith.cmpi eq, %broadcast_in_dim3A_156, %eq3A_278 : vector<512x1xi32>
    %broadcast_in_dim3A_280 = vector.shape_cast %eq3A_279 : vector<512x1xi1> to vector<512x1xi1>
    %broadcast_in_dim3A_281 = vector.broadcast %broadcast_in_dim3A_280 : vector<512x1xi1> to vector<512x128xi1>
    %select_n3A_282 = arith.select %broadcast_in_dim3A_281, %slice3A_29, %select_n3A_276 : vector<512x128xi1>, vector<512x128xf32>
    %eq3A_283 = arith.constant 9 : i32
    %eq3A_284 = vector.broadcast %eq3A_283 : i32 to vector<512x1xi32>
    %eq3A_285 = arith.cmpi eq, %broadcast_in_dim3A_156, %eq3A_284 : vector<512x1xi32>
    %broadcast_in_dim3A_286 = vector.shape_cast %eq3A_285 : vector<512x1xi1> to vector<512x1xi1>
    %broadcast_in_dim3A_287 = vector.broadcast %broadcast_in_dim3A_286 : vector<512x1xi1> to vector<512x128xi1>
    %select_n3A_288 = arith.select %broadcast_in_dim3A_287, %slice3A_28, %select_n3A_282 : vector<512x128xi1>, vector<512x128xf32>
    %eq3A_289 = arith.constant 8 : i32
    %eq3A_290 = vector.broadcast %eq3A_289 : i32 to vector<512x1xi32>
    %eq3A_291 = arith.cmpi eq, %broadcast_in_dim3A_156, %eq3A_290 : vector<512x1xi32>
    %broadcast_in_dim3A_292 = vector.shape_cast %eq3A_291 : vector<512x1xi1> to vector<512x1xi1>
    %broadcast_in_dim3A_293 = vector.broadcast %broadcast_in_dim3A_292 : vector<512x1xi1> to vector<512x128xi1>
    %select_n3A_294 = arith.select %broadcast_in_dim3A_293, %slice3A_27, %select_n3A_288 : vector<512x128xi1>, vector<512x128xf32>
    %eq3A_295 = arith.constant 7 : i32
    %eq3A_296 = vector.broadcast %eq3A_295 : i32 to vector<512x1xi32>
    %eq3A_297 = arith.cmpi eq, %broadcast_in_dim3A_156, %eq3A_296 : vector<512x1xi32>
    %broadcast_in_dim3A_298 = vector.shape_cast %eq3A_297 : vector<512x1xi1> to vector<512x1xi1>
    %broadcast_in_dim3A_299 = vector.broadcast %broadcast_in_dim3A_298 : vector<512x1xi1> to vector<512x128xi1>
    %select_n3A_300 = arith.select %broadcast_in_dim3A_299, %slice3A_26, %select_n3A_294 : vector<512x128xi1>, vector<512x128xf32>
    %eq3A_301 = arith.constant 6 : i32
    %eq3A_302 = vector.broadcast %eq3A_301 : i32 to vector<512x1xi32>
    %eq3A_303 = arith.cmpi eq, %broadcast_in_dim3A_156, %eq3A_302 : vector<512x1xi32>
    %broadcast_in_dim3A_304 = vector.shape_cast %eq3A_303 : vector<512x1xi1> to vector<512x1xi1>
    %broadcast_in_dim3A_305 = vector.broadcast %broadcast_in_dim3A_304 : vector<512x1xi1> to vector<512x128xi1>
    %select_n3A_306 = arith.select %broadcast_in_dim3A_305, %slice3A_25, %select_n3A_300 : vector<512x128xi1>, vector<512x128xf32>
    %eq3A_307 = arith.constant 5 : i32
    %eq3A_308 = vector.broadcast %eq3A_307 : i32 to vector<512x1xi32>
    %eq3A_309 = arith.cmpi eq, %broadcast_in_dim3A_156, %eq3A_308 : vector<512x1xi32>
    %broadcast_in_dim3A_310 = vector.shape_cast %eq3A_309 : vector<512x1xi1> to vector<512x1xi1>
    %broadcast_in_dim3A_311 = vector.broadcast %broadcast_in_dim3A_310 : vector<512x1xi1> to vector<512x128xi1>
    %select_n3A_312 = arith.select %broadcast_in_dim3A_311, %slice3A_24, %select_n3A_306 : vector<512x128xi1>, vector<512x128xf32>
    %eq3A_313 = arith.constant 4 : i32
    %eq3A_314 = vector.broadcast %eq3A_313 : i32 to vector<512x1xi32>
    %eq3A_315 = arith.cmpi eq, %broadcast_in_dim3A_156, %eq3A_314 : vector<512x1xi32>
    %broadcast_in_dim3A_316 = vector.shape_cast %eq3A_315 : vector<512x1xi1> to vector<512x1xi1>
    %broadcast_in_dim3A_317 = vector.broadcast %broadcast_in_dim3A_316 : vector<512x1xi1> to vector<512x128xi1>
    %select_n3A_318 = arith.select %broadcast_in_dim3A_317, %slice3A_23, %select_n3A_312 : vector<512x128xi1>, vector<512x128xf32>
    %eq3A_319 = arith.constant 3 : i32
    %eq3A_320 = vector.broadcast %eq3A_319 : i32 to vector<512x1xi32>
    %eq3A_321 = arith.cmpi eq, %broadcast_in_dim3A_156, %eq3A_320 : vector<512x1xi32>
    %broadcast_in_dim3A_322 = vector.shape_cast %eq3A_321 : vector<512x1xi1> to vector<512x1xi1>
    %broadcast_in_dim3A_323 = vector.broadcast %broadcast_in_dim3A_322 : vector<512x1xi1> to vector<512x128xi1>
    %select_n3A_324 = arith.select %broadcast_in_dim3A_323, %slice3A_22, %select_n3A_318 : vector<512x128xi1>, vector<512x128xf32>
    %eq3A_325 = arith.constant 2 : i32
    %eq3A_326 = vector.broadcast %eq3A_325 : i32 to vector<512x1xi32>
    %eq3A_327 = arith.cmpi eq, %broadcast_in_dim3A_156, %eq3A_326 : vector<512x1xi32>
    %broadcast_in_dim3A_328 = vector.shape_cast %eq3A_327 : vector<512x1xi1> to vector<512x1xi1>
    %broadcast_in_dim3A_329 = vector.broadcast %broadcast_in_dim3A_328 : vector<512x1xi1> to vector<512x128xi1>
    %select_n3A_330 = arith.select %broadcast_in_dim3A_329, %slice3A_21, %select_n3A_324 : vector<512x128xi1>, vector<512x128xf32>
    %eq3A_331 = arith.constant 1 : i32
    %eq3A_332 = vector.broadcast %eq3A_331 : i32 to vector<512x1xi32>
    %eq3A_333 = arith.cmpi eq, %broadcast_in_dim3A_156, %eq3A_332 : vector<512x1xi32>
    %broadcast_in_dim3A_334 = vector.shape_cast %eq3A_333 : vector<512x1xi1> to vector<512x1xi1>
    %broadcast_in_dim3A_335 = vector.broadcast %broadcast_in_dim3A_334 : vector<512x1xi1> to vector<512x128xi1>
    %select_n3A_336 = arith.select %broadcast_in_dim3A_335, %slice3A_20, %select_n3A_330 : vector<512x128xi1>, vector<512x128xf32>
    %eq3A_337 = arith.constant 0 : i32
    %eq3A_338 = vector.broadcast %eq3A_337 : i32 to vector<512x1xi32>
    %eq3A_339 = arith.cmpi eq, %broadcast_in_dim3A_156, %eq3A_338 : vector<512x1xi32>
    %broadcast_in_dim3A_340 = vector.shape_cast %eq3A_339 : vector<512x1xi1> to vector<512x1xi1>
    %broadcast_in_dim3A_341 = vector.broadcast %broadcast_in_dim3A_340 : vector<512x1xi1> to vector<512x128xi1>
    %select_n3A_342 = arith.select %broadcast_in_dim3A_341, %slice3A, %select_n3A_336 : vector<512x128xi1>, vector<512x128xf32>
    %eq3A_343 = vector.broadcast %broadcast_in_dim3A_151 : vector<512x1xf32> to vector<512x128xf32>
    %eq3A_344 = arith.cmpf oeq, %select_n3A_342, %eq3A_343 : vector<512x128xf32>
    %jit3A_345 = arith.constant 128 : i32
    %broadcast_in_dim3A_346 = vector.broadcast %jit3A_345 : i32 to vector<512x128xi32>
    %select_n3A_347 = arith.select %eq3A_344, %iota3A_146, %broadcast_in_dim3A_346 : vector<512x128xi1>, vector<512x128xi32>
    %reduce_min3A_348 = arith.constant dense<2147483647> : vector<512xi32>
    %reduce_min3A_349 = vector.multi_reduction <minsi>, %select_n3A_347, %reduce_min3A_348 [1] : vector<512x128xi32> to vector<512xi32>
    %broadcast_in_dim3A_350 = vector.shape_cast %reduce_min3A_349 : vector<512xi32> to vector<512x1xi32>
    %mul3A_351 = arith.constant 128 : i32
    %mul3A_352 = vector.broadcast %mul3A_351 : i32 to vector<512x1xi32>
    %mul3A_353 = arith.muli %broadcast_in_dim3A_156, %mul3A_352 : vector<512x1xi32>
    %add3A_354 = arith.addi %mul3A_353, %broadcast_in_dim3A_350 : vector<512x1xi32>
    %add3A_355 = vector.broadcast %mul3A_148 : i32 to vector<512x1xi32>
    %add3A_356 = arith.addi %add3A_354, %add3A_355 : vector<512x1xi32>
    %swap3A = arith.constant 0 : index
    %swap3A_357 = arith.constant 0 : index
    %swap3A_358 = arith.constant 0 : index
    %swap3A_359 = vector.load %arg4[%swap3A, %swap3A_357, %swap3A_358] : memref<1x512x16xi32, #tpu.memory_space<vmem>>, vector<1x512x1xi32>
    %swap3A_360 = vector.shape_cast %swap3A_359 : vector<1x512x1xi32> to vector<512x1xi32>
    %swap3A_361 = vector.shape_cast %add3A_356 : vector<512x1xi32> to vector<1x512x1xi32>
    tpu.vector_store %arg4[%swap3A, %swap3A_357, %swap3A_358], %swap3A_361 {strides = array<i32>} : memref<1x512x16xi32, #tpu.memory_space<vmem>>, vector<1x512x1xi32>,
    %eq3A_362 = vector.broadcast %broadcast_in_dim3A_350 : vector<512x1xi32> to vector<512x128xi32>
    %eq3A_363 = arith.cmpi eq, %iota3A_146, %eq3A_362 : vector<512x128xi32>
    %jit3A_364 = arith.constant 0x7F800000 : f32
    %broadcast_in_dim3A_365 = vector.broadcast %jit3A_364 : f32 to vector<512x128xf32>
    %select_n3A_366 = arith.select %eq3A_363, %broadcast_in_dim3A_365, %select_n3A_342 : vector<512x128xi1>, vector<512x128xf32>
    %reduce_min3A_367 = arith.constant dense<0x7F800000> : vector<512xf32>
    %reduce_min3A_368 = vector.multi_reduction <minimumf>, %select_n3A_366, %reduce_min3A_367 [1] : vector<512x128xf32> to vector<512xf32>
    %broadcast_in_dim3A_369 = vector.shape_cast %reduce_min3A_368 : vector<512xf32> to vector<512x1xf32>
    %eq3A_370 = vector.broadcast %broadcast_in_dim3A_156 : vector<512x1xi32> to vector<512x32xi32>
    %eq3A_371 = arith.cmpi eq, %iota3A, %eq3A_370 : vector<512x32xi32>
    %broadcast_in_dim3A_372 = vector.shape_cast %broadcast_in_dim3A_369 : vector<512x1xf32> to vector<512x1xf32>
    %broadcast_in_dim3A_373 = vector.broadcast %broadcast_in_dim3A_372 : vector<512x1xf32> to vector<512x32xf32>
    %select_n3A_374 = arith.select %eq3A_371, %broadcast_in_dim3A_373, %concatenate3A : vector<512x32xi1>, vector<512x32xf32>
    %reduce_min3A_375 = arith.constant dense<0x7F800000> : vector<512xf32>
    %reduce_min3A_376 = vector.multi_reduction <minimumf>, %select_n3A_374, %reduce_min3A_375 [1] : vector<512x32xf32> to vector<512xf32>
    %broadcast_in_dim3A_377 = vector.shape_cast %reduce_min3A_376 : vector<512xf32> to vector<512x1xf32>
    %eq3A_378 = vector.broadcast %broadcast_in_dim3A_377 : vector<512x1xf32> to vector<512x32xf32>
    %eq3A_379 = arith.cmpf oeq, %select_n3A_374, %eq3A_378 : vector<512x32xf32>
    %jit3A_380 = arith.constant 32 : i32
    %broadcast_in_dim3A_381 = vector.broadcast %jit3A_380 : i32 to vector<512x32xi32>
    %select_n3A_382 = arith.select %eq3A_379, %iota3A, %broadcast_in_dim3A_381 : vector<512x32xi1>, vector<512x32xi32>
    %reduce_min3A_383 = arith.constant dense<2147483647> : vector<512xi32>
    %reduce_min3A_384 = vector.multi_reduction <minsi>, %select_n3A_382, %reduce_min3A_383 [1] : vector<512x32xi32> to vector<512xi32>
    %broadcast_in_dim3A_385 = vector.shape_cast %reduce_min3A_384 : vector<512xi32> to vector<512x1xi32>
    %eq3A_386 = arith.constant 30 : i32
    %eq3A_387 = vector.broadcast %eq3A_386 : i32 to vector<512x1xi32>
    %eq3A_388 = arith.cmpi eq, %broadcast_in_dim3A_385, %eq3A_387 : vector<512x1xi32>
    %broadcast_in_dim3A_389 = vector.shape_cast %eq3A_388 : vector<512x1xi1> to vector<512x1xi1>
    %broadcast_in_dim3A_390 = vector.broadcast %broadcast_in_dim3A_389 : vector<512x1xi1> to vector<512x128xi1>
    %select_n3A_391 = arith.select %broadcast_in_dim3A_390, %slice3A_49, %slice3A_50 : vector<512x128xi1>, vector<512x128xf32>
    %eq3A_392 = arith.constant 29 : i32
    %eq3A_393 = vector.broadcast %eq3A_392 : i32 to vector<512x1xi32>
    %eq3A_394 = arith.cmpi eq, %broadcast_in_dim3A_385, %eq3A_393 : vector<512x1xi32>
    %broadcast_in_dim3A_395 = vector.shape_cast %eq3A_394 : vector<512x1xi1> to vector<512x1xi1>
    %broadcast_in_dim3A_396 = vector.broadcast %broadcast_in_dim3A_395 : vector<512x1xi1> to vector<512x128xi1>
    %select_n3A_397 = arith.select %broadcast_in_dim3A_396, %slice3A_48, %select_n3A_391 : vector<512x128xi1>, vector<512x128xf32>
    %eq3A_398 = arith.constant 28 : i32
    %eq3A_399 = vector.broadcast %eq3A_398 : i32 to vector<512x1xi32>
    %eq3A_400 = arith.cmpi eq, %broadcast_in_dim3A_385, %eq3A_399 : vector<512x1xi32>
    %broadcast_in_dim3A_401 = vector.shape_cast %eq3A_400 : vector<512x1xi1> to vector<512x1xi1>
    %broadcast_in_dim3A_402 = vector.broadcast %broadcast_in_dim3A_401 : vector<512x1xi1> to vector<512x128xi1>
    %select_n3A_403 = arith.select %broadcast_in_dim3A_402, %slice3A_47, %select_n3A_397 : vector<512x128xi1>, vector<512x128xf32>
    %eq3A_404 = arith.constant 27 : i32
    %eq3A_405 = vector.broadcast %eq3A_404 : i32 to vector<512x1xi32>
    %eq3A_406 = arith.cmpi eq, %broadcast_in_dim3A_385, %eq3A_405 : vector<512x1xi32>
    %broadcast_in_dim3A_407 = vector.shape_cast %eq3A_406 : vector<512x1xi1> to vector<512x1xi1>
    %broadcast_in_dim3A_408 = vector.broadcast %broadcast_in_dim3A_407 : vector<512x1xi1> to vector<512x128xi1>
    %select_n3A_409 = arith.select %broadcast_in_dim3A_408, %slice3A_46, %select_n3A_403 : vector<512x128xi1>, vector<512x128xf32>
    %eq3A_410 = arith.constant 26 : i32
    %eq3A_411 = vector.broadcast %eq3A_410 : i32 to vector<512x1xi32>
    %eq3A_412 = arith.cmpi eq, %broadcast_in_dim3A_385, %eq3A_411 : vector<512x1xi32>
    %broadcast_in_dim3A_413 = vector.shape_cast %eq3A_412 : vector<512x1xi1> to vector<512x1xi1>
    %broadcast_in_dim3A_414 = vector.broadcast %broadcast_in_dim3A_413 : vector<512x1xi1> to vector<512x128xi1>
    %select_n3A_415 = arith.select %broadcast_in_dim3A_414, %slice3A_45, %select_n3A_409 : vector<512x128xi1>, vector<512x128xf32>
    %eq3A_416 = arith.constant 25 : i32
    %eq3A_417 = vector.broadcast %eq3A_416 : i32 to vector<512x1xi32>
    %eq3A_418 = arith.cmpi eq, %broadcast_in_dim3A_385, %eq3A_417 : vector<512x1xi32>
    %broadcast_in_dim3A_419 = vector.shape_cast %eq3A_418 : vector<512x1xi1> to vector<512x1xi1>
    %broadcast_in_dim3A_420 = vector.broadcast %broadcast_in_dim3A_419 : vector<512x1xi1> to vector<512x128xi1>
    %select_n3A_421 = arith.select %broadcast_in_dim3A_420, %slice3A_44, %select_n3A_415 : vector<512x128xi1>, vector<512x128xf32>
    %eq3A_422 = arith.constant 24 : i32
    %eq3A_423 = vector.broadcast %eq3A_422 : i32 to vector<512x1xi32>
    %eq3A_424 = arith.cmpi eq, %broadcast_in_dim3A_385, %eq3A_423 : vector<512x1xi32>
    %broadcast_in_dim3A_425 = vector.shape_cast %eq3A_424 : vector<512x1xi1> to vector<512x1xi1>
    %broadcast_in_dim3A_426 = vector.broadcast %broadcast_in_dim3A_425 : vector<512x1xi1> to vector<512x128xi1>
    %select_n3A_427 = arith.select %broadcast_in_dim3A_426, %slice3A_43, %select_n3A_421 : vector<512x128xi1>, vector<512x128xf32>
    %eq3A_428 = arith.constant 23 : i32
    %eq3A_429 = vector.broadcast %eq3A_428 : i32 to vector<512x1xi32>
    %eq3A_430 = arith.cmpi eq, %broadcast_in_dim3A_385, %eq3A_429 : vector<512x1xi32>
    %broadcast_in_dim3A_431 = vector.shape_cast %eq3A_430 : vector<512x1xi1> to vector<512x1xi1>
    %broadcast_in_dim3A_432 = vector.broadcast %broadcast_in_dim3A_431 : vector<512x1xi1> to vector<512x128xi1>
    %select_n3A_433 = arith.select %broadcast_in_dim3A_432, %slice3A_42, %select_n3A_427 : vector<512x128xi1>, vector<512x128xf32>
    %eq3A_434 = arith.constant 22 : i32
    %eq3A_435 = vector.broadcast %eq3A_434 : i32 to vector<512x1xi32>
    %eq3A_436 = arith.cmpi eq, %broadcast_in_dim3A_385, %eq3A_435 : vector<512x1xi32>
    %broadcast_in_dim3A_437 = vector.shape_cast %eq3A_436 : vector<512x1xi1> to vector<512x1xi1>
    %broadcast_in_dim3A_438 = vector.broadcast %broadcast_in_dim3A_437 : vector<512x1xi1> to vector<512x128xi1>
    %select_n3A_439 = arith.select %broadcast_in_dim3A_438, %slice3A_41, %select_n3A_433 : vector<512x128xi1>, vector<512x128xf32>
    %eq3A_440 = arith.constant 21 : i32
    %eq3A_441 = vector.broadcast %eq3A_440 : i32 to vector<512x1xi32>
    %eq3A_442 = arith.cmpi eq, %broadcast_in_dim3A_385, %eq3A_441 : vector<512x1xi32>
    %broadcast_in_dim3A_443 = vector.shape_cast %eq3A_442 : vector<512x1xi1> to vector<512x1xi1>
    %broadcast_in_dim3A_444 = vector.broadcast %broadcast_in_dim3A_443 : vector<512x1xi1> to vector<512x128xi1>
    %select_n3A_445 = arith.select %broadcast_in_dim3A_444, %slice3A_40, %select_n3A_439 : vector<512x128xi1>, vector<512x128xf32>
    %eq3A_446 = arith.constant 20 : i32
    %eq3A_447 = vector.broadcast %eq3A_446 : i32 to vector<512x1xi32>
    %eq3A_448 = arith.cmpi eq, %broadcast_in_dim3A_385, %eq3A_447 : vector<512x1xi32>
    %broadcast_in_dim3A_449 = vector.shape_cast %eq3A_448 : vector<512x1xi1> to vector<512x1xi1>
    %broadcast_in_dim3A_450 = vector.broadcast %broadcast_in_dim3A_449 : vector<512x1xi1> to vector<512x128xi1>
    %select_n3A_451 = arith.select %broadcast_in_dim3A_450, %slice3A_39, %select_n3A_445 : vector<512x128xi1>, vector<512x128xf32>
    %eq3A_452 = arith.constant 19 : i32
    %eq3A_453 = vector.broadcast %eq3A_452 : i32 to vector<512x1xi32>
    %eq3A_454 = arith.cmpi eq, %broadcast_in_dim3A_385, %eq3A_453 : vector<512x1xi32>
    %broadcast_in_dim3A_455 = vector.shape_cast %eq3A_454 : vector<512x1xi1> to vector<512x1xi1>
    %broadcast_in_dim3A_456 = vector.broadcast %broadcast_in_dim3A_455 : vector<512x1xi1> to vector<512x128xi1>
    %select_n3A_457 = arith.select %broadcast_in_dim3A_456, %slice3A_38, %select_n3A_451 : vector<512x128xi1>, vector<512x128xf32>
    %eq3A_458 = arith.constant 18 : i32
    %eq3A_459 = vector.broadcast %eq3A_458 : i32 to vector<512x1xi32>
    %eq3A_460 = arith.cmpi eq, %broadcast_in_dim3A_385, %eq3A_459 : vector<512x1xi32>
    %broadcast_in_dim3A_461 = vector.shape_cast %eq3A_460 : vector<512x1xi1> to vector<512x1xi1>
    %broadcast_in_dim3A_462 = vector.broadcast %broadcast_in_dim3A_461 : vector<512x1xi1> to vector<512x128xi1>
    %select_n3A_463 = arith.select %broadcast_in_dim3A_462, %slice3A_37, %select_n3A_457 : vector<512x128xi1>, vector<512x128xf32>
    %eq3A_464 = arith.constant 17 : i32
    %eq3A_465 = vector.broadcast %eq3A_464 : i32 to vector<512x1xi32>
    %eq3A_466 = arith.cmpi eq, %broadcast_in_dim3A_385, %eq3A_465 : vector<512x1xi32>
    %broadcast_in_dim3A_467 = vector.shape_cast %eq3A_466 : vector<512x1xi1> to vector<512x1xi1>
    %broadcast_in_dim3A_468 = vector.broadcast %broadcast_in_dim3A_467 : vector<512x1xi1> to vector<512x128xi1>
    %select_n3A_469 = arith.select %broadcast_in_dim3A_468, %slice3A_36, %select_n3A_463 : vector<512x128xi1>, vector<512x128xf32>
    %eq3A_470 = arith.constant 16 : i32
    %eq3A_471 = vector.broadcast %eq3A_470 : i32 to vector<512x1xi32>
    %eq3A_472 = arith.cmpi eq, %broadcast_in_dim3A_385, %eq3A_471 : vector<512x1xi32>
    %broadcast_in_dim3A_473 = vector.shape_cast %eq3A_472 : vector<512x1xi1> to vector<512x1xi1>
    %broadcast_in_dim3A_474 = vector.broadcast %broadcast_in_dim3A_473 : vector<512x1xi1> to vector<512x128xi1>
    %select_n3A_475 = arith.select %broadcast_in_dim3A_474, %slice3A_35, %select_n3A_469 : vector<512x128xi1>, vector<512x128xf32>
    %eq3A_476 = arith.constant 15 : i32
    %eq3A_477 = vector.broadcast %eq3A_476 : i32 to vector<512x1xi32>
    %eq3A_478 = arith.cmpi eq, %broadcast_in_dim3A_385, %eq3A_477 : vector<512x1xi32>
    %broadcast_in_dim3A_479 = vector.shape_cast %eq3A_478 : vector<512x1xi1> to vector<512x1xi1>
    %broadcast_in_dim3A_480 = vector.broadcast %broadcast_in_dim3A_479 : vector<512x1xi1> to vector<512x128xi1>
    %select_n3A_481 = arith.select %broadcast_in_dim3A_480, %slice3A_34, %select_n3A_475 : vector<512x128xi1>, vector<512x128xf32>
    %eq3A_482 = arith.constant 14 : i32
    %eq3A_483 = vector.broadcast %eq3A_482 : i32 to vector<512x1xi32>
    %eq3A_484 = arith.cmpi eq, %broadcast_in_dim3A_385, %eq3A_483 : vector<512x1xi32>
    %broadcast_in_dim3A_485 = vector.shape_cast %eq3A_484 : vector<512x1xi1> to vector<512x1xi1>
    %broadcast_in_dim3A_486 = vector.broadcast %broadcast_in_dim3A_485 : vector<512x1xi1> to vector<512x128xi1>
    %select_n3A_487 = arith.select %broadcast_in_dim3A_486, %slice3A_33, %select_n3A_481 : vector<512x128xi1>, vector<512x128xf32>
    %eq3A_488 = arith.constant 13 : i32
    %eq3A_489 = vector.broadcast %eq3A_488 : i32 to vector<512x1xi32>
    %eq3A_490 = arith.cmpi eq, %broadcast_in_dim3A_385, %eq3A_489 : vector<512x1xi32>
    %broadcast_in_dim3A_491 = vector.shape_cast %eq3A_490 : vector<512x1xi1> to vector<512x1xi1>
    %broadcast_in_dim3A_492 = vector.broadcast %broadcast_in_dim3A_491 : vector<512x1xi1> to vector<512x128xi1>
    %select_n3A_493 = arith.select %broadcast_in_dim3A_492, %slice3A_32, %select_n3A_487 : vector<512x128xi1>, vector<512x128xf32>
    %eq3A_494 = arith.constant 12 : i32
    %eq3A_495 = vector.broadcast %eq3A_494 : i32 to vector<512x1xi32>
    %eq3A_496 = arith.cmpi eq, %broadcast_in_dim3A_385, %eq3A_495 : vector<512x1xi32>
    %broadcast_in_dim3A_497 = vector.shape_cast %eq3A_496 : vector<512x1xi1> to vector<512x1xi1>
    %broadcast_in_dim3A_498 = vector.broadcast %broadcast_in_dim3A_497 : vector<512x1xi1> to vector<512x128xi1>
    %select_n3A_499 = arith.select %broadcast_in_dim3A_498, %slice3A_31, %select_n3A_493 : vector<512x128xi1>, vector<512x128xf32>
    %eq3A_500 = arith.constant 11 : i32
    %eq3A_501 = vector.broadcast %eq3A_500 : i32 to vector<512x1xi32>
    %eq3A_502 = arith.cmpi eq, %broadcast_in_dim3A_385, %eq3A_501 : vector<512x1xi32>
    %broadcast_in_dim3A_503 = vector.shape_cast %eq3A_502 : vector<512x1xi1> to vector<512x1xi1>
    %broadcast_in_dim3A_504 = vector.broadcast %broadcast_in_dim3A_503 : vector<512x1xi1> to vector<512x128xi1>
    %select_n3A_505 = arith.select %broadcast_in_dim3A_504, %slice3A_30, %select_n3A_499 : vector<512x128xi1>, vector<512x128xf32>
    %eq3A_506 = arith.constant 10 : i32
    %eq3A_507 = vector.broadcast %eq3A_506 : i32 to vector<512x1xi32>
    %eq3A_508 = arith.cmpi eq, %broadcast_in_dim3A_385, %eq3A_507 : vector<512x1xi32>
    %broadcast_in_dim3A_509 = vector.shape_cast %eq3A_508 : vector<512x1xi1> to vector<512x1xi1>
    %broadcast_in_dim3A_510 = vector.broadcast %broadcast_in_dim3A_509 : vector<512x1xi1> to vector<512x128xi1>
    %select_n3A_511 = arith.select %broadcast_in_dim3A_510, %slice3A_29, %select_n3A_505 : vector<512x128xi1>, vector<512x128xf32>
    %eq3A_512 = arith.constant 9 : i32
    %eq3A_513 = vector.broadcast %eq3A_512 : i32 to vector<512x1xi32>
    %eq3A_514 = arith.cmpi eq, %broadcast_in_dim3A_385, %eq3A_513 : vector<512x1xi32>
    %broadcast_in_dim3A_515 = vector.shape_cast %eq3A_514 : vector<512x1xi1> to vector<512x1xi1>
    %broadcast_in_dim3A_516 = vector.broadcast %broadcast_in_dim3A_515 : vector<512x1xi1> to vector<512x128xi1>
    %select_n3A_517 = arith.select %broadcast_in_dim3A_516, %slice3A_28, %select_n3A_511 : vector<512x128xi1>, vector<512x128xf32>
    %eq3A_518 = arith.constant 8 : i32
    %eq3A_519 = vector.broadcast %eq3A_518 : i32 to vector<512x1xi32>
    %eq3A_520 = arith.cmpi eq, %broadcast_in_dim3A_385, %eq3A_519 : vector<512x1xi32>
    %broadcast_in_dim3A_521 = vector.shape_cast %eq3A_520 : vector<512x1xi1> to vector<512x1xi1>
    %broadcast_in_dim3A_522 = vector.broadcast %broadcast_in_dim3A_521 : vector<512x1xi1> to vector<512x128xi1>
    %select_n3A_523 = arith.select %broadcast_in_dim3A_522, %slice3A_27, %select_n3A_517 : vector<512x128xi1>, vector<512x128xf32>
    %eq3A_524 = arith.constant 7 : i32
    %eq3A_525 = vector.broadcast %eq3A_524 : i32 to vector<512x1xi32>
    %eq3A_526 = arith.cmpi eq, %broadcast_in_dim3A_385, %eq3A_525 : vector<512x1xi32>
    %broadcast_in_dim3A_527 = vector.shape_cast %eq3A_526 : vector<512x1xi1> to vector<512x1xi1>
    %broadcast_in_dim3A_528 = vector.broadcast %broadcast_in_dim3A_527 : vector<512x1xi1> to vector<512x128xi1>
    %select_n3A_529 = arith.select %broadcast_in_dim3A_528, %slice3A_26, %select_n3A_523 : vector<512x128xi1>, vector<512x128xf32>
    %eq3A_530 = arith.constant 6 : i32
    %eq3A_531 = vector.broadcast %eq3A_530 : i32 to vector<512x1xi32>
    %eq3A_532 = arith.cmpi eq, %broadcast_in_dim3A_385, %eq3A_531 : vector<512x1xi32>
    %broadcast_in_dim3A_533 = vector.shape_cast %eq3A_532 : vector<512x1xi1> to vector<512x1xi1>
    %broadcast_in_dim3A_534 = vector.broadcast %broadcast_in_dim3A_533 : vector<512x1xi1> to vector<512x128xi1>
    %select_n3A_535 = arith.select %broadcast_in_dim3A_534, %slice3A_25, %select_n3A_529 : vector<512x128xi1>, vector<512x128xf32>
    %eq3A_536 = arith.constant 5 : i32
    %eq3A_537 = vector.broadcast %eq3A_536 : i32 to vector<512x1xi32>
    %eq3A_538 = arith.cmpi eq, %broadcast_in_dim3A_385, %eq3A_537 : vector<512x1xi32>
    %broadcast_in_dim3A_539 = vector.shape_cast %eq3A_538 : vector<512x1xi1> to vector<512x1xi1>
    %broadcast_in_dim3A_540 = vector.broadcast %broadcast_in_dim3A_539 : vector<512x1xi1> to vector<512x128xi1>
    %select_n3A_541 = arith.select %broadcast_in_dim3A_540, %slice3A_24, %select_n3A_535 : vector<512x128xi1>, vector<512x128xf32>
    %eq3A_542 = arith.constant 4 : i32
    %eq3A_543 = vector.broadcast %eq3A_542 : i32 to vector<512x1xi32>
    %eq3A_544 = arith.cmpi eq, %broadcast_in_dim3A_385, %eq3A_543 : vector<512x1xi32>
    %broadcast_in_dim3A_545 = vector.shape_cast %eq3A_544 : vector<512x1xi1> to vector<512x1xi1>
    %broadcast_in_dim3A_546 = vector.broadcast %broadcast_in_dim3A_545 : vector<512x1xi1> to vector<512x128xi1>
    %select_n3A_547 = arith.select %broadcast_in_dim3A_546, %slice3A_23, %select_n3A_541 : vector<512x128xi1>, vector<512x128xf32>
    %eq3A_548 = arith.constant 3 : i32
    %eq3A_549 = vector.broadcast %eq3A_548 : i32 to vector<512x1xi32>
    %eq3A_550 = arith.cmpi eq, %broadcast_in_dim3A_385, %eq3A_549 : vector<512x1xi32>
    %broadcast_in_dim3A_551 = vector.shape_cast %eq3A_550 : vector<512x1xi1> to vector<512x1xi1>
    %broadcast_in_dim3A_552 = vector.broadcast %broadcast_in_dim3A_551 : vector<512x1xi1> to vector<512x128xi1>
    %select_n3A_553 = arith.select %broadcast_in_dim3A_552, %slice3A_22, %select_n3A_547 : vector<512x128xi1>, vector<512x128xf32>
    %eq3A_554 = arith.constant 2 : i32
    %eq3A_555 = vector.broadcast %eq3A_554 : i32 to vector<512x1xi32>
    %eq3A_556 = arith.cmpi eq, %broadcast_in_dim3A_385, %eq3A_555 : vector<512x1xi32>
    %broadcast_in_dim3A_557 = vector.shape_cast %eq3A_556 : vector<512x1xi1> to vector<512x1xi1>
    %broadcast_in_dim3A_558 = vector.broadcast %broadcast_in_dim3A_557 : vector<512x1xi1> to vector<512x128xi1>
    %select_n3A_559 = arith.select %broadcast_in_dim3A_558, %slice3A_21, %select_n3A_553 : vector<512x128xi1>, vector<512x128xf32>
    %eq3A_560 = arith.constant 1 : i32
    %eq3A_561 = vector.broadcast %eq3A_560 : i32 to vector<512x1xi32>
    %eq3A_562 = arith.cmpi eq, %broadcast_in_dim3A_385, %eq3A_561 : vector<512x1xi32>
    %broadcast_in_dim3A_563 = vector.shape_cast %eq3A_562 : vector<512x1xi1> to vector<512x1xi1>
    %broadcast_in_dim3A_564 = vector.broadcast %broadcast_in_dim3A_563 : vector<512x1xi1> to vector<512x128xi1>
    %select_n3A_565 = arith.select %broadcast_in_dim3A_564, %slice3A_20, %select_n3A_559 : vector<512x128xi1>, vector<512x128xf32>
    %eq3A_566 = arith.constant 0 : i32
    %eq3A_567 = vector.broadcast %eq3A_566 : i32 to vector<512x1xi32>
    %eq3A_568 = arith.cmpi eq, %broadcast_in_dim3A_385, %eq3A_567 : vector<512x1xi32>
    %broadcast_in_dim3A_569 = vector.shape_cast %eq3A_568 : vector<512x1xi1> to vector<512x1xi1>
    %broadcast_in_dim3A_570 = vector.broadcast %broadcast_in_dim3A_569 : vector<512x1xi1> to vector<512x128xi1>
    %select_n3A_571 = arith.select %broadcast_in_dim3A_570, %slice3A, %select_n3A_565 : vector<512x128xi1>, vector<512x128xf32>
    %mul3A_572 = arith.constant 128 : i32
    %mul3A_573 = vector.broadcast %mul3A_572 : i32 to vector<512x1xi32>
    %mul3A_574 = arith.muli %broadcast_in_dim3A_385, %mul3A_573 : vector<512x1xi32>
    %add3A_575 = vector.broadcast %mul3A_574 : vector<512x1xi32> to vector<512x128xi32>
    %add3A_576 = arith.addi %add3A_575, %iota3A_146 : vector<512x128xi32>
    %eq3A_577 = vector.broadcast %add3A_354 : vector<512x1xi32> to vector<512x128xi32>
    %eq3A_578 = arith.cmpi eq, %add3A_576, %eq3A_577 : vector<512x128xi32>
    %jit3A_579 = arith.constant 0x7F800000 : f32
    %broadcast_in_dim3A_580 = vector.broadcast %jit3A_579 : f32 to vector<512x128xf32>
    %select_n3A_581 = arith.select %eq3A_578, %broadcast_in_dim3A_580, %select_n3A_571 : vector<512x128xi1>, vector<512x128xf32>
    %eq3A_582 = vector.broadcast %broadcast_in_dim3A_377 : vector<512x1xf32> to vector<512x128xf32>
    %eq3A_583 = arith.cmpf oeq, %select_n3A_581, %eq3A_582 : vector<512x128xf32>
    %jit3A_584 = arith.constant 128 : i32
    %broadcast_in_dim3A_585 = vector.broadcast %jit3A_584 : i32 to vector<512x128xi32>
    %select_n3A_586 = arith.select %eq3A_583, %iota3A_146, %broadcast_in_dim3A_585 : vector<512x128xi1>, vector<512x128xi32>
    %reduce_min3A_587 = arith.constant dense<2147483647> : vector<512xi32>
    %reduce_min3A_588 = vector.multi_reduction <minsi>, %select_n3A_586, %reduce_min3A_587 [1] : vector<512x128xi32> to vector<512xi32>
    %broadcast_in_dim3A_589 = vector.shape_cast %reduce_min3A_588 : vector<512xi32> to vector<512x1xi32>
    %mul3A_590 = arith.constant 128 : i32
    %mul3A_591 = vector.broadcast %mul3A_590 : i32 to vector<512x1xi32>
    %mul3A_592 = arith.muli %broadcast_in_dim3A_385, %mul3A_591 : vector<512x1xi32>
    %add3A_593 = arith.addi %mul3A_592, %broadcast_in_dim3A_589 : vector<512x1xi32>
    %add3A_594 = vector.broadcast %mul3A_148 : i32 to vector<512x1xi32>
    %add3A_595 = arith.addi %add3A_593, %add3A_594 : vector<512x1xi32>
    %swap3A_596 = arith.constant 0 : index
    %swap3A_597 = arith.constant 0 : index
    %swap3A_598 = arith.constant 1 : index
    %swap3A_599 = vector.load %arg4[%swap3A_596, %swap3A_597, %swap3A_598] : memref<1x512x16xi32, #tpu.memory_space<vmem>>, vector<1x512x1xi32>
    %swap3A_600 = vector.shape_cast %swap3A_599 : vector<1x512x1xi32> to vector<512x1xi32>
    %swap3A_601 = vector.shape_cast %add3A_595 : vector<512x1xi32> to vector<1x512x1xi32>
    tpu.vector_store %arg4[%swap3A_596, %swap3A_597, %swap3A_598], %swap3A_601 {strides = array<i32>} : memref<1x512x16xi32, #tpu.memory_space<vmem>>, vector<1x512x1xi32>,
    %eq3A_602 = vector.broadcast %broadcast_in_dim3A_589 : vector<512x1xi32> to vector<512x128xi32>
    %eq3A_603 = arith.cmpi eq, %iota3A_146, %eq3A_602 : vector<512x128xi32>
    %jit3A_604 = arith.constant 0x7F800000 : f32
    %broadcast_in_dim3A_605 = vector.broadcast %jit3A_604 : f32 to vector<512x128xf32>
    %select_n3A_606 = arith.select %eq3A_603, %broadcast_in_dim3A_605, %select_n3A_581 : vector<512x128xi1>, vector<512x128xf32>
    %reduce_min3A_607 = arith.constant dense<0x7F800000> : vector<512xf32>
    %reduce_min3A_608 = vector.multi_reduction <minimumf>, %select_n3A_606, %reduce_min3A_607 [1] : vector<512x128xf32> to vector<512xf32>
    %broadcast_in_dim3A_609 = vector.shape_cast %reduce_min3A_608 : vector<512xf32> to vector<512x1xf32>
    %eq3A_610 = vector.broadcast %broadcast_in_dim3A_385 : vector<512x1xi32> to vector<512x32xi32>
    %eq3A_611 = arith.cmpi eq, %iota3A, %eq3A_610 : vector<512x32xi32>
    %broadcast_in_dim3A_612 = vector.shape_cast %broadcast_in_dim3A_609 : vector<512x1xf32> to vector<512x1xf32>
    %broadcast_in_dim3A_613 = vector.broadcast %broadcast_in_dim3A_612 : vector<512x1xf32> to vector<512x32xf32>
    %select_n3A_614 = arith.select %eq3A_611, %broadcast_in_dim3A_613, %select_n3A_374 : vector<512x32xi1>, vector<512x32xf32>
    %reduce_min3A_615 = arith.constant dense<0x7F800000> : vector<512xf32>
    %reduce_min3A_616 = vector.multi_reduction <minimumf>, %select_n3A_614, %reduce_min3A_615 [1] : vector<512x32xf32> to vector<512xf32>
    %broadcast_in_dim3A_617 = vector.shape_cast %reduce_min3A_616 : vector<512xf32> to vector<512x1xf32>
    %eq3A_618 = vector.broadcast %broadcast_in_dim3A_617 : vector<512x1xf32> to vector<512x32xf32>
    %eq3A_619 = arith.cmpf oeq, %select_n3A_614, %eq3A_618 : vector<512x32xf32>
    %jit3A_620 = arith.constant 32 : i32
    %broadcast_in_dim3A_621 = vector.broadcast %jit3A_620 : i32 to vector<512x32xi32>
    %select_n3A_622 = arith.select %eq3A_619, %iota3A, %broadcast_in_dim3A_621 : vector<512x32xi1>, vector<512x32xi32>
    %reduce_min3A_623 = arith.constant dense<2147483647> : vector<512xi32>
    %reduce_min3A_624 = vector.multi_reduction <minsi>, %select_n3A_622, %reduce_min3A_623 [1] : vector<512x32xi32> to vector<512xi32>
    %broadcast_in_dim3A_625 = vector.shape_cast %reduce_min3A_624 : vector<512xi32> to vector<512x1xi32>
    %eq3A_626 = arith.constant 30 : i32
    %eq3A_627 = vector.broadcast %eq3A_626 : i32 to vector<512x1xi32>
    %eq3A_628 = arith.cmpi eq, %broadcast_in_dim3A_625, %eq3A_627 : vector<512x1xi32>
    %broadcast_in_dim3A_629 = vector.shape_cast %eq3A_628 : vector<512x1xi1> to vector<512x1xi1>
    %broadcast_in_dim3A_630 = vector.broadcast %broadcast_in_dim3A_629 : vector<512x1xi1> to vector<512x128xi1>
    %select_n3A_631 = arith.select %broadcast_in_dim3A_630, %slice3A_49, %slice3A_50 : vector<512x128xi1>, vector<512x128xf32>
    %eq3A_632 = arith.constant 29 : i32
    %eq3A_633 = vector.broadcast %eq3A_632 : i32 to vector<512x1xi32>
    %eq3A_634 = arith.cmpi eq, %broadcast_in_dim3A_625, %eq3A_633 : vector<512x1xi32>
    %broadcast_in_dim3A_635 = vector.shape_cast %eq3A_634 : vector<512x1xi1> to vector<512x1xi1>
    %broadcast_in_dim3A_636 = vector.broadcast %broadcast_in_dim3A_635 : vector<512x1xi1> to vector<512x128xi1>
    %select_n3A_637 = arith.select %broadcast_in_dim3A_636, %slice3A_48, %select_n3A_631 : vector<512x128xi1>, vector<512x128xf32>
    %eq3A_638 = arith.constant 28 : i32
    %eq3A_639 = vector.broadcast %eq3A_638 : i32 to vector<512x1xi32>
    %eq3A_640 = arith.cmpi eq, %broadcast_in_dim3A_625, %eq3A_639 : vector<512x1xi32>
    %broadcast_in_dim3A_641 = vector.shape_cast %eq3A_640 : vector<512x1xi1> to vector<512x1xi1>
    %broadcast_in_dim3A_642 = vector.broadcast %broadcast_in_dim3A_641 : vector<512x1xi1> to vector<512x128xi1>
    %select_n3A_643 = arith.select %broadcast_in_dim3A_642, %slice3A_47, %select_n3A_637 : vector<512x128xi1>, vector<512x128xf32>
    %eq3A_644 = arith.constant 27 : i32
    %eq3A_645 = vector.broadcast %eq3A_644 : i32 to vector<512x1xi32>
    %eq3A_646 = arith.cmpi eq, %broadcast_in_dim3A_625, %eq3A_645 : vector<512x1xi32>
    %broadcast_in_dim3A_647 = vector.shape_cast %eq3A_646 : vector<512x1xi1> to vector<512x1xi1>
    %broadcast_in_dim3A_648 = vector.broadcast %broadcast_in_dim3A_647 : vector<512x1xi1> to vector<512x128xi1>
    %select_n3A_649 = arith.select %broadcast_in_dim3A_648, %slice3A_46, %select_n3A_643 : vector<512x128xi1>, vector<512x128xf32>
    %eq3A_650 = arith.constant 26 : i32
    %eq3A_651 = vector.broadcast %eq3A_650 : i32 to vector<512x1xi32>
    %eq3A_652 = arith.cmpi eq, %broadcast_in_dim3A_625, %eq3A_651 : vector<512x1xi32>
    %broadcast_in_dim3A_653 = vector.shape_cast %eq3A_652 : vector<512x1xi1> to vector<512x1xi1>
    %broadcast_in_dim3A_654 = vector.broadcast %broadcast_in_dim3A_653 : vector<512x1xi1> to vector<512x128xi1>
    %select_n3A_655 = arith.select %broadcast_in_dim3A_654, %slice3A_45, %select_n3A_649 : vector<512x128xi1>, vector<512x128xf32>
    %eq3A_656 = arith.constant 25 : i32
    %eq3A_657 = vector.broadcast %eq3A_656 : i32 to vector<512x1xi32>
    %eq3A_658 = arith.cmpi eq, %broadcast_in_dim3A_625, %eq3A_657 : vector<512x1xi32>
    %broadcast_in_dim3A_659 = vector.shape_cast %eq3A_658 : vector<512x1xi1> to vector<512x1xi1>
    %broadcast_in_dim3A_660 = vector.broadcast %broadcast_in_dim3A_659 : vector<512x1xi1> to vector<512x128xi1>
    %select_n3A_661 = arith.select %broadcast_in_dim3A_660, %slice3A_44, %select_n3A_655 : vector<512x128xi1>, vector<512x128xf32>
    %eq3A_662 = arith.constant 24 : i32
    %eq3A_663 = vector.broadcast %eq3A_662 : i32 to vector<512x1xi32>
    %eq3A_664 = arith.cmpi eq, %broadcast_in_dim3A_625, %eq3A_663 : vector<512x1xi32>
    %broadcast_in_dim3A_665 = vector.shape_cast %eq3A_664 : vector<512x1xi1> to vector<512x1xi1>
    %broadcast_in_dim3A_666 = vector.broadcast %broadcast_in_dim3A_665 : vector<512x1xi1> to vector<512x128xi1>
    %select_n3A_667 = arith.select %broadcast_in_dim3A_666, %slice3A_43, %select_n3A_661 : vector<512x128xi1>, vector<512x128xf32>
    %eq3A_668 = arith.constant 23 : i32
    %eq3A_669 = vector.broadcast %eq3A_668 : i32 to vector<512x1xi32>
    %eq3A_670 = arith.cmpi eq, %broadcast_in_dim3A_625, %eq3A_669 : vector<512x1xi32>
    %broadcast_in_dim3A_671 = vector.shape_cast %eq3A_670 : vector<512x1xi1> to vector<512x1xi1>
    %broadcast_in_dim3A_672 = vector.broadcast %broadcast_in_dim3A_671 : vector<512x1xi1> to vector<512x128xi1>
    %select_n3A_673 = arith.select %broadcast_in_dim3A_672, %slice3A_42, %select_n3A_667 : vector<512x128xi1>, vector<512x128xf32>
    %eq3A_674 = arith.constant 22 : i32
    %eq3A_675 = vector.broadcast %eq3A_674 : i32 to vector<512x1xi32>
    %eq3A_676 = arith.cmpi eq, %broadcast_in_dim3A_625, %eq3A_675 : vector<512x1xi32>
    %broadcast_in_dim3A_677 = vector.shape_cast %eq3A_676 : vector<512x1xi1> to vector<512x1xi1>
    %broadcast_in_dim3A_678 = vector.broadcast %broadcast_in_dim3A_677 : vector<512x1xi1> to vector<512x128xi1>
    %select_n3A_679 = arith.select %broadcast_in_dim3A_678, %slice3A_41, %select_n3A_673 : vector<512x128xi1>, vector<512x128xf32>
    %eq3A_680 = arith.constant 21 : i32
    %eq3A_681 = vector.broadcast %eq3A_680 : i32 to vector<512x1xi32>
    %eq3A_682 = arith.cmpi eq, %broadcast_in_dim3A_625, %eq3A_681 : vector<512x1xi32>
    %broadcast_in_dim3A_683 = vector.shape_cast %eq3A_682 : vector<512x1xi1> to vector<512x1xi1>
    %broadcast_in_dim3A_684 = vector.broadcast %broadcast_in_dim3A_683 : vector<512x1xi1> to vector<512x128xi1>
    %select_n3A_685 = arith.select %broadcast_in_dim3A_684, %slice3A_40, %select_n3A_679 : vector<512x128xi1>, vector<512x128xf32>
    %eq3A_686 = arith.constant 20 : i32
    %eq3A_687 = vector.broadcast %eq3A_686 : i32 to vector<512x1xi32>
    %eq3A_688 = arith.cmpi eq, %broadcast_in_dim3A_625, %eq3A_687 : vector<512x1xi32>
    %broadcast_in_dim3A_689 = vector.shape_cast %eq3A_688 : vector<512x1xi1> to vector<512x1xi1>
    %broadcast_in_dim3A_690 = vector.broadcast %broadcast_in_dim3A_689 : vector<512x1xi1> to vector<512x128xi1>
    %select_n3A_691 = arith.select %broadcast_in_dim3A_690, %slice3A_39, %select_n3A_685 : vector<512x128xi1>, vector<512x128xf32>
    %eq3A_692 = arith.constant 19 : i32
    %eq3A_693 = vector.broadcast %eq3A_692 : i32 to vector<512x1xi32>
    %eq3A_694 = arith.cmpi eq, %broadcast_in_dim3A_625, %eq3A_693 : vector<512x1xi32>
    %broadcast_in_dim3A_695 = vector.shape_cast %eq3A_694 : vector<512x1xi1> to vector<512x1xi1>
    %broadcast_in_dim3A_696 = vector.broadcast %broadcast_in_dim3A_695 : vector<512x1xi1> to vector<512x128xi1>
    %select_n3A_697 = arith.select %broadcast_in_dim3A_696, %slice3A_38, %select_n3A_691 : vector<512x128xi1>, vector<512x128xf32>
    %eq3A_698 = arith.constant 18 : i32
    %eq3A_699 = vector.broadcast %eq3A_698 : i32 to vector<512x1xi32>
    %eq3A_700 = arith.cmpi eq, %broadcast_in_dim3A_625, %eq3A_699 : vector<512x1xi32>
    %broadcast_in_dim3A_701 = vector.shape_cast %eq3A_700 : vector<512x1xi1> to vector<512x1xi1>
    %broadcast_in_dim3A_702 = vector.broadcast %broadcast_in_dim3A_701 : vector<512x1xi1> to vector<512x128xi1>
    %select_n3A_703 = arith.select %broadcast_in_dim3A_702, %slice3A_37, %select_n3A_697 : vector<512x128xi1>, vector<512x128xf32>
    %eq3A_704 = arith.constant 17 : i32
    %eq3A_705 = vector.broadcast %eq3A_704 : i32 to vector<512x1xi32>
    %eq3A_706 = arith.cmpi eq, %broadcast_in_dim3A_625, %eq3A_705 : vector<512x1xi32>
    %broadcast_in_dim3A_707 = vector.shape_cast %eq3A_706 : vector<512x1xi1> to vector<512x1xi1>
    %broadcast_in_dim3A_708 = vector.broadcast %broadcast_in_dim3A_707 : vector<512x1xi1> to vector<512x128xi1>
    %select_n3A_709 = arith.select %broadcast_in_dim3A_708, %slice3A_36, %select_n3A_703 : vector<512x128xi1>, vector<512x128xf32>
    %eq3A_710 = arith.constant 16 : i32
    %eq3A_711 = vector.broadcast %eq3A_710 : i32 to vector<512x1xi32>
    %eq3A_712 = arith.cmpi eq, %broadcast_in_dim3A_625, %eq3A_711 : vector<512x1xi32>
    %broadcast_in_dim3A_713 = vector.shape_cast %eq3A_712 : vector<512x1xi1> to vector<512x1xi1>
    %broadcast_in_dim3A_714 = vector.broadcast %broadcast_in_dim3A_713 : vector<512x1xi1> to vector<512x128xi1>
    %select_n3A_715 = arith.select %broadcast_in_dim3A_714, %slice3A_35, %select_n3A_709 : vector<512x128xi1>, vector<512x128xf32>
    %eq3A_716 = arith.constant 15 : i32
    %eq3A_717 = vector.broadcast %eq3A_716 : i32 to vector<512x1xi32>
    %eq3A_718 = arith.cmpi eq, %broadcast_in_dim3A_625, %eq3A_717 : vector<512x1xi32>
    %broadcast_in_dim3A_719 = vector.shape_cast %eq3A_718 : vector<512x1xi1> to vector<512x1xi1>
    %broadcast_in_dim3A_720 = vector.broadcast %broadcast_in_dim3A_719 : vector<512x1xi1> to vector<512x128xi1>
    %select_n3A_721 = arith.select %broadcast_in_dim3A_720, %slice3A_34, %select_n3A_715 : vector<512x128xi1>, vector<512x128xf32>
    %eq3A_722 = arith.constant 14 : i32
    %eq3A_723 = vector.broadcast %eq3A_722 : i32 to vector<512x1xi32>
    %eq3A_724 = arith.cmpi eq, %broadcast_in_dim3A_625, %eq3A_723 : vector<512x1xi32>
    %broadcast_in_dim3A_725 = vector.shape_cast %eq3A_724 : vector<512x1xi1> to vector<512x1xi1>
    %broadcast_in_dim3A_726 = vector.broadcast %broadcast_in_dim3A_725 : vector<512x1xi1> to vector<512x128xi1>
    %select_n3A_727 = arith.select %broadcast_in_dim3A_726, %slice3A_33, %select_n3A_721 : vector<512x128xi1>, vector<512x128xf32>
    %eq3A_728 = arith.constant 13 : i32
    %eq3A_729 = vector.broadcast %eq3A_728 : i32 to vector<512x1xi32>
    %eq3A_730 = arith.cmpi eq, %broadcast_in_dim3A_625, %eq3A_729 : vector<512x1xi32>
    %broadcast_in_dim3A_731 = vector.shape_cast %eq3A_730 : vector<512x1xi1> to vector<512x1xi1>
    %broadcast_in_dim3A_732 = vector.broadcast %broadcast_in_dim3A_731 : vector<512x1xi1> to vector<512x128xi1>
    %select_n3A_733 = arith.select %broadcast_in_dim3A_732, %slice3A_32, %select_n3A_727 : vector<512x128xi1>, vector<512x128xf32>
    %eq3A_734 = arith.constant 12 : i32
    %eq3A_735 = vector.broadcast %eq3A_734 : i32 to vector<512x1xi32>
    %eq3A_736 = arith.cmpi eq, %broadcast_in_dim3A_625, %eq3A_735 : vector<512x1xi32>
    %broadcast_in_dim3A_737 = vector.shape_cast %eq3A_736 : vector<512x1xi1> to vector<512x1xi1>
    %broadcast_in_dim3A_738 = vector.broadcast %broadcast_in_dim3A_737 : vector<512x1xi1> to vector<512x128xi1>
    %select_n3A_739 = arith.select %broadcast_in_dim3A_738, %slice3A_31, %select_n3A_733 : vector<512x128xi1>, vector<512x128xf32>
    %eq3A_740 = arith.constant 11 : i32
    %eq3A_741 = vector.broadcast %eq3A_740 : i32 to vector<512x1xi32>
    %eq3A_742 = arith.cmpi eq, %broadcast_in_dim3A_625, %eq3A_741 : vector<512x1xi32>
    %broadcast_in_dim3A_743 = vector.shape_cast %eq3A_742 : vector<512x1xi1> to vector<512x1xi1>
    %broadcast_in_dim3A_744 = vector.broadcast %broadcast_in_dim3A_743 : vector<512x1xi1> to vector<512x128xi1>
    %select_n3A_745 = arith.select %broadcast_in_dim3A_744, %slice3A_30, %select_n3A_739 : vector<512x128xi1>, vector<512x128xf32>
    %eq3A_746 = arith.constant 10 : i32
    %eq3A_747 = vector.broadcast %eq3A_746 : i32 to vector<512x1xi32>
    %eq3A_748 = arith.cmpi eq, %broadcast_in_dim3A_625, %eq3A_747 : vector<512x1xi32>
    %broadcast_in_dim3A_749 = vector.shape_cast %eq3A_748 : vector<512x1xi1> to vector<512x1xi1>
    %broadcast_in_dim3A_750 = vector.broadcast %broadcast_in_dim3A_749 : vector<512x1xi1> to vector<512x128xi1>
    %select_n3A_751 = arith.select %broadcast_in_dim3A_750, %slice3A_29, %select_n3A_745 : vector<512x128xi1>, vector<512x128xf32>
    %eq3A_752 = arith.constant 9 : i32
    %eq3A_753 = vector.broadcast %eq3A_752 : i32 to vector<512x1xi32>
    %eq3A_754 = arith.cmpi eq, %broadcast_in_dim3A_625, %eq3A_753 : vector<512x1xi32>
    %broadcast_in_dim3A_755 = vector.shape_cast %eq3A_754 : vector<512x1xi1> to vector<512x1xi1>
    %broadcast_in_dim3A_756 = vector.broadcast %broadcast_in_dim3A_755 : vector<512x1xi1> to vector<512x128xi1>
    %select_n3A_757 = arith.select %broadcast_in_dim3A_756, %slice3A_28, %select_n3A_751 : vector<512x128xi1>, vector<512x128xf32>
    %eq3A_758 = arith.constant 8 : i32
    %eq3A_759 = vector.broadcast %eq3A_758 : i32 to vector<512x1xi32>
    %eq3A_760 = arith.cmpi eq, %broadcast_in_dim3A_625, %eq3A_759 : vector<512x1xi32>
    %broadcast_in_dim3A_761 = vector.shape_cast %eq3A_760 : vector<512x1xi1> to vector<512x1xi1>
    %broadcast_in_dim3A_762 = vector.broadcast %broadcast_in_dim3A_761 : vector<512x1xi1> to vector<512x128xi1>
    %select_n3A_763 = arith.select %broadcast_in_dim3A_762, %slice3A_27, %select_n3A_757 : vector<512x128xi1>, vector<512x128xf32>
    %eq3A_764 = arith.constant 7 : i32
    %eq3A_765 = vector.broadcast %eq3A_764 : i32 to vector<512x1xi32>
    %eq3A_766 = arith.cmpi eq, %broadcast_in_dim3A_625, %eq3A_765 : vector<512x1xi32>
    %broadcast_in_dim3A_767 = vector.shape_cast %eq3A_766 : vector<512x1xi1> to vector<512x1xi1>
    %broadcast_in_dim3A_768 = vector.broadcast %broadcast_in_dim3A_767 : vector<512x1xi1> to vector<512x128xi1>
    %select_n3A_769 = arith.select %broadcast_in_dim3A_768, %slice3A_26, %select_n3A_763 : vector<512x128xi1>, vector<512x128xf32>
    %eq3A_770 = arith.constant 6 : i32
    %eq3A_771 = vector.broadcast %eq3A_770 : i32 to vector<512x1xi32>
    %eq3A_772 = arith.cmpi eq, %broadcast_in_dim3A_625, %eq3A_771 : vector<512x1xi32>
    %broadcast_in_dim3A_773 = vector.shape_cast %eq3A_772 : vector<512x1xi1> to vector<512x1xi1>
    %broadcast_in_dim3A_774 = vector.broadcast %broadcast_in_dim3A_773 : vector<512x1xi1> to vector<512x128xi1>
    %select_n3A_775 = arith.select %broadcast_in_dim3A_774, %slice3A_25, %select_n3A_769 : vector<512x128xi1>, vector<512x128xf32>
    %eq3A_776 = arith.constant 5 : i32
    %eq3A_777 = vector.broadcast %eq3A_776 : i32 to vector<512x1xi32>
    %eq3A_778 = arith.cmpi eq, %broadcast_in_dim3A_625, %eq3A_777 : vector<512x1xi32>
    %broadcast_in_dim3A_779 = vector.shape_cast %eq3A_778 : vector<512x1xi1> to vector<512x1xi1>
    %broadcast_in_dim3A_780 = vector.broadcast %broadcast_in_dim3A_779 : vector<512x1xi1> to vector<512x128xi1>
    %select_n3A_781 = arith.select %broadcast_in_dim3A_780, %slice3A_24, %select_n3A_775 : vector<512x128xi1>, vector<512x128xf32>
    %eq3A_782 = arith.constant 4 : i32
    %eq3A_783 = vector.broadcast %eq3A_782 : i32 to vector<512x1xi32>
    %eq3A_784 = arith.cmpi eq, %broadcast_in_dim3A_625, %eq3A_783 : vector<512x1xi32>
    %broadcast_in_dim3A_785 = vector.shape_cast %eq3A_784 : vector<512x1xi1> to vector<512x1xi1>
    %broadcast_in_dim3A_786 = vector.broadcast %broadcast_in_dim3A_785 : vector<512x1xi1> to vector<512x128xi1>
    %select_n3A_787 = arith.select %broadcast_in_dim3A_786, %slice3A_23, %select_n3A_781 : vector<512x128xi1>, vector<512x128xf32>
    %eq3A_788 = arith.constant 3 : i32
    %eq3A_789 = vector.broadcast %eq3A_788 : i32 to vector<512x1xi32>
    %eq3A_790 = arith.cmpi eq, %broadcast_in_dim3A_625, %eq3A_789 : vector<512x1xi32>
    %broadcast_in_dim3A_791 = vector.shape_cast %eq3A_790 : vector<512x1xi1> to vector<512x1xi1>
    %broadcast_in_dim3A_792 = vector.broadcast %broadcast_in_dim3A_791 : vector<512x1xi1> to vector<512x128xi1>
    %select_n3A_793 = arith.select %broadcast_in_dim3A_792, %slice3A_22, %select_n3A_787 : vector<512x128xi1>, vector<512x128xf32>
    %eq3A_794 = arith.constant 2 : i32
    %eq3A_795 = vector.broadcast %eq3A_794 : i32 to vector<512x1xi32>
    %eq3A_796 = arith.cmpi eq, %broadcast_in_dim3A_625, %eq3A_795 : vector<512x1xi32>
    %broadcast_in_dim3A_797 = vector.shape_cast %eq3A_796 : vector<512x1xi1> to vector<512x1xi1>
    %broadcast_in_dim3A_798 = vector.broadcast %broadcast_in_dim3A_797 : vector<512x1xi1> to vector<512x128xi1>
    %select_n3A_799 = arith.select %broadcast_in_dim3A_798, %slice3A_21, %select_n3A_793 : vector<512x128xi1>, vector<512x128xf32>
    %eq3A_800 = arith.constant 1 : i32
    %eq3A_801 = vector.broadcast %eq3A_800 : i32 to vector<512x1xi32>
    %eq3A_802 = arith.cmpi eq, %broadcast_in_dim3A_625, %eq3A_801 : vector<512x1xi32>
    %broadcast_in_dim3A_803 = vector.shape_cast %eq3A_802 : vector<512x1xi1> to vector<512x1xi1>
    %broadcast_in_dim3A_804 = vector.broadcast %broadcast_in_dim3A_803 : vector<512x1xi1> to vector<512x128xi1>
    %select_n3A_805 = arith.select %broadcast_in_dim3A_804, %slice3A_20, %select_n3A_799 : vector<512x128xi1>, vector<512x128xf32>
    %eq3A_806 = arith.constant 0 : i32
    %eq3A_807 = vector.broadcast %eq3A_806 : i32 to vector<512x1xi32>
    %eq3A_808 = arith.cmpi eq, %broadcast_in_dim3A_625, %eq3A_807 : vector<512x1xi32>
    %broadcast_in_dim3A_809 = vector.shape_cast %eq3A_808 : vector<512x1xi1> to vector<512x1xi1>
    %broadcast_in_dim3A_810 = vector.broadcast %broadcast_in_dim3A_809 : vector<512x1xi1> to vector<512x128xi1>
    %select_n3A_811 = arith.select %broadcast_in_dim3A_810, %slice3A, %select_n3A_805 : vector<512x128xi1>, vector<512x128xf32>
    %mul3A_812 = arith.constant 128 : i32
    %mul3A_813 = vector.broadcast %mul3A_812 : i32 to vector<512x1xi32>
    %mul3A_814 = arith.muli %broadcast_in_dim3A_625, %mul3A_813 : vector<512x1xi32>
    %add3A_815 = vector.broadcast %mul3A_814 : vector<512x1xi32> to vector<512x128xi32>
    %add3A_816 = arith.addi %add3A_815, %iota3A_146 : vector<512x128xi32>
    %eq3A_817 = vector.broadcast %add3A_354 : vector<512x1xi32> to vector<512x128xi32>
    %eq3A_818 = arith.cmpi eq, %add3A_816, %eq3A_817 : vector<512x128xi32>
    %jit3A_819 = arith.constant 0x7F800000 : f32
    %broadcast_in_dim3A_820 = vector.broadcast %jit3A_819 : f32 to vector<512x128xf32>
    %select_n3A_821 = arith.select %eq3A_818, %broadcast_in_dim3A_820, %select_n3A_811 : vector<512x128xi1>, vector<512x128xf32>
    %eq3A_822 = vector.broadcast %add3A_593 : vector<512x1xi32> to vector<512x128xi32>
    %eq3A_823 = arith.cmpi eq, %add3A_816, %eq3A_822 : vector<512x128xi32>
    %jit3A_824 = arith.constant 0x7F800000 : f32
    %broadcast_in_dim3A_825 = vector.broadcast %jit3A_824 : f32 to vector<512x128xf32>
    %select_n3A_826 = arith.select %eq3A_823, %broadcast_in_dim3A_825, %select_n3A_821 : vector<512x128xi1>, vector<512x128xf32>
    %eq3A_827 = vector.broadcast %broadcast_in_dim3A_617 : vector<512x1xf32> to vector<512x128xf32>
    %eq3A_828 = arith.cmpf oeq, %select_n3A_826, %eq3A_827 : vector<512x128xf32>
    %jit3A_829 = arith.constant 128 : i32
    %broadcast_in_dim3A_830 = vector.broadcast %jit3A_829 : i32 to vector<512x128xi32>
    %select_n3A_831 = arith.select %eq3A_828, %iota3A_146, %broadcast_in_dim3A_830 : vector<512x128xi1>, vector<512x128xi32>
    %reduce_min3A_832 = arith.constant dense<2147483647> : vector<512xi32>
    %reduce_min3A_833 = vector.multi_reduction <minsi>, %select_n3A_831, %reduce_min3A_832 [1] : vector<512x128xi32> to vector<512xi32>
    %broadcast_in_dim3A_834 = vector.shape_cast %reduce_min3A_833 : vector<512xi32> to vector<512x1xi32>
    %mul3A_835 = arith.constant 128 : i32
    %mul3A_836 = vector.broadcast %mul3A_835 : i32 to vector<512x1xi32>
    %mul3A_837 = arith.muli %broadcast_in_dim3A_625, %mul3A_836 : vector<512x1xi32>
    %add3A_838 = arith.addi %mul3A_837, %broadcast_in_dim3A_834 : vector<512x1xi32>
    %add3A_839 = vector.broadcast %mul3A_148 : i32 to vector<512x1xi32>
    %add3A_840 = arith.addi %add3A_838, %add3A_839 : vector<512x1xi32>
    %swap3A_841 = arith.constant 0 : index
    %swap3A_842 = arith.constant 0 : index
    %swap3A_843 = arith.constant 2 : index
    %swap3A_844 = vector.load %arg4[%swap3A_841, %swap3A_842, %swap3A_843] : memref<1x512x16xi32, #tpu.memory_space<vmem>>, vector<1x512x1xi32>
    %swap3A_845 = vector.shape_cast %swap3A_844 : vector<1x512x1xi32> to vector<512x1xi32>
    %swap3A_846 = vector.shape_cast %add3A_840 : vector<512x1xi32> to vector<1x512x1xi32>
    tpu.vector_store %arg4[%swap3A_841, %swap3A_842, %swap3A_843], %swap3A_846 {strides = array<i32>} : memref<1x512x16xi32, #tpu.memory_space<vmem>>, vector<1x512x1xi32>,
    %eq3A_847 = vector.broadcast %broadcast_in_dim3A_834 : vector<512x1xi32> to vector<512x128xi32>
    %eq3A_848 = arith.cmpi eq, %iota3A_146, %eq3A_847 : vector<512x128xi32>
    %jit3A_849 = arith.constant 0x7F800000 : f32
    %broadcast_in_dim3A_850 = vector.broadcast %jit3A_849 : f32 to vector<512x128xf32>
    %select_n3A_851 = arith.select %eq3A_848, %broadcast_in_dim3A_850, %select_n3A_826 : vector<512x128xi1>, vector<512x128xf32>
    %reduce_min3A_852 = arith.constant dense<0x7F800000> : vector<512xf32>
    %reduce_min3A_853 = vector.multi_reduction <minimumf>, %select_n3A_851, %reduce_min3A_852 [1] : vector<512x128xf32> to vector<512xf32>
    %broadcast_in_dim3A_854 = vector.shape_cast %reduce_min3A_853 : vector<512xf32> to vector<512x1xf32>
    %eq3A_855 = vector.broadcast %broadcast_in_dim3A_625 : vector<512x1xi32> to vector<512x32xi32>
    %eq3A_856 = arith.cmpi eq, %iota3A, %eq3A_855 : vector<512x32xi32>
    %broadcast_in_dim3A_857 = vector.shape_cast %broadcast_in_dim3A_854 : vector<512x1xf32> to vector<512x1xf32>
    %broadcast_in_dim3A_858 = vector.broadcast %broadcast_in_dim3A_857 : vector<512x1xf32> to vector<512x32xf32>
    %select_n3A_859 = arith.select %eq3A_856, %broadcast_in_dim3A_858, %select_n3A_614 : vector<512x32xi1>, vector<512x32xf32>
    %reduce_min3A_860 = arith.constant dense<0x7F800000> : vector<512xf32>
    %reduce_min3A_861 = vector.multi_reduction <minimumf>, %select_n3A_859, %reduce_min3A_860 [1] : vector<512x32xf32> to vector<512xf32>
    %broadcast_in_dim3A_862 = vector.shape_cast %reduce_min3A_861 : vector<512xf32> to vector<512x1xf32>
    %eq3A_863 = vector.broadcast %broadcast_in_dim3A_862 : vector<512x1xf32> to vector<512x32xf32>
    %eq3A_864 = arith.cmpf oeq, %select_n3A_859, %eq3A_863 : vector<512x32xf32>
    %jit3A_865 = arith.constant 32 : i32
    %broadcast_in_dim3A_866 = vector.broadcast %jit3A_865 : i32 to vector<512x32xi32>
    %select_n3A_867 = arith.select %eq3A_864, %iota3A, %broadcast_in_dim3A_866 : vector<512x32xi1>, vector<512x32xi32>
    %reduce_min3A_868 = arith.constant dense<2147483647> : vector<512xi32>
    %reduce_min3A_869 = vector.multi_reduction <minsi>, %select_n3A_867, %reduce_min3A_868 [1] : vector<512x32xi32> to vector<512xi32>
    %broadcast_in_dim3A_870 = vector.shape_cast %reduce_min3A_869 : vector<512xi32> to vector<512x1xi32>
    %eq3A_871 = arith.constant 30 : i32
    %eq3A_872 = vector.broadcast %eq3A_871 : i32 to vector<512x1xi32>
    %eq3A_873 = arith.cmpi eq, %broadcast_in_dim3A_870, %eq3A_872 : vector<512x1xi32>
    %broadcast_in_dim3A_874 = vector.shape_cast %eq3A_873 : vector<512x1xi1> to vector<512x1xi1>
    %broadcast_in_dim3A_875 = vector.broadcast %broadcast_in_dim3A_874 : vector<512x1xi1> to vector<512x128xi1>
    %select_n3A_876 = arith.select %broadcast_in_dim3A_875, %slice3A_49, %slice3A_50 : vector<512x128xi1>, vector<512x128xf32>
    %eq3A_877 = arith.constant 29 : i32
    %eq3A_878 = vector.broadcast %eq3A_877 : i32 to vector<512x1xi32>
    %eq3A_879 = arith.cmpi eq, %broadcast_in_dim3A_870, %eq3A_878 : vector<512x1xi32>
    %broadcast_in_dim3A_880 = vector.shape_cast %eq3A_879 : vector<512x1xi1> to vector<512x1xi1>
    %broadcast_in_dim3A_881 = vector.broadcast %broadcast_in_dim3A_880 : vector<512x1xi1> to vector<512x128xi1>
    %select_n3A_882 = arith.select %broadcast_in_dim3A_881, %slice3A_48, %select_n3A_876 : vector<512x128xi1>, vector<512x128xf32>
    %eq3A_883 = arith.constant 28 : i32
    %eq3A_884 = vector.broadcast %eq3A_883 : i32 to vector<512x1xi32>
    %eq3A_885 = arith.cmpi eq, %broadcast_in_dim3A_870, %eq3A_884 : vector<512x1xi32>
    %broadcast_in_dim3A_886 = vector.shape_cast %eq3A_885 : vector<512x1xi1> to vector<512x1xi1>
    %broadcast_in_dim3A_887 = vector.broadcast %broadcast_in_dim3A_886 : vector<512x1xi1> to vector<512x128xi1>
    %select_n3A_888 = arith.select %broadcast_in_dim3A_887, %slice3A_47, %select_n3A_882 : vector<512x128xi1>, vector<512x128xf32>
    %eq3A_889 = arith.constant 27 : i32
    %eq3A_890 = vector.broadcast %eq3A_889 : i32 to vector<512x1xi32>
    %eq3A_891 = arith.cmpi eq, %broadcast_in_dim3A_870, %eq3A_890 : vector<512x1xi32>
    %broadcast_in_dim3A_892 = vector.shape_cast %eq3A_891 : vector<512x1xi1> to vector<512x1xi1>
    %broadcast_in_dim3A_893 = vector.broadcast %broadcast_in_dim3A_892 : vector<512x1xi1> to vector<512x128xi1>
    %select_n3A_894 = arith.select %broadcast_in_dim3A_893, %slice3A_46, %select_n3A_888 : vector<512x128xi1>, vector<512x128xf32>
    %eq3A_895 = arith.constant 26 : i32
    %eq3A_896 = vector.broadcast %eq3A_895 : i32 to vector<512x1xi32>
    %eq3A_897 = arith.cmpi eq, %broadcast_in_dim3A_870, %eq3A_896 : vector<512x1xi32>
    %broadcast_in_dim3A_898 = vector.shape_cast %eq3A_897 : vector<512x1xi1> to vector<512x1xi1>
    %broadcast_in_dim3A_899 = vector.broadcast %broadcast_in_dim3A_898 : vector<512x1xi1> to vector<512x128xi1>
    %select_n3A_900 = arith.select %broadcast_in_dim3A_899, %slice3A_45, %select_n3A_894 : vector<512x128xi1>, vector<512x128xf32>
    %eq3A_901 = arith.constant 25 : i32
    %eq3A_902 = vector.broadcast %eq3A_901 : i32 to vector<512x1xi32>
    %eq3A_903 = arith.cmpi eq, %broadcast_in_dim3A_870, %eq3A_902 : vector<512x1xi32>
    %broadcast_in_dim3A_904 = vector.shape_cast %eq3A_903 : vector<512x1xi1> to vector<512x1xi1>
    %broadcast_in_dim3A_905 = vector.broadcast %broadcast_in_dim3A_904 : vector<512x1xi1> to vector<512x128xi1>
    %select_n3A_906 = arith.select %broadcast_in_dim3A_905, %slice3A_44, %select_n3A_900 : vector<512x128xi1>, vector<512x128xf32>
    %eq3A_907 = arith.constant 24 : i32
    %eq3A_908 = vector.broadcast %eq3A_907 : i32 to vector<512x1xi32>
    %eq3A_909 = arith.cmpi eq, %broadcast_in_dim3A_870, %eq3A_908 : vector<512x1xi32>
    %broadcast_in_dim3A_910 = vector.shape_cast %eq3A_909 : vector<512x1xi1> to vector<512x1xi1>
    %broadcast_in_dim3A_911 = vector.broadcast %broadcast_in_dim3A_910 : vector<512x1xi1> to vector<512x128xi1>
    %select_n3A_912 = arith.select %broadcast_in_dim3A_911, %slice3A_43, %select_n3A_906 : vector<512x128xi1>, vector<512x128xf32>
    %eq3A_913 = arith.constant 23 : i32
    %eq3A_914 = vector.broadcast %eq3A_913 : i32 to vector<512x1xi32>
    %eq3A_915 = arith.cmpi eq, %broadcast_in_dim3A_870, %eq3A_914 : vector<512x1xi32>
    %broadcast_in_dim3A_916 = vector.shape_cast %eq3A_915 : vector<512x1xi1> to vector<512x1xi1>
    %broadcast_in_dim3A_917 = vector.broadcast %broadcast_in_dim3A_916 : vector<512x1xi1> to vector<512x128xi1>
    %select_n3A_918 = arith.select %broadcast_in_dim3A_917, %slice3A_42, %select_n3A_912 : vector<512x128xi1>, vector<512x128xf32>
    %eq3A_919 = arith.constant 22 : i32
    %eq3A_920 = vector.broadcast %eq3A_919 : i32 to vector<512x1xi32>
    %eq3A_921 = arith.cmpi eq, %broadcast_in_dim3A_870, %eq3A_920 : vector<512x1xi32>
    %broadcast_in_dim3A_922 = vector.shape_cast %eq3A_921 : vector<512x1xi1> to vector<512x1xi1>
    %broadcast_in_dim3A_923 = vector.broadcast %broadcast_in_dim3A_922 : vector<512x1xi1> to vector<512x128xi1>
    %select_n3A_924 = arith.select %broadcast_in_dim3A_923, %slice3A_41, %select_n3A_918 : vector<512x128xi1>, vector<512x128xf32>
    %eq3A_925 = arith.constant 21 : i32
    %eq3A_926 = vector.broadcast %eq3A_925 : i32 to vector<512x1xi32>
    %eq3A_927 = arith.cmpi eq, %broadcast_in_dim3A_870, %eq3A_926 : vector<512x1xi32>
    %broadcast_in_dim3A_928 = vector.shape_cast %eq3A_927 : vector<512x1xi1> to vector<512x1xi1>
    %broadcast_in_dim3A_929 = vector.broadcast %broadcast_in_dim3A_928 : vector<512x1xi1> to vector<512x128xi1>
    %select_n3A_930 = arith.select %broadcast_in_dim3A_929, %slice3A_40, %select_n3A_924 : vector<512x128xi1>, vector<512x128xf32>
    %eq3A_931 = arith.constant 20 : i32
    %eq3A_932 = vector.broadcast %eq3A_931 : i32 to vector<512x1xi32>
    %eq3A_933 = arith.cmpi eq, %broadcast_in_dim3A_870, %eq3A_932 : vector<512x1xi32>
    %broadcast_in_dim3A_934 = vector.shape_cast %eq3A_933 : vector<512x1xi1> to vector<512x1xi1>
    %broadcast_in_dim3A_935 = vector.broadcast %broadcast_in_dim3A_934 : vector<512x1xi1> to vector<512x128xi1>
    %select_n3A_936 = arith.select %broadcast_in_dim3A_935, %slice3A_39, %select_n3A_930 : vector<512x128xi1>, vector<512x128xf32>
    %eq3A_937 = arith.constant 19 : i32
    %eq3A_938 = vector.broadcast %eq3A_937 : i32 to vector<512x1xi32>
    %eq3A_939 = arith.cmpi eq, %broadcast_in_dim3A_870, %eq3A_938 : vector<512x1xi32>
    %broadcast_in_dim3A_940 = vector.shape_cast %eq3A_939 : vector<512x1xi1> to vector<512x1xi1>
    %broadcast_in_dim3A_941 = vector.broadcast %broadcast_in_dim3A_940 : vector<512x1xi1> to vector<512x128xi1>
    %select_n3A_942 = arith.select %broadcast_in_dim3A_941, %slice3A_38, %select_n3A_936 : vector<512x128xi1>, vector<512x128xf32>
    %eq3A_943 = arith.constant 18 : i32
    %eq3A_944 = vector.broadcast %eq3A_943 : i32 to vector<512x1xi32>
    %eq3A_945 = arith.cmpi eq, %broadcast_in_dim3A_870, %eq3A_944 : vector<512x1xi32>
    %broadcast_in_dim3A_946 = vector.shape_cast %eq3A_945 : vector<512x1xi1> to vector<512x1xi1>
    %broadcast_in_dim3A_947 = vector.broadcast %broadcast_in_dim3A_946 : vector<512x1xi1> to vector<512x128xi1>
    %select_n3A_948 = arith.select %broadcast_in_dim3A_947, %slice3A_37, %select_n3A_942 : vector<512x128xi1>, vector<512x128xf32>
    %eq3A_949 = arith.constant 17 : i32
    %eq3A_950 = vector.broadcast %eq3A_949 : i32 to vector<512x1xi32>
    %eq3A_951 = arith.cmpi eq, %broadcast_in_dim3A_870, %eq3A_950 : vector<512x1xi32>
    %broadcast_in_dim3A_952 = vector.shape_cast %eq3A_951 : vector<512x1xi1> to vector<512x1xi1>
    %broadcast_in_dim3A_953 = vector.broadcast %broadcast_in_dim3A_952 : vector<512x1xi1> to vector<512x128xi1>
    %select_n3A_954 = arith.select %broadcast_in_dim3A_953, %slice3A_36, %select_n3A_948 : vector<512x128xi1>, vector<512x128xf32>
    %eq3A_955 = arith.constant 16 : i32
    %eq3A_956 = vector.broadcast %eq3A_955 : i32 to vector<512x1xi32>
    %eq3A_957 = arith.cmpi eq, %broadcast_in_dim3A_870, %eq3A_956 : vector<512x1xi32>
    %broadcast_in_dim3A_958 = vector.shape_cast %eq3A_957 : vector<512x1xi1> to vector<512x1xi1>
    %broadcast_in_dim3A_959 = vector.broadcast %broadcast_in_dim3A_958 : vector<512x1xi1> to vector<512x128xi1>
    %select_n3A_960 = arith.select %broadcast_in_dim3A_959, %slice3A_35, %select_n3A_954 : vector<512x128xi1>, vector<512x128xf32>
    %eq3A_961 = arith.constant 15 : i32
    %eq3A_962 = vector.broadcast %eq3A_961 : i32 to vector<512x1xi32>
    %eq3A_963 = arith.cmpi eq, %broadcast_in_dim3A_870, %eq3A_962 : vector<512x1xi32>
    %broadcast_in_dim3A_964 = vector.shape_cast %eq3A_963 : vector<512x1xi1> to vector<512x1xi1>
    %broadcast_in_dim3A_965 = vector.broadcast %broadcast_in_dim3A_964 : vector<512x1xi1> to vector<512x128xi1>
    %select_n3A_966 = arith.select %broadcast_in_dim3A_965, %slice3A_34, %select_n3A_960 : vector<512x128xi1>, vector<512x128xf32>
    %eq3A_967 = arith.constant 14 : i32
    %eq3A_968 = vector.broadcast %eq3A_967 : i32 to vector<512x1xi32>
    %eq3A_969 = arith.cmpi eq, %broadcast_in_dim3A_870, %eq3A_968 : vector<512x1xi32>
    %broadcast_in_dim3A_970 = vector.shape_cast %eq3A_969 : vector<512x1xi1> to vector<512x1xi1>
    %broadcast_in_dim3A_971 = vector.broadcast %broadcast_in_dim3A_970 : vector<512x1xi1> to vector<512x128xi1>
    %select_n3A_972 = arith.select %broadcast_in_dim3A_971, %slice3A_33, %select_n3A_966 : vector<512x128xi1>, vector<512x128xf32>
    %eq3A_973 = arith.constant 13 : i32
    %eq3A_974 = vector.broadcast %eq3A_973 : i32 to vector<512x1xi32>
    %eq3A_975 = arith.cmpi eq, %broadcast_in_dim3A_870, %eq3A_974 : vector<512x1xi32>
    %broadcast_in_dim3A_976 = vector.shape_cast %eq3A_975 : vector<512x1xi1> to vector<512x1xi1>
    %broadcast_in_dim3A_977 = vector.broadcast %broadcast_in_dim3A_976 : vector<512x1xi1> to vector<512x128xi1>
    %select_n3A_978 = arith.select %broadcast_in_dim3A_977, %slice3A_32, %select_n3A_972 : vector<512x128xi1>, vector<512x128xf32>
    %eq3A_979 = arith.constant 12 : i32
    %eq3A_980 = vector.broadcast %eq3A_979 : i32 to vector<512x1xi32>
    %eq3A_981 = arith.cmpi eq, %broadcast_in_dim3A_870, %eq3A_980 : vector<512x1xi32>
    %broadcast_in_dim3A_982 = vector.shape_cast %eq3A_981 : vector<512x1xi1> to vector<512x1xi1>
    %broadcast_in_dim3A_983 = vector.broadcast %broadcast_in_dim3A_982 : vector<512x1xi1> to vector<512x128xi1>
    %select_n3A_984 = arith.select %broadcast_in_dim3A_983, %slice3A_31, %select_n3A_978 : vector<512x128xi1>, vector<512x128xf32>
    %eq3A_985 = arith.constant 11 : i32
    %eq3A_986 = vector.broadcast %eq3A_985 : i32 to vector<512x1xi32>
    %eq3A_987 = arith.cmpi eq, %broadcast_in_dim3A_870, %eq3A_986 : vector<512x1xi32>
    %broadcast_in_dim3A_988 = vector.shape_cast %eq3A_987 : vector<512x1xi1> to vector<512x1xi1>
    %broadcast_in_dim3A_989 = vector.broadcast %broadcast_in_dim3A_988 : vector<512x1xi1> to vector<512x128xi1>
    %select_n3A_990 = arith.select %broadcast_in_dim3A_989, %slice3A_30, %select_n3A_984 : vector<512x128xi1>, vector<512x128xf32>
    %eq3A_991 = arith.constant 10 : i32
    %eq3A_992 = vector.broadcast %eq3A_991 : i32 to vector<512x1xi32>
    %eq3A_993 = arith.cmpi eq, %broadcast_in_dim3A_870, %eq3A_992 : vector<512x1xi32>
    %broadcast_in_dim3A_994 = vector.shape_cast %eq3A_993 : vector<512x1xi1> to vector<512x1xi1>
    %broadcast_in_dim3A_995 = vector.broadcast %broadcast_in_dim3A_994 : vector<512x1xi1> to vector<512x128xi1>
    %select_n3A_996 = arith.select %broadcast_in_dim3A_995, %slice3A_29, %select_n3A_990 : vector<512x128xi1>, vector<512x128xf32>
    %eq3A_997 = arith.constant 9 : i32
    %eq3A_998 = vector.broadcast %eq3A_997 : i32 to vector<512x1xi32>
    %eq3A_999 = arith.cmpi eq, %broadcast_in_dim3A_870, %eq3A_998 : vector<512x1xi32>
    %broadcast_in_dim3A_1000 = vector.shape_cast %eq3A_999 : vector<512x1xi1> to vector<512x1xi1>
    %broadcast_in_dim3A_1001 = vector.broadcast %broadcast_in_dim3A_1000 : vector<512x1xi1> to vector<512x128xi1>
    %select_n3A_1002 = arith.select %broadcast_in_dim3A_1001, %slice3A_28, %select_n3A_996 : vector<512x128xi1>, vector<512x128xf32>
    %eq3A_1003 = arith.constant 8 : i32
    %eq3A_1004 = vector.broadcast %eq3A_1003 : i32 to vector<512x1xi32>
    %eq3A_1005 = arith.cmpi eq, %broadcast_in_dim3A_870, %eq3A_1004 : vector<512x1xi32>
    %broadcast_in_dim3A_1006 = vector.shape_cast %eq3A_1005 : vector<512x1xi1> to vector<512x1xi1>
    %broadcast_in_dim3A_1007 = vector.broadcast %broadcast_in_dim3A_1006 : vector<512x1xi1> to vector<512x128xi1>
    %select_n3A_1008 = arith.select %broadcast_in_dim3A_1007, %slice3A_27, %select_n3A_1002 : vector<512x128xi1>, vector<512x128xf32>
    %eq3A_1009 = arith.constant 7 : i32
    %eq3A_1010 = vector.broadcast %eq3A_1009 : i32 to vector<512x1xi32>
    %eq3A_1011 = arith.cmpi eq, %broadcast_in_dim3A_870, %eq3A_1010 : vector<512x1xi32>
    %broadcast_in_dim3A_1012 = vector.shape_cast %eq3A_1011 : vector<512x1xi1> to vector<512x1xi1>
    %broadcast_in_dim3A_1013 = vector.broadcast %broadcast_in_dim3A_1012 : vector<512x1xi1> to vector<512x128xi1>
    %select_n3A_1014 = arith.select %broadcast_in_dim3A_1013, %slice3A_26, %select_n3A_1008 : vector<512x128xi1>, vector<512x128xf32>
    %eq3A_1015 = arith.constant 6 : i32
    %eq3A_1016 = vector.broadcast %eq3A_1015 : i32 to vector<512x1xi32>
    %eq3A_1017 = arith.cmpi eq, %broadcast_in_dim3A_870, %eq3A_1016 : vector<512x1xi32>
    %broadcast_in_dim3A_1018 = vector.shape_cast %eq3A_1017 : vector<512x1xi1> to vector<512x1xi1>
    %broadcast_in_dim3A_1019 = vector.broadcast %broadcast_in_dim3A_1018 : vector<512x1xi1> to vector<512x128xi1>
    %select_n3A_1020 = arith.select %broadcast_in_dim3A_1019, %slice3A_25, %select_n3A_1014 : vector<512x128xi1>, vector<512x128xf32>
    %eq3A_1021 = arith.constant 5 : i32
    %eq3A_1022 = vector.broadcast %eq3A_1021 : i32 to vector<512x1xi32>
    %eq3A_1023 = arith.cmpi eq, %broadcast_in_dim3A_870, %eq3A_1022 : vector<512x1xi32>
    %broadcast_in_dim3A_1024 = vector.shape_cast %eq3A_1023 : vector<512x1xi1> to vector<512x1xi1>
    %broadcast_in_dim3A_1025 = vector.broadcast %broadcast_in_dim3A_1024 : vector<512x1xi1> to vector<512x128xi1>
    %select_n3A_1026 = arith.select %broadcast_in_dim3A_1025, %slice3A_24, %select_n3A_1020 : vector<512x128xi1>, vector<512x128xf32>
    %eq3A_1027 = arith.constant 4 : i32
    %eq3A_1028 = vector.broadcast %eq3A_1027 : i32 to vector<512x1xi32>
    %eq3A_1029 = arith.cmpi eq, %broadcast_in_dim3A_870, %eq3A_1028 : vector<512x1xi32>
    %broadcast_in_dim3A_1030 = vector.shape_cast %eq3A_1029 : vector<512x1xi1> to vector<512x1xi1>
    %broadcast_in_dim3A_1031 = vector.broadcast %broadcast_in_dim3A_1030 : vector<512x1xi1> to vector<512x128xi1>
    %select_n3A_1032 = arith.select %broadcast_in_dim3A_1031, %slice3A_23, %select_n3A_1026 : vector<512x128xi1>, vector<512x128xf32>
    %eq3A_1033 = arith.constant 3 : i32
    %eq3A_1034 = vector.broadcast %eq3A_1033 : i32 to vector<512x1xi32>
    %eq3A_1035 = arith.cmpi eq, %broadcast_in_dim3A_870, %eq3A_1034 : vector<512x1xi32>
    %broadcast_in_dim3A_1036 = vector.shape_cast %eq3A_1035 : vector<512x1xi1> to vector<512x1xi1>
    %broadcast_in_dim3A_1037 = vector.broadcast %broadcast_in_dim3A_1036 : vector<512x1xi1> to vector<512x128xi1>
    %select_n3A_1038 = arith.select %broadcast_in_dim3A_1037, %slice3A_22, %select_n3A_1032 : vector<512x128xi1>, vector<512x128xf32>
    %eq3A_1039 = arith.constant 2 : i32
    %eq3A_1040 = vector.broadcast %eq3A_1039 : i32 to vector<512x1xi32>
    %eq3A_1041 = arith.cmpi eq, %broadcast_in_dim3A_870, %eq3A_1040 : vector<512x1xi32>
    %broadcast_in_dim3A_1042 = vector.shape_cast %eq3A_1041 : vector<512x1xi1> to vector<512x1xi1>
    %broadcast_in_dim3A_1043 = vector.broadcast %broadcast_in_dim3A_1042 : vector<512x1xi1> to vector<512x128xi1>
    %select_n3A_1044 = arith.select %broadcast_in_dim3A_1043, %slice3A_21, %select_n3A_1038 : vector<512x128xi1>, vector<512x128xf32>
    %eq3A_1045 = arith.constant 1 : i32
    %eq3A_1046 = vector.broadcast %eq3A_1045 : i32 to vector<512x1xi32>
    %eq3A_1047 = arith.cmpi eq, %broadcast_in_dim3A_870, %eq3A_1046 : vector<512x1xi32>
    %broadcast_in_dim3A_1048 = vector.shape_cast %eq3A_1047 : vector<512x1xi1> to vector<512x1xi1>
    %broadcast_in_dim3A_1049 = vector.broadcast %broadcast_in_dim3A_1048 : vector<512x1xi1> to vector<512x128xi1>
    %select_n3A_1050 = arith.select %broadcast_in_dim3A_1049, %slice3A_20, %select_n3A_1044 : vector<512x128xi1>, vector<512x128xf32>
    %eq3A_1051 = arith.constant 0 : i32
    %eq3A_1052 = vector.broadcast %eq3A_1051 : i32 to vector<512x1xi32>
    %eq3A_1053 = arith.cmpi eq, %broadcast_in_dim3A_870, %eq3A_1052 : vector<512x1xi32>
    %broadcast_in_dim3A_1054 = vector.shape_cast %eq3A_1053 : vector<512x1xi1> to vector<512x1xi1>
    %broadcast_in_dim3A_1055 = vector.broadcast %broadcast_in_dim3A_1054 : vector<512x1xi1> to vector<512x128xi1>
    %select_n3A_1056 = arith.select %broadcast_in_dim3A_1055, %slice3A, %select_n3A_1050 : vector<512x128xi1>, vector<512x128xf32>
    %mul3A_1057 = arith.constant 128 : i32
    %mul3A_1058 = vector.broadcast %mul3A_1057 : i32 to vector<512x1xi32>
    %mul3A_1059 = arith.muli %broadcast_in_dim3A_870, %mul3A_1058 : vector<512x1xi32>
    %add3A_1060 = vector.broadcast %mul3A_1059 : vector<512x1xi32> to vector<512x128xi32>
    %add3A_1061 = arith.addi %add3A_1060, %iota3A_146 : vector<512x128xi32>
    %eq3A_1062 = vector.broadcast %add3A_354 : vector<512x1xi32> to vector<512x128xi32>
    %eq3A_1063 = arith.cmpi eq, %add3A_1061, %eq3A_1062 : vector<512x128xi32>
    %jit3A_1064 = arith.constant 0x7F800000 : f32
    %broadcast_in_dim3A_1065 = vector.broadcast %jit3A_1064 : f32 to vector<512x128xf32>
    %select_n3A_1066 = arith.select %eq3A_1063, %broadcast_in_dim3A_1065, %select_n3A_1056 : vector<512x128xi1>, vector<512x128xf32>
    %eq3A_1067 = vector.broadcast %add3A_593 : vector<512x1xi32> to vector<512x128xi32>
    %eq3A_1068 = arith.cmpi eq, %add3A_1061, %eq3A_1067 : vector<512x128xi32>
    %jit3A_1069 = arith.constant 0x7F800000 : f32
    %broadcast_in_dim3A_1070 = vector.broadcast %jit3A_1069 : f32 to vector<512x128xf32>
    %select_n3A_1071 = arith.select %eq3A_1068, %broadcast_in_dim3A_1070, %select_n3A_1066 : vector<512x128xi1>, vector<512x128xf32>
    %eq3A_1072 = vector.broadcast %add3A_838 : vector<512x1xi32> to vector<512x128xi32>
    %eq3A_1073 = arith.cmpi eq, %add3A_1061, %eq3A_1072 : vector<512x128xi32>
    %jit3A_1074 = arith.constant 0x7F800000 : f32
    %broadcast_in_dim3A_1075 = vector.broadcast %jit3A_1074 : f32 to vector<512x128xf32>
    %select_n3A_1076 = arith.select %eq3A_1073, %broadcast_in_dim3A_1075, %select_n3A_1071 : vector<512x128xi1>, vector<512x128xf32>
    %eq3A_1077 = vector.broadcast %broadcast_in_dim3A_862 : vector<512x1xf32> to vector<512x128xf32>
    %eq3A_1078 = arith.cmpf oeq, %select_n3A_1076, %eq3A_1077 : vector<512x128xf32>
    %jit3A_1079 = arith.constant 128 : i32
    %broadcast_in_dim3A_1080 = vector.broadcast %jit3A_1079 : i32 to vector<512x128xi32>
    %select_n3A_1081 = arith.select %eq3A_1078, %iota3A_146, %broadcast_in_dim3A_1080 : vector<512x128xi1>, vector<512x128xi32>
    %reduce_min3A_1082 = arith.constant dense<2147483647> : vector<512xi32>
    %reduce_min3A_1083 = vector.multi_reduction <minsi>, %select_n3A_1081, %reduce_min3A_1082 [1] : vector<512x128xi32> to vector<512xi32>
    %broadcast_in_dim3A_1084 = vector.shape_cast %reduce_min3A_1083 : vector<512xi32> to vector<512x1xi32>
    %mul3A_1085 = arith.constant 128 : i32
    %mul3A_1086 = vector.broadcast %mul3A_1085 : i32 to vector<512x1xi32>
    %mul3A_1087 = arith.muli %broadcast_in_dim3A_870, %mul3A_1086 : vector<512x1xi32>
    %add3A_1088 = arith.addi %mul3A_1087, %broadcast_in_dim3A_1084 : vector<512x1xi32>
    %add3A_1089 = vector.broadcast %mul3A_148 : i32 to vector<512x1xi32>
    %add3A_1090 = arith.addi %add3A_1088, %add3A_1089 : vector<512x1xi32>
    %swap3A_1091 = arith.constant 0 : index
    %swap3A_1092 = arith.constant 0 : index
    %swap3A_1093 = arith.constant 3 : index
    %swap3A_1094 = vector.load %arg4[%swap3A_1091, %swap3A_1092, %swap3A_1093] : memref<1x512x16xi32, #tpu.memory_space<vmem>>, vector<1x512x1xi32>
    %swap3A_1095 = vector.shape_cast %swap3A_1094 : vector<1x512x1xi32> to vector<512x1xi32>
    %swap3A_1096 = vector.shape_cast %add3A_1090 : vector<512x1xi32> to vector<1x512x1xi32>
    tpu.vector_store %arg4[%swap3A_1091, %swap3A_1092, %swap3A_1093], %swap3A_1096 {strides = array<i32>} : memref<1x512x16xi32, #tpu.memory_space<vmem>>, vector<1x512x1xi32>,
    %eq3A_1097 = vector.broadcast %broadcast_in_dim3A_1084 : vector<512x1xi32> to vector<512x128xi32>
    %eq3A_1098 = arith.cmpi eq, %iota3A_146, %eq3A_1097 : vector<512x128xi32>
    %jit3A_1099 = arith.constant 0x7F800000 : f32
    %broadcast_in_dim3A_1100 = vector.broadcast %jit3A_1099 : f32 to vector<512x128xf32>
    %select_n3A_1101 = arith.select %eq3A_1098, %broadcast_in_dim3A_1100, %select_n3A_1076 : vector<512x128xi1>, vector<512x128xf32>
    %reduce_min3A_1102 = arith.constant dense<0x7F800000> : vector<512xf32>
    %reduce_min3A_1103 = vector.multi_reduction <minimumf>, %select_n3A_1101, %reduce_min3A_1102 [1] : vector<512x128xf32> to vector<512xf32>
    %broadcast_in_dim3A_1104 = vector.shape_cast %reduce_min3A_1103 : vector<512xf32> to vector<512x1xf32>
    %eq3A_1105 = vector.broadcast %broadcast_in_dim3A_870 : vector<512x1xi32> to vector<512x32xi32>
    %eq3A_1106 = arith.cmpi eq, %iota3A, %eq3A_1105 : vector<512x32xi32>
    %broadcast_in_dim3A_1107 = vector.shape_cast %broadcast_in_dim3A_1104 : vector<512x1xf32> to vector<512x1xf32>
    %broadcast_in_dim3A_1108 = vector.broadcast %broadcast_in_dim3A_1107 : vector<512x1xf32> to vector<512x32xf32>
    %select_n3A_1109 = arith.select %eq3A_1106, %broadcast_in_dim3A_1108, %select_n3A_859 : vector<512x32xi1>, vector<512x32xf32>
    %reduce_min3A_1110 = arith.constant dense<0x7F800000> : vector<512xf32>
    %reduce_min3A_1111 = vector.multi_reduction <minimumf>, %select_n3A_1109, %reduce_min3A_1110 [1] : vector<512x32xf32> to vector<512xf32>
    %broadcast_in_dim3A_1112 = vector.shape_cast %reduce_min3A_1111 : vector<512xf32> to vector<512x1xf32>
    %eq3A_1113 = vector.broadcast %broadcast_in_dim3A_1112 : vector<512x1xf32> to vector<512x32xf32>
    %eq3A_1114 = arith.cmpf oeq, %select_n3A_1109, %eq3A_1113 : vector<512x32xf32>
    %jit3A_1115 = arith.constant 32 : i32
    %broadcast_in_dim3A_1116 = vector.broadcast %jit3A_1115 : i32 to vector<512x32xi32>
    %select_n3A_1117 = arith.select %eq3A_1114, %iota3A, %broadcast_in_dim3A_1116 : vector<512x32xi1>, vector<512x32xi32>
    %reduce_min3A_1118 = arith.constant dense<2147483647> : vector<512xi32>
    %reduce_min3A_1119 = vector.multi_reduction <minsi>, %select_n3A_1117, %reduce_min3A_1118 [1] : vector<512x32xi32> to vector<512xi32>
    %broadcast_in_dim3A_1120 = vector.shape_cast %reduce_min3A_1119 : vector<512xi32> to vector<512x1xi32>
    %eq3A_1121 = arith.constant 30 : i32
    %eq3A_1122 = vector.broadcast %eq3A_1121 : i32 to vector<512x1xi32>
    %eq3A_1123 = arith.cmpi eq, %broadcast_in_dim3A_1120, %eq3A_1122 : vector<512x1xi32>
    %broadcast_in_dim3A_1124 = vector.shape_cast %eq3A_1123 : vector<512x1xi1> to vector<512x1xi1>
    %broadcast_in_dim3A_1125 = vector.broadcast %broadcast_in_dim3A_1124 : vector<512x1xi1> to vector<512x128xi1>
    %select_n3A_1126 = arith.select %broadcast_in_dim3A_1125, %slice3A_49, %slice3A_50 : vector<512x128xi1>, vector<512x128xf32>
    %eq3A_1127 = arith.constant 29 : i32
    %eq3A_1128 = vector.broadcast %eq3A_1127 : i32 to vector<512x1xi32>
    %eq3A_1129 = arith.cmpi eq, %broadcast_in_dim3A_1120, %eq3A_1128 : vector<512x1xi32>
    %broadcast_in_dim3A_1130 = vector.shape_cast %eq3A_1129 : vector<512x1xi1> to vector<512x1xi1>
    %broadcast_in_dim3A_1131 = vector.broadcast %broadcast_in_dim3A_1130 : vector<512x1xi1> to vector<512x128xi1>
    %select_n3A_1132 = arith.select %broadcast_in_dim3A_1131, %slice3A_48, %select_n3A_1126 : vector<512x128xi1>, vector<512x128xf32>
    %eq3A_1133 = arith.constant 28 : i32
    %eq3A_1134 = vector.broadcast %eq3A_1133 : i32 to vector<512x1xi32>
    %eq3A_1135 = arith.cmpi eq, %broadcast_in_dim3A_1120, %eq3A_1134 : vector<512x1xi32>
    %broadcast_in_dim3A_1136 = vector.shape_cast %eq3A_1135 : vector<512x1xi1> to vector<512x1xi1>
    %broadcast_in_dim3A_1137 = vector.broadcast %broadcast_in_dim3A_1136 : vector<512x1xi1> to vector<512x128xi1>
    %select_n3A_1138 = arith.select %broadcast_in_dim3A_1137, %slice3A_47, %select_n3A_1132 : vector<512x128xi1>, vector<512x128xf32>
    %eq3A_1139 = arith.constant 27 : i32
    %eq3A_1140 = vector.broadcast %eq3A_1139 : i32 to vector<512x1xi32>
    %eq3A_1141 = arith.cmpi eq, %broadcast_in_dim3A_1120, %eq3A_1140 : vector<512x1xi32>
    %broadcast_in_dim3A_1142 = vector.shape_cast %eq3A_1141 : vector<512x1xi1> to vector<512x1xi1>
    %broadcast_in_dim3A_1143 = vector.broadcast %broadcast_in_dim3A_1142 : vector<512x1xi1> to vector<512x128xi1>
    %select_n3A_1144 = arith.select %broadcast_in_dim3A_1143, %slice3A_46, %select_n3A_1138 : vector<512x128xi1>, vector<512x128xf32>
    %eq3A_1145 = arith.constant 26 : i32
    %eq3A_1146 = vector.broadcast %eq3A_1145 : i32 to vector<512x1xi32>
    %eq3A_1147 = arith.cmpi eq, %broadcast_in_dim3A_1120, %eq3A_1146 : vector<512x1xi32>
    %broadcast_in_dim3A_1148 = vector.shape_cast %eq3A_1147 : vector<512x1xi1> to vector<512x1xi1>
    %broadcast_in_dim3A_1149 = vector.broadcast %broadcast_in_dim3A_1148 : vector<512x1xi1> to vector<512x128xi1>
    %select_n3A_1150 = arith.select %broadcast_in_dim3A_1149, %slice3A_45, %select_n3A_1144 : vector<512x128xi1>, vector<512x128xf32>
    %eq3A_1151 = arith.constant 25 : i32
    %eq3A_1152 = vector.broadcast %eq3A_1151 : i32 to vector<512x1xi32>
    %eq3A_1153 = arith.cmpi eq, %broadcast_in_dim3A_1120, %eq3A_1152 : vector<512x1xi32>
    %broadcast_in_dim3A_1154 = vector.shape_cast %eq3A_1153 : vector<512x1xi1> to vector<512x1xi1>
    %broadcast_in_dim3A_1155 = vector.broadcast %broadcast_in_dim3A_1154 : vector<512x1xi1> to vector<512x128xi1>
    %select_n3A_1156 = arith.select %broadcast_in_dim3A_1155, %slice3A_44, %select_n3A_1150 : vector<512x128xi1>, vector<512x128xf32>
    %eq3A_1157 = arith.constant 24 : i32
    %eq3A_1158 = vector.broadcast %eq3A_1157 : i32 to vector<512x1xi32>
    %eq3A_1159 = arith.cmpi eq, %broadcast_in_dim3A_1120, %eq3A_1158 : vector<512x1xi32>
    %broadcast_in_dim3A_1160 = vector.shape_cast %eq3A_1159 : vector<512x1xi1> to vector<512x1xi1>
    %broadcast_in_dim3A_1161 = vector.broadcast %broadcast_in_dim3A_1160 : vector<512x1xi1> to vector<512x128xi1>
    %select_n3A_1162 = arith.select %broadcast_in_dim3A_1161, %slice3A_43, %select_n3A_1156 : vector<512x128xi1>, vector<512x128xf32>
    %eq3A_1163 = arith.constant 23 : i32
    %eq3A_1164 = vector.broadcast %eq3A_1163 : i32 to vector<512x1xi32>
    %eq3A_1165 = arith.cmpi eq, %broadcast_in_dim3A_1120, %eq3A_1164 : vector<512x1xi32>
    %broadcast_in_dim3A_1166 = vector.shape_cast %eq3A_1165 : vector<512x1xi1> to vector<512x1xi1>
    %broadcast_in_dim3A_1167 = vector.broadcast %broadcast_in_dim3A_1166 : vector<512x1xi1> to vector<512x128xi1>
    %select_n3A_1168 = arith.select %broadcast_in_dim3A_1167, %slice3A_42, %select_n3A_1162 : vector<512x128xi1>, vector<512x128xf32>
    %eq3A_1169 = arith.constant 22 : i32
    %eq3A_1170 = vector.broadcast %eq3A_1169 : i32 to vector<512x1xi32>
    %eq3A_1171 = arith.cmpi eq, %broadcast_in_dim3A_1120, %eq3A_1170 : vector<512x1xi32>
    %broadcast_in_dim3A_1172 = vector.shape_cast %eq3A_1171 : vector<512x1xi1> to vector<512x1xi1>
    %broadcast_in_dim3A_1173 = vector.broadcast %broadcast_in_dim3A_1172 : vector<512x1xi1> to vector<512x128xi1>
    %select_n3A_1174 = arith.select %broadcast_in_dim3A_1173, %slice3A_41, %select_n3A_1168 : vector<512x128xi1>, vector<512x128xf32>
    %eq3A_1175 = arith.constant 21 : i32
    %eq3A_1176 = vector.broadcast %eq3A_1175 : i32 to vector<512x1xi32>
    %eq3A_1177 = arith.cmpi eq, %broadcast_in_dim3A_1120, %eq3A_1176 : vector<512x1xi32>
    %broadcast_in_dim3A_1178 = vector.shape_cast %eq3A_1177 : vector<512x1xi1> to vector<512x1xi1>
    %broadcast_in_dim3A_1179 = vector.broadcast %broadcast_in_dim3A_1178 : vector<512x1xi1> to vector<512x128xi1>
    %select_n3A_1180 = arith.select %broadcast_in_dim3A_1179, %slice3A_40, %select_n3A_1174 : vector<512x128xi1>, vector<512x128xf32>
    %eq3A_1181 = arith.constant 20 : i32
    %eq3A_1182 = vector.broadcast %eq3A_1181 : i32 to vector<512x1xi32>
    %eq3A_1183 = arith.cmpi eq, %broadcast_in_dim3A_1120, %eq3A_1182 : vector<512x1xi32>
    %broadcast_in_dim3A_1184 = vector.shape_cast %eq3A_1183 : vector<512x1xi1> to vector<512x1xi1>
    %broadcast_in_dim3A_1185 = vector.broadcast %broadcast_in_dim3A_1184 : vector<512x1xi1> to vector<512x128xi1>
    %select_n3A_1186 = arith.select %broadcast_in_dim3A_1185, %slice3A_39, %select_n3A_1180 : vector<512x128xi1>, vector<512x128xf32>
    %eq3A_1187 = arith.constant 19 : i32
    %eq3A_1188 = vector.broadcast %eq3A_1187 : i32 to vector<512x1xi32>
    %eq3A_1189 = arith.cmpi eq, %broadcast_in_dim3A_1120, %eq3A_1188 : vector<512x1xi32>
    %broadcast_in_dim3A_1190 = vector.shape_cast %eq3A_1189 : vector<512x1xi1> to vector<512x1xi1>
    %broadcast_in_dim3A_1191 = vector.broadcast %broadcast_in_dim3A_1190 : vector<512x1xi1> to vector<512x128xi1>
    %select_n3A_1192 = arith.select %broadcast_in_dim3A_1191, %slice3A_38, %select_n3A_1186 : vector<512x128xi1>, vector<512x128xf32>
    %eq3A_1193 = arith.constant 18 : i32
    %eq3A_1194 = vector.broadcast %eq3A_1193 : i32 to vector<512x1xi32>
    %eq3A_1195 = arith.cmpi eq, %broadcast_in_dim3A_1120, %eq3A_1194 : vector<512x1xi32>
    %broadcast_in_dim3A_1196 = vector.shape_cast %eq3A_1195 : vector<512x1xi1> to vector<512x1xi1>
    %broadcast_in_dim3A_1197 = vector.broadcast %broadcast_in_dim3A_1196 : vector<512x1xi1> to vector<512x128xi1>
    %select_n3A_1198 = arith.select %broadcast_in_dim3A_1197, %slice3A_37, %select_n3A_1192 : vector<512x128xi1>, vector<512x128xf32>
    %eq3A_1199 = arith.constant 17 : i32
    %eq3A_1200 = vector.broadcast %eq3A_1199 : i32 to vector<512x1xi32>
    %eq3A_1201 = arith.cmpi eq, %broadcast_in_dim3A_1120, %eq3A_1200 : vector<512x1xi32>
    %broadcast_in_dim3A_1202 = vector.shape_cast %eq3A_1201 : vector<512x1xi1> to vector<512x1xi1>
    %broadcast_in_dim3A_1203 = vector.broadcast %broadcast_in_dim3A_1202 : vector<512x1xi1> to vector<512x128xi1>
    %select_n3A_1204 = arith.select %broadcast_in_dim3A_1203, %slice3A_36, %select_n3A_1198 : vector<512x128xi1>, vector<512x128xf32>
    %eq3A_1205 = arith.constant 16 : i32
    %eq3A_1206 = vector.broadcast %eq3A_1205 : i32 to vector<512x1xi32>
    %eq3A_1207 = arith.cmpi eq, %broadcast_in_dim3A_1120, %eq3A_1206 : vector<512x1xi32>
    %broadcast_in_dim3A_1208 = vector.shape_cast %eq3A_1207 : vector<512x1xi1> to vector<512x1xi1>
    %broadcast_in_dim3A_1209 = vector.broadcast %broadcast_in_dim3A_1208 : vector<512x1xi1> to vector<512x128xi1>
    %select_n3A_1210 = arith.select %broadcast_in_dim3A_1209, %slice3A_35, %select_n3A_1204 : vector<512x128xi1>, vector<512x128xf32>
    %eq3A_1211 = arith.constant 15 : i32
    %eq3A_1212 = vector.broadcast %eq3A_1211 : i32 to vector<512x1xi32>
    %eq3A_1213 = arith.cmpi eq, %broadcast_in_dim3A_1120, %eq3A_1212 : vector<512x1xi32>
    %broadcast_in_dim3A_1214 = vector.shape_cast %eq3A_1213 : vector<512x1xi1> to vector<512x1xi1>
    %broadcast_in_dim3A_1215 = vector.broadcast %broadcast_in_dim3A_1214 : vector<512x1xi1> to vector<512x128xi1>
    %select_n3A_1216 = arith.select %broadcast_in_dim3A_1215, %slice3A_34, %select_n3A_1210 : vector<512x128xi1>, vector<512x128xf32>
    %eq3A_1217 = arith.constant 14 : i32
    %eq3A_1218 = vector.broadcast %eq3A_1217 : i32 to vector<512x1xi32>
    %eq3A_1219 = arith.cmpi eq, %broadcast_in_dim3A_1120, %eq3A_1218 : vector<512x1xi32>
    %broadcast_in_dim3A_1220 = vector.shape_cast %eq3A_1219 : vector<512x1xi1> to vector<512x1xi1>
    %broadcast_in_dim3A_1221 = vector.broadcast %broadcast_in_dim3A_1220 : vector<512x1xi1> to vector<512x128xi1>
    %select_n3A_1222 = arith.select %broadcast_in_dim3A_1221, %slice3A_33, %select_n3A_1216 : vector<512x128xi1>, vector<512x128xf32>
    %eq3A_1223 = arith.constant 13 : i32
    %eq3A_1224 = vector.broadcast %eq3A_1223 : i32 to vector<512x1xi32>
    %eq3A_1225 = arith.cmpi eq, %broadcast_in_dim3A_1120, %eq3A_1224 : vector<512x1xi32>
    %broadcast_in_dim3A_1226 = vector.shape_cast %eq3A_1225 : vector<512x1xi1> to vector<512x1xi1>
    %broadcast_in_dim3A_1227 = vector.broadcast %broadcast_in_dim3A_1226 : vector<512x1xi1> to vector<512x128xi1>
    %select_n3A_1228 = arith.select %broadcast_in_dim3A_1227, %slice3A_32, %select_n3A_1222 : vector<512x128xi1>, vector<512x128xf32>
    %eq3A_1229 = arith.constant 12 : i32
    %eq3A_1230 = vector.broadcast %eq3A_1229 : i32 to vector<512x1xi32>
    %eq3A_1231 = arith.cmpi eq, %broadcast_in_dim3A_1120, %eq3A_1230 : vector<512x1xi32>
    %broadcast_in_dim3A_1232 = vector.shape_cast %eq3A_1231 : vector<512x1xi1> to vector<512x1xi1>
    %broadcast_in_dim3A_1233 = vector.broadcast %broadcast_in_dim3A_1232 : vector<512x1xi1> to vector<512x128xi1>
    %select_n3A_1234 = arith.select %broadcast_in_dim3A_1233, %slice3A_31, %select_n3A_1228 : vector<512x128xi1>, vector<512x128xf32>
    %eq3A_1235 = arith.constant 11 : i32
    %eq3A_1236 = vector.broadcast %eq3A_1235 : i32 to vector<512x1xi32>
    %eq3A_1237 = arith.cmpi eq, %broadcast_in_dim3A_1120, %eq3A_1236 : vector<512x1xi32>
    %broadcast_in_dim3A_1238 = vector.shape_cast %eq3A_1237 : vector<512x1xi1> to vector<512x1xi1>
    %broadcast_in_dim3A_1239 = vector.broadcast %broadcast_in_dim3A_1238 : vector<512x1xi1> to vector<512x128xi1>
    %select_n3A_1240 = arith.select %broadcast_in_dim3A_1239, %slice3A_30, %select_n3A_1234 : vector<512x128xi1>, vector<512x128xf32>
    %eq3A_1241 = arith.constant 10 : i32
    %eq3A_1242 = vector.broadcast %eq3A_1241 : i32 to vector<512x1xi32>
    %eq3A_1243 = arith.cmpi eq, %broadcast_in_dim3A_1120, %eq3A_1242 : vector<512x1xi32>
    %broadcast_in_dim3A_1244 = vector.shape_cast %eq3A_1243 : vector<512x1xi1> to vector<512x1xi1>
    %broadcast_in_dim3A_1245 = vector.broadcast %broadcast_in_dim3A_1244 : vector<512x1xi1> to vector<512x128xi1>
    %select_n3A_1246 = arith.select %broadcast_in_dim3A_1245, %slice3A_29, %select_n3A_1240 : vector<512x128xi1>, vector<512x128xf32>
    %eq3A_1247 = arith.constant 9 : i32
    %eq3A_1248 = vector.broadcast %eq3A_1247 : i32 to vector<512x1xi32>
    %eq3A_1249 = arith.cmpi eq, %broadcast_in_dim3A_1120, %eq3A_1248 : vector<512x1xi32>
    %broadcast_in_dim3A_1250 = vector.shape_cast %eq3A_1249 : vector<512x1xi1> to vector<512x1xi1>
    %broadcast_in_dim3A_1251 = vector.broadcast %broadcast_in_dim3A_1250 : vector<512x1xi1> to vector<512x128xi1>
    %select_n3A_1252 = arith.select %broadcast_in_dim3A_1251, %slice3A_28, %select_n3A_1246 : vector<512x128xi1>, vector<512x128xf32>
    %eq3A_1253 = arith.constant 8 : i32
    %eq3A_1254 = vector.broadcast %eq3A_1253 : i32 to vector<512x1xi32>
    %eq3A_1255 = arith.cmpi eq, %broadcast_in_dim3A_1120, %eq3A_1254 : vector<512x1xi32>
    %broadcast_in_dim3A_1256 = vector.shape_cast %eq3A_1255 : vector<512x1xi1> to vector<512x1xi1>
    %broadcast_in_dim3A_1257 = vector.broadcast %broadcast_in_dim3A_1256 : vector<512x1xi1> to vector<512x128xi1>
    %select_n3A_1258 = arith.select %broadcast_in_dim3A_1257, %slice3A_27, %select_n3A_1252 : vector<512x128xi1>, vector<512x128xf32>
    %eq3A_1259 = arith.constant 7 : i32
    %eq3A_1260 = vector.broadcast %eq3A_1259 : i32 to vector<512x1xi32>
    %eq3A_1261 = arith.cmpi eq, %broadcast_in_dim3A_1120, %eq3A_1260 : vector<512x1xi32>
    %broadcast_in_dim3A_1262 = vector.shape_cast %eq3A_1261 : vector<512x1xi1> to vector<512x1xi1>
    %broadcast_in_dim3A_1263 = vector.broadcast %broadcast_in_dim3A_1262 : vector<512x1xi1> to vector<512x128xi1>
    %select_n3A_1264 = arith.select %broadcast_in_dim3A_1263, %slice3A_26, %select_n3A_1258 : vector<512x128xi1>, vector<512x128xf32>
    %eq3A_1265 = arith.constant 6 : i32
    %eq3A_1266 = vector.broadcast %eq3A_1265 : i32 to vector<512x1xi32>
    %eq3A_1267 = arith.cmpi eq, %broadcast_in_dim3A_1120, %eq3A_1266 : vector<512x1xi32>
    %broadcast_in_dim3A_1268 = vector.shape_cast %eq3A_1267 : vector<512x1xi1> to vector<512x1xi1>
    %broadcast_in_dim3A_1269 = vector.broadcast %broadcast_in_dim3A_1268 : vector<512x1xi1> to vector<512x128xi1>
    %select_n3A_1270 = arith.select %broadcast_in_dim3A_1269, %slice3A_25, %select_n3A_1264 : vector<512x128xi1>, vector<512x128xf32>
    %eq3A_1271 = arith.constant 5 : i32
    %eq3A_1272 = vector.broadcast %eq3A_1271 : i32 to vector<512x1xi32>
    %eq3A_1273 = arith.cmpi eq, %broadcast_in_dim3A_1120, %eq3A_1272 : vector<512x1xi32>
    %broadcast_in_dim3A_1274 = vector.shape_cast %eq3A_1273 : vector<512x1xi1> to vector<512x1xi1>
    %broadcast_in_dim3A_1275 = vector.broadcast %broadcast_in_dim3A_1274 : vector<512x1xi1> to vector<512x128xi1>
    %select_n3A_1276 = arith.select %broadcast_in_dim3A_1275, %slice3A_24, %select_n3A_1270 : vector<512x128xi1>, vector<512x128xf32>
    %eq3A_1277 = arith.constant 4 : i32
    %eq3A_1278 = vector.broadcast %eq3A_1277 : i32 to vector<512x1xi32>
    %eq3A_1279 = arith.cmpi eq, %broadcast_in_dim3A_1120, %eq3A_1278 : vector<512x1xi32>
    %broadcast_in_dim3A_1280 = vector.shape_cast %eq3A_1279 : vector<512x1xi1> to vector<512x1xi1>
    %broadcast_in_dim3A_1281 = vector.broadcast %broadcast_in_dim3A_1280 : vector<512x1xi1> to vector<512x128xi1>
    %select_n3A_1282 = arith.select %broadcast_in_dim3A_1281, %slice3A_23, %select_n3A_1276 : vector<512x128xi1>, vector<512x128xf32>
    %eq3A_1283 = arith.constant 3 : i32
    %eq3A_1284 = vector.broadcast %eq3A_1283 : i32 to vector<512x1xi32>
    %eq3A_1285 = arith.cmpi eq, %broadcast_in_dim3A_1120, %eq3A_1284 : vector<512x1xi32>
    %broadcast_in_dim3A_1286 = vector.shape_cast %eq3A_1285 : vector<512x1xi1> to vector<512x1xi1>
    %broadcast_in_dim3A_1287 = vector.broadcast %broadcast_in_dim3A_1286 : vector<512x1xi1> to vector<512x128xi1>
    %select_n3A_1288 = arith.select %broadcast_in_dim3A_1287, %slice3A_22, %select_n3A_1282 : vector<512x128xi1>, vector<512x128xf32>
    %eq3A_1289 = arith.constant 2 : i32
    %eq3A_1290 = vector.broadcast %eq3A_1289 : i32 to vector<512x1xi32>
    %eq3A_1291 = arith.cmpi eq, %broadcast_in_dim3A_1120, %eq3A_1290 : vector<512x1xi32>
    %broadcast_in_dim3A_1292 = vector.shape_cast %eq3A_1291 : vector<512x1xi1> to vector<512x1xi1>
    %broadcast_in_dim3A_1293 = vector.broadcast %broadcast_in_dim3A_1292 : vector<512x1xi1> to vector<512x128xi1>
    %select_n3A_1294 = arith.select %broadcast_in_dim3A_1293, %slice3A_21, %select_n3A_1288 : vector<512x128xi1>, vector<512x128xf32>
    %eq3A_1295 = arith.constant 1 : i32
    %eq3A_1296 = vector.broadcast %eq3A_1295 : i32 to vector<512x1xi32>
    %eq3A_1297 = arith.cmpi eq, %broadcast_in_dim3A_1120, %eq3A_1296 : vector<512x1xi32>
    %broadcast_in_dim3A_1298 = vector.shape_cast %eq3A_1297 : vector<512x1xi1> to vector<512x1xi1>
    %broadcast_in_dim3A_1299 = vector.broadcast %broadcast_in_dim3A_1298 : vector<512x1xi1> to vector<512x128xi1>
    %select_n3A_1300 = arith.select %broadcast_in_dim3A_1299, %slice3A_20, %select_n3A_1294 : vector<512x128xi1>, vector<512x128xf32>
    %eq3A_1301 = arith.constant 0 : i32
    %eq3A_1302 = vector.broadcast %eq3A_1301 : i32 to vector<512x1xi32>
    %eq3A_1303 = arith.cmpi eq, %broadcast_in_dim3A_1120, %eq3A_1302 : vector<512x1xi32>
    %broadcast_in_dim3A_1304 = vector.shape_cast %eq3A_1303 : vector<512x1xi1> to vector<512x1xi1>
    %broadcast_in_dim3A_1305 = vector.broadcast %broadcast_in_dim3A_1304 : vector<512x1xi1> to vector<512x128xi1>
    %select_n3A_1306 = arith.select %broadcast_in_dim3A_1305, %slice3A, %select_n3A_1300 : vector<512x128xi1>, vector<512x128xf32>
    %mul3A_1307 = arith.constant 128 : i32
    %mul3A_1308 = vector.broadcast %mul3A_1307 : i32 to vector<512x1xi32>
    %mul3A_1309 = arith.muli %broadcast_in_dim3A_1120, %mul3A_1308 : vector<512x1xi32>
    %add3A_1310 = vector.broadcast %mul3A_1309 : vector<512x1xi32> to vector<512x128xi32>
    %add3A_1311 = arith.addi %add3A_1310, %iota3A_146 : vector<512x128xi32>
    %eq3A_1312 = vector.broadcast %add3A_354 : vector<512x1xi32> to vector<512x128xi32>
    %eq3A_1313 = arith.cmpi eq, %add3A_1311, %eq3A_1312 : vector<512x128xi32>
    %jit3A_1314 = arith.constant 0x7F800000 : f32
    %broadcast_in_dim3A_1315 = vector.broadcast %jit3A_1314 : f32 to vector<512x128xf32>
    %select_n3A_1316 = arith.select %eq3A_1313, %broadcast_in_dim3A_1315, %select_n3A_1306 : vector<512x128xi1>, vector<512x128xf32>
    %eq3A_1317 = vector.broadcast %add3A_593 : vector<512x1xi32> to vector<512x128xi32>
    %eq3A_1318 = arith.cmpi eq, %add3A_1311, %eq3A_1317 : vector<512x128xi32>
    %jit3A_1319 = arith.constant 0x7F800000 : f32
    %broadcast_in_dim3A_1320 = vector.broadcast %jit3A_1319 : f32 to vector<512x128xf32>
    %select_n3A_1321 = arith.select %eq3A_1318, %broadcast_in_dim3A_1320, %select_n3A_1316 : vector<512x128xi1>, vector<512x128xf32>
    %eq3A_1322 = vector.broadcast %add3A_838 : vector<512x1xi32> to vector<512x128xi32>
    %eq3A_1323 = arith.cmpi eq, %add3A_1311, %eq3A_1322 : vector<512x128xi32>
    %jit3A_1324 = arith.constant 0x7F800000 : f32
    %broadcast_in_dim3A_1325 = vector.broadcast %jit3A_1324 : f32 to vector<512x128xf32>
    %select_n3A_1326 = arith.select %eq3A_1323, %broadcast_in_dim3A_1325, %select_n3A_1321 : vector<512x128xi1>, vector<512x128xf32>
    %eq3A_1327 = vector.broadcast %add3A_1088 : vector<512x1xi32> to vector<512x128xi32>
    %eq3A_1328 = arith.cmpi eq, %add3A_1311, %eq3A_1327 : vector<512x128xi32>
    %jit3A_1329 = arith.constant 0x7F800000 : f32
    %broadcast_in_dim3A_1330 = vector.broadcast %jit3A_1329 : f32 to vector<512x128xf32>
    %select_n3A_1331 = arith.select %eq3A_1328, %broadcast_in_dim3A_1330, %select_n3A_1326 : vector<512x128xi1>, vector<512x128xf32>
    %eq3A_1332 = vector.broadcast %broadcast_in_dim3A_1112 : vector<512x1xf32> to vector<512x128xf32>
    %eq3A_1333 = arith.cmpf oeq, %select_n3A_1331, %eq3A_1332 : vector<512x128xf32>
    %jit3A_1334 = arith.constant 128 : i32
    %broadcast_in_dim3A_1335 = vector.broadcast %jit3A_1334 : i32 to vector<512x128xi32>
    %select_n3A_1336 = arith.select %eq3A_1333, %iota3A_146, %broadcast_in_dim3A_1335 : vector<512x128xi1>, vector<512x128xi32>
    %reduce_min3A_1337 = arith.constant dense<2147483647> : vector<512xi32>
    %reduce_min3A_1338 = vector.multi_reduction <minsi>, %select_n3A_1336, %reduce_min3A_1337 [1] : vector<512x128xi32> to vector<512xi32>
    %broadcast_in_dim3A_1339 = vector.shape_cast %reduce_min3A_1338 : vector<512xi32> to vector<512x1xi32>
    %mul3A_1340 = arith.constant 128 : i32
    %mul3A_1341 = vector.broadcast %mul3A_1340 : i32 to vector<512x1xi32>
    %mul3A_1342 = arith.muli %broadcast_in_dim3A_1120, %mul3A_1341 : vector<512x1xi32>
    %add3A_1343 = arith.addi %mul3A_1342, %broadcast_in_dim3A_1339 : vector<512x1xi32>
    %add3A_1344 = vector.broadcast %mul3A_148 : i32 to vector<512x1xi32>
    %add3A_1345 = arith.addi %add3A_1343, %add3A_1344 : vector<512x1xi32>
    %swap3A_1346 = arith.constant 0 : index
    %swap3A_1347 = arith.constant 0 : index
    %swap3A_1348 = arith.constant 4 : index
    %swap3A_1349 = vector.load %arg4[%swap3A_1346, %swap3A_1347, %swap3A_1348] : memref<1x512x16xi32, #tpu.memory_space<vmem>>, vector<1x512x1xi32>
    %swap3A_1350 = vector.shape_cast %swap3A_1349 : vector<1x512x1xi32> to vector<512x1xi32>
    %swap3A_1351 = vector.shape_cast %add3A_1345 : vector<512x1xi32> to vector<1x512x1xi32>
    tpu.vector_store %arg4[%swap3A_1346, %swap3A_1347, %swap3A_1348], %swap3A_1351 {strides = array<i32>} : memref<1x512x16xi32, #tpu.memory_space<vmem>>, vector<1x512x1xi32>,
    %eq3A_1352 = vector.broadcast %broadcast_in_dim3A_1339 : vector<512x1xi32> to vector<512x128xi32>
    %eq3A_1353 = arith.cmpi eq, %iota3A_146, %eq3A_1352 : vector<512x128xi32>
    %jit3A_1354 = arith.constant 0x7F800000 : f32
    %broadcast_in_dim3A_1355 = vector.broadcast %jit3A_1354 : f32 to vector<512x128xf32>
    %select_n3A_1356 = arith.select %eq3A_1353, %broadcast_in_dim3A_1355, %select_n3A_1331 : vector<512x128xi1>, vector<512x128xf32>
    %reduce_min3A_1357 = arith.constant dense<0x7F800000> : vector<512xf32>
    %reduce_min3A_1358 = vector.multi_reduction <minimumf>, %select_n3A_1356, %reduce_min3A_1357 [1] : vector<512x128xf32> to vector<512xf32>
    %broadcast_in_dim3A_1359 = vector.shape_cast %reduce_min3A_1358 : vector<512xf32> to vector<512x1xf32>
    %eq3A_1360 = vector.broadcast %broadcast_in_dim3A_1120 : vector<512x1xi32> to vector<512x32xi32>
    %eq3A_1361 = arith.cmpi eq, %iota3A, %eq3A_1360 : vector<512x32xi32>
    %broadcast_in_dim3A_1362 = vector.shape_cast %broadcast_in_dim3A_1359 : vector<512x1xf32> to vector<512x1xf32>
    %broadcast_in_dim3A_1363 = vector.broadcast %broadcast_in_dim3A_1362 : vector<512x1xf32> to vector<512x32xf32>
    %select_n3A_1364 = arith.select %eq3A_1361, %broadcast_in_dim3A_1363, %select_n3A_1109 : vector<512x32xi1>, vector<512x32xf32>
    %reduce_min3A_1365 = arith.constant dense<0x7F800000> : vector<512xf32>
    %reduce_min3A_1366 = vector.multi_reduction <minimumf>, %select_n3A_1364, %reduce_min3A_1365 [1] : vector<512x32xf32> to vector<512xf32>
    %broadcast_in_dim3A_1367 = vector.shape_cast %reduce_min3A_1366 : vector<512xf32> to vector<512x1xf32>
    %eq3A_1368 = vector.broadcast %broadcast_in_dim3A_1367 : vector<512x1xf32> to vector<512x32xf32>
    %eq3A_1369 = arith.cmpf oeq, %select_n3A_1364, %eq3A_1368 : vector<512x32xf32>
    %jit3A_1370 = arith.constant 32 : i32
    %broadcast_in_dim3A_1371 = vector.broadcast %jit3A_1370 : i32 to vector<512x32xi32>
    %select_n3A_1372 = arith.select %eq3A_1369, %iota3A, %broadcast_in_dim3A_1371 : vector<512x32xi1>, vector<512x32xi32>
    %reduce_min3A_1373 = arith.constant dense<2147483647> : vector<512xi32>
    %reduce_min3A_1374 = vector.multi_reduction <minsi>, %select_n3A_1372, %reduce_min3A_1373 [1] : vector<512x32xi32> to vector<512xi32>
    %broadcast_in_dim3A_1375 = vector.shape_cast %reduce_min3A_1374 : vector<512xi32> to vector<512x1xi32>
    %eq3A_1376 = arith.constant 30 : i32
    %eq3A_1377 = vector.broadcast %eq3A_1376 : i32 to vector<512x1xi32>
    %eq3A_1378 = arith.cmpi eq, %broadcast_in_dim3A_1375, %eq3A_1377 : vector<512x1xi32>
    %broadcast_in_dim3A_1379 = vector.shape_cast %eq3A_1378 : vector<512x1xi1> to vector<512x1xi1>
    %broadcast_in_dim3A_1380 = vector.broadcast %broadcast_in_dim3A_1379 : vector<512x1xi1> to vector<512x128xi1>
    %select_n3A_1381 = arith.select %broadcast_in_dim3A_1380, %slice3A_49, %slice3A_50 : vector<512x128xi1>, vector<512x128xf32>
    %eq3A_1382 = arith.constant 29 : i32
    %eq3A_1383 = vector.broadcast %eq3A_1382 : i32 to vector<512x1xi32>
    %eq3A_1384 = arith.cmpi eq, %broadcast_in_dim3A_1375, %eq3A_1383 : vector<512x1xi32>
    %broadcast_in_dim3A_1385 = vector.shape_cast %eq3A_1384 : vector<512x1xi1> to vector<512x1xi1>
    %broadcast_in_dim3A_1386 = vector.broadcast %broadcast_in_dim3A_1385 : vector<512x1xi1> to vector<512x128xi1>
    %select_n3A_1387 = arith.select %broadcast_in_dim3A_1386, %slice3A_48, %select_n3A_1381 : vector<512x128xi1>, vector<512x128xf32>
    %eq3A_1388 = arith.constant 28 : i32
    %eq3A_1389 = vector.broadcast %eq3A_1388 : i32 to vector<512x1xi32>
    %eq3A_1390 = arith.cmpi eq, %broadcast_in_dim3A_1375, %eq3A_1389 : vector<512x1xi32>
    %broadcast_in_dim3A_1391 = vector.shape_cast %eq3A_1390 : vector<512x1xi1> to vector<512x1xi1>
    %broadcast_in_dim3A_1392 = vector.broadcast %broadcast_in_dim3A_1391 : vector<512x1xi1> to vector<512x128xi1>
    %select_n3A_1393 = arith.select %broadcast_in_dim3A_1392, %slice3A_47, %select_n3A_1387 : vector<512x128xi1>, vector<512x128xf32>
    %eq3A_1394 = arith.constant 27 : i32
    %eq3A_1395 = vector.broadcast %eq3A_1394 : i32 to vector<512x1xi32>
    %eq3A_1396 = arith.cmpi eq, %broadcast_in_dim3A_1375, %eq3A_1395 : vector<512x1xi32>
    %broadcast_in_dim3A_1397 = vector.shape_cast %eq3A_1396 : vector<512x1xi1> to vector<512x1xi1>
    %broadcast_in_dim3A_1398 = vector.broadcast %broadcast_in_dim3A_1397 : vector<512x1xi1> to vector<512x128xi1>
    %select_n3A_1399 = arith.select %broadcast_in_dim3A_1398, %slice3A_46, %select_n3A_1393 : vector<512x128xi1>, vector<512x128xf32>
    %eq3A_1400 = arith.constant 26 : i32
    %eq3A_1401 = vector.broadcast %eq3A_1400 : i32 to vector<512x1xi32>
    %eq3A_1402 = arith.cmpi eq, %broadcast_in_dim3A_1375, %eq3A_1401 : vector<512x1xi32>
    %broadcast_in_dim3A_1403 = vector.shape_cast %eq3A_1402 : vector<512x1xi1> to vector<512x1xi1>
    %broadcast_in_dim3A_1404 = vector.broadcast %broadcast_in_dim3A_1403 : vector<512x1xi1> to vector<512x128xi1>
    %select_n3A_1405 = arith.select %broadcast_in_dim3A_1404, %slice3A_45, %select_n3A_1399 : vector<512x128xi1>, vector<512x128xf32>
    %eq3A_1406 = arith.constant 25 : i32
    %eq3A_1407 = vector.broadcast %eq3A_1406 : i32 to vector<512x1xi32>
    %eq3A_1408 = arith.cmpi eq, %broadcast_in_dim3A_1375, %eq3A_1407 : vector<512x1xi32>
    %broadcast_in_dim3A_1409 = vector.shape_cast %eq3A_1408 : vector<512x1xi1> to vector<512x1xi1>
    %broadcast_in_dim3A_1410 = vector.broadcast %broadcast_in_dim3A_1409 : vector<512x1xi1> to vector<512x128xi1>
    %select_n3A_1411 = arith.select %broadcast_in_dim3A_1410, %slice3A_44, %select_n3A_1405 : vector<512x128xi1>, vector<512x128xf32>
    %eq3A_1412 = arith.constant 24 : i32
    %eq3A_1413 = vector.broadcast %eq3A_1412 : i32 to vector<512x1xi32>
    %eq3A_1414 = arith.cmpi eq, %broadcast_in_dim3A_1375, %eq3A_1413 : vector<512x1xi32>
    %broadcast_in_dim3A_1415 = vector.shape_cast %eq3A_1414 : vector<512x1xi1> to vector<512x1xi1>
    %broadcast_in_dim3A_1416 = vector.broadcast %broadcast_in_dim3A_1415 : vector<512x1xi1> to vector<512x128xi1>
    %select_n3A_1417 = arith.select %broadcast_in_dim3A_1416, %slice3A_43, %select_n3A_1411 : vector<512x128xi1>, vector<512x128xf32>
    %eq3A_1418 = arith.constant 23 : i32
    %eq3A_1419 = vector.broadcast %eq3A_1418 : i32 to vector<512x1xi32>
    %eq3A_1420 = arith.cmpi eq, %broadcast_in_dim3A_1375, %eq3A_1419 : vector<512x1xi32>
    %broadcast_in_dim3A_1421 = vector.shape_cast %eq3A_1420 : vector<512x1xi1> to vector<512x1xi1>
    %broadcast_in_dim3A_1422 = vector.broadcast %broadcast_in_dim3A_1421 : vector<512x1xi1> to vector<512x128xi1>
    %select_n3A_1423 = arith.select %broadcast_in_dim3A_1422, %slice3A_42, %select_n3A_1417 : vector<512x128xi1>, vector<512x128xf32>
    %eq3A_1424 = arith.constant 22 : i32
    %eq3A_1425 = vector.broadcast %eq3A_1424 : i32 to vector<512x1xi32>
    %eq3A_1426 = arith.cmpi eq, %broadcast_in_dim3A_1375, %eq3A_1425 : vector<512x1xi32>
    %broadcast_in_dim3A_1427 = vector.shape_cast %eq3A_1426 : vector<512x1xi1> to vector<512x1xi1>
    %broadcast_in_dim3A_1428 = vector.broadcast %broadcast_in_dim3A_1427 : vector<512x1xi1> to vector<512x128xi1>
    %select_n3A_1429 = arith.select %broadcast_in_dim3A_1428, %slice3A_41, %select_n3A_1423 : vector<512x128xi1>, vector<512x128xf32>
    %eq3A_1430 = arith.constant 21 : i32
    %eq3A_1431 = vector.broadcast %eq3A_1430 : i32 to vector<512x1xi32>
    %eq3A_1432 = arith.cmpi eq, %broadcast_in_dim3A_1375, %eq3A_1431 : vector<512x1xi32>
    %broadcast_in_dim3A_1433 = vector.shape_cast %eq3A_1432 : vector<512x1xi1> to vector<512x1xi1>
    %broadcast_in_dim3A_1434 = vector.broadcast %broadcast_in_dim3A_1433 : vector<512x1xi1> to vector<512x128xi1>
    %select_n3A_1435 = arith.select %broadcast_in_dim3A_1434, %slice3A_40, %select_n3A_1429 : vector<512x128xi1>, vector<512x128xf32>
    %eq3A_1436 = arith.constant 20 : i32
    %eq3A_1437 = vector.broadcast %eq3A_1436 : i32 to vector<512x1xi32>
    %eq3A_1438 = arith.cmpi eq, %broadcast_in_dim3A_1375, %eq3A_1437 : vector<512x1xi32>
    %broadcast_in_dim3A_1439 = vector.shape_cast %eq3A_1438 : vector<512x1xi1> to vector<512x1xi1>
    %broadcast_in_dim3A_1440 = vector.broadcast %broadcast_in_dim3A_1439 : vector<512x1xi1> to vector<512x128xi1>
    %select_n3A_1441 = arith.select %broadcast_in_dim3A_1440, %slice3A_39, %select_n3A_1435 : vector<512x128xi1>, vector<512x128xf32>
    %eq3A_1442 = arith.constant 19 : i32
    %eq3A_1443 = vector.broadcast %eq3A_1442 : i32 to vector<512x1xi32>
    %eq3A_1444 = arith.cmpi eq, %broadcast_in_dim3A_1375, %eq3A_1443 : vector<512x1xi32>
    %broadcast_in_dim3A_1445 = vector.shape_cast %eq3A_1444 : vector<512x1xi1> to vector<512x1xi1>
    %broadcast_in_dim3A_1446 = vector.broadcast %broadcast_in_dim3A_1445 : vector<512x1xi1> to vector<512x128xi1>
    %select_n3A_1447 = arith.select %broadcast_in_dim3A_1446, %slice3A_38, %select_n3A_1441 : vector<512x128xi1>, vector<512x128xf32>
    %eq3A_1448 = arith.constant 18 : i32
    %eq3A_1449 = vector.broadcast %eq3A_1448 : i32 to vector<512x1xi32>
    %eq3A_1450 = arith.cmpi eq, %broadcast_in_dim3A_1375, %eq3A_1449 : vector<512x1xi32>
    %broadcast_in_dim3A_1451 = vector.shape_cast %eq3A_1450 : vector<512x1xi1> to vector<512x1xi1>
    %broadcast_in_dim3A_1452 = vector.broadcast %broadcast_in_dim3A_1451 : vector<512x1xi1> to vector<512x128xi1>
    %select_n3A_1453 = arith.select %broadcast_in_dim3A_1452, %slice3A_37, %select_n3A_1447 : vector<512x128xi1>, vector<512x128xf32>
    %eq3A_1454 = arith.constant 17 : i32
    %eq3A_1455 = vector.broadcast %eq3A_1454 : i32 to vector<512x1xi32>
    %eq3A_1456 = arith.cmpi eq, %broadcast_in_dim3A_1375, %eq3A_1455 : vector<512x1xi32>
    %broadcast_in_dim3A_1457 = vector.shape_cast %eq3A_1456 : vector<512x1xi1> to vector<512x1xi1>
    %broadcast_in_dim3A_1458 = vector.broadcast %broadcast_in_dim3A_1457 : vector<512x1xi1> to vector<512x128xi1>
    %select_n3A_1459 = arith.select %broadcast_in_dim3A_1458, %slice3A_36, %select_n3A_1453 : vector<512x128xi1>, vector<512x128xf32>
    %eq3A_1460 = arith.constant 16 : i32
    %eq3A_1461 = vector.broadcast %eq3A_1460 : i32 to vector<512x1xi32>
    %eq3A_1462 = arith.cmpi eq, %broadcast_in_dim3A_1375, %eq3A_1461 : vector<512x1xi32>
    %broadcast_in_dim3A_1463 = vector.shape_cast %eq3A_1462 : vector<512x1xi1> to vector<512x1xi1>
    %broadcast_in_dim3A_1464 = vector.broadcast %broadcast_in_dim3A_1463 : vector<512x1xi1> to vector<512x128xi1>
    %select_n3A_1465 = arith.select %broadcast_in_dim3A_1464, %slice3A_35, %select_n3A_1459 : vector<512x128xi1>, vector<512x128xf32>
    %eq3A_1466 = arith.constant 15 : i32
    %eq3A_1467 = vector.broadcast %eq3A_1466 : i32 to vector<512x1xi32>
    %eq3A_1468 = arith.cmpi eq, %broadcast_in_dim3A_1375, %eq3A_1467 : vector<512x1xi32>
    %broadcast_in_dim3A_1469 = vector.shape_cast %eq3A_1468 : vector<512x1xi1> to vector<512x1xi1>
    %broadcast_in_dim3A_1470 = vector.broadcast %broadcast_in_dim3A_1469 : vector<512x1xi1> to vector<512x128xi1>
    %select_n3A_1471 = arith.select %broadcast_in_dim3A_1470, %slice3A_34, %select_n3A_1465 : vector<512x128xi1>, vector<512x128xf32>
    %eq3A_1472 = arith.constant 14 : i32
    %eq3A_1473 = vector.broadcast %eq3A_1472 : i32 to vector<512x1xi32>
    %eq3A_1474 = arith.cmpi eq, %broadcast_in_dim3A_1375, %eq3A_1473 : vector<512x1xi32>
    %broadcast_in_dim3A_1475 = vector.shape_cast %eq3A_1474 : vector<512x1xi1> to vector<512x1xi1>
    %broadcast_in_dim3A_1476 = vector.broadcast %broadcast_in_dim3A_1475 : vector<512x1xi1> to vector<512x128xi1>
    %select_n3A_1477 = arith.select %broadcast_in_dim3A_1476, %slice3A_33, %select_n3A_1471 : vector<512x128xi1>, vector<512x128xf32>
    %eq3A_1478 = arith.constant 13 : i32
    %eq3A_1479 = vector.broadcast %eq3A_1478 : i32 to vector<512x1xi32>
    %eq3A_1480 = arith.cmpi eq, %broadcast_in_dim3A_1375, %eq3A_1479 : vector<512x1xi32>
    %broadcast_in_dim3A_1481 = vector.shape_cast %eq3A_1480 : vector<512x1xi1> to vector<512x1xi1>
    %broadcast_in_dim3A_1482 = vector.broadcast %broadcast_in_dim3A_1481 : vector<512x1xi1> to vector<512x128xi1>
    %select_n3A_1483 = arith.select %broadcast_in_dim3A_1482, %slice3A_32, %select_n3A_1477 : vector<512x128xi1>, vector<512x128xf32>
    %eq3A_1484 = arith.constant 12 : i32
    %eq3A_1485 = vector.broadcast %eq3A_1484 : i32 to vector<512x1xi32>
    %eq3A_1486 = arith.cmpi eq, %broadcast_in_dim3A_1375, %eq3A_1485 : vector<512x1xi32>
    %broadcast_in_dim3A_1487 = vector.shape_cast %eq3A_1486 : vector<512x1xi1> to vector<512x1xi1>
    %broadcast_in_dim3A_1488 = vector.broadcast %broadcast_in_dim3A_1487 : vector<512x1xi1> to vector<512x128xi1>
    %select_n3A_1489 = arith.select %broadcast_in_dim3A_1488, %slice3A_31, %select_n3A_1483 : vector<512x128xi1>, vector<512x128xf32>
    %eq3A_1490 = arith.constant 11 : i32
    %eq3A_1491 = vector.broadcast %eq3A_1490 : i32 to vector<512x1xi32>
    %eq3A_1492 = arith.cmpi eq, %broadcast_in_dim3A_1375, %eq3A_1491 : vector<512x1xi32>
    %broadcast_in_dim3A_1493 = vector.shape_cast %eq3A_1492 : vector<512x1xi1> to vector<512x1xi1>
    %broadcast_in_dim3A_1494 = vector.broadcast %broadcast_in_dim3A_1493 : vector<512x1xi1> to vector<512x128xi1>
    %select_n3A_1495 = arith.select %broadcast_in_dim3A_1494, %slice3A_30, %select_n3A_1489 : vector<512x128xi1>, vector<512x128xf32>
    %eq3A_1496 = arith.constant 10 : i32
    %eq3A_1497 = vector.broadcast %eq3A_1496 : i32 to vector<512x1xi32>
    %eq3A_1498 = arith.cmpi eq, %broadcast_in_dim3A_1375, %eq3A_1497 : vector<512x1xi32>
    %broadcast_in_dim3A_1499 = vector.shape_cast %eq3A_1498 : vector<512x1xi1> to vector<512x1xi1>
    %broadcast_in_dim3A_1500 = vector.broadcast %broadcast_in_dim3A_1499 : vector<512x1xi1> to vector<512x128xi1>
    %select_n3A_1501 = arith.select %broadcast_in_dim3A_1500, %slice3A_29, %select_n3A_1495 : vector<512x128xi1>, vector<512x128xf32>
    %eq3A_1502 = arith.constant 9 : i32
    %eq3A_1503 = vector.broadcast %eq3A_1502 : i32 to vector<512x1xi32>
    %eq3A_1504 = arith.cmpi eq, %broadcast_in_dim3A_1375, %eq3A_1503 : vector<512x1xi32>
    %broadcast_in_dim3A_1505 = vector.shape_cast %eq3A_1504 : vector<512x1xi1> to vector<512x1xi1>
    %broadcast_in_dim3A_1506 = vector.broadcast %broadcast_in_dim3A_1505 : vector<512x1xi1> to vector<512x128xi1>
    %select_n3A_1507 = arith.select %broadcast_in_dim3A_1506, %slice3A_28, %select_n3A_1501 : vector<512x128xi1>, vector<512x128xf32>
    %eq3A_1508 = arith.constant 8 : i32
    %eq3A_1509 = vector.broadcast %eq3A_1508 : i32 to vector<512x1xi32>
    %eq3A_1510 = arith.cmpi eq, %broadcast_in_dim3A_1375, %eq3A_1509 : vector<512x1xi32>
    %broadcast_in_dim3A_1511 = vector.shape_cast %eq3A_1510 : vector<512x1xi1> to vector<512x1xi1>
    %broadcast_in_dim3A_1512 = vector.broadcast %broadcast_in_dim3A_1511 : vector<512x1xi1> to vector<512x128xi1>
    %select_n3A_1513 = arith.select %broadcast_in_dim3A_1512, %slice3A_27, %select_n3A_1507 : vector<512x128xi1>, vector<512x128xf32>
    %eq3A_1514 = arith.constant 7 : i32
    %eq3A_1515 = vector.broadcast %eq3A_1514 : i32 to vector<512x1xi32>
    %eq3A_1516 = arith.cmpi eq, %broadcast_in_dim3A_1375, %eq3A_1515 : vector<512x1xi32>
    %broadcast_in_dim3A_1517 = vector.shape_cast %eq3A_1516 : vector<512x1xi1> to vector<512x1xi1>
    %broadcast_in_dim3A_1518 = vector.broadcast %broadcast_in_dim3A_1517 : vector<512x1xi1> to vector<512x128xi1>
    %select_n3A_1519 = arith.select %broadcast_in_dim3A_1518, %slice3A_26, %select_n3A_1513 : vector<512x128xi1>, vector<512x128xf32>
    %eq3A_1520 = arith.constant 6 : i32
    %eq3A_1521 = vector.broadcast %eq3A_1520 : i32 to vector<512x1xi32>
    %eq3A_1522 = arith.cmpi eq, %broadcast_in_dim3A_1375, %eq3A_1521 : vector<512x1xi32>
    %broadcast_in_dim3A_1523 = vector.shape_cast %eq3A_1522 : vector<512x1xi1> to vector<512x1xi1>
    %broadcast_in_dim3A_1524 = vector.broadcast %broadcast_in_dim3A_1523 : vector<512x1xi1> to vector<512x128xi1>
    %select_n3A_1525 = arith.select %broadcast_in_dim3A_1524, %slice3A_25, %select_n3A_1519 : vector<512x128xi1>, vector<512x128xf32>
    %eq3A_1526 = arith.constant 5 : i32
    %eq3A_1527 = vector.broadcast %eq3A_1526 : i32 to vector<512x1xi32>
    %eq3A_1528 = arith.cmpi eq, %broadcast_in_dim3A_1375, %eq3A_1527 : vector<512x1xi32>
    %broadcast_in_dim3A_1529 = vector.shape_cast %eq3A_1528 : vector<512x1xi1> to vector<512x1xi1>
    %broadcast_in_dim3A_1530 = vector.broadcast %broadcast_in_dim3A_1529 : vector<512x1xi1> to vector<512x128xi1>
    %select_n3A_1531 = arith.select %broadcast_in_dim3A_1530, %slice3A_24, %select_n3A_1525 : vector<512x128xi1>, vector<512x128xf32>
    %eq3A_1532 = arith.constant 4 : i32
    %eq3A_1533 = vector.broadcast %eq3A_1532 : i32 to vector<512x1xi32>
    %eq3A_1534 = arith.cmpi eq, %broadcast_in_dim3A_1375, %eq3A_1533 : vector<512x1xi32>
    %broadcast_in_dim3A_1535 = vector.shape_cast %eq3A_1534 : vector<512x1xi1> to vector<512x1xi1>
    %broadcast_in_dim3A_1536 = vector.broadcast %broadcast_in_dim3A_1535 : vector<512x1xi1> to vector<512x128xi1>
    %select_n3A_1537 = arith.select %broadcast_in_dim3A_1536, %slice3A_23, %select_n3A_1531 : vector<512x128xi1>, vector<512x128xf32>
    %eq3A_1538 = arith.constant 3 : i32
    %eq3A_1539 = vector.broadcast %eq3A_1538 : i32 to vector<512x1xi32>
    %eq3A_1540 = arith.cmpi eq, %broadcast_in_dim3A_1375, %eq3A_1539 : vector<512x1xi32>
    %broadcast_in_dim3A_1541 = vector.shape_cast %eq3A_1540 : vector<512x1xi1> to vector<512x1xi1>
    %broadcast_in_dim3A_1542 = vector.broadcast %broadcast_in_dim3A_1541 : vector<512x1xi1> to vector<512x128xi1>
    %select_n3A_1543 = arith.select %broadcast_in_dim3A_1542, %slice3A_22, %select_n3A_1537 : vector<512x128xi1>, vector<512x128xf32>
    %eq3A_1544 = arith.constant 2 : i32
    %eq3A_1545 = vector.broadcast %eq3A_1544 : i32 to vector<512x1xi32>
    %eq3A_1546 = arith.cmpi eq, %broadcast_in_dim3A_1375, %eq3A_1545 : vector<512x1xi32>
    %broadcast_in_dim3A_1547 = vector.shape_cast %eq3A_1546 : vector<512x1xi1> to vector<512x1xi1>
    %broadcast_in_dim3A_1548 = vector.broadcast %broadcast_in_dim3A_1547 : vector<512x1xi1> to vector<512x128xi1>
    %select_n3A_1549 = arith.select %broadcast_in_dim3A_1548, %slice3A_21, %select_n3A_1543 : vector<512x128xi1>, vector<512x128xf32>
    %eq3A_1550 = arith.constant 1 : i32
    %eq3A_1551 = vector.broadcast %eq3A_1550 : i32 to vector<512x1xi32>
    %eq3A_1552 = arith.cmpi eq, %broadcast_in_dim3A_1375, %eq3A_1551 : vector<512x1xi32>
    %broadcast_in_dim3A_1553 = vector.shape_cast %eq3A_1552 : vector<512x1xi1> to vector<512x1xi1>
    %broadcast_in_dim3A_1554 = vector.broadcast %broadcast_in_dim3A_1553 : vector<512x1xi1> to vector<512x128xi1>
    %select_n3A_1555 = arith.select %broadcast_in_dim3A_1554, %slice3A_20, %select_n3A_1549 : vector<512x128xi1>, vector<512x128xf32>
    %eq3A_1556 = arith.constant 0 : i32
    %eq3A_1557 = vector.broadcast %eq3A_1556 : i32 to vector<512x1xi32>
    %eq3A_1558 = arith.cmpi eq, %broadcast_in_dim3A_1375, %eq3A_1557 : vector<512x1xi32>
    %broadcast_in_dim3A_1559 = vector.shape_cast %eq3A_1558 : vector<512x1xi1> to vector<512x1xi1>
    %broadcast_in_dim3A_1560 = vector.broadcast %broadcast_in_dim3A_1559 : vector<512x1xi1> to vector<512x128xi1>
    %select_n3A_1561 = arith.select %broadcast_in_dim3A_1560, %slice3A, %select_n3A_1555 : vector<512x128xi1>, vector<512x128xf32>
    %mul3A_1562 = arith.constant 128 : i32
    %mul3A_1563 = vector.broadcast %mul3A_1562 : i32 to vector<512x1xi32>
    %mul3A_1564 = arith.muli %broadcast_in_dim3A_1375, %mul3A_1563 : vector<512x1xi32>
    %add3A_1565 = vector.broadcast %mul3A_1564 : vector<512x1xi32> to vector<512x128xi32>
    %add3A_1566 = arith.addi %add3A_1565, %iota3A_146 : vector<512x128xi32>
    %eq3A_1567 = vector.broadcast %add3A_354 : vector<512x1xi32> to vector<512x128xi32>
    %eq3A_1568 = arith.cmpi eq, %add3A_1566, %eq3A_1567 : vector<512x128xi32>
    %jit3A_1569 = arith.constant 0x7F800000 : f32
    %broadcast_in_dim3A_1570 = vector.broadcast %jit3A_1569 : f32 to vector<512x128xf32>
    %select_n3A_1571 = arith.select %eq3A_1568, %broadcast_in_dim3A_1570, %select_n3A_1561 : vector<512x128xi1>, vector<512x128xf32>
    %eq3A_1572 = vector.broadcast %add3A_593 : vector<512x1xi32> to vector<512x128xi32>
    %eq3A_1573 = arith.cmpi eq, %add3A_1566, %eq3A_1572 : vector<512x128xi32>
    %jit3A_1574 = arith.constant 0x7F800000 : f32
    %broadcast_in_dim3A_1575 = vector.broadcast %jit3A_1574 : f32 to vector<512x128xf32>
    %select_n3A_1576 = arith.select %eq3A_1573, %broadcast_in_dim3A_1575, %select_n3A_1571 : vector<512x128xi1>, vector<512x128xf32>
    %eq3A_1577 = vector.broadcast %add3A_838 : vector<512x1xi32> to vector<512x128xi32>
    %eq3A_1578 = arith.cmpi eq, %add3A_1566, %eq3A_1577 : vector<512x128xi32>
    %jit3A_1579 = arith.constant 0x7F800000 : f32
    %broadcast_in_dim3A_1580 = vector.broadcast %jit3A_1579 : f32 to vector<512x128xf32>
    %select_n3A_1581 = arith.select %eq3A_1578, %broadcast_in_dim3A_1580, %select_n3A_1576 : vector<512x128xi1>, vector<512x128xf32>
    %eq3A_1582 = vector.broadcast %add3A_1088 : vector<512x1xi32> to vector<512x128xi32>
    %eq3A_1583 = arith.cmpi eq, %add3A_1566, %eq3A_1582 : vector<512x128xi32>
    %jit3A_1584 = arith.constant 0x7F800000 : f32
    %broadcast_in_dim3A_1585 = vector.broadcast %jit3A_1584 : f32 to vector<512x128xf32>
    %select_n3A_1586 = arith.select %eq3A_1583, %broadcast_in_dim3A_1585, %select_n3A_1581 : vector<512x128xi1>, vector<512x128xf32>
    %eq3A_1587 = vector.broadcast %add3A_1343 : vector<512x1xi32> to vector<512x128xi32>
    %eq3A_1588 = arith.cmpi eq, %add3A_1566, %eq3A_1587 : vector<512x128xi32>
    %jit3A_1589 = arith.constant 0x7F800000 : f32
    %broadcast_in_dim3A_1590 = vector.broadcast %jit3A_1589 : f32 to vector<512x128xf32>
    %select_n3A_1591 = arith.select %eq3A_1588, %broadcast_in_dim3A_1590, %select_n3A_1586 : vector<512x128xi1>, vector<512x128xf32>
    %eq3A_1592 = vector.broadcast %broadcast_in_dim3A_1367 : vector<512x1xf32> to vector<512x128xf32>
    %eq3A_1593 = arith.cmpf oeq, %select_n3A_1591, %eq3A_1592 : vector<512x128xf32>
    %jit3A_1594 = arith.constant 128 : i32
    %broadcast_in_dim3A_1595 = vector.broadcast %jit3A_1594 : i32 to vector<512x128xi32>
    %select_n3A_1596 = arith.select %eq3A_1593, %iota3A_146, %broadcast_in_dim3A_1595 : vector<512x128xi1>, vector<512x128xi32>
    %reduce_min3A_1597 = arith.constant dense<2147483647> : vector<512xi32>
    %reduce_min3A_1598 = vector.multi_reduction <minsi>, %select_n3A_1596, %reduce_min3A_1597 [1] : vector<512x128xi32> to vector<512xi32>
    %broadcast_in_dim3A_1599 = vector.shape_cast %reduce_min3A_1598 : vector<512xi32> to vector<512x1xi32>
    %mul3A_1600 = arith.constant 128 : i32
    %mul3A_1601 = vector.broadcast %mul3A_1600 : i32 to vector<512x1xi32>
    %mul3A_1602 = arith.muli %broadcast_in_dim3A_1375, %mul3A_1601 : vector<512x1xi32>
    %add3A_1603 = arith.addi %mul3A_1602, %broadcast_in_dim3A_1599 : vector<512x1xi32>
    %add3A_1604 = vector.broadcast %mul3A_148 : i32 to vector<512x1xi32>
    %add3A_1605 = arith.addi %add3A_1603, %add3A_1604 : vector<512x1xi32>
    %swap3A_1606 = arith.constant 0 : index
    %swap3A_1607 = arith.constant 0 : index
    %swap3A_1608 = arith.constant 5 : index
    %swap3A_1609 = vector.load %arg4[%swap3A_1606, %swap3A_1607, %swap3A_1608] : memref<1x512x16xi32, #tpu.memory_space<vmem>>, vector<1x512x1xi32>
    %swap3A_1610 = vector.shape_cast %swap3A_1609 : vector<1x512x1xi32> to vector<512x1xi32>
    %swap3A_1611 = vector.shape_cast %add3A_1605 : vector<512x1xi32> to vector<1x512x1xi32>
    tpu.vector_store %arg4[%swap3A_1606, %swap3A_1607, %swap3A_1608], %swap3A_1611 {strides = array<i32>} : memref<1x512x16xi32, #tpu.memory_space<vmem>>, vector<1x512x1xi32>,
    %eq3A_1612 = vector.broadcast %broadcast_in_dim3A_1599 : vector<512x1xi32> to vector<512x128xi32>
    %eq3A_1613 = arith.cmpi eq, %iota3A_146, %eq3A_1612 : vector<512x128xi32>
    %jit3A_1614 = arith.constant 0x7F800000 : f32
    %broadcast_in_dim3A_1615 = vector.broadcast %jit3A_1614 : f32 to vector<512x128xf32>
    %select_n3A_1616 = arith.select %eq3A_1613, %broadcast_in_dim3A_1615, %select_n3A_1591 : vector<512x128xi1>, vector<512x128xf32>
    %reduce_min3A_1617 = arith.constant dense<0x7F800000> : vector<512xf32>
    %reduce_min3A_1618 = vector.multi_reduction <minimumf>, %select_n3A_1616, %reduce_min3A_1617 [1] : vector<512x128xf32> to vector<512xf32>
    %broadcast_in_dim3A_1619 = vector.shape_cast %reduce_min3A_1618 : vector<512xf32> to vector<512x1xf32>
    %eq3A_1620 = vector.broadcast %broadcast_in_dim3A_1375 : vector<512x1xi32> to vector<512x32xi32>
    %eq3A_1621 = arith.cmpi eq, %iota3A, %eq3A_1620 : vector<512x32xi32>
    %broadcast_in_dim3A_1622 = vector.shape_cast %broadcast_in_dim3A_1619 : vector<512x1xf32> to vector<512x1xf32>
    %broadcast_in_dim3A_1623 = vector.broadcast %broadcast_in_dim3A_1622 : vector<512x1xf32> to vector<512x32xf32>
    %select_n3A_1624 = arith.select %eq3A_1621, %broadcast_in_dim3A_1623, %select_n3A_1364 : vector<512x32xi1>, vector<512x32xf32>
    %reduce_min3A_1625 = arith.constant dense<0x7F800000> : vector<512xf32>
    %reduce_min3A_1626 = vector.multi_reduction <minimumf>, %select_n3A_1624, %reduce_min3A_1625 [1] : vector<512x32xf32> to vector<512xf32>
    %broadcast_in_dim3A_1627 = vector.shape_cast %reduce_min3A_1626 : vector<512xf32> to vector<512x1xf32>
    %eq3A_1628 = vector.broadcast %broadcast_in_dim3A_1627 : vector<512x1xf32> to vector<512x32xf32>
    %eq3A_1629 = arith.cmpf oeq, %select_n3A_1624, %eq3A_1628 : vector<512x32xf32>
    %jit3A_1630 = arith.constant 32 : i32
    %broadcast_in_dim3A_1631 = vector.broadcast %jit3A_1630 : i32 to vector<512x32xi32>
    %select_n3A_1632 = arith.select %eq3A_1629, %iota3A, %broadcast_in_dim3A_1631 : vector<512x32xi1>, vector<512x32xi32>
    %reduce_min3A_1633 = arith.constant dense<2147483647> : vector<512xi32>
    %reduce_min3A_1634 = vector.multi_reduction <minsi>, %select_n3A_1632, %reduce_min3A_1633 [1] : vector<512x32xi32> to vector<512xi32>
    %broadcast_in_dim3A_1635 = vector.shape_cast %reduce_min3A_1634 : vector<512xi32> to vector<512x1xi32>
    %eq3A_1636 = arith.constant 30 : i32
    %eq3A_1637 = vector.broadcast %eq3A_1636 : i32 to vector<512x1xi32>
    %eq3A_1638 = arith.cmpi eq, %broadcast_in_dim3A_1635, %eq3A_1637 : vector<512x1xi32>
    %broadcast_in_dim3A_1639 = vector.shape_cast %eq3A_1638 : vector<512x1xi1> to vector<512x1xi1>
    %broadcast_in_dim3A_1640 = vector.broadcast %broadcast_in_dim3A_1639 : vector<512x1xi1> to vector<512x128xi1>
    %select_n3A_1641 = arith.select %broadcast_in_dim3A_1640, %slice3A_49, %slice3A_50 : vector<512x128xi1>, vector<512x128xf32>
    %eq3A_1642 = arith.constant 29 : i32
    %eq3A_1643 = vector.broadcast %eq3A_1642 : i32 to vector<512x1xi32>
    %eq3A_1644 = arith.cmpi eq, %broadcast_in_dim3A_1635, %eq3A_1643 : vector<512x1xi32>
    %broadcast_in_dim3A_1645 = vector.shape_cast %eq3A_1644 : vector<512x1xi1> to vector<512x1xi1>
    %broadcast_in_dim3A_1646 = vector.broadcast %broadcast_in_dim3A_1645 : vector<512x1xi1> to vector<512x128xi1>
    %select_n3A_1647 = arith.select %broadcast_in_dim3A_1646, %slice3A_48, %select_n3A_1641 : vector<512x128xi1>, vector<512x128xf32>
    %eq3A_1648 = arith.constant 28 : i32
    %eq3A_1649 = vector.broadcast %eq3A_1648 : i32 to vector<512x1xi32>
    %eq3A_1650 = arith.cmpi eq, %broadcast_in_dim3A_1635, %eq3A_1649 : vector<512x1xi32>
    %broadcast_in_dim3A_1651 = vector.shape_cast %eq3A_1650 : vector<512x1xi1> to vector<512x1xi1>
    %broadcast_in_dim3A_1652 = vector.broadcast %broadcast_in_dim3A_1651 : vector<512x1xi1> to vector<512x128xi1>
    %select_n3A_1653 = arith.select %broadcast_in_dim3A_1652, %slice3A_47, %select_n3A_1647 : vector<512x128xi1>, vector<512x128xf32>
    %eq3A_1654 = arith.constant 27 : i32
    %eq3A_1655 = vector.broadcast %eq3A_1654 : i32 to vector<512x1xi32>
    %eq3A_1656 = arith.cmpi eq, %broadcast_in_dim3A_1635, %eq3A_1655 : vector<512x1xi32>
    %broadcast_in_dim3A_1657 = vector.shape_cast %eq3A_1656 : vector<512x1xi1> to vector<512x1xi1>
    %broadcast_in_dim3A_1658 = vector.broadcast %broadcast_in_dim3A_1657 : vector<512x1xi1> to vector<512x128xi1>
    %select_n3A_1659 = arith.select %broadcast_in_dim3A_1658, %slice3A_46, %select_n3A_1653 : vector<512x128xi1>, vector<512x128xf32>
    %eq3A_1660 = arith.constant 26 : i32
    %eq3A_1661 = vector.broadcast %eq3A_1660 : i32 to vector<512x1xi32>
    %eq3A_1662 = arith.cmpi eq, %broadcast_in_dim3A_1635, %eq3A_1661 : vector<512x1xi32>
    %broadcast_in_dim3A_1663 = vector.shape_cast %eq3A_1662 : vector<512x1xi1> to vector<512x1xi1>
    %broadcast_in_dim3A_1664 = vector.broadcast %broadcast_in_dim3A_1663 : vector<512x1xi1> to vector<512x128xi1>
    %select_n3A_1665 = arith.select %broadcast_in_dim3A_1664, %slice3A_45, %select_n3A_1659 : vector<512x128xi1>, vector<512x128xf32>
    %eq3A_1666 = arith.constant 25 : i32
    %eq3A_1667 = vector.broadcast %eq3A_1666 : i32 to vector<512x1xi32>
    %eq3A_1668 = arith.cmpi eq, %broadcast_in_dim3A_1635, %eq3A_1667 : vector<512x1xi32>
    %broadcast_in_dim3A_1669 = vector.shape_cast %eq3A_1668 : vector<512x1xi1> to vector<512x1xi1>
    %broadcast_in_dim3A_1670 = vector.broadcast %broadcast_in_dim3A_1669 : vector<512x1xi1> to vector<512x128xi1>
    %select_n3A_1671 = arith.select %broadcast_in_dim3A_1670, %slice3A_44, %select_n3A_1665 : vector<512x128xi1>, vector<512x128xf32>
    %eq3A_1672 = arith.constant 24 : i32
    %eq3A_1673 = vector.broadcast %eq3A_1672 : i32 to vector<512x1xi32>
    %eq3A_1674 = arith.cmpi eq, %broadcast_in_dim3A_1635, %eq3A_1673 : vector<512x1xi32>
    %broadcast_in_dim3A_1675 = vector.shape_cast %eq3A_1674 : vector<512x1xi1> to vector<512x1xi1>
    %broadcast_in_dim3A_1676 = vector.broadcast %broadcast_in_dim3A_1675 : vector<512x1xi1> to vector<512x128xi1>
    %select_n3A_1677 = arith.select %broadcast_in_dim3A_1676, %slice3A_43, %select_n3A_1671 : vector<512x128xi1>, vector<512x128xf32>
    %eq3A_1678 = arith.constant 23 : i32
    %eq3A_1679 = vector.broadcast %eq3A_1678 : i32 to vector<512x1xi32>
    %eq3A_1680 = arith.cmpi eq, %broadcast_in_dim3A_1635, %eq3A_1679 : vector<512x1xi32>
    %broadcast_in_dim3A_1681 = vector.shape_cast %eq3A_1680 : vector<512x1xi1> to vector<512x1xi1>
    %broadcast_in_dim3A_1682 = vector.broadcast %broadcast_in_dim3A_1681 : vector<512x1xi1> to vector<512x128xi1>
    %select_n3A_1683 = arith.select %broadcast_in_dim3A_1682, %slice3A_42, %select_n3A_1677 : vector<512x128xi1>, vector<512x128xf32>
    %eq3A_1684 = arith.constant 22 : i32
    %eq3A_1685 = vector.broadcast %eq3A_1684 : i32 to vector<512x1xi32>
    %eq3A_1686 = arith.cmpi eq, %broadcast_in_dim3A_1635, %eq3A_1685 : vector<512x1xi32>
    %broadcast_in_dim3A_1687 = vector.shape_cast %eq3A_1686 : vector<512x1xi1> to vector<512x1xi1>
    %broadcast_in_dim3A_1688 = vector.broadcast %broadcast_in_dim3A_1687 : vector<512x1xi1> to vector<512x128xi1>
    %select_n3A_1689 = arith.select %broadcast_in_dim3A_1688, %slice3A_41, %select_n3A_1683 : vector<512x128xi1>, vector<512x128xf32>
    %eq3A_1690 = arith.constant 21 : i32
    %eq3A_1691 = vector.broadcast %eq3A_1690 : i32 to vector<512x1xi32>
    %eq3A_1692 = arith.cmpi eq, %broadcast_in_dim3A_1635, %eq3A_1691 : vector<512x1xi32>
    %broadcast_in_dim3A_1693 = vector.shape_cast %eq3A_1692 : vector<512x1xi1> to vector<512x1xi1>
    %broadcast_in_dim3A_1694 = vector.broadcast %broadcast_in_dim3A_1693 : vector<512x1xi1> to vector<512x128xi1>
    %select_n3A_1695 = arith.select %broadcast_in_dim3A_1694, %slice3A_40, %select_n3A_1689 : vector<512x128xi1>, vector<512x128xf32>
    %eq3A_1696 = arith.constant 20 : i32
    %eq3A_1697 = vector.broadcast %eq3A_1696 : i32 to vector<512x1xi32>
    %eq3A_1698 = arith.cmpi eq, %broadcast_in_dim3A_1635, %eq3A_1697 : vector<512x1xi32>
    %broadcast_in_dim3A_1699 = vector.shape_cast %eq3A_1698 : vector<512x1xi1> to vector<512x1xi1>
    %broadcast_in_dim3A_1700 = vector.broadcast %broadcast_in_dim3A_1699 : vector<512x1xi1> to vector<512x128xi1>
    %select_n3A_1701 = arith.select %broadcast_in_dim3A_1700, %slice3A_39, %select_n3A_1695 : vector<512x128xi1>, vector<512x128xf32>
    %eq3A_1702 = arith.constant 19 : i32
    %eq3A_1703 = vector.broadcast %eq3A_1702 : i32 to vector<512x1xi32>
    %eq3A_1704 = arith.cmpi eq, %broadcast_in_dim3A_1635, %eq3A_1703 : vector<512x1xi32>
    %broadcast_in_dim3A_1705 = vector.shape_cast %eq3A_1704 : vector<512x1xi1> to vector<512x1xi1>
    %broadcast_in_dim3A_1706 = vector.broadcast %broadcast_in_dim3A_1705 : vector<512x1xi1> to vector<512x128xi1>
    %select_n3A_1707 = arith.select %broadcast_in_dim3A_1706, %slice3A_38, %select_n3A_1701 : vector<512x128xi1>, vector<512x128xf32>
    %eq3A_1708 = arith.constant 18 : i32
    %eq3A_1709 = vector.broadcast %eq3A_1708 : i32 to vector<512x1xi32>
    %eq3A_1710 = arith.cmpi eq, %broadcast_in_dim3A_1635, %eq3A_1709 : vector<512x1xi32>
    %broadcast_in_dim3A_1711 = vector.shape_cast %eq3A_1710 : vector<512x1xi1> to vector<512x1xi1>
    %broadcast_in_dim3A_1712 = vector.broadcast %broadcast_in_dim3A_1711 : vector<512x1xi1> to vector<512x128xi1>
    %select_n3A_1713 = arith.select %broadcast_in_dim3A_1712, %slice3A_37, %select_n3A_1707 : vector<512x128xi1>, vector<512x128xf32>
    %eq3A_1714 = arith.constant 17 : i32
    %eq3A_1715 = vector.broadcast %eq3A_1714 : i32 to vector<512x1xi32>
    %eq3A_1716 = arith.cmpi eq, %broadcast_in_dim3A_1635, %eq3A_1715 : vector<512x1xi32>
    %broadcast_in_dim3A_1717 = vector.shape_cast %eq3A_1716 : vector<512x1xi1> to vector<512x1xi1>
    %broadcast_in_dim3A_1718 = vector.broadcast %broadcast_in_dim3A_1717 : vector<512x1xi1> to vector<512x128xi1>
    %select_n3A_1719 = arith.select %broadcast_in_dim3A_1718, %slice3A_36, %select_n3A_1713 : vector<512x128xi1>, vector<512x128xf32>
    %eq3A_1720 = arith.constant 16 : i32
    %eq3A_1721 = vector.broadcast %eq3A_1720 : i32 to vector<512x1xi32>
    %eq3A_1722 = arith.cmpi eq, %broadcast_in_dim3A_1635, %eq3A_1721 : vector<512x1xi32>
    %broadcast_in_dim3A_1723 = vector.shape_cast %eq3A_1722 : vector<512x1xi1> to vector<512x1xi1>
    %broadcast_in_dim3A_1724 = vector.broadcast %broadcast_in_dim3A_1723 : vector<512x1xi1> to vector<512x128xi1>
    %select_n3A_1725 = arith.select %broadcast_in_dim3A_1724, %slice3A_35, %select_n3A_1719 : vector<512x128xi1>, vector<512x128xf32>
    %eq3A_1726 = arith.constant 15 : i32
    %eq3A_1727 = vector.broadcast %eq3A_1726 : i32 to vector<512x1xi32>
    %eq3A_1728 = arith.cmpi eq, %broadcast_in_dim3A_1635, %eq3A_1727 : vector<512x1xi32>
    %broadcast_in_dim3A_1729 = vector.shape_cast %eq3A_1728 : vector<512x1xi1> to vector<512x1xi1>
    %broadcast_in_dim3A_1730 = vector.broadcast %broadcast_in_dim3A_1729 : vector<512x1xi1> to vector<512x128xi1>
    %select_n3A_1731 = arith.select %broadcast_in_dim3A_1730, %slice3A_34, %select_n3A_1725 : vector<512x128xi1>, vector<512x128xf32>
    %eq3A_1732 = arith.constant 14 : i32
    %eq3A_1733 = vector.broadcast %eq3A_1732 : i32 to vector<512x1xi32>
    %eq3A_1734 = arith.cmpi eq, %broadcast_in_dim3A_1635, %eq3A_1733 : vector<512x1xi32>
    %broadcast_in_dim3A_1735 = vector.shape_cast %eq3A_1734 : vector<512x1xi1> to vector<512x1xi1>
    %broadcast_in_dim3A_1736 = vector.broadcast %broadcast_in_dim3A_1735 : vector<512x1xi1> to vector<512x128xi1>
    %select_n3A_1737 = arith.select %broadcast_in_dim3A_1736, %slice3A_33, %select_n3A_1731 : vector<512x128xi1>, vector<512x128xf32>
    %eq3A_1738 = arith.constant 13 : i32
    %eq3A_1739 = vector.broadcast %eq3A_1738 : i32 to vector<512x1xi32>
    %eq3A_1740 = arith.cmpi eq, %broadcast_in_dim3A_1635, %eq3A_1739 : vector<512x1xi32>
    %broadcast_in_dim3A_1741 = vector.shape_cast %eq3A_1740 : vector<512x1xi1> to vector<512x1xi1>
    %broadcast_in_dim3A_1742 = vector.broadcast %broadcast_in_dim3A_1741 : vector<512x1xi1> to vector<512x128xi1>
    %select_n3A_1743 = arith.select %broadcast_in_dim3A_1742, %slice3A_32, %select_n3A_1737 : vector<512x128xi1>, vector<512x128xf32>
    %eq3A_1744 = arith.constant 12 : i32
    %eq3A_1745 = vector.broadcast %eq3A_1744 : i32 to vector<512x1xi32>
    %eq3A_1746 = arith.cmpi eq, %broadcast_in_dim3A_1635, %eq3A_1745 : vector<512x1xi32>
    %broadcast_in_dim3A_1747 = vector.shape_cast %eq3A_1746 : vector<512x1xi1> to vector<512x1xi1>
    %broadcast_in_dim3A_1748 = vector.broadcast %broadcast_in_dim3A_1747 : vector<512x1xi1> to vector<512x128xi1>
    %select_n3A_1749 = arith.select %broadcast_in_dim3A_1748, %slice3A_31, %select_n3A_1743 : vector<512x128xi1>, vector<512x128xf32>
    %eq3A_1750 = arith.constant 11 : i32
    %eq3A_1751 = vector.broadcast %eq3A_1750 : i32 to vector<512x1xi32>
    %eq3A_1752 = arith.cmpi eq, %broadcast_in_dim3A_1635, %eq3A_1751 : vector<512x1xi32>
    %broadcast_in_dim3A_1753 = vector.shape_cast %eq3A_1752 : vector<512x1xi1> to vector<512x1xi1>
    %broadcast_in_dim3A_1754 = vector.broadcast %broadcast_in_dim3A_1753 : vector<512x1xi1> to vector<512x128xi1>
    %select_n3A_1755 = arith.select %broadcast_in_dim3A_1754, %slice3A_30, %select_n3A_1749 : vector<512x128xi1>, vector<512x128xf32>
    %eq3A_1756 = arith.constant 10 : i32
    %eq3A_1757 = vector.broadcast %eq3A_1756 : i32 to vector<512x1xi32>
    %eq3A_1758 = arith.cmpi eq, %broadcast_in_dim3A_1635, %eq3A_1757 : vector<512x1xi32>
    %broadcast_in_dim3A_1759 = vector.shape_cast %eq3A_1758 : vector<512x1xi1> to vector<512x1xi1>
    %broadcast_in_dim3A_1760 = vector.broadcast %broadcast_in_dim3A_1759 : vector<512x1xi1> to vector<512x128xi1>
    %select_n3A_1761 = arith.select %broadcast_in_dim3A_1760, %slice3A_29, %select_n3A_1755 : vector<512x128xi1>, vector<512x128xf32>
    %eq3A_1762 = arith.constant 9 : i32
    %eq3A_1763 = vector.broadcast %eq3A_1762 : i32 to vector<512x1xi32>
    %eq3A_1764 = arith.cmpi eq, %broadcast_in_dim3A_1635, %eq3A_1763 : vector<512x1xi32>
    %broadcast_in_dim3A_1765 = vector.shape_cast %eq3A_1764 : vector<512x1xi1> to vector<512x1xi1>
    %broadcast_in_dim3A_1766 = vector.broadcast %broadcast_in_dim3A_1765 : vector<512x1xi1> to vector<512x128xi1>
    %select_n3A_1767 = arith.select %broadcast_in_dim3A_1766, %slice3A_28, %select_n3A_1761 : vector<512x128xi1>, vector<512x128xf32>
    %eq3A_1768 = arith.constant 8 : i32
    %eq3A_1769 = vector.broadcast %eq3A_1768 : i32 to vector<512x1xi32>
    %eq3A_1770 = arith.cmpi eq, %broadcast_in_dim3A_1635, %eq3A_1769 : vector<512x1xi32>
    %broadcast_in_dim3A_1771 = vector.shape_cast %eq3A_1770 : vector<512x1xi1> to vector<512x1xi1>
    %broadcast_in_dim3A_1772 = vector.broadcast %broadcast_in_dim3A_1771 : vector<512x1xi1> to vector<512x128xi1>
    %select_n3A_1773 = arith.select %broadcast_in_dim3A_1772, %slice3A_27, %select_n3A_1767 : vector<512x128xi1>, vector<512x128xf32>
    %eq3A_1774 = arith.constant 7 : i32
    %eq3A_1775 = vector.broadcast %eq3A_1774 : i32 to vector<512x1xi32>
    %eq3A_1776 = arith.cmpi eq, %broadcast_in_dim3A_1635, %eq3A_1775 : vector<512x1xi32>
    %broadcast_in_dim3A_1777 = vector.shape_cast %eq3A_1776 : vector<512x1xi1> to vector<512x1xi1>
    %broadcast_in_dim3A_1778 = vector.broadcast %broadcast_in_dim3A_1777 : vector<512x1xi1> to vector<512x128xi1>
    %select_n3A_1779 = arith.select %broadcast_in_dim3A_1778, %slice3A_26, %select_n3A_1773 : vector<512x128xi1>, vector<512x128xf32>
    %eq3A_1780 = arith.constant 6 : i32
    %eq3A_1781 = vector.broadcast %eq3A_1780 : i32 to vector<512x1xi32>
    %eq3A_1782 = arith.cmpi eq, %broadcast_in_dim3A_1635, %eq3A_1781 : vector<512x1xi32>
    %broadcast_in_dim3A_1783 = vector.shape_cast %eq3A_1782 : vector<512x1xi1> to vector<512x1xi1>
    %broadcast_in_dim3A_1784 = vector.broadcast %broadcast_in_dim3A_1783 : vector<512x1xi1> to vector<512x128xi1>
    %select_n3A_1785 = arith.select %broadcast_in_dim3A_1784, %slice3A_25, %select_n3A_1779 : vector<512x128xi1>, vector<512x128xf32>
    %eq3A_1786 = arith.constant 5 : i32
    %eq3A_1787 = vector.broadcast %eq3A_1786 : i32 to vector<512x1xi32>
    %eq3A_1788 = arith.cmpi eq, %broadcast_in_dim3A_1635, %eq3A_1787 : vector<512x1xi32>
    %broadcast_in_dim3A_1789 = vector.shape_cast %eq3A_1788 : vector<512x1xi1> to vector<512x1xi1>
    %broadcast_in_dim3A_1790 = vector.broadcast %broadcast_in_dim3A_1789 : vector<512x1xi1> to vector<512x128xi1>
    %select_n3A_1791 = arith.select %broadcast_in_dim3A_1790, %slice3A_24, %select_n3A_1785 : vector<512x128xi1>, vector<512x128xf32>
    %eq3A_1792 = arith.constant 4 : i32
    %eq3A_1793 = vector.broadcast %eq3A_1792 : i32 to vector<512x1xi32>
    %eq3A_1794 = arith.cmpi eq, %broadcast_in_dim3A_1635, %eq3A_1793 : vector<512x1xi32>
    %broadcast_in_dim3A_1795 = vector.shape_cast %eq3A_1794 : vector<512x1xi1> to vector<512x1xi1>
    %broadcast_in_dim3A_1796 = vector.broadcast %broadcast_in_dim3A_1795 : vector<512x1xi1> to vector<512x128xi1>
    %select_n3A_1797 = arith.select %broadcast_in_dim3A_1796, %slice3A_23, %select_n3A_1791 : vector<512x128xi1>, vector<512x128xf32>
    %eq3A_1798 = arith.constant 3 : i32
    %eq3A_1799 = vector.broadcast %eq3A_1798 : i32 to vector<512x1xi32>
    %eq3A_1800 = arith.cmpi eq, %broadcast_in_dim3A_1635, %eq3A_1799 : vector<512x1xi32>
    %broadcast_in_dim3A_1801 = vector.shape_cast %eq3A_1800 : vector<512x1xi1> to vector<512x1xi1>
    %broadcast_in_dim3A_1802 = vector.broadcast %broadcast_in_dim3A_1801 : vector<512x1xi1> to vector<512x128xi1>
    %select_n3A_1803 = arith.select %broadcast_in_dim3A_1802, %slice3A_22, %select_n3A_1797 : vector<512x128xi1>, vector<512x128xf32>
    %eq3A_1804 = arith.constant 2 : i32
    %eq3A_1805 = vector.broadcast %eq3A_1804 : i32 to vector<512x1xi32>
    %eq3A_1806 = arith.cmpi eq, %broadcast_in_dim3A_1635, %eq3A_1805 : vector<512x1xi32>
    %broadcast_in_dim3A_1807 = vector.shape_cast %eq3A_1806 : vector<512x1xi1> to vector<512x1xi1>
    %broadcast_in_dim3A_1808 = vector.broadcast %broadcast_in_dim3A_1807 : vector<512x1xi1> to vector<512x128xi1>
    %select_n3A_1809 = arith.select %broadcast_in_dim3A_1808, %slice3A_21, %select_n3A_1803 : vector<512x128xi1>, vector<512x128xf32>
    %eq3A_1810 = arith.constant 1 : i32
    %eq3A_1811 = vector.broadcast %eq3A_1810 : i32 to vector<512x1xi32>
    %eq3A_1812 = arith.cmpi eq, %broadcast_in_dim3A_1635, %eq3A_1811 : vector<512x1xi32>
    %broadcast_in_dim3A_1813 = vector.shape_cast %eq3A_1812 : vector<512x1xi1> to vector<512x1xi1>
    %broadcast_in_dim3A_1814 = vector.broadcast %broadcast_in_dim3A_1813 : vector<512x1xi1> to vector<512x128xi1>
    %select_n3A_1815 = arith.select %broadcast_in_dim3A_1814, %slice3A_20, %select_n3A_1809 : vector<512x128xi1>, vector<512x128xf32>
    %eq3A_1816 = arith.constant 0 : i32
    %eq3A_1817 = vector.broadcast %eq3A_1816 : i32 to vector<512x1xi32>
    %eq3A_1818 = arith.cmpi eq, %broadcast_in_dim3A_1635, %eq3A_1817 : vector<512x1xi32>
    %broadcast_in_dim3A_1819 = vector.shape_cast %eq3A_1818 : vector<512x1xi1> to vector<512x1xi1>
    %broadcast_in_dim3A_1820 = vector.broadcast %broadcast_in_dim3A_1819 : vector<512x1xi1> to vector<512x128xi1>
    %select_n3A_1821 = arith.select %broadcast_in_dim3A_1820, %slice3A, %select_n3A_1815 : vector<512x128xi1>, vector<512x128xf32>
    %mul3A_1822 = arith.constant 128 : i32
    %mul3A_1823 = vector.broadcast %mul3A_1822 : i32 to vector<512x1xi32>
    %mul3A_1824 = arith.muli %broadcast_in_dim3A_1635, %mul3A_1823 : vector<512x1xi32>
    %add3A_1825 = vector.broadcast %mul3A_1824 : vector<512x1xi32> to vector<512x128xi32>
    %add3A_1826 = arith.addi %add3A_1825, %iota3A_146 : vector<512x128xi32>
    %eq3A_1827 = vector.broadcast %add3A_354 : vector<512x1xi32> to vector<512x128xi32>
    %eq3A_1828 = arith.cmpi eq, %add3A_1826, %eq3A_1827 : vector<512x128xi32>
    %jit3A_1829 = arith.constant 0x7F800000 : f32
    %broadcast_in_dim3A_1830 = vector.broadcast %jit3A_1829 : f32 to vector<512x128xf32>
    %select_n3A_1831 = arith.select %eq3A_1828, %broadcast_in_dim3A_1830, %select_n3A_1821 : vector<512x128xi1>, vector<512x128xf32>
    %eq3A_1832 = vector.broadcast %add3A_593 : vector<512x1xi32> to vector<512x128xi32>
    %eq3A_1833 = arith.cmpi eq, %add3A_1826, %eq3A_1832 : vector<512x128xi32>
    %jit3A_1834 = arith.constant 0x7F800000 : f32
    %broadcast_in_dim3A_1835 = vector.broadcast %jit3A_1834 : f32 to vector<512x128xf32>
    %select_n3A_1836 = arith.select %eq3A_1833, %broadcast_in_dim3A_1835, %select_n3A_1831 : vector<512x128xi1>, vector<512x128xf32>
    %eq3A_1837 = vector.broadcast %add3A_838 : vector<512x1xi32> to vector<512x128xi32>
    %eq3A_1838 = arith.cmpi eq, %add3A_1826, %eq3A_1837 : vector<512x128xi32>
    %jit3A_1839 = arith.constant 0x7F800000 : f32
    %broadcast_in_dim3A_1840 = vector.broadcast %jit3A_1839 : f32 to vector<512x128xf32>
    %select_n3A_1841 = arith.select %eq3A_1838, %broadcast_in_dim3A_1840, %select_n3A_1836 : vector<512x128xi1>, vector<512x128xf32>
    %eq3A_1842 = vector.broadcast %add3A_1088 : vector<512x1xi32> to vector<512x128xi32>
    %eq3A_1843 = arith.cmpi eq, %add3A_1826, %eq3A_1842 : vector<512x128xi32>
    %jit3A_1844 = arith.constant 0x7F800000 : f32
    %broadcast_in_dim3A_1845 = vector.broadcast %jit3A_1844 : f32 to vector<512x128xf32>
    %select_n3A_1846 = arith.select %eq3A_1843, %broadcast_in_dim3A_1845, %select_n3A_1841 : vector<512x128xi1>, vector<512x128xf32>
    %eq3A_1847 = vector.broadcast %add3A_1343 : vector<512x1xi32> to vector<512x128xi32>
    %eq3A_1848 = arith.cmpi eq, %add3A_1826, %eq3A_1847 : vector<512x128xi32>
    %jit3A_1849 = arith.constant 0x7F800000 : f32
    %broadcast_in_dim3A_1850 = vector.broadcast %jit3A_1849 : f32 to vector<512x128xf32>
    %select_n3A_1851 = arith.select %eq3A_1848, %broadcast_in_dim3A_1850, %select_n3A_1846 : vector<512x128xi1>, vector<512x128xf32>
    %eq3A_1852 = vector.broadcast %add3A_1603 : vector<512x1xi32> to vector<512x128xi32>
    %eq3A_1853 = arith.cmpi eq, %add3A_1826, %eq3A_1852 : vector<512x128xi32>
    %jit3A_1854 = arith.constant 0x7F800000 : f32
    %broadcast_in_dim3A_1855 = vector.broadcast %jit3A_1854 : f32 to vector<512x128xf32>
    %select_n3A_1856 = arith.select %eq3A_1853, %broadcast_in_dim3A_1855, %select_n3A_1851 : vector<512x128xi1>, vector<512x128xf32>
    %eq3A_1857 = vector.broadcast %broadcast_in_dim3A_1627 : vector<512x1xf32> to vector<512x128xf32>
    %eq3A_1858 = arith.cmpf oeq, %select_n3A_1856, %eq3A_1857 : vector<512x128xf32>
    %jit3A_1859 = arith.constant 128 : i32
    %broadcast_in_dim3A_1860 = vector.broadcast %jit3A_1859 : i32 to vector<512x128xi32>
    %select_n3A_1861 = arith.select %eq3A_1858, %iota3A_146, %broadcast_in_dim3A_1860 : vector<512x128xi1>, vector<512x128xi32>
    %reduce_min3A_1862 = arith.constant dense<2147483647> : vector<512xi32>
    %reduce_min3A_1863 = vector.multi_reduction <minsi>, %select_n3A_1861, %reduce_min3A_1862 [1] : vector<512x128xi32> to vector<512xi32>
    %broadcast_in_dim3A_1864 = vector.shape_cast %reduce_min3A_1863 : vector<512xi32> to vector<512x1xi32>
    %mul3A_1865 = arith.constant 128 : i32
    %mul3A_1866 = vector.broadcast %mul3A_1865 : i32 to vector<512x1xi32>
    %mul3A_1867 = arith.muli %broadcast_in_dim3A_1635, %mul3A_1866 : vector<512x1xi32>
    %add3A_1868 = arith.addi %mul3A_1867, %broadcast_in_dim3A_1864 : vector<512x1xi32>
    %add3A_1869 = vector.broadcast %mul3A_148 : i32 to vector<512x1xi32>
    %add3A_1870 = arith.addi %add3A_1868, %add3A_1869 : vector<512x1xi32>
    %swap3A_1871 = arith.constant 0 : index
    %swap3A_1872 = arith.constant 0 : index
    %swap3A_1873 = arith.constant 6 : index
    %swap3A_1874 = vector.load %arg4[%swap3A_1871, %swap3A_1872, %swap3A_1873] : memref<1x512x16xi32, #tpu.memory_space<vmem>>, vector<1x512x1xi32>
    %swap3A_1875 = vector.shape_cast %swap3A_1874 : vector<1x512x1xi32> to vector<512x1xi32>
    %swap3A_1876 = vector.shape_cast %add3A_1870 : vector<512x1xi32> to vector<1x512x1xi32>
    tpu.vector_store %arg4[%swap3A_1871, %swap3A_1872, %swap3A_1873], %swap3A_1876 {strides = array<i32>} : memref<1x512x16xi32, #tpu.memory_space<vmem>>, vector<1x512x1xi32>,
    %eq3A_1877 = vector.broadcast %broadcast_in_dim3A_1864 : vector<512x1xi32> to vector<512x128xi32>
    %eq3A_1878 = arith.cmpi eq, %iota3A_146, %eq3A_1877 : vector<512x128xi32>
    %jit3A_1879 = arith.constant 0x7F800000 : f32
    %broadcast_in_dim3A_1880 = vector.broadcast %jit3A_1879 : f32 to vector<512x128xf32>
    %select_n3A_1881 = arith.select %eq3A_1878, %broadcast_in_dim3A_1880, %select_n3A_1856 : vector<512x128xi1>, vector<512x128xf32>
    %reduce_min3A_1882 = arith.constant dense<0x7F800000> : vector<512xf32>
    %reduce_min3A_1883 = vector.multi_reduction <minimumf>, %select_n3A_1881, %reduce_min3A_1882 [1] : vector<512x128xf32> to vector<512xf32>
    %broadcast_in_dim3A_1884 = vector.shape_cast %reduce_min3A_1883 : vector<512xf32> to vector<512x1xf32>
    %eq3A_1885 = vector.broadcast %broadcast_in_dim3A_1635 : vector<512x1xi32> to vector<512x32xi32>
    %eq3A_1886 = arith.cmpi eq, %iota3A, %eq3A_1885 : vector<512x32xi32>
    %broadcast_in_dim3A_1887 = vector.shape_cast %broadcast_in_dim3A_1884 : vector<512x1xf32> to vector<512x1xf32>
    %broadcast_in_dim3A_1888 = vector.broadcast %broadcast_in_dim3A_1887 : vector<512x1xf32> to vector<512x32xf32>
    %select_n3A_1889 = arith.select %eq3A_1886, %broadcast_in_dim3A_1888, %select_n3A_1624 : vector<512x32xi1>, vector<512x32xf32>
    %reduce_min3A_1890 = arith.constant dense<0x7F800000> : vector<512xf32>
    %reduce_min3A_1891 = vector.multi_reduction <minimumf>, %select_n3A_1889, %reduce_min3A_1890 [1] : vector<512x32xf32> to vector<512xf32>
    %broadcast_in_dim3A_1892 = vector.shape_cast %reduce_min3A_1891 : vector<512xf32> to vector<512x1xf32>
    %eq3A_1893 = vector.broadcast %broadcast_in_dim3A_1892 : vector<512x1xf32> to vector<512x32xf32>
    %eq3A_1894 = arith.cmpf oeq, %select_n3A_1889, %eq3A_1893 : vector<512x32xf32>
    %jit3A_1895 = arith.constant 32 : i32
    %broadcast_in_dim3A_1896 = vector.broadcast %jit3A_1895 : i32 to vector<512x32xi32>
    %select_n3A_1897 = arith.select %eq3A_1894, %iota3A, %broadcast_in_dim3A_1896 : vector<512x32xi1>, vector<512x32xi32>
    %reduce_min3A_1898 = arith.constant dense<2147483647> : vector<512xi32>
    %reduce_min3A_1899 = vector.multi_reduction <minsi>, %select_n3A_1897, %reduce_min3A_1898 [1] : vector<512x32xi32> to vector<512xi32>
    %broadcast_in_dim3A_1900 = vector.shape_cast %reduce_min3A_1899 : vector<512xi32> to vector<512x1xi32>
    %eq3A_1901 = arith.constant 30 : i32
    %eq3A_1902 = vector.broadcast %eq3A_1901 : i32 to vector<512x1xi32>
    %eq3A_1903 = arith.cmpi eq, %broadcast_in_dim3A_1900, %eq3A_1902 : vector<512x1xi32>
    %broadcast_in_dim3A_1904 = vector.shape_cast %eq3A_1903 : vector<512x1xi1> to vector<512x1xi1>
    %broadcast_in_dim3A_1905 = vector.broadcast %broadcast_in_dim3A_1904 : vector<512x1xi1> to vector<512x128xi1>
    %select_n3A_1906 = arith.select %broadcast_in_dim3A_1905, %slice3A_49, %slice3A_50 : vector<512x128xi1>, vector<512x128xf32>
    %eq3A_1907 = arith.constant 29 : i32
    %eq3A_1908 = vector.broadcast %eq3A_1907 : i32 to vector<512x1xi32>
    %eq3A_1909 = arith.cmpi eq, %broadcast_in_dim3A_1900, %eq3A_1908 : vector<512x1xi32>
    %broadcast_in_dim3A_1910 = vector.shape_cast %eq3A_1909 : vector<512x1xi1> to vector<512x1xi1>
    %broadcast_in_dim3A_1911 = vector.broadcast %broadcast_in_dim3A_1910 : vector<512x1xi1> to vector<512x128xi1>
    %select_n3A_1912 = arith.select %broadcast_in_dim3A_1911, %slice3A_48, %select_n3A_1906 : vector<512x128xi1>, vector<512x128xf32>
    %eq3A_1913 = arith.constant 28 : i32
    %eq3A_1914 = vector.broadcast %eq3A_1913 : i32 to vector<512x1xi32>
    %eq3A_1915 = arith.cmpi eq, %broadcast_in_dim3A_1900, %eq3A_1914 : vector<512x1xi32>
    %broadcast_in_dim3A_1916 = vector.shape_cast %eq3A_1915 : vector<512x1xi1> to vector<512x1xi1>
    %broadcast_in_dim3A_1917 = vector.broadcast %broadcast_in_dim3A_1916 : vector<512x1xi1> to vector<512x128xi1>
    %select_n3A_1918 = arith.select %broadcast_in_dim3A_1917, %slice3A_47, %select_n3A_1912 : vector<512x128xi1>, vector<512x128xf32>
    %eq3A_1919 = arith.constant 27 : i32
    %eq3A_1920 = vector.broadcast %eq3A_1919 : i32 to vector<512x1xi32>
    %eq3A_1921 = arith.cmpi eq, %broadcast_in_dim3A_1900, %eq3A_1920 : vector<512x1xi32>
    %broadcast_in_dim3A_1922 = vector.shape_cast %eq3A_1921 : vector<512x1xi1> to vector<512x1xi1>
    %broadcast_in_dim3A_1923 = vector.broadcast %broadcast_in_dim3A_1922 : vector<512x1xi1> to vector<512x128xi1>
    %select_n3A_1924 = arith.select %broadcast_in_dim3A_1923, %slice3A_46, %select_n3A_1918 : vector<512x128xi1>, vector<512x128xf32>
    %eq3A_1925 = arith.constant 26 : i32
    %eq3A_1926 = vector.broadcast %eq3A_1925 : i32 to vector<512x1xi32>
    %eq3A_1927 = arith.cmpi eq, %broadcast_in_dim3A_1900, %eq3A_1926 : vector<512x1xi32>
    %broadcast_in_dim3A_1928 = vector.shape_cast %eq3A_1927 : vector<512x1xi1> to vector<512x1xi1>
    %broadcast_in_dim3A_1929 = vector.broadcast %broadcast_in_dim3A_1928 : vector<512x1xi1> to vector<512x128xi1>
    %select_n3A_1930 = arith.select %broadcast_in_dim3A_1929, %slice3A_45, %select_n3A_1924 : vector<512x128xi1>, vector<512x128xf32>
    %eq3A_1931 = arith.constant 25 : i32
    %eq3A_1932 = vector.broadcast %eq3A_1931 : i32 to vector<512x1xi32>
    %eq3A_1933 = arith.cmpi eq, %broadcast_in_dim3A_1900, %eq3A_1932 : vector<512x1xi32>
    %broadcast_in_dim3A_1934 = vector.shape_cast %eq3A_1933 : vector<512x1xi1> to vector<512x1xi1>
    %broadcast_in_dim3A_1935 = vector.broadcast %broadcast_in_dim3A_1934 : vector<512x1xi1> to vector<512x128xi1>
    %select_n3A_1936 = arith.select %broadcast_in_dim3A_1935, %slice3A_44, %select_n3A_1930 : vector<512x128xi1>, vector<512x128xf32>
    %eq3A_1937 = arith.constant 24 : i32
    %eq3A_1938 = vector.broadcast %eq3A_1937 : i32 to vector<512x1xi32>
    %eq3A_1939 = arith.cmpi eq, %broadcast_in_dim3A_1900, %eq3A_1938 : vector<512x1xi32>
    %broadcast_in_dim3A_1940 = vector.shape_cast %eq3A_1939 : vector<512x1xi1> to vector<512x1xi1>
    %broadcast_in_dim3A_1941 = vector.broadcast %broadcast_in_dim3A_1940 : vector<512x1xi1> to vector<512x128xi1>
    %select_n3A_1942 = arith.select %broadcast_in_dim3A_1941, %slice3A_43, %select_n3A_1936 : vector<512x128xi1>, vector<512x128xf32>
    %eq3A_1943 = arith.constant 23 : i32
    %eq3A_1944 = vector.broadcast %eq3A_1943 : i32 to vector<512x1xi32>
    %eq3A_1945 = arith.cmpi eq, %broadcast_in_dim3A_1900, %eq3A_1944 : vector<512x1xi32>
    %broadcast_in_dim3A_1946 = vector.shape_cast %eq3A_1945 : vector<512x1xi1> to vector<512x1xi1>
    %broadcast_in_dim3A_1947 = vector.broadcast %broadcast_in_dim3A_1946 : vector<512x1xi1> to vector<512x128xi1>
    %select_n3A_1948 = arith.select %broadcast_in_dim3A_1947, %slice3A_42, %select_n3A_1942 : vector<512x128xi1>, vector<512x128xf32>
    %eq3A_1949 = arith.constant 22 : i32
    %eq3A_1950 = vector.broadcast %eq3A_1949 : i32 to vector<512x1xi32>
    %eq3A_1951 = arith.cmpi eq, %broadcast_in_dim3A_1900, %eq3A_1950 : vector<512x1xi32>
    %broadcast_in_dim3A_1952 = vector.shape_cast %eq3A_1951 : vector<512x1xi1> to vector<512x1xi1>
    %broadcast_in_dim3A_1953 = vector.broadcast %broadcast_in_dim3A_1952 : vector<512x1xi1> to vector<512x128xi1>
    %select_n3A_1954 = arith.select %broadcast_in_dim3A_1953, %slice3A_41, %select_n3A_1948 : vector<512x128xi1>, vector<512x128xf32>
    %eq3A_1955 = arith.constant 21 : i32
    %eq3A_1956 = vector.broadcast %eq3A_1955 : i32 to vector<512x1xi32>
    %eq3A_1957 = arith.cmpi eq, %broadcast_in_dim3A_1900, %eq3A_1956 : vector<512x1xi32>
    %broadcast_in_dim3A_1958 = vector.shape_cast %eq3A_1957 : vector<512x1xi1> to vector<512x1xi1>
    %broadcast_in_dim3A_1959 = vector.broadcast %broadcast_in_dim3A_1958 : vector<512x1xi1> to vector<512x128xi1>
    %select_n3A_1960 = arith.select %broadcast_in_dim3A_1959, %slice3A_40, %select_n3A_1954 : vector<512x128xi1>, vector<512x128xf32>
    %eq3A_1961 = arith.constant 20 : i32
    %eq3A_1962 = vector.broadcast %eq3A_1961 : i32 to vector<512x1xi32>
    %eq3A_1963 = arith.cmpi eq, %broadcast_in_dim3A_1900, %eq3A_1962 : vector<512x1xi32>
    %broadcast_in_dim3A_1964 = vector.shape_cast %eq3A_1963 : vector<512x1xi1> to vector<512x1xi1>
    %broadcast_in_dim3A_1965 = vector.broadcast %broadcast_in_dim3A_1964 : vector<512x1xi1> to vector<512x128xi1>
    %select_n3A_1966 = arith.select %broadcast_in_dim3A_1965, %slice3A_39, %select_n3A_1960 : vector<512x128xi1>, vector<512x128xf32>
    %eq3A_1967 = arith.constant 19 : i32
    %eq3A_1968 = vector.broadcast %eq3A_1967 : i32 to vector<512x1xi32>
    %eq3A_1969 = arith.cmpi eq, %broadcast_in_dim3A_1900, %eq3A_1968 : vector<512x1xi32>
    %broadcast_in_dim3A_1970 = vector.shape_cast %eq3A_1969 : vector<512x1xi1> to vector<512x1xi1>
    %broadcast_in_dim3A_1971 = vector.broadcast %broadcast_in_dim3A_1970 : vector<512x1xi1> to vector<512x128xi1>
    %select_n3A_1972 = arith.select %broadcast_in_dim3A_1971, %slice3A_38, %select_n3A_1966 : vector<512x128xi1>, vector<512x128xf32>
    %eq3A_1973 = arith.constant 18 : i32
    %eq3A_1974 = vector.broadcast %eq3A_1973 : i32 to vector<512x1xi32>
    %eq3A_1975 = arith.cmpi eq, %broadcast_in_dim3A_1900, %eq3A_1974 : vector<512x1xi32>
    %broadcast_in_dim3A_1976 = vector.shape_cast %eq3A_1975 : vector<512x1xi1> to vector<512x1xi1>
    %broadcast_in_dim3A_1977 = vector.broadcast %broadcast_in_dim3A_1976 : vector<512x1xi1> to vector<512x128xi1>
    %select_n3A_1978 = arith.select %broadcast_in_dim3A_1977, %slice3A_37, %select_n3A_1972 : vector<512x128xi1>, vector<512x128xf32>
    %eq3A_1979 = arith.constant 17 : i32
    %eq3A_1980 = vector.broadcast %eq3A_1979 : i32 to vector<512x1xi32>
    %eq3A_1981 = arith.cmpi eq, %broadcast_in_dim3A_1900, %eq3A_1980 : vector<512x1xi32>
    %broadcast_in_dim3A_1982 = vector.shape_cast %eq3A_1981 : vector<512x1xi1> to vector<512x1xi1>
    %broadcast_in_dim3A_1983 = vector.broadcast %broadcast_in_dim3A_1982 : vector<512x1xi1> to vector<512x128xi1>
    %select_n3A_1984 = arith.select %broadcast_in_dim3A_1983, %slice3A_36, %select_n3A_1978 : vector<512x128xi1>, vector<512x128xf32>
    %eq3A_1985 = arith.constant 16 : i32
    %eq3A_1986 = vector.broadcast %eq3A_1985 : i32 to vector<512x1xi32>
    %eq3A_1987 = arith.cmpi eq, %broadcast_in_dim3A_1900, %eq3A_1986 : vector<512x1xi32>
    %broadcast_in_dim3A_1988 = vector.shape_cast %eq3A_1987 : vector<512x1xi1> to vector<512x1xi1>
    %broadcast_in_dim3A_1989 = vector.broadcast %broadcast_in_dim3A_1988 : vector<512x1xi1> to vector<512x128xi1>
    %select_n3A_1990 = arith.select %broadcast_in_dim3A_1989, %slice3A_35, %select_n3A_1984 : vector<512x128xi1>, vector<512x128xf32>
    %eq3A_1991 = arith.constant 15 : i32
    %eq3A_1992 = vector.broadcast %eq3A_1991 : i32 to vector<512x1xi32>
    %eq3A_1993 = arith.cmpi eq, %broadcast_in_dim3A_1900, %eq3A_1992 : vector<512x1xi32>
    %broadcast_in_dim3A_1994 = vector.shape_cast %eq3A_1993 : vector<512x1xi1> to vector<512x1xi1>
    %broadcast_in_dim3A_1995 = vector.broadcast %broadcast_in_dim3A_1994 : vector<512x1xi1> to vector<512x128xi1>
    %select_n3A_1996 = arith.select %broadcast_in_dim3A_1995, %slice3A_34, %select_n3A_1990 : vector<512x128xi1>, vector<512x128xf32>
    %eq3A_1997 = arith.constant 14 : i32
    %eq3A_1998 = vector.broadcast %eq3A_1997 : i32 to vector<512x1xi32>
    %eq3A_1999 = arith.cmpi eq, %broadcast_in_dim3A_1900, %eq3A_1998 : vector<512x1xi32>
    %broadcast_in_dim3A_2000 = vector.shape_cast %eq3A_1999 : vector<512x1xi1> to vector<512x1xi1>
    %broadcast_in_dim3A_2001 = vector.broadcast %broadcast_in_dim3A_2000 : vector<512x1xi1> to vector<512x128xi1>
    %select_n3A_2002 = arith.select %broadcast_in_dim3A_2001, %slice3A_33, %select_n3A_1996 : vector<512x128xi1>, vector<512x128xf32>
    %eq3A_2003 = arith.constant 13 : i32
    %eq3A_2004 = vector.broadcast %eq3A_2003 : i32 to vector<512x1xi32>
    %eq3A_2005 = arith.cmpi eq, %broadcast_in_dim3A_1900, %eq3A_2004 : vector<512x1xi32>
    %broadcast_in_dim3A_2006 = vector.shape_cast %eq3A_2005 : vector<512x1xi1> to vector<512x1xi1>
    %broadcast_in_dim3A_2007 = vector.broadcast %broadcast_in_dim3A_2006 : vector<512x1xi1> to vector<512x128xi1>
    %select_n3A_2008 = arith.select %broadcast_in_dim3A_2007, %slice3A_32, %select_n3A_2002 : vector<512x128xi1>, vector<512x128xf32>
    %eq3A_2009 = arith.constant 12 : i32
    %eq3A_2010 = vector.broadcast %eq3A_2009 : i32 to vector<512x1xi32>
    %eq3A_2011 = arith.cmpi eq, %broadcast_in_dim3A_1900, %eq3A_2010 : vector<512x1xi32>
    %broadcast_in_dim3A_2012 = vector.shape_cast %eq3A_2011 : vector<512x1xi1> to vector<512x1xi1>
    %broadcast_in_dim3A_2013 = vector.broadcast %broadcast_in_dim3A_2012 : vector<512x1xi1> to vector<512x128xi1>
    %select_n3A_2014 = arith.select %broadcast_in_dim3A_2013, %slice3A_31, %select_n3A_2008 : vector<512x128xi1>, vector<512x128xf32>
    %eq3A_2015 = arith.constant 11 : i32
    %eq3A_2016 = vector.broadcast %eq3A_2015 : i32 to vector<512x1xi32>
    %eq3A_2017 = arith.cmpi eq, %broadcast_in_dim3A_1900, %eq3A_2016 : vector<512x1xi32>
    %broadcast_in_dim3A_2018 = vector.shape_cast %eq3A_2017 : vector<512x1xi1> to vector<512x1xi1>
    %broadcast_in_dim3A_2019 = vector.broadcast %broadcast_in_dim3A_2018 : vector<512x1xi1> to vector<512x128xi1>
    %select_n3A_2020 = arith.select %broadcast_in_dim3A_2019, %slice3A_30, %select_n3A_2014 : vector<512x128xi1>, vector<512x128xf32>
    %eq3A_2021 = arith.constant 10 : i32
    %eq3A_2022 = vector.broadcast %eq3A_2021 : i32 to vector<512x1xi32>
    %eq3A_2023 = arith.cmpi eq, %broadcast_in_dim3A_1900, %eq3A_2022 : vector<512x1xi32>
    %broadcast_in_dim3A_2024 = vector.shape_cast %eq3A_2023 : vector<512x1xi1> to vector<512x1xi1>
    %broadcast_in_dim3A_2025 = vector.broadcast %broadcast_in_dim3A_2024 : vector<512x1xi1> to vector<512x128xi1>
    %select_n3A_2026 = arith.select %broadcast_in_dim3A_2025, %slice3A_29, %select_n3A_2020 : vector<512x128xi1>, vector<512x128xf32>
    %eq3A_2027 = arith.constant 9 : i32
    %eq3A_2028 = vector.broadcast %eq3A_2027 : i32 to vector<512x1xi32>
    %eq3A_2029 = arith.cmpi eq, %broadcast_in_dim3A_1900, %eq3A_2028 : vector<512x1xi32>
    %broadcast_in_dim3A_2030 = vector.shape_cast %eq3A_2029 : vector<512x1xi1> to vector<512x1xi1>
    %broadcast_in_dim3A_2031 = vector.broadcast %broadcast_in_dim3A_2030 : vector<512x1xi1> to vector<512x128xi1>
    %select_n3A_2032 = arith.select %broadcast_in_dim3A_2031, %slice3A_28, %select_n3A_2026 : vector<512x128xi1>, vector<512x128xf32>
    %eq3A_2033 = arith.constant 8 : i32
    %eq3A_2034 = vector.broadcast %eq3A_2033 : i32 to vector<512x1xi32>
    %eq3A_2035 = arith.cmpi eq, %broadcast_in_dim3A_1900, %eq3A_2034 : vector<512x1xi32>
    %broadcast_in_dim3A_2036 = vector.shape_cast %eq3A_2035 : vector<512x1xi1> to vector<512x1xi1>
    %broadcast_in_dim3A_2037 = vector.broadcast %broadcast_in_dim3A_2036 : vector<512x1xi1> to vector<512x128xi1>
    %select_n3A_2038 = arith.select %broadcast_in_dim3A_2037, %slice3A_27, %select_n3A_2032 : vector<512x128xi1>, vector<512x128xf32>
    %eq3A_2039 = arith.constant 7 : i32
    %eq3A_2040 = vector.broadcast %eq3A_2039 : i32 to vector<512x1xi32>
    %eq3A_2041 = arith.cmpi eq, %broadcast_in_dim3A_1900, %eq3A_2040 : vector<512x1xi32>
    %broadcast_in_dim3A_2042 = vector.shape_cast %eq3A_2041 : vector<512x1xi1> to vector<512x1xi1>
    %broadcast_in_dim3A_2043 = vector.broadcast %broadcast_in_dim3A_2042 : vector<512x1xi1> to vector<512x128xi1>
    %select_n3A_2044 = arith.select %broadcast_in_dim3A_2043, %slice3A_26, %select_n3A_2038 : vector<512x128xi1>, vector<512x128xf32>
    %eq3A_2045 = arith.constant 6 : i32
    %eq3A_2046 = vector.broadcast %eq3A_2045 : i32 to vector<512x1xi32>
    %eq3A_2047 = arith.cmpi eq, %broadcast_in_dim3A_1900, %eq3A_2046 : vector<512x1xi32>
    %broadcast_in_dim3A_2048 = vector.shape_cast %eq3A_2047 : vector<512x1xi1> to vector<512x1xi1>
    %broadcast_in_dim3A_2049 = vector.broadcast %broadcast_in_dim3A_2048 : vector<512x1xi1> to vector<512x128xi1>
    %select_n3A_2050 = arith.select %broadcast_in_dim3A_2049, %slice3A_25, %select_n3A_2044 : vector<512x128xi1>, vector<512x128xf32>
    %eq3A_2051 = arith.constant 5 : i32
    %eq3A_2052 = vector.broadcast %eq3A_2051 : i32 to vector<512x1xi32>
    %eq3A_2053 = arith.cmpi eq, %broadcast_in_dim3A_1900, %eq3A_2052 : vector<512x1xi32>
    %broadcast_in_dim3A_2054 = vector.shape_cast %eq3A_2053 : vector<512x1xi1> to vector<512x1xi1>
    %broadcast_in_dim3A_2055 = vector.broadcast %broadcast_in_dim3A_2054 : vector<512x1xi1> to vector<512x128xi1>
    %select_n3A_2056 = arith.select %broadcast_in_dim3A_2055, %slice3A_24, %select_n3A_2050 : vector<512x128xi1>, vector<512x128xf32>
    %eq3A_2057 = arith.constant 4 : i32
    %eq3A_2058 = vector.broadcast %eq3A_2057 : i32 to vector<512x1xi32>
    %eq3A_2059 = arith.cmpi eq, %broadcast_in_dim3A_1900, %eq3A_2058 : vector<512x1xi32>
    %broadcast_in_dim3A_2060 = vector.shape_cast %eq3A_2059 : vector<512x1xi1> to vector<512x1xi1>
    %broadcast_in_dim3A_2061 = vector.broadcast %broadcast_in_dim3A_2060 : vector<512x1xi1> to vector<512x128xi1>
    %select_n3A_2062 = arith.select %broadcast_in_dim3A_2061, %slice3A_23, %select_n3A_2056 : vector<512x128xi1>, vector<512x128xf32>
    %eq3A_2063 = arith.constant 3 : i32
    %eq3A_2064 = vector.broadcast %eq3A_2063 : i32 to vector<512x1xi32>
    %eq3A_2065 = arith.cmpi eq, %broadcast_in_dim3A_1900, %eq3A_2064 : vector<512x1xi32>
    %broadcast_in_dim3A_2066 = vector.shape_cast %eq3A_2065 : vector<512x1xi1> to vector<512x1xi1>
    %broadcast_in_dim3A_2067 = vector.broadcast %broadcast_in_dim3A_2066 : vector<512x1xi1> to vector<512x128xi1>
    %select_n3A_2068 = arith.select %broadcast_in_dim3A_2067, %slice3A_22, %select_n3A_2062 : vector<512x128xi1>, vector<512x128xf32>
    %eq3A_2069 = arith.constant 2 : i32
    %eq3A_2070 = vector.broadcast %eq3A_2069 : i32 to vector<512x1xi32>
    %eq3A_2071 = arith.cmpi eq, %broadcast_in_dim3A_1900, %eq3A_2070 : vector<512x1xi32>
    %broadcast_in_dim3A_2072 = vector.shape_cast %eq3A_2071 : vector<512x1xi1> to vector<512x1xi1>
    %broadcast_in_dim3A_2073 = vector.broadcast %broadcast_in_dim3A_2072 : vector<512x1xi1> to vector<512x128xi1>
    %select_n3A_2074 = arith.select %broadcast_in_dim3A_2073, %slice3A_21, %select_n3A_2068 : vector<512x128xi1>, vector<512x128xf32>
    %eq3A_2075 = arith.constant 1 : i32
    %eq3A_2076 = vector.broadcast %eq3A_2075 : i32 to vector<512x1xi32>
    %eq3A_2077 = arith.cmpi eq, %broadcast_in_dim3A_1900, %eq3A_2076 : vector<512x1xi32>
    %broadcast_in_dim3A_2078 = vector.shape_cast %eq3A_2077 : vector<512x1xi1> to vector<512x1xi1>
    %broadcast_in_dim3A_2079 = vector.broadcast %broadcast_in_dim3A_2078 : vector<512x1xi1> to vector<512x128xi1>
    %select_n3A_2080 = arith.select %broadcast_in_dim3A_2079, %slice3A_20, %select_n3A_2074 : vector<512x128xi1>, vector<512x128xf32>
    %eq3A_2081 = arith.constant 0 : i32
    %eq3A_2082 = vector.broadcast %eq3A_2081 : i32 to vector<512x1xi32>
    %eq3A_2083 = arith.cmpi eq, %broadcast_in_dim3A_1900, %eq3A_2082 : vector<512x1xi32>
    %broadcast_in_dim3A_2084 = vector.shape_cast %eq3A_2083 : vector<512x1xi1> to vector<512x1xi1>
    %broadcast_in_dim3A_2085 = vector.broadcast %broadcast_in_dim3A_2084 : vector<512x1xi1> to vector<512x128xi1>
    %select_n3A_2086 = arith.select %broadcast_in_dim3A_2085, %slice3A, %select_n3A_2080 : vector<512x128xi1>, vector<512x128xf32>
    %mul3A_2087 = arith.constant 128 : i32
    %mul3A_2088 = vector.broadcast %mul3A_2087 : i32 to vector<512x1xi32>
    %mul3A_2089 = arith.muli %broadcast_in_dim3A_1900, %mul3A_2088 : vector<512x1xi32>
    %add3A_2090 = vector.broadcast %mul3A_2089 : vector<512x1xi32> to vector<512x128xi32>
    %add3A_2091 = arith.addi %add3A_2090, %iota3A_146 : vector<512x128xi32>
    %eq3A_2092 = vector.broadcast %add3A_354 : vector<512x1xi32> to vector<512x128xi32>
    %eq3A_2093 = arith.cmpi eq, %add3A_2091, %eq3A_2092 : vector<512x128xi32>
    %jit3A_2094 = arith.constant 0x7F800000 : f32
    %broadcast_in_dim3A_2095 = vector.broadcast %jit3A_2094 : f32 to vector<512x128xf32>
    %select_n3A_2096 = arith.select %eq3A_2093, %broadcast_in_dim3A_2095, %select_n3A_2086 : vector<512x128xi1>, vector<512x128xf32>
    %eq3A_2097 = vector.broadcast %add3A_593 : vector<512x1xi32> to vector<512x128xi32>
    %eq3A_2098 = arith.cmpi eq, %add3A_2091, %eq3A_2097 : vector<512x128xi32>
    %jit3A_2099 = arith.constant 0x7F800000 : f32
    %broadcast_in_dim3A_2100 = vector.broadcast %jit3A_2099 : f32 to vector<512x128xf32>
    %select_n3A_2101 = arith.select %eq3A_2098, %broadcast_in_dim3A_2100, %select_n3A_2096 : vector<512x128xi1>, vector<512x128xf32>
    %eq3A_2102 = vector.broadcast %add3A_838 : vector<512x1xi32> to vector<512x128xi32>
    %eq3A_2103 = arith.cmpi eq, %add3A_2091, %eq3A_2102 : vector<512x128xi32>
    %jit3A_2104 = arith.constant 0x7F800000 : f32
    %broadcast_in_dim3A_2105 = vector.broadcast %jit3A_2104 : f32 to vector<512x128xf32>
    %select_n3A_2106 = arith.select %eq3A_2103, %broadcast_in_dim3A_2105, %select_n3A_2101 : vector<512x128xi1>, vector<512x128xf32>
    %eq3A_2107 = vector.broadcast %add3A_1088 : vector<512x1xi32> to vector<512x128xi32>
    %eq3A_2108 = arith.cmpi eq, %add3A_2091, %eq3A_2107 : vector<512x128xi32>
    %jit3A_2109 = arith.constant 0x7F800000 : f32
    %broadcast_in_dim3A_2110 = vector.broadcast %jit3A_2109 : f32 to vector<512x128xf32>
    %select_n3A_2111 = arith.select %eq3A_2108, %broadcast_in_dim3A_2110, %select_n3A_2106 : vector<512x128xi1>, vector<512x128xf32>
    %eq3A_2112 = vector.broadcast %add3A_1343 : vector<512x1xi32> to vector<512x128xi32>
    %eq3A_2113 = arith.cmpi eq, %add3A_2091, %eq3A_2112 : vector<512x128xi32>
    %jit3A_2114 = arith.constant 0x7F800000 : f32
    %broadcast_in_dim3A_2115 = vector.broadcast %jit3A_2114 : f32 to vector<512x128xf32>
    %select_n3A_2116 = arith.select %eq3A_2113, %broadcast_in_dim3A_2115, %select_n3A_2111 : vector<512x128xi1>, vector<512x128xf32>
    %eq3A_2117 = vector.broadcast %add3A_1603 : vector<512x1xi32> to vector<512x128xi32>
    %eq3A_2118 = arith.cmpi eq, %add3A_2091, %eq3A_2117 : vector<512x128xi32>
    %jit3A_2119 = arith.constant 0x7F800000 : f32
    %broadcast_in_dim3A_2120 = vector.broadcast %jit3A_2119 : f32 to vector<512x128xf32>
    %select_n3A_2121 = arith.select %eq3A_2118, %broadcast_in_dim3A_2120, %select_n3A_2116 : vector<512x128xi1>, vector<512x128xf32>
    %eq3A_2122 = vector.broadcast %add3A_1868 : vector<512x1xi32> to vector<512x128xi32>
    %eq3A_2123 = arith.cmpi eq, %add3A_2091, %eq3A_2122 : vector<512x128xi32>
    %jit3A_2124 = arith.constant 0x7F800000 : f32
    %broadcast_in_dim3A_2125 = vector.broadcast %jit3A_2124 : f32 to vector<512x128xf32>
    %select_n3A_2126 = arith.select %eq3A_2123, %broadcast_in_dim3A_2125, %select_n3A_2121 : vector<512x128xi1>, vector<512x128xf32>
    %eq3A_2127 = vector.broadcast %broadcast_in_dim3A_1892 : vector<512x1xf32> to vector<512x128xf32>
    %eq3A_2128 = arith.cmpf oeq, %select_n3A_2126, %eq3A_2127 : vector<512x128xf32>
    %jit3A_2129 = arith.constant 128 : i32
    %broadcast_in_dim3A_2130 = vector.broadcast %jit3A_2129 : i32 to vector<512x128xi32>
    %select_n3A_2131 = arith.select %eq3A_2128, %iota3A_146, %broadcast_in_dim3A_2130 : vector<512x128xi1>, vector<512x128xi32>
    %reduce_min3A_2132 = arith.constant dense<2147483647> : vector<512xi32>
    %reduce_min3A_2133 = vector.multi_reduction <minsi>, %select_n3A_2131, %reduce_min3A_2132 [1] : vector<512x128xi32> to vector<512xi32>
    %broadcast_in_dim3A_2134 = vector.shape_cast %reduce_min3A_2133 : vector<512xi32> to vector<512x1xi32>
    %mul3A_2135 = arith.constant 128 : i32
    %mul3A_2136 = vector.broadcast %mul3A_2135 : i32 to vector<512x1xi32>
    %mul3A_2137 = arith.muli %broadcast_in_dim3A_1900, %mul3A_2136 : vector<512x1xi32>
    %add3A_2138 = arith.addi %mul3A_2137, %broadcast_in_dim3A_2134 : vector<512x1xi32>
    %add3A_2139 = vector.broadcast %mul3A_148 : i32 to vector<512x1xi32>
    %add3A_2140 = arith.addi %add3A_2138, %add3A_2139 : vector<512x1xi32>
    %swap3A_2141 = arith.constant 0 : index
    %swap3A_2142 = arith.constant 0 : index
    %swap3A_2143 = arith.constant 7 : index
    %swap3A_2144 = vector.load %arg4[%swap3A_2141, %swap3A_2142, %swap3A_2143] : memref<1x512x16xi32, #tpu.memory_space<vmem>>, vector<1x512x1xi32>
    %swap3A_2145 = vector.shape_cast %swap3A_2144 : vector<1x512x1xi32> to vector<512x1xi32>
    %swap3A_2146 = vector.shape_cast %add3A_2140 : vector<512x1xi32> to vector<1x512x1xi32>
    tpu.vector_store %arg4[%swap3A_2141, %swap3A_2142, %swap3A_2143], %swap3A_2146 {strides = array<i32>} : memref<1x512x16xi32, #tpu.memory_space<vmem>>, vector<1x512x1xi32>,
    %eq3A_2147 = vector.broadcast %broadcast_in_dim3A_2134 : vector<512x1xi32> to vector<512x128xi32>
    %eq3A_2148 = arith.cmpi eq, %iota3A_146, %eq3A_2147 : vector<512x128xi32>
    %jit3A_2149 = arith.constant 0x7F800000 : f32
    %broadcast_in_dim3A_2150 = vector.broadcast %jit3A_2149 : f32 to vector<512x128xf32>
    %select_n3A_2151 = arith.select %eq3A_2148, %broadcast_in_dim3A_2150, %select_n3A_2126 : vector<512x128xi1>, vector<512x128xf32>
    %reduce_min3A_2152 = arith.constant dense<0x7F800000> : vector<512xf32>
    %reduce_min3A_2153 = vector.multi_reduction <minimumf>, %select_n3A_2151, %reduce_min3A_2152 [1] : vector<512x128xf32> to vector<512xf32>
    %broadcast_in_dim3A_2154 = vector.shape_cast %reduce_min3A_2153 : vector<512xf32> to vector<512x1xf32>
    %eq3A_2155 = vector.broadcast %broadcast_in_dim3A_1900 : vector<512x1xi32> to vector<512x32xi32>
    %eq3A_2156 = arith.cmpi eq, %iota3A, %eq3A_2155 : vector<512x32xi32>
    %broadcast_in_dim3A_2157 = vector.shape_cast %broadcast_in_dim3A_2154 : vector<512x1xf32> to vector<512x1xf32>
    %broadcast_in_dim3A_2158 = vector.broadcast %broadcast_in_dim3A_2157 : vector<512x1xf32> to vector<512x32xf32>
    %select_n3A_2159 = arith.select %eq3A_2156, %broadcast_in_dim3A_2158, %select_n3A_1889 : vector<512x32xi1>, vector<512x32xf32>
    %reduce_min3A_2160 = arith.constant dense<0x7F800000> : vector<512xf32>
    %reduce_min3A_2161 = vector.multi_reduction <minimumf>, %select_n3A_2159, %reduce_min3A_2160 [1] : vector<512x32xf32> to vector<512xf32>
    %broadcast_in_dim3A_2162 = vector.shape_cast %reduce_min3A_2161 : vector<512xf32> to vector<512x1xf32>
    %eq3A_2163 = vector.broadcast %broadcast_in_dim3A_2162 : vector<512x1xf32> to vector<512x32xf32>
    %eq3A_2164 = arith.cmpf oeq, %select_n3A_2159, %eq3A_2163 : vector<512x32xf32>
    %jit3A_2165 = arith.constant 32 : i32
    %broadcast_in_dim3A_2166 = vector.broadcast %jit3A_2165 : i32 to vector<512x32xi32>
    %select_n3A_2167 = arith.select %eq3A_2164, %iota3A, %broadcast_in_dim3A_2166 : vector<512x32xi1>, vector<512x32xi32>
    %reduce_min3A_2168 = arith.constant dense<2147483647> : vector<512xi32>
    %reduce_min3A_2169 = vector.multi_reduction <minsi>, %select_n3A_2167, %reduce_min3A_2168 [1] : vector<512x32xi32> to vector<512xi32>
    %broadcast_in_dim3A_2170 = vector.shape_cast %reduce_min3A_2169 : vector<512xi32> to vector<512x1xi32>
    %eq3A_2171 = arith.constant 30 : i32
    %eq3A_2172 = vector.broadcast %eq3A_2171 : i32 to vector<512x1xi32>
    %eq3A_2173 = arith.cmpi eq, %broadcast_in_dim3A_2170, %eq3A_2172 : vector<512x1xi32>
    %broadcast_in_dim3A_2174 = vector.shape_cast %eq3A_2173 : vector<512x1xi1> to vector<512x1xi1>
    %broadcast_in_dim3A_2175 = vector.broadcast %broadcast_in_dim3A_2174 : vector<512x1xi1> to vector<512x128xi1>
    %select_n3A_2176 = arith.select %broadcast_in_dim3A_2175, %slice3A_49, %slice3A_50 : vector<512x128xi1>, vector<512x128xf32>
    %eq3A_2177 = arith.constant 29 : i32
    %eq3A_2178 = vector.broadcast %eq3A_2177 : i32 to vector<512x1xi32>
    %eq3A_2179 = arith.cmpi eq, %broadcast_in_dim3A_2170, %eq3A_2178 : vector<512x1xi32>
    %broadcast_in_dim3A_2180 = vector.shape_cast %eq3A_2179 : vector<512x1xi1> to vector<512x1xi1>
    %broadcast_in_dim3A_2181 = vector.broadcast %broadcast_in_dim3A_2180 : vector<512x1xi1> to vector<512x128xi1>
    %select_n3A_2182 = arith.select %broadcast_in_dim3A_2181, %slice3A_48, %select_n3A_2176 : vector<512x128xi1>, vector<512x128xf32>
    %eq3A_2183 = arith.constant 28 : i32
    %eq3A_2184 = vector.broadcast %eq3A_2183 : i32 to vector<512x1xi32>
    %eq3A_2185 = arith.cmpi eq, %broadcast_in_dim3A_2170, %eq3A_2184 : vector<512x1xi32>
    %broadcast_in_dim3A_2186 = vector.shape_cast %eq3A_2185 : vector<512x1xi1> to vector<512x1xi1>
    %broadcast_in_dim3A_2187 = vector.broadcast %broadcast_in_dim3A_2186 : vector<512x1xi1> to vector<512x128xi1>
    %select_n3A_2188 = arith.select %broadcast_in_dim3A_2187, %slice3A_47, %select_n3A_2182 : vector<512x128xi1>, vector<512x128xf32>
    %eq3A_2189 = arith.constant 27 : i32
    %eq3A_2190 = vector.broadcast %eq3A_2189 : i32 to vector<512x1xi32>
    %eq3A_2191 = arith.cmpi eq, %broadcast_in_dim3A_2170, %eq3A_2190 : vector<512x1xi32>
    %broadcast_in_dim3A_2192 = vector.shape_cast %eq3A_2191 : vector<512x1xi1> to vector<512x1xi1>
    %broadcast_in_dim3A_2193 = vector.broadcast %broadcast_in_dim3A_2192 : vector<512x1xi1> to vector<512x128xi1>
    %select_n3A_2194 = arith.select %broadcast_in_dim3A_2193, %slice3A_46, %select_n3A_2188 : vector<512x128xi1>, vector<512x128xf32>
    %eq3A_2195 = arith.constant 26 : i32
    %eq3A_2196 = vector.broadcast %eq3A_2195 : i32 to vector<512x1xi32>
    %eq3A_2197 = arith.cmpi eq, %broadcast_in_dim3A_2170, %eq3A_2196 : vector<512x1xi32>
    %broadcast_in_dim3A_2198 = vector.shape_cast %eq3A_2197 : vector<512x1xi1> to vector<512x1xi1>
    %broadcast_in_dim3A_2199 = vector.broadcast %broadcast_in_dim3A_2198 : vector<512x1xi1> to vector<512x128xi1>
    %select_n3A_2200 = arith.select %broadcast_in_dim3A_2199, %slice3A_45, %select_n3A_2194 : vector<512x128xi1>, vector<512x128xf32>
    %eq3A_2201 = arith.constant 25 : i32
    %eq3A_2202 = vector.broadcast %eq3A_2201 : i32 to vector<512x1xi32>
    %eq3A_2203 = arith.cmpi eq, %broadcast_in_dim3A_2170, %eq3A_2202 : vector<512x1xi32>
    %broadcast_in_dim3A_2204 = vector.shape_cast %eq3A_2203 : vector<512x1xi1> to vector<512x1xi1>
    %broadcast_in_dim3A_2205 = vector.broadcast %broadcast_in_dim3A_2204 : vector<512x1xi1> to vector<512x128xi1>
    %select_n3A_2206 = arith.select %broadcast_in_dim3A_2205, %slice3A_44, %select_n3A_2200 : vector<512x128xi1>, vector<512x128xf32>
    %eq3A_2207 = arith.constant 24 : i32
    %eq3A_2208 = vector.broadcast %eq3A_2207 : i32 to vector<512x1xi32>
    %eq3A_2209 = arith.cmpi eq, %broadcast_in_dim3A_2170, %eq3A_2208 : vector<512x1xi32>
    %broadcast_in_dim3A_2210 = vector.shape_cast %eq3A_2209 : vector<512x1xi1> to vector<512x1xi1>
    %broadcast_in_dim3A_2211 = vector.broadcast %broadcast_in_dim3A_2210 : vector<512x1xi1> to vector<512x128xi1>
    %select_n3A_2212 = arith.select %broadcast_in_dim3A_2211, %slice3A_43, %select_n3A_2206 : vector<512x128xi1>, vector<512x128xf32>
    %eq3A_2213 = arith.constant 23 : i32
    %eq3A_2214 = vector.broadcast %eq3A_2213 : i32 to vector<512x1xi32>
    %eq3A_2215 = arith.cmpi eq, %broadcast_in_dim3A_2170, %eq3A_2214 : vector<512x1xi32>
    %broadcast_in_dim3A_2216 = vector.shape_cast %eq3A_2215 : vector<512x1xi1> to vector<512x1xi1>
    %broadcast_in_dim3A_2217 = vector.broadcast %broadcast_in_dim3A_2216 : vector<512x1xi1> to vector<512x128xi1>
    %select_n3A_2218 = arith.select %broadcast_in_dim3A_2217, %slice3A_42, %select_n3A_2212 : vector<512x128xi1>, vector<512x128xf32>
    %eq3A_2219 = arith.constant 22 : i32
    %eq3A_2220 = vector.broadcast %eq3A_2219 : i32 to vector<512x1xi32>
    %eq3A_2221 = arith.cmpi eq, %broadcast_in_dim3A_2170, %eq3A_2220 : vector<512x1xi32>
    %broadcast_in_dim3A_2222 = vector.shape_cast %eq3A_2221 : vector<512x1xi1> to vector<512x1xi1>
    %broadcast_in_dim3A_2223 = vector.broadcast %broadcast_in_dim3A_2222 : vector<512x1xi1> to vector<512x128xi1>
    %select_n3A_2224 = arith.select %broadcast_in_dim3A_2223, %slice3A_41, %select_n3A_2218 : vector<512x128xi1>, vector<512x128xf32>
    %eq3A_2225 = arith.constant 21 : i32
    %eq3A_2226 = vector.broadcast %eq3A_2225 : i32 to vector<512x1xi32>
    %eq3A_2227 = arith.cmpi eq, %broadcast_in_dim3A_2170, %eq3A_2226 : vector<512x1xi32>
    %broadcast_in_dim3A_2228 = vector.shape_cast %eq3A_2227 : vector<512x1xi1> to vector<512x1xi1>
    %broadcast_in_dim3A_2229 = vector.broadcast %broadcast_in_dim3A_2228 : vector<512x1xi1> to vector<512x128xi1>
    %select_n3A_2230 = arith.select %broadcast_in_dim3A_2229, %slice3A_40, %select_n3A_2224 : vector<512x128xi1>, vector<512x128xf32>
    %eq3A_2231 = arith.constant 20 : i32
    %eq3A_2232 = vector.broadcast %eq3A_2231 : i32 to vector<512x1xi32>
    %eq3A_2233 = arith.cmpi eq, %broadcast_in_dim3A_2170, %eq3A_2232 : vector<512x1xi32>
    %broadcast_in_dim3A_2234 = vector.shape_cast %eq3A_2233 : vector<512x1xi1> to vector<512x1xi1>
    %broadcast_in_dim3A_2235 = vector.broadcast %broadcast_in_dim3A_2234 : vector<512x1xi1> to vector<512x128xi1>
    %select_n3A_2236 = arith.select %broadcast_in_dim3A_2235, %slice3A_39, %select_n3A_2230 : vector<512x128xi1>, vector<512x128xf32>
    %eq3A_2237 = arith.constant 19 : i32
    %eq3A_2238 = vector.broadcast %eq3A_2237 : i32 to vector<512x1xi32>
    %eq3A_2239 = arith.cmpi eq, %broadcast_in_dim3A_2170, %eq3A_2238 : vector<512x1xi32>
    %broadcast_in_dim3A_2240 = vector.shape_cast %eq3A_2239 : vector<512x1xi1> to vector<512x1xi1>
    %broadcast_in_dim3A_2241 = vector.broadcast %broadcast_in_dim3A_2240 : vector<512x1xi1> to vector<512x128xi1>
    %select_n3A_2242 = arith.select %broadcast_in_dim3A_2241, %slice3A_38, %select_n3A_2236 : vector<512x128xi1>, vector<512x128xf32>
    %eq3A_2243 = arith.constant 18 : i32
    %eq3A_2244 = vector.broadcast %eq3A_2243 : i32 to vector<512x1xi32>
    %eq3A_2245 = arith.cmpi eq, %broadcast_in_dim3A_2170, %eq3A_2244 : vector<512x1xi32>
    %broadcast_in_dim3A_2246 = vector.shape_cast %eq3A_2245 : vector<512x1xi1> to vector<512x1xi1>
    %broadcast_in_dim3A_2247 = vector.broadcast %broadcast_in_dim3A_2246 : vector<512x1xi1> to vector<512x128xi1>
    %select_n3A_2248 = arith.select %broadcast_in_dim3A_2247, %slice3A_37, %select_n3A_2242 : vector<512x128xi1>, vector<512x128xf32>
    %eq3A_2249 = arith.constant 17 : i32
    %eq3A_2250 = vector.broadcast %eq3A_2249 : i32 to vector<512x1xi32>
    %eq3A_2251 = arith.cmpi eq, %broadcast_in_dim3A_2170, %eq3A_2250 : vector<512x1xi32>
    %broadcast_in_dim3A_2252 = vector.shape_cast %eq3A_2251 : vector<512x1xi1> to vector<512x1xi1>
    %broadcast_in_dim3A_2253 = vector.broadcast %broadcast_in_dim3A_2252 : vector<512x1xi1> to vector<512x128xi1>
    %select_n3A_2254 = arith.select %broadcast_in_dim3A_2253, %slice3A_36, %select_n3A_2248 : vector<512x128xi1>, vector<512x128xf32>
    %eq3A_2255 = arith.constant 16 : i32
    %eq3A_2256 = vector.broadcast %eq3A_2255 : i32 to vector<512x1xi32>
    %eq3A_2257 = arith.cmpi eq, %broadcast_in_dim3A_2170, %eq3A_2256 : vector<512x1xi32>
    %broadcast_in_dim3A_2258 = vector.shape_cast %eq3A_2257 : vector<512x1xi1> to vector<512x1xi1>
    %broadcast_in_dim3A_2259 = vector.broadcast %broadcast_in_dim3A_2258 : vector<512x1xi1> to vector<512x128xi1>
    %select_n3A_2260 = arith.select %broadcast_in_dim3A_2259, %slice3A_35, %select_n3A_2254 : vector<512x128xi1>, vector<512x128xf32>
    %eq3A_2261 = arith.constant 15 : i32
    %eq3A_2262 = vector.broadcast %eq3A_2261 : i32 to vector<512x1xi32>
    %eq3A_2263 = arith.cmpi eq, %broadcast_in_dim3A_2170, %eq3A_2262 : vector<512x1xi32>
    %broadcast_in_dim3A_2264 = vector.shape_cast %eq3A_2263 : vector<512x1xi1> to vector<512x1xi1>
    %broadcast_in_dim3A_2265 = vector.broadcast %broadcast_in_dim3A_2264 : vector<512x1xi1> to vector<512x128xi1>
    %select_n3A_2266 = arith.select %broadcast_in_dim3A_2265, %slice3A_34, %select_n3A_2260 : vector<512x128xi1>, vector<512x128xf32>
    %eq3A_2267 = arith.constant 14 : i32
    %eq3A_2268 = vector.broadcast %eq3A_2267 : i32 to vector<512x1xi32>
    %eq3A_2269 = arith.cmpi eq, %broadcast_in_dim3A_2170, %eq3A_2268 : vector<512x1xi32>
    %broadcast_in_dim3A_2270 = vector.shape_cast %eq3A_2269 : vector<512x1xi1> to vector<512x1xi1>
    %broadcast_in_dim3A_2271 = vector.broadcast %broadcast_in_dim3A_2270 : vector<512x1xi1> to vector<512x128xi1>
    %select_n3A_2272 = arith.select %broadcast_in_dim3A_2271, %slice3A_33, %select_n3A_2266 : vector<512x128xi1>, vector<512x128xf32>
    %eq3A_2273 = arith.constant 13 : i32
    %eq3A_2274 = vector.broadcast %eq3A_2273 : i32 to vector<512x1xi32>
    %eq3A_2275 = arith.cmpi eq, %broadcast_in_dim3A_2170, %eq3A_2274 : vector<512x1xi32>
    %broadcast_in_dim3A_2276 = vector.shape_cast %eq3A_2275 : vector<512x1xi1> to vector<512x1xi1>
    %broadcast_in_dim3A_2277 = vector.broadcast %broadcast_in_dim3A_2276 : vector<512x1xi1> to vector<512x128xi1>
    %select_n3A_2278 = arith.select %broadcast_in_dim3A_2277, %slice3A_32, %select_n3A_2272 : vector<512x128xi1>, vector<512x128xf32>
    %eq3A_2279 = arith.constant 12 : i32
    %eq3A_2280 = vector.broadcast %eq3A_2279 : i32 to vector<512x1xi32>
    %eq3A_2281 = arith.cmpi eq, %broadcast_in_dim3A_2170, %eq3A_2280 : vector<512x1xi32>
    %broadcast_in_dim3A_2282 = vector.shape_cast %eq3A_2281 : vector<512x1xi1> to vector<512x1xi1>
    %broadcast_in_dim3A_2283 = vector.broadcast %broadcast_in_dim3A_2282 : vector<512x1xi1> to vector<512x128xi1>
    %select_n3A_2284 = arith.select %broadcast_in_dim3A_2283, %slice3A_31, %select_n3A_2278 : vector<512x128xi1>, vector<512x128xf32>
    %eq3A_2285 = arith.constant 11 : i32
    %eq3A_2286 = vector.broadcast %eq3A_2285 : i32 to vector<512x1xi32>
    %eq3A_2287 = arith.cmpi eq, %broadcast_in_dim3A_2170, %eq3A_2286 : vector<512x1xi32>
    %broadcast_in_dim3A_2288 = vector.shape_cast %eq3A_2287 : vector<512x1xi1> to vector<512x1xi1>
    %broadcast_in_dim3A_2289 = vector.broadcast %broadcast_in_dim3A_2288 : vector<512x1xi1> to vector<512x128xi1>
    %select_n3A_2290 = arith.select %broadcast_in_dim3A_2289, %slice3A_30, %select_n3A_2284 : vector<512x128xi1>, vector<512x128xf32>
    %eq3A_2291 = arith.constant 10 : i32
    %eq3A_2292 = vector.broadcast %eq3A_2291 : i32 to vector<512x1xi32>
    %eq3A_2293 = arith.cmpi eq, %broadcast_in_dim3A_2170, %eq3A_2292 : vector<512x1xi32>
    %broadcast_in_dim3A_2294 = vector.shape_cast %eq3A_2293 : vector<512x1xi1> to vector<512x1xi1>
    %broadcast_in_dim3A_2295 = vector.broadcast %broadcast_in_dim3A_2294 : vector<512x1xi1> to vector<512x128xi1>
    %select_n3A_2296 = arith.select %broadcast_in_dim3A_2295, %slice3A_29, %select_n3A_2290 : vector<512x128xi1>, vector<512x128xf32>
    %eq3A_2297 = arith.constant 9 : i32
    %eq3A_2298 = vector.broadcast %eq3A_2297 : i32 to vector<512x1xi32>
    %eq3A_2299 = arith.cmpi eq, %broadcast_in_dim3A_2170, %eq3A_2298 : vector<512x1xi32>
    %broadcast_in_dim3A_2300 = vector.shape_cast %eq3A_2299 : vector<512x1xi1> to vector<512x1xi1>
    %broadcast_in_dim3A_2301 = vector.broadcast %broadcast_in_dim3A_2300 : vector<512x1xi1> to vector<512x128xi1>
    %select_n3A_2302 = arith.select %broadcast_in_dim3A_2301, %slice3A_28, %select_n3A_2296 : vector<512x128xi1>, vector<512x128xf32>
    %eq3A_2303 = arith.constant 8 : i32
    %eq3A_2304 = vector.broadcast %eq3A_2303 : i32 to vector<512x1xi32>
    %eq3A_2305 = arith.cmpi eq, %broadcast_in_dim3A_2170, %eq3A_2304 : vector<512x1xi32>
    %broadcast_in_dim3A_2306 = vector.shape_cast %eq3A_2305 : vector<512x1xi1> to vector<512x1xi1>
    %broadcast_in_dim3A_2307 = vector.broadcast %broadcast_in_dim3A_2306 : vector<512x1xi1> to vector<512x128xi1>
    %select_n3A_2308 = arith.select %broadcast_in_dim3A_2307, %slice3A_27, %select_n3A_2302 : vector<512x128xi1>, vector<512x128xf32>
    %eq3A_2309 = arith.constant 7 : i32
    %eq3A_2310 = vector.broadcast %eq3A_2309 : i32 to vector<512x1xi32>
    %eq3A_2311 = arith.cmpi eq, %broadcast_in_dim3A_2170, %eq3A_2310 : vector<512x1xi32>
    %broadcast_in_dim3A_2312 = vector.shape_cast %eq3A_2311 : vector<512x1xi1> to vector<512x1xi1>
    %broadcast_in_dim3A_2313 = vector.broadcast %broadcast_in_dim3A_2312 : vector<512x1xi1> to vector<512x128xi1>
    %select_n3A_2314 = arith.select %broadcast_in_dim3A_2313, %slice3A_26, %select_n3A_2308 : vector<512x128xi1>, vector<512x128xf32>
    %eq3A_2315 = arith.constant 6 : i32
    %eq3A_2316 = vector.broadcast %eq3A_2315 : i32 to vector<512x1xi32>
    %eq3A_2317 = arith.cmpi eq, %broadcast_in_dim3A_2170, %eq3A_2316 : vector<512x1xi32>
    %broadcast_in_dim3A_2318 = vector.shape_cast %eq3A_2317 : vector<512x1xi1> to vector<512x1xi1>
    %broadcast_in_dim3A_2319 = vector.broadcast %broadcast_in_dim3A_2318 : vector<512x1xi1> to vector<512x128xi1>
    %select_n3A_2320 = arith.select %broadcast_in_dim3A_2319, %slice3A_25, %select_n3A_2314 : vector<512x128xi1>, vector<512x128xf32>
    %eq3A_2321 = arith.constant 5 : i32
    %eq3A_2322 = vector.broadcast %eq3A_2321 : i32 to vector<512x1xi32>
    %eq3A_2323 = arith.cmpi eq, %broadcast_in_dim3A_2170, %eq3A_2322 : vector<512x1xi32>
    %broadcast_in_dim3A_2324 = vector.shape_cast %eq3A_2323 : vector<512x1xi1> to vector<512x1xi1>
    %broadcast_in_dim3A_2325 = vector.broadcast %broadcast_in_dim3A_2324 : vector<512x1xi1> to vector<512x128xi1>
    %select_n3A_2326 = arith.select %broadcast_in_dim3A_2325, %slice3A_24, %select_n3A_2320 : vector<512x128xi1>, vector<512x128xf32>
    %eq3A_2327 = arith.constant 4 : i32
    %eq3A_2328 = vector.broadcast %eq3A_2327 : i32 to vector<512x1xi32>
    %eq3A_2329 = arith.cmpi eq, %broadcast_in_dim3A_2170, %eq3A_2328 : vector<512x1xi32>
    %broadcast_in_dim3A_2330 = vector.shape_cast %eq3A_2329 : vector<512x1xi1> to vector<512x1xi1>
    %broadcast_in_dim3A_2331 = vector.broadcast %broadcast_in_dim3A_2330 : vector<512x1xi1> to vector<512x128xi1>
    %select_n3A_2332 = arith.select %broadcast_in_dim3A_2331, %slice3A_23, %select_n3A_2326 : vector<512x128xi1>, vector<512x128xf32>
    %eq3A_2333 = arith.constant 3 : i32
    %eq3A_2334 = vector.broadcast %eq3A_2333 : i32 to vector<512x1xi32>
    %eq3A_2335 = arith.cmpi eq, %broadcast_in_dim3A_2170, %eq3A_2334 : vector<512x1xi32>
    %broadcast_in_dim3A_2336 = vector.shape_cast %eq3A_2335 : vector<512x1xi1> to vector<512x1xi1>
    %broadcast_in_dim3A_2337 = vector.broadcast %broadcast_in_dim3A_2336 : vector<512x1xi1> to vector<512x128xi1>
    %select_n3A_2338 = arith.select %broadcast_in_dim3A_2337, %slice3A_22, %select_n3A_2332 : vector<512x128xi1>, vector<512x128xf32>
    %eq3A_2339 = arith.constant 2 : i32
    %eq3A_2340 = vector.broadcast %eq3A_2339 : i32 to vector<512x1xi32>
    %eq3A_2341 = arith.cmpi eq, %broadcast_in_dim3A_2170, %eq3A_2340 : vector<512x1xi32>
    %broadcast_in_dim3A_2342 = vector.shape_cast %eq3A_2341 : vector<512x1xi1> to vector<512x1xi1>
    %broadcast_in_dim3A_2343 = vector.broadcast %broadcast_in_dim3A_2342 : vector<512x1xi1> to vector<512x128xi1>
    %select_n3A_2344 = arith.select %broadcast_in_dim3A_2343, %slice3A_21, %select_n3A_2338 : vector<512x128xi1>, vector<512x128xf32>
    %eq3A_2345 = arith.constant 1 : i32
    %eq3A_2346 = vector.broadcast %eq3A_2345 : i32 to vector<512x1xi32>
    %eq3A_2347 = arith.cmpi eq, %broadcast_in_dim3A_2170, %eq3A_2346 : vector<512x1xi32>
    %broadcast_in_dim3A_2348 = vector.shape_cast %eq3A_2347 : vector<512x1xi1> to vector<512x1xi1>
    %broadcast_in_dim3A_2349 = vector.broadcast %broadcast_in_dim3A_2348 : vector<512x1xi1> to vector<512x128xi1>
    %select_n3A_2350 = arith.select %broadcast_in_dim3A_2349, %slice3A_20, %select_n3A_2344 : vector<512x128xi1>, vector<512x128xf32>
    %eq3A_2351 = arith.constant 0 : i32
    %eq3A_2352 = vector.broadcast %eq3A_2351 : i32 to vector<512x1xi32>
    %eq3A_2353 = arith.cmpi eq, %broadcast_in_dim3A_2170, %eq3A_2352 : vector<512x1xi32>
    %broadcast_in_dim3A_2354 = vector.shape_cast %eq3A_2353 : vector<512x1xi1> to vector<512x1xi1>
    %broadcast_in_dim3A_2355 = vector.broadcast %broadcast_in_dim3A_2354 : vector<512x1xi1> to vector<512x128xi1>
    %select_n3A_2356 = arith.select %broadcast_in_dim3A_2355, %slice3A, %select_n3A_2350 : vector<512x128xi1>, vector<512x128xf32>
    %mul3A_2357 = arith.constant 128 : i32
    %mul3A_2358 = vector.broadcast %mul3A_2357 : i32 to vector<512x1xi32>
    %mul3A_2359 = arith.muli %broadcast_in_dim3A_2170, %mul3A_2358 : vector<512x1xi32>
    %add3A_2360 = vector.broadcast %mul3A_2359 : vector<512x1xi32> to vector<512x128xi32>
    %add3A_2361 = arith.addi %add3A_2360, %iota3A_146 : vector<512x128xi32>
    %eq3A_2362 = vector.broadcast %add3A_354 : vector<512x1xi32> to vector<512x128xi32>
    %eq3A_2363 = arith.cmpi eq, %add3A_2361, %eq3A_2362 : vector<512x128xi32>
    %jit3A_2364 = arith.constant 0x7F800000 : f32
    %broadcast_in_dim3A_2365 = vector.broadcast %jit3A_2364 : f32 to vector<512x128xf32>
    %select_n3A_2366 = arith.select %eq3A_2363, %broadcast_in_dim3A_2365, %select_n3A_2356 : vector<512x128xi1>, vector<512x128xf32>
    %eq3A_2367 = vector.broadcast %add3A_593 : vector<512x1xi32> to vector<512x128xi32>
    %eq3A_2368 = arith.cmpi eq, %add3A_2361, %eq3A_2367 : vector<512x128xi32>
    %jit3A_2369 = arith.constant 0x7F800000 : f32
    %broadcast_in_dim3A_2370 = vector.broadcast %jit3A_2369 : f32 to vector<512x128xf32>
    %select_n3A_2371 = arith.select %eq3A_2368, %broadcast_in_dim3A_2370, %select_n3A_2366 : vector<512x128xi1>, vector<512x128xf32>
    %eq3A_2372 = vector.broadcast %add3A_838 : vector<512x1xi32> to vector<512x128xi32>
    %eq3A_2373 = arith.cmpi eq, %add3A_2361, %eq3A_2372 : vector<512x128xi32>
    %jit3A_2374 = arith.constant 0x7F800000 : f32
    %broadcast_in_dim3A_2375 = vector.broadcast %jit3A_2374 : f32 to vector<512x128xf32>
    %select_n3A_2376 = arith.select %eq3A_2373, %broadcast_in_dim3A_2375, %select_n3A_2371 : vector<512x128xi1>, vector<512x128xf32>
    %eq3A_2377 = vector.broadcast %add3A_1088 : vector<512x1xi32> to vector<512x128xi32>
    %eq3A_2378 = arith.cmpi eq, %add3A_2361, %eq3A_2377 : vector<512x128xi32>
    %jit3A_2379 = arith.constant 0x7F800000 : f32
    %broadcast_in_dim3A_2380 = vector.broadcast %jit3A_2379 : f32 to vector<512x128xf32>
    %select_n3A_2381 = arith.select %eq3A_2378, %broadcast_in_dim3A_2380, %select_n3A_2376 : vector<512x128xi1>, vector<512x128xf32>
    %eq3A_2382 = vector.broadcast %add3A_1343 : vector<512x1xi32> to vector<512x128xi32>
    %eq3A_2383 = arith.cmpi eq, %add3A_2361, %eq3A_2382 : vector<512x128xi32>
    %jit3A_2384 = arith.constant 0x7F800000 : f32
    %broadcast_in_dim3A_2385 = vector.broadcast %jit3A_2384 : f32 to vector<512x128xf32>
    %select_n3A_2386 = arith.select %eq3A_2383, %broadcast_in_dim3A_2385, %select_n3A_2381 : vector<512x128xi1>, vector<512x128xf32>
    %eq3A_2387 = vector.broadcast %add3A_1603 : vector<512x1xi32> to vector<512x128xi32>
    %eq3A_2388 = arith.cmpi eq, %add3A_2361, %eq3A_2387 : vector<512x128xi32>
    %jit3A_2389 = arith.constant 0x7F800000 : f32
    %broadcast_in_dim3A_2390 = vector.broadcast %jit3A_2389 : f32 to vector<512x128xf32>
    %select_n3A_2391 = arith.select %eq3A_2388, %broadcast_in_dim3A_2390, %select_n3A_2386 : vector<512x128xi1>, vector<512x128xf32>
    %eq3A_2392 = vector.broadcast %add3A_1868 : vector<512x1xi32> to vector<512x128xi32>
    %eq3A_2393 = arith.cmpi eq, %add3A_2361, %eq3A_2392 : vector<512x128xi32>
    %jit3A_2394 = arith.constant 0x7F800000 : f32
    %broadcast_in_dim3A_2395 = vector.broadcast %jit3A_2394 : f32 to vector<512x128xf32>
    %select_n3A_2396 = arith.select %eq3A_2393, %broadcast_in_dim3A_2395, %select_n3A_2391 : vector<512x128xi1>, vector<512x128xf32>
    %eq3A_2397 = vector.broadcast %add3A_2138 : vector<512x1xi32> to vector<512x128xi32>
    %eq3A_2398 = arith.cmpi eq, %add3A_2361, %eq3A_2397 : vector<512x128xi32>
    %jit3A_2399 = arith.constant 0x7F800000 : f32
    %broadcast_in_dim3A_2400 = vector.broadcast %jit3A_2399 : f32 to vector<512x128xf32>
    %select_n3A_2401 = arith.select %eq3A_2398, %broadcast_in_dim3A_2400, %select_n3A_2396 : vector<512x128xi1>, vector<512x128xf32>
    %eq3A_2402 = vector.broadcast %broadcast_in_dim3A_2162 : vector<512x1xf32> to vector<512x128xf32>
    %eq3A_2403 = arith.cmpf oeq, %select_n3A_2401, %eq3A_2402 : vector<512x128xf32>
    %jit3A_2404 = arith.constant 128 : i32
    %broadcast_in_dim3A_2405 = vector.broadcast %jit3A_2404 : i32 to vector<512x128xi32>
    %select_n3A_2406 = arith.select %eq3A_2403, %iota3A_146, %broadcast_in_dim3A_2405 : vector<512x128xi1>, vector<512x128xi32>
    %reduce_min3A_2407 = arith.constant dense<2147483647> : vector<512xi32>
    %reduce_min3A_2408 = vector.multi_reduction <minsi>, %select_n3A_2406, %reduce_min3A_2407 [1] : vector<512x128xi32> to vector<512xi32>
    %broadcast_in_dim3A_2409 = vector.shape_cast %reduce_min3A_2408 : vector<512xi32> to vector<512x1xi32>
    %mul3A_2410 = arith.constant 128 : i32
    %mul3A_2411 = vector.broadcast %mul3A_2410 : i32 to vector<512x1xi32>
    %mul3A_2412 = arith.muli %broadcast_in_dim3A_2170, %mul3A_2411 : vector<512x1xi32>
    %add3A_2413 = arith.addi %mul3A_2412, %broadcast_in_dim3A_2409 : vector<512x1xi32>
    %add3A_2414 = vector.broadcast %mul3A_148 : i32 to vector<512x1xi32>
    %add3A_2415 = arith.addi %add3A_2413, %add3A_2414 : vector<512x1xi32>
    %swap3A_2416 = arith.constant 0 : index
    %swap3A_2417 = arith.constant 0 : index
    %swap3A_2418 = arith.constant 8 : index
    %swap3A_2419 = vector.load %arg4[%swap3A_2416, %swap3A_2417, %swap3A_2418] : memref<1x512x16xi32, #tpu.memory_space<vmem>>, vector<1x512x1xi32>
    %swap3A_2420 = vector.shape_cast %swap3A_2419 : vector<1x512x1xi32> to vector<512x1xi32>
    %swap3A_2421 = vector.shape_cast %add3A_2415 : vector<512x1xi32> to vector<1x512x1xi32>
    tpu.vector_store %arg4[%swap3A_2416, %swap3A_2417, %swap3A_2418], %swap3A_2421 {strides = array<i32>} : memref<1x512x16xi32, #tpu.memory_space<vmem>>, vector<1x512x1xi32>,
    %eq3A_2422 = vector.broadcast %broadcast_in_dim3A_2409 : vector<512x1xi32> to vector<512x128xi32>
    %eq3A_2423 = arith.cmpi eq, %iota3A_146, %eq3A_2422 : vector<512x128xi32>
    %jit3A_2424 = arith.constant 0x7F800000 : f32
    %broadcast_in_dim3A_2425 = vector.broadcast %jit3A_2424 : f32 to vector<512x128xf32>
    %select_n3A_2426 = arith.select %eq3A_2423, %broadcast_in_dim3A_2425, %select_n3A_2401 : vector<512x128xi1>, vector<512x128xf32>
    %reduce_min3A_2427 = arith.constant dense<0x7F800000> : vector<512xf32>
    %reduce_min3A_2428 = vector.multi_reduction <minimumf>, %select_n3A_2426, %reduce_min3A_2427 [1] : vector<512x128xf32> to vector<512xf32>
    %broadcast_in_dim3A_2429 = vector.shape_cast %reduce_min3A_2428 : vector<512xf32> to vector<512x1xf32>
    %eq3A_2430 = vector.broadcast %broadcast_in_dim3A_2170 : vector<512x1xi32> to vector<512x32xi32>
    %eq3A_2431 = arith.cmpi eq, %iota3A, %eq3A_2430 : vector<512x32xi32>
    %broadcast_in_dim3A_2432 = vector.shape_cast %broadcast_in_dim3A_2429 : vector<512x1xf32> to vector<512x1xf32>
    %broadcast_in_dim3A_2433 = vector.broadcast %broadcast_in_dim3A_2432 : vector<512x1xf32> to vector<512x32xf32>
    %select_n3A_2434 = arith.select %eq3A_2431, %broadcast_in_dim3A_2433, %select_n3A_2159 : vector<512x32xi1>, vector<512x32xf32>
    %reduce_min3A_2435 = arith.constant dense<0x7F800000> : vector<512xf32>
    %reduce_min3A_2436 = vector.multi_reduction <minimumf>, %select_n3A_2434, %reduce_min3A_2435 [1] : vector<512x32xf32> to vector<512xf32>
    %broadcast_in_dim3A_2437 = vector.shape_cast %reduce_min3A_2436 : vector<512xf32> to vector<512x1xf32>
    %eq3A_2438 = vector.broadcast %broadcast_in_dim3A_2437 : vector<512x1xf32> to vector<512x32xf32>
    %eq3A_2439 = arith.cmpf oeq, %select_n3A_2434, %eq3A_2438 : vector<512x32xf32>
    %jit3A_2440 = arith.constant 32 : i32
    %broadcast_in_dim3A_2441 = vector.broadcast %jit3A_2440 : i32 to vector<512x32xi32>
    %select_n3A_2442 = arith.select %eq3A_2439, %iota3A, %broadcast_in_dim3A_2441 : vector<512x32xi1>, vector<512x32xi32>
    %reduce_min3A_2443 = arith.constant dense<2147483647> : vector<512xi32>
    %reduce_min3A_2444 = vector.multi_reduction <minsi>, %select_n3A_2442, %reduce_min3A_2443 [1] : vector<512x32xi32> to vector<512xi32>
    %broadcast_in_dim3A_2445 = vector.shape_cast %reduce_min3A_2444 : vector<512xi32> to vector<512x1xi32>
    %eq3A_2446 = arith.constant 30 : i32
    %eq3A_2447 = vector.broadcast %eq3A_2446 : i32 to vector<512x1xi32>
    %eq3A_2448 = arith.cmpi eq, %broadcast_in_dim3A_2445, %eq3A_2447 : vector<512x1xi32>
    %broadcast_in_dim3A_2449 = vector.shape_cast %eq3A_2448 : vector<512x1xi1> to vector<512x1xi1>
    %broadcast_in_dim3A_2450 = vector.broadcast %broadcast_in_dim3A_2449 : vector<512x1xi1> to vector<512x128xi1>
    %select_n3A_2451 = arith.select %broadcast_in_dim3A_2450, %slice3A_49, %slice3A_50 : vector<512x128xi1>, vector<512x128xf32>
    %eq3A_2452 = arith.constant 29 : i32
    %eq3A_2453 = vector.broadcast %eq3A_2452 : i32 to vector<512x1xi32>
    %eq3A_2454 = arith.cmpi eq, %broadcast_in_dim3A_2445, %eq3A_2453 : vector<512x1xi32>
    %broadcast_in_dim3A_2455 = vector.shape_cast %eq3A_2454 : vector<512x1xi1> to vector<512x1xi1>
    %broadcast_in_dim3A_2456 = vector.broadcast %broadcast_in_dim3A_2455 : vector<512x1xi1> to vector<512x128xi1>
    %select_n3A_2457 = arith.select %broadcast_in_dim3A_2456, %slice3A_48, %select_n3A_2451 : vector<512x128xi1>, vector<512x128xf32>
    %eq3A_2458 = arith.constant 28 : i32
    %eq3A_2459 = vector.broadcast %eq3A_2458 : i32 to vector<512x1xi32>
    %eq3A_2460 = arith.cmpi eq, %broadcast_in_dim3A_2445, %eq3A_2459 : vector<512x1xi32>
    %broadcast_in_dim3A_2461 = vector.shape_cast %eq3A_2460 : vector<512x1xi1> to vector<512x1xi1>
    %broadcast_in_dim3A_2462 = vector.broadcast %broadcast_in_dim3A_2461 : vector<512x1xi1> to vector<512x128xi1>
    %select_n3A_2463 = arith.select %broadcast_in_dim3A_2462, %slice3A_47, %select_n3A_2457 : vector<512x128xi1>, vector<512x128xf32>
    %eq3A_2464 = arith.constant 27 : i32
    %eq3A_2465 = vector.broadcast %eq3A_2464 : i32 to vector<512x1xi32>
    %eq3A_2466 = arith.cmpi eq, %broadcast_in_dim3A_2445, %eq3A_2465 : vector<512x1xi32>
    %broadcast_in_dim3A_2467 = vector.shape_cast %eq3A_2466 : vector<512x1xi1> to vector<512x1xi1>
    %broadcast_in_dim3A_2468 = vector.broadcast %broadcast_in_dim3A_2467 : vector<512x1xi1> to vector<512x128xi1>
    %select_n3A_2469 = arith.select %broadcast_in_dim3A_2468, %slice3A_46, %select_n3A_2463 : vector<512x128xi1>, vector<512x128xf32>
    %eq3A_2470 = arith.constant 26 : i32
    %eq3A_2471 = vector.broadcast %eq3A_2470 : i32 to vector<512x1xi32>
    %eq3A_2472 = arith.cmpi eq, %broadcast_in_dim3A_2445, %eq3A_2471 : vector<512x1xi32>
    %broadcast_in_dim3A_2473 = vector.shape_cast %eq3A_2472 : vector<512x1xi1> to vector<512x1xi1>
    %broadcast_in_dim3A_2474 = vector.broadcast %broadcast_in_dim3A_2473 : vector<512x1xi1> to vector<512x128xi1>
    %select_n3A_2475 = arith.select %broadcast_in_dim3A_2474, %slice3A_45, %select_n3A_2469 : vector<512x128xi1>, vector<512x128xf32>
    %eq3A_2476 = arith.constant 25 : i32
    %eq3A_2477 = vector.broadcast %eq3A_2476 : i32 to vector<512x1xi32>
    %eq3A_2478 = arith.cmpi eq, %broadcast_in_dim3A_2445, %eq3A_2477 : vector<512x1xi32>
    %broadcast_in_dim3A_2479 = vector.shape_cast %eq3A_2478 : vector<512x1xi1> to vector<512x1xi1>
    %broadcast_in_dim3A_2480 = vector.broadcast %broadcast_in_dim3A_2479 : vector<512x1xi1> to vector<512x128xi1>
    %select_n3A_2481 = arith.select %broadcast_in_dim3A_2480, %slice3A_44, %select_n3A_2475 : vector<512x128xi1>, vector<512x128xf32>
    %eq3A_2482 = arith.constant 24 : i32
    %eq3A_2483 = vector.broadcast %eq3A_2482 : i32 to vector<512x1xi32>
    %eq3A_2484 = arith.cmpi eq, %broadcast_in_dim3A_2445, %eq3A_2483 : vector<512x1xi32>
    %broadcast_in_dim3A_2485 = vector.shape_cast %eq3A_2484 : vector<512x1xi1> to vector<512x1xi1>
    %broadcast_in_dim3A_2486 = vector.broadcast %broadcast_in_dim3A_2485 : vector<512x1xi1> to vector<512x128xi1>
    %select_n3A_2487 = arith.select %broadcast_in_dim3A_2486, %slice3A_43, %select_n3A_2481 : vector<512x128xi1>, vector<512x128xf32>
    %eq3A_2488 = arith.constant 23 : i32
    %eq3A_2489 = vector.broadcast %eq3A_2488 : i32 to vector<512x1xi32>
    %eq3A_2490 = arith.cmpi eq, %broadcast_in_dim3A_2445, %eq3A_2489 : vector<512x1xi32>
    %broadcast_in_dim3A_2491 = vector.shape_cast %eq3A_2490 : vector<512x1xi1> to vector<512x1xi1>
    %broadcast_in_dim3A_2492 = vector.broadcast %broadcast_in_dim3A_2491 : vector<512x1xi1> to vector<512x128xi1>
    %select_n3A_2493 = arith.select %broadcast_in_dim3A_2492, %slice3A_42, %select_n3A_2487 : vector<512x128xi1>, vector<512x128xf32>
    %eq3A_2494 = arith.constant 22 : i32
    %eq3A_2495 = vector.broadcast %eq3A_2494 : i32 to vector<512x1xi32>
    %eq3A_2496 = arith.cmpi eq, %broadcast_in_dim3A_2445, %eq3A_2495 : vector<512x1xi32>
    %broadcast_in_dim3A_2497 = vector.shape_cast %eq3A_2496 : vector<512x1xi1> to vector<512x1xi1>
    %broadcast_in_dim3A_2498 = vector.broadcast %broadcast_in_dim3A_2497 : vector<512x1xi1> to vector<512x128xi1>
    %select_n3A_2499 = arith.select %broadcast_in_dim3A_2498, %slice3A_41, %select_n3A_2493 : vector<512x128xi1>, vector<512x128xf32>
    %eq3A_2500 = arith.constant 21 : i32
    %eq3A_2501 = vector.broadcast %eq3A_2500 : i32 to vector<512x1xi32>
    %eq3A_2502 = arith.cmpi eq, %broadcast_in_dim3A_2445, %eq3A_2501 : vector<512x1xi32>
    %broadcast_in_dim3A_2503 = vector.shape_cast %eq3A_2502 : vector<512x1xi1> to vector<512x1xi1>
    %broadcast_in_dim3A_2504 = vector.broadcast %broadcast_in_dim3A_2503 : vector<512x1xi1> to vector<512x128xi1>
    %select_n3A_2505 = arith.select %broadcast_in_dim3A_2504, %slice3A_40, %select_n3A_2499 : vector<512x128xi1>, vector<512x128xf32>
    %eq3A_2506 = arith.constant 20 : i32
    %eq3A_2507 = vector.broadcast %eq3A_2506 : i32 to vector<512x1xi32>
    %eq3A_2508 = arith.cmpi eq, %broadcast_in_dim3A_2445, %eq3A_2507 : vector<512x1xi32>
    %broadcast_in_dim3A_2509 = vector.shape_cast %eq3A_2508 : vector<512x1xi1> to vector<512x1xi1>
    %broadcast_in_dim3A_2510 = vector.broadcast %broadcast_in_dim3A_2509 : vector<512x1xi1> to vector<512x128xi1>
    %select_n3A_2511 = arith.select %broadcast_in_dim3A_2510, %slice3A_39, %select_n3A_2505 : vector<512x128xi1>, vector<512x128xf32>
    %eq3A_2512 = arith.constant 19 : i32
    %eq3A_2513 = vector.broadcast %eq3A_2512 : i32 to vector<512x1xi32>
    %eq3A_2514 = arith.cmpi eq, %broadcast_in_dim3A_2445, %eq3A_2513 : vector<512x1xi32>
    %broadcast_in_dim3A_2515 = vector.shape_cast %eq3A_2514 : vector<512x1xi1> to vector<512x1xi1>
    %broadcast_in_dim3A_2516 = vector.broadcast %broadcast_in_dim3A_2515 : vector<512x1xi1> to vector<512x128xi1>
    %select_n3A_2517 = arith.select %broadcast_in_dim3A_2516, %slice3A_38, %select_n3A_2511 : vector<512x128xi1>, vector<512x128xf32>
    %eq3A_2518 = arith.constant 18 : i32
    %eq3A_2519 = vector.broadcast %eq3A_2518 : i32 to vector<512x1xi32>
    %eq3A_2520 = arith.cmpi eq, %broadcast_in_dim3A_2445, %eq3A_2519 : vector<512x1xi32>
    %broadcast_in_dim3A_2521 = vector.shape_cast %eq3A_2520 : vector<512x1xi1> to vector<512x1xi1>
    %broadcast_in_dim3A_2522 = vector.broadcast %broadcast_in_dim3A_2521 : vector<512x1xi1> to vector<512x128xi1>
    %select_n3A_2523 = arith.select %broadcast_in_dim3A_2522, %slice3A_37, %select_n3A_2517 : vector<512x128xi1>, vector<512x128xf32>
    %eq3A_2524 = arith.constant 17 : i32
    %eq3A_2525 = vector.broadcast %eq3A_2524 : i32 to vector<512x1xi32>
    %eq3A_2526 = arith.cmpi eq, %broadcast_in_dim3A_2445, %eq3A_2525 : vector<512x1xi32>
    %broadcast_in_dim3A_2527 = vector.shape_cast %eq3A_2526 : vector<512x1xi1> to vector<512x1xi1>
    %broadcast_in_dim3A_2528 = vector.broadcast %broadcast_in_dim3A_2527 : vector<512x1xi1> to vector<512x128xi1>
    %select_n3A_2529 = arith.select %broadcast_in_dim3A_2528, %slice3A_36, %select_n3A_2523 : vector<512x128xi1>, vector<512x128xf32>
    %eq3A_2530 = arith.constant 16 : i32
    %eq3A_2531 = vector.broadcast %eq3A_2530 : i32 to vector<512x1xi32>
    %eq3A_2532 = arith.cmpi eq, %broadcast_in_dim3A_2445, %eq3A_2531 : vector<512x1xi32>
    %broadcast_in_dim3A_2533 = vector.shape_cast %eq3A_2532 : vector<512x1xi1> to vector<512x1xi1>
    %broadcast_in_dim3A_2534 = vector.broadcast %broadcast_in_dim3A_2533 : vector<512x1xi1> to vector<512x128xi1>
    %select_n3A_2535 = arith.select %broadcast_in_dim3A_2534, %slice3A_35, %select_n3A_2529 : vector<512x128xi1>, vector<512x128xf32>
    %eq3A_2536 = arith.constant 15 : i32
    %eq3A_2537 = vector.broadcast %eq3A_2536 : i32 to vector<512x1xi32>
    %eq3A_2538 = arith.cmpi eq, %broadcast_in_dim3A_2445, %eq3A_2537 : vector<512x1xi32>
    %broadcast_in_dim3A_2539 = vector.shape_cast %eq3A_2538 : vector<512x1xi1> to vector<512x1xi1>
    %broadcast_in_dim3A_2540 = vector.broadcast %broadcast_in_dim3A_2539 : vector<512x1xi1> to vector<512x128xi1>
    %select_n3A_2541 = arith.select %broadcast_in_dim3A_2540, %slice3A_34, %select_n3A_2535 : vector<512x128xi1>, vector<512x128xf32>
    %eq3A_2542 = arith.constant 14 : i32
    %eq3A_2543 = vector.broadcast %eq3A_2542 : i32 to vector<512x1xi32>
    %eq3A_2544 = arith.cmpi eq, %broadcast_in_dim3A_2445, %eq3A_2543 : vector<512x1xi32>
    %broadcast_in_dim3A_2545 = vector.shape_cast %eq3A_2544 : vector<512x1xi1> to vector<512x1xi1>
    %broadcast_in_dim3A_2546 = vector.broadcast %broadcast_in_dim3A_2545 : vector<512x1xi1> to vector<512x128xi1>
    %select_n3A_2547 = arith.select %broadcast_in_dim3A_2546, %slice3A_33, %select_n3A_2541 : vector<512x128xi1>, vector<512x128xf32>
    %eq3A_2548 = arith.constant 13 : i32
    %eq3A_2549 = vector.broadcast %eq3A_2548 : i32 to vector<512x1xi32>
    %eq3A_2550 = arith.cmpi eq, %broadcast_in_dim3A_2445, %eq3A_2549 : vector<512x1xi32>
    %broadcast_in_dim3A_2551 = vector.shape_cast %eq3A_2550 : vector<512x1xi1> to vector<512x1xi1>
    %broadcast_in_dim3A_2552 = vector.broadcast %broadcast_in_dim3A_2551 : vector<512x1xi1> to vector<512x128xi1>
    %select_n3A_2553 = arith.select %broadcast_in_dim3A_2552, %slice3A_32, %select_n3A_2547 : vector<512x128xi1>, vector<512x128xf32>
    %eq3A_2554 = arith.constant 12 : i32
    %eq3A_2555 = vector.broadcast %eq3A_2554 : i32 to vector<512x1xi32>
    %eq3A_2556 = arith.cmpi eq, %broadcast_in_dim3A_2445, %eq3A_2555 : vector<512x1xi32>
    %broadcast_in_dim3A_2557 = vector.shape_cast %eq3A_2556 : vector<512x1xi1> to vector<512x1xi1>
    %broadcast_in_dim3A_2558 = vector.broadcast %broadcast_in_dim3A_2557 : vector<512x1xi1> to vector<512x128xi1>
    %select_n3A_2559 = arith.select %broadcast_in_dim3A_2558, %slice3A_31, %select_n3A_2553 : vector<512x128xi1>, vector<512x128xf32>
    %eq3A_2560 = arith.constant 11 : i32
    %eq3A_2561 = vector.broadcast %eq3A_2560 : i32 to vector<512x1xi32>
    %eq3A_2562 = arith.cmpi eq, %broadcast_in_dim3A_2445, %eq3A_2561 : vector<512x1xi32>
    %broadcast_in_dim3A_2563 = vector.shape_cast %eq3A_2562 : vector<512x1xi1> to vector<512x1xi1>
    %broadcast_in_dim3A_2564 = vector.broadcast %broadcast_in_dim3A_2563 : vector<512x1xi1> to vector<512x128xi1>
    %select_n3A_2565 = arith.select %broadcast_in_dim3A_2564, %slice3A_30, %select_n3A_2559 : vector<512x128xi1>, vector<512x128xf32>
    %eq3A_2566 = arith.constant 10 : i32
    %eq3A_2567 = vector.broadcast %eq3A_2566 : i32 to vector<512x1xi32>
    %eq3A_2568 = arith.cmpi eq, %broadcast_in_dim3A_2445, %eq3A_2567 : vector<512x1xi32>
    %broadcast_in_dim3A_2569 = vector.shape_cast %eq3A_2568 : vector<512x1xi1> to vector<512x1xi1>
    %broadcast_in_dim3A_2570 = vector.broadcast %broadcast_in_dim3A_2569 : vector<512x1xi1> to vector<512x128xi1>
    %select_n3A_2571 = arith.select %broadcast_in_dim3A_2570, %slice3A_29, %select_n3A_2565 : vector<512x128xi1>, vector<512x128xf32>
    %eq3A_2572 = arith.constant 9 : i32
    %eq3A_2573 = vector.broadcast %eq3A_2572 : i32 to vector<512x1xi32>
    %eq3A_2574 = arith.cmpi eq, %broadcast_in_dim3A_2445, %eq3A_2573 : vector<512x1xi32>
    %broadcast_in_dim3A_2575 = vector.shape_cast %eq3A_2574 : vector<512x1xi1> to vector<512x1xi1>
    %broadcast_in_dim3A_2576 = vector.broadcast %broadcast_in_dim3A_2575 : vector<512x1xi1> to vector<512x128xi1>
    %select_n3A_2577 = arith.select %broadcast_in_dim3A_2576, %slice3A_28, %select_n3A_2571 : vector<512x128xi1>, vector<512x128xf32>
    %eq3A_2578 = arith.constant 8 : i32
    %eq3A_2579 = vector.broadcast %eq3A_2578 : i32 to vector<512x1xi32>
    %eq3A_2580 = arith.cmpi eq, %broadcast_in_dim3A_2445, %eq3A_2579 : vector<512x1xi32>
    %broadcast_in_dim3A_2581 = vector.shape_cast %eq3A_2580 : vector<512x1xi1> to vector<512x1xi1>
    %broadcast_in_dim3A_2582 = vector.broadcast %broadcast_in_dim3A_2581 : vector<512x1xi1> to vector<512x128xi1>
    %select_n3A_2583 = arith.select %broadcast_in_dim3A_2582, %slice3A_27, %select_n3A_2577 : vector<512x128xi1>, vector<512x128xf32>
    %eq3A_2584 = arith.constant 7 : i32
    %eq3A_2585 = vector.broadcast %eq3A_2584 : i32 to vector<512x1xi32>
    %eq3A_2586 = arith.cmpi eq, %broadcast_in_dim3A_2445, %eq3A_2585 : vector<512x1xi32>
    %broadcast_in_dim3A_2587 = vector.shape_cast %eq3A_2586 : vector<512x1xi1> to vector<512x1xi1>
    %broadcast_in_dim3A_2588 = vector.broadcast %broadcast_in_dim3A_2587 : vector<512x1xi1> to vector<512x128xi1>
    %select_n3A_2589 = arith.select %broadcast_in_dim3A_2588, %slice3A_26, %select_n3A_2583 : vector<512x128xi1>, vector<512x128xf32>
    %eq3A_2590 = arith.constant 6 : i32
    %eq3A_2591 = vector.broadcast %eq3A_2590 : i32 to vector<512x1xi32>
    %eq3A_2592 = arith.cmpi eq, %broadcast_in_dim3A_2445, %eq3A_2591 : vector<512x1xi32>
    %broadcast_in_dim3A_2593 = vector.shape_cast %eq3A_2592 : vector<512x1xi1> to vector<512x1xi1>
    %broadcast_in_dim3A_2594 = vector.broadcast %broadcast_in_dim3A_2593 : vector<512x1xi1> to vector<512x128xi1>
    %select_n3A_2595 = arith.select %broadcast_in_dim3A_2594, %slice3A_25, %select_n3A_2589 : vector<512x128xi1>, vector<512x128xf32>
    %eq3A_2596 = arith.constant 5 : i32
    %eq3A_2597 = vector.broadcast %eq3A_2596 : i32 to vector<512x1xi32>
    %eq3A_2598 = arith.cmpi eq, %broadcast_in_dim3A_2445, %eq3A_2597 : vector<512x1xi32>
    %broadcast_in_dim3A_2599 = vector.shape_cast %eq3A_2598 : vector<512x1xi1> to vector<512x1xi1>
    %broadcast_in_dim3A_2600 = vector.broadcast %broadcast_in_dim3A_2599 : vector<512x1xi1> to vector<512x128xi1>
    %select_n3A_2601 = arith.select %broadcast_in_dim3A_2600, %slice3A_24, %select_n3A_2595 : vector<512x128xi1>, vector<512x128xf32>
    %eq3A_2602 = arith.constant 4 : i32
    %eq3A_2603 = vector.broadcast %eq3A_2602 : i32 to vector<512x1xi32>
    %eq3A_2604 = arith.cmpi eq, %broadcast_in_dim3A_2445, %eq3A_2603 : vector<512x1xi32>
    %broadcast_in_dim3A_2605 = vector.shape_cast %eq3A_2604 : vector<512x1xi1> to vector<512x1xi1>
    %broadcast_in_dim3A_2606 = vector.broadcast %broadcast_in_dim3A_2605 : vector<512x1xi1> to vector<512x128xi1>
    %select_n3A_2607 = arith.select %broadcast_in_dim3A_2606, %slice3A_23, %select_n3A_2601 : vector<512x128xi1>, vector<512x128xf32>
    %eq3A_2608 = arith.constant 3 : i32
    %eq3A_2609 = vector.broadcast %eq3A_2608 : i32 to vector<512x1xi32>
    %eq3A_2610 = arith.cmpi eq, %broadcast_in_dim3A_2445, %eq3A_2609 : vector<512x1xi32>
    %broadcast_in_dim3A_2611 = vector.shape_cast %eq3A_2610 : vector<512x1xi1> to vector<512x1xi1>
    %broadcast_in_dim3A_2612 = vector.broadcast %broadcast_in_dim3A_2611 : vector<512x1xi1> to vector<512x128xi1>
    %select_n3A_2613 = arith.select %broadcast_in_dim3A_2612, %slice3A_22, %select_n3A_2607 : vector<512x128xi1>, vector<512x128xf32>
    %eq3A_2614 = arith.constant 2 : i32
    %eq3A_2615 = vector.broadcast %eq3A_2614 : i32 to vector<512x1xi32>
    %eq3A_2616 = arith.cmpi eq, %broadcast_in_dim3A_2445, %eq3A_2615 : vector<512x1xi32>
    %broadcast_in_dim3A_2617 = vector.shape_cast %eq3A_2616 : vector<512x1xi1> to vector<512x1xi1>
    %broadcast_in_dim3A_2618 = vector.broadcast %broadcast_in_dim3A_2617 : vector<512x1xi1> to vector<512x128xi1>
    %select_n3A_2619 = arith.select %broadcast_in_dim3A_2618, %slice3A_21, %select_n3A_2613 : vector<512x128xi1>, vector<512x128xf32>
    %eq3A_2620 = arith.constant 1 : i32
    %eq3A_2621 = vector.broadcast %eq3A_2620 : i32 to vector<512x1xi32>
    %eq3A_2622 = arith.cmpi eq, %broadcast_in_dim3A_2445, %eq3A_2621 : vector<512x1xi32>
    %broadcast_in_dim3A_2623 = vector.shape_cast %eq3A_2622 : vector<512x1xi1> to vector<512x1xi1>
    %broadcast_in_dim3A_2624 = vector.broadcast %broadcast_in_dim3A_2623 : vector<512x1xi1> to vector<512x128xi1>
    %select_n3A_2625 = arith.select %broadcast_in_dim3A_2624, %slice3A_20, %select_n3A_2619 : vector<512x128xi1>, vector<512x128xf32>
    %eq3A_2626 = arith.constant 0 : i32
    %eq3A_2627 = vector.broadcast %eq3A_2626 : i32 to vector<512x1xi32>
    %eq3A_2628 = arith.cmpi eq, %broadcast_in_dim3A_2445, %eq3A_2627 : vector<512x1xi32>
    %broadcast_in_dim3A_2629 = vector.shape_cast %eq3A_2628 : vector<512x1xi1> to vector<512x1xi1>
    %broadcast_in_dim3A_2630 = vector.broadcast %broadcast_in_dim3A_2629 : vector<512x1xi1> to vector<512x128xi1>
    %select_n3A_2631 = arith.select %broadcast_in_dim3A_2630, %slice3A, %select_n3A_2625 : vector<512x128xi1>, vector<512x128xf32>
    %mul3A_2632 = arith.constant 128 : i32
    %mul3A_2633 = vector.broadcast %mul3A_2632 : i32 to vector<512x1xi32>
    %mul3A_2634 = arith.muli %broadcast_in_dim3A_2445, %mul3A_2633 : vector<512x1xi32>
    %add3A_2635 = vector.broadcast %mul3A_2634 : vector<512x1xi32> to vector<512x128xi32>
    %add3A_2636 = arith.addi %add3A_2635, %iota3A_146 : vector<512x128xi32>
    %eq3A_2637 = vector.broadcast %add3A_354 : vector<512x1xi32> to vector<512x128xi32>
    %eq3A_2638 = arith.cmpi eq, %add3A_2636, %eq3A_2637 : vector<512x128xi32>
    %jit3A_2639 = arith.constant 0x7F800000 : f32
    %broadcast_in_dim3A_2640 = vector.broadcast %jit3A_2639 : f32 to vector<512x128xf32>
    %select_n3A_2641 = arith.select %eq3A_2638, %broadcast_in_dim3A_2640, %select_n3A_2631 : vector<512x128xi1>, vector<512x128xf32>
    %eq3A_2642 = vector.broadcast %add3A_593 : vector<512x1xi32> to vector<512x128xi32>
    %eq3A_2643 = arith.cmpi eq, %add3A_2636, %eq3A_2642 : vector<512x128xi32>
    %jit3A_2644 = arith.constant 0x7F800000 : f32
    %broadcast_in_dim3A_2645 = vector.broadcast %jit3A_2644 : f32 to vector<512x128xf32>
    %select_n3A_2646 = arith.select %eq3A_2643, %broadcast_in_dim3A_2645, %select_n3A_2641 : vector<512x128xi1>, vector<512x128xf32>
    %eq3A_2647 = vector.broadcast %add3A_838 : vector<512x1xi32> to vector<512x128xi32>
    %eq3A_2648 = arith.cmpi eq, %add3A_2636, %eq3A_2647 : vector<512x128xi32>
    %jit3A_2649 = arith.constant 0x7F800000 : f32
    %broadcast_in_dim3A_2650 = vector.broadcast %jit3A_2649 : f32 to vector<512x128xf32>
    %select_n3A_2651 = arith.select %eq3A_2648, %broadcast_in_dim3A_2650, %select_n3A_2646 : vector<512x128xi1>, vector<512x128xf32>
    %eq3A_2652 = vector.broadcast %add3A_1088 : vector<512x1xi32> to vector<512x128xi32>
    %eq3A_2653 = arith.cmpi eq, %add3A_2636, %eq3A_2652 : vector<512x128xi32>
    %jit3A_2654 = arith.constant 0x7F800000 : f32
    %broadcast_in_dim3A_2655 = vector.broadcast %jit3A_2654 : f32 to vector<512x128xf32>
    %select_n3A_2656 = arith.select %eq3A_2653, %broadcast_in_dim3A_2655, %select_n3A_2651 : vector<512x128xi1>, vector<512x128xf32>
    %eq3A_2657 = vector.broadcast %add3A_1343 : vector<512x1xi32> to vector<512x128xi32>
    %eq3A_2658 = arith.cmpi eq, %add3A_2636, %eq3A_2657 : vector<512x128xi32>
    %jit3A_2659 = arith.constant 0x7F800000 : f32
    %broadcast_in_dim3A_2660 = vector.broadcast %jit3A_2659 : f32 to vector<512x128xf32>
    %select_n3A_2661 = arith.select %eq3A_2658, %broadcast_in_dim3A_2660, %select_n3A_2656 : vector<512x128xi1>, vector<512x128xf32>
    %eq3A_2662 = vector.broadcast %add3A_1603 : vector<512x1xi32> to vector<512x128xi32>
    %eq3A_2663 = arith.cmpi eq, %add3A_2636, %eq3A_2662 : vector<512x128xi32>
    %jit3A_2664 = arith.constant 0x7F800000 : f32
    %broadcast_in_dim3A_2665 = vector.broadcast %jit3A_2664 : f32 to vector<512x128xf32>
    %select_n3A_2666 = arith.select %eq3A_2663, %broadcast_in_dim3A_2665, %select_n3A_2661 : vector<512x128xi1>, vector<512x128xf32>
    %eq3A_2667 = vector.broadcast %add3A_1868 : vector<512x1xi32> to vector<512x128xi32>
    %eq3A_2668 = arith.cmpi eq, %add3A_2636, %eq3A_2667 : vector<512x128xi32>
    %jit3A_2669 = arith.constant 0x7F800000 : f32
    %broadcast_in_dim3A_2670 = vector.broadcast %jit3A_2669 : f32 to vector<512x128xf32>
    %select_n3A_2671 = arith.select %eq3A_2668, %broadcast_in_dim3A_2670, %select_n3A_2666 : vector<512x128xi1>, vector<512x128xf32>
    %eq3A_2672 = vector.broadcast %add3A_2138 : vector<512x1xi32> to vector<512x128xi32>
    %eq3A_2673 = arith.cmpi eq, %add3A_2636, %eq3A_2672 : vector<512x128xi32>
    %jit3A_2674 = arith.constant 0x7F800000 : f32
    %broadcast_in_dim3A_2675 = vector.broadcast %jit3A_2674 : f32 to vector<512x128xf32>
    %select_n3A_2676 = arith.select %eq3A_2673, %broadcast_in_dim3A_2675, %select_n3A_2671 : vector<512x128xi1>, vector<512x128xf32>
    %eq3A_2677 = vector.broadcast %add3A_2413 : vector<512x1xi32> to vector<512x128xi32>
    %eq3A_2678 = arith.cmpi eq, %add3A_2636, %eq3A_2677 : vector<512x128xi32>
    %jit3A_2679 = arith.constant 0x7F800000 : f32
    %broadcast_in_dim3A_2680 = vector.broadcast %jit3A_2679 : f32 to vector<512x128xf32>
    %select_n3A_2681 = arith.select %eq3A_2678, %broadcast_in_dim3A_2680, %select_n3A_2676 : vector<512x128xi1>, vector<512x128xf32>
    %eq3A_2682 = vector.broadcast %broadcast_in_dim3A_2437 : vector<512x1xf32> to vector<512x128xf32>
    %eq3A_2683 = arith.cmpf oeq, %select_n3A_2681, %eq3A_2682 : vector<512x128xf32>
    %jit3A_2684 = arith.constant 128 : i32
    %broadcast_in_dim3A_2685 = vector.broadcast %jit3A_2684 : i32 to vector<512x128xi32>
    %select_n3A_2686 = arith.select %eq3A_2683, %iota3A_146, %broadcast_in_dim3A_2685 : vector<512x128xi1>, vector<512x128xi32>
    %reduce_min3A_2687 = arith.constant dense<2147483647> : vector<512xi32>
    %reduce_min3A_2688 = vector.multi_reduction <minsi>, %select_n3A_2686, %reduce_min3A_2687 [1] : vector<512x128xi32> to vector<512xi32>
    %broadcast_in_dim3A_2689 = vector.shape_cast %reduce_min3A_2688 : vector<512xi32> to vector<512x1xi32>
    %mul3A_2690 = arith.constant 128 : i32
    %mul3A_2691 = vector.broadcast %mul3A_2690 : i32 to vector<512x1xi32>
    %mul3A_2692 = arith.muli %broadcast_in_dim3A_2445, %mul3A_2691 : vector<512x1xi32>
    %add3A_2693 = arith.addi %mul3A_2692, %broadcast_in_dim3A_2689 : vector<512x1xi32>
    %add3A_2694 = vector.broadcast %mul3A_148 : i32 to vector<512x1xi32>
    %add3A_2695 = arith.addi %add3A_2693, %add3A_2694 : vector<512x1xi32>
    %swap3A_2696 = arith.constant 0 : index
    %swap3A_2697 = arith.constant 0 : index
    %swap3A_2698 = arith.constant 9 : index
    %swap3A_2699 = vector.load %arg4[%swap3A_2696, %swap3A_2697, %swap3A_2698] : memref<1x512x16xi32, #tpu.memory_space<vmem>>, vector<1x512x1xi32>
    %swap3A_2700 = vector.shape_cast %swap3A_2699 : vector<1x512x1xi32> to vector<512x1xi32>
    %swap3A_2701 = vector.shape_cast %add3A_2695 : vector<512x1xi32> to vector<1x512x1xi32>
    tpu.vector_store %arg4[%swap3A_2696, %swap3A_2697, %swap3A_2698], %swap3A_2701 {strides = array<i32>} : memref<1x512x16xi32, #tpu.memory_space<vmem>>, vector<1x512x1xi32>,
    %eq3A_2702 = vector.broadcast %broadcast_in_dim3A_2689 : vector<512x1xi32> to vector<512x128xi32>
    %eq3A_2703 = arith.cmpi eq, %iota3A_146, %eq3A_2702 : vector<512x128xi32>
    %jit3A_2704 = arith.constant 0x7F800000 : f32
    %broadcast_in_dim3A_2705 = vector.broadcast %jit3A_2704 : f32 to vector<512x128xf32>
    %select_n3A_2706 = arith.select %eq3A_2703, %broadcast_in_dim3A_2705, %select_n3A_2681 : vector<512x128xi1>, vector<512x128xf32>
    %reduce_min3A_2707 = arith.constant dense<0x7F800000> : vector<512xf32>
    %reduce_min3A_2708 = vector.multi_reduction <minimumf>, %select_n3A_2706, %reduce_min3A_2707 [1] : vector<512x128xf32> to vector<512xf32>
    %broadcast_in_dim3A_2709 = vector.shape_cast %reduce_min3A_2708 : vector<512xf32> to vector<512x1xf32>
    %eq3A_2710 = vector.broadcast %broadcast_in_dim3A_2445 : vector<512x1xi32> to vector<512x32xi32>
    %eq3A_2711 = arith.cmpi eq, %iota3A, %eq3A_2710 : vector<512x32xi32>
    %broadcast_in_dim3A_2712 = vector.shape_cast %broadcast_in_dim3A_2709 : vector<512x1xf32> to vector<512x1xf32>
    %broadcast_in_dim3A_2713 = vector.broadcast %broadcast_in_dim3A_2712 : vector<512x1xf32> to vector<512x32xf32>
    %select_n3A_2714 = arith.select %eq3A_2711, %broadcast_in_dim3A_2713, %select_n3A_2434 : vector<512x32xi1>, vector<512x32xf32>
    %reduce_min3A_2715 = arith.constant dense<0x7F800000> : vector<512xf32>
    %reduce_min3A_2716 = vector.multi_reduction <minimumf>, %select_n3A_2714, %reduce_min3A_2715 [1] : vector<512x32xf32> to vector<512xf32>
    %broadcast_in_dim3A_2717 = vector.shape_cast %reduce_min3A_2716 : vector<512xf32> to vector<512x1xf32>
    %eq3A_2718 = vector.broadcast %broadcast_in_dim3A_2717 : vector<512x1xf32> to vector<512x32xf32>
    %eq3A_2719 = arith.cmpf oeq, %select_n3A_2714, %eq3A_2718 : vector<512x32xf32>
    %jit3A_2720 = arith.constant 32 : i32
    %broadcast_in_dim3A_2721 = vector.broadcast %jit3A_2720 : i32 to vector<512x32xi32>
    %select_n3A_2722 = arith.select %eq3A_2719, %iota3A, %broadcast_in_dim3A_2721 : vector<512x32xi1>, vector<512x32xi32>
    %reduce_min3A_2723 = arith.constant dense<2147483647> : vector<512xi32>
    %reduce_min3A_2724 = vector.multi_reduction <minsi>, %select_n3A_2722, %reduce_min3A_2723 [1] : vector<512x32xi32> to vector<512xi32>
    %broadcast_in_dim3A_2725 = vector.shape_cast %reduce_min3A_2724 : vector<512xi32> to vector<512x1xi32>
    %eq3A_2726 = arith.constant 30 : i32
    %eq3A_2727 = vector.broadcast %eq3A_2726 : i32 to vector<512x1xi32>
    %eq3A_2728 = arith.cmpi eq, %broadcast_in_dim3A_2725, %eq3A_2727 : vector<512x1xi32>
    %broadcast_in_dim3A_2729 = vector.shape_cast %eq3A_2728 : vector<512x1xi1> to vector<512x1xi1>
    %broadcast_in_dim3A_2730 = vector.broadcast %broadcast_in_dim3A_2729 : vector<512x1xi1> to vector<512x128xi1>
    %select_n3A_2731 = arith.select %broadcast_in_dim3A_2730, %slice3A_49, %slice3A_50 : vector<512x128xi1>, vector<512x128xf32>
    %eq3A_2732 = arith.constant 29 : i32
    %eq3A_2733 = vector.broadcast %eq3A_2732 : i32 to vector<512x1xi32>
    %eq3A_2734 = arith.cmpi eq, %broadcast_in_dim3A_2725, %eq3A_2733 : vector<512x1xi32>
    %broadcast_in_dim3A_2735 = vector.shape_cast %eq3A_2734 : vector<512x1xi1> to vector<512x1xi1>
    %broadcast_in_dim3A_2736 = vector.broadcast %broadcast_in_dim3A_2735 : vector<512x1xi1> to vector<512x128xi1>
    %select_n3A_2737 = arith.select %broadcast_in_dim3A_2736, %slice3A_48, %select_n3A_2731 : vector<512x128xi1>, vector<512x128xf32>
    %eq3A_2738 = arith.constant 28 : i32
    %eq3A_2739 = vector.broadcast %eq3A_2738 : i32 to vector<512x1xi32>
    %eq3A_2740 = arith.cmpi eq, %broadcast_in_dim3A_2725, %eq3A_2739 : vector<512x1xi32>
    %broadcast_in_dim3A_2741 = vector.shape_cast %eq3A_2740 : vector<512x1xi1> to vector<512x1xi1>
    %broadcast_in_dim3A_2742 = vector.broadcast %broadcast_in_dim3A_2741 : vector<512x1xi1> to vector<512x128xi1>
    %select_n3A_2743 = arith.select %broadcast_in_dim3A_2742, %slice3A_47, %select_n3A_2737 : vector<512x128xi1>, vector<512x128xf32>
    %eq3A_2744 = arith.constant 27 : i32
    %eq3A_2745 = vector.broadcast %eq3A_2744 : i32 to vector<512x1xi32>
    %eq3A_2746 = arith.cmpi eq, %broadcast_in_dim3A_2725, %eq3A_2745 : vector<512x1xi32>
    %broadcast_in_dim3A_2747 = vector.shape_cast %eq3A_2746 : vector<512x1xi1> to vector<512x1xi1>
    %broadcast_in_dim3A_2748 = vector.broadcast %broadcast_in_dim3A_2747 : vector<512x1xi1> to vector<512x128xi1>
    %select_n3A_2749 = arith.select %broadcast_in_dim3A_2748, %slice3A_46, %select_n3A_2743 : vector<512x128xi1>, vector<512x128xf32>
    %eq3A_2750 = arith.constant 26 : i32
    %eq3A_2751 = vector.broadcast %eq3A_2750 : i32 to vector<512x1xi32>
    %eq3A_2752 = arith.cmpi eq, %broadcast_in_dim3A_2725, %eq3A_2751 : vector<512x1xi32>
    %broadcast_in_dim3A_2753 = vector.shape_cast %eq3A_2752 : vector<512x1xi1> to vector<512x1xi1>
    %broadcast_in_dim3A_2754 = vector.broadcast %broadcast_in_dim3A_2753 : vector<512x1xi1> to vector<512x128xi1>
    %select_n3A_2755 = arith.select %broadcast_in_dim3A_2754, %slice3A_45, %select_n3A_2749 : vector<512x128xi1>, vector<512x128xf32>
    %eq3A_2756 = arith.constant 25 : i32
    %eq3A_2757 = vector.broadcast %eq3A_2756 : i32 to vector<512x1xi32>
    %eq3A_2758 = arith.cmpi eq, %broadcast_in_dim3A_2725, %eq3A_2757 : vector<512x1xi32>
    %broadcast_in_dim3A_2759 = vector.shape_cast %eq3A_2758 : vector<512x1xi1> to vector<512x1xi1>
    %broadcast_in_dim3A_2760 = vector.broadcast %broadcast_in_dim3A_2759 : vector<512x1xi1> to vector<512x128xi1>
    %select_n3A_2761 = arith.select %broadcast_in_dim3A_2760, %slice3A_44, %select_n3A_2755 : vector<512x128xi1>, vector<512x128xf32>
    %eq3A_2762 = arith.constant 24 : i32
    %eq3A_2763 = vector.broadcast %eq3A_2762 : i32 to vector<512x1xi32>
    %eq3A_2764 = arith.cmpi eq, %broadcast_in_dim3A_2725, %eq3A_2763 : vector<512x1xi32>
    %broadcast_in_dim3A_2765 = vector.shape_cast %eq3A_2764 : vector<512x1xi1> to vector<512x1xi1>
    %broadcast_in_dim3A_2766 = vector.broadcast %broadcast_in_dim3A_2765 : vector<512x1xi1> to vector<512x128xi1>
    %select_n3A_2767 = arith.select %broadcast_in_dim3A_2766, %slice3A_43, %select_n3A_2761 : vector<512x128xi1>, vector<512x128xf32>
    %eq3A_2768 = arith.constant 23 : i32
    %eq3A_2769 = vector.broadcast %eq3A_2768 : i32 to vector<512x1xi32>
    %eq3A_2770 = arith.cmpi eq, %broadcast_in_dim3A_2725, %eq3A_2769 : vector<512x1xi32>
    %broadcast_in_dim3A_2771 = vector.shape_cast %eq3A_2770 : vector<512x1xi1> to vector<512x1xi1>
    %broadcast_in_dim3A_2772 = vector.broadcast %broadcast_in_dim3A_2771 : vector<512x1xi1> to vector<512x128xi1>
    %select_n3A_2773 = arith.select %broadcast_in_dim3A_2772, %slice3A_42, %select_n3A_2767 : vector<512x128xi1>, vector<512x128xf32>
    %eq3A_2774 = arith.constant 22 : i32
    %eq3A_2775 = vector.broadcast %eq3A_2774 : i32 to vector<512x1xi32>
    %eq3A_2776 = arith.cmpi eq, %broadcast_in_dim3A_2725, %eq3A_2775 : vector<512x1xi32>
    %broadcast_in_dim3A_2777 = vector.shape_cast %eq3A_2776 : vector<512x1xi1> to vector<512x1xi1>
    %broadcast_in_dim3A_2778 = vector.broadcast %broadcast_in_dim3A_2777 : vector<512x1xi1> to vector<512x128xi1>
    %select_n3A_2779 = arith.select %broadcast_in_dim3A_2778, %slice3A_41, %select_n3A_2773 : vector<512x128xi1>, vector<512x128xf32>
    %eq3A_2780 = arith.constant 21 : i32
    %eq3A_2781 = vector.broadcast %eq3A_2780 : i32 to vector<512x1xi32>
    %eq3A_2782 = arith.cmpi eq, %broadcast_in_dim3A_2725, %eq3A_2781 : vector<512x1xi32>
    %broadcast_in_dim3A_2783 = vector.shape_cast %eq3A_2782 : vector<512x1xi1> to vector<512x1xi1>
    %broadcast_in_dim3A_2784 = vector.broadcast %broadcast_in_dim3A_2783 : vector<512x1xi1> to vector<512x128xi1>
    %select_n3A_2785 = arith.select %broadcast_in_dim3A_2784, %slice3A_40, %select_n3A_2779 : vector<512x128xi1>, vector<512x128xf32>
    %eq3A_2786 = arith.constant 20 : i32
    %eq3A_2787 = vector.broadcast %eq3A_2786 : i32 to vector<512x1xi32>
    %eq3A_2788 = arith.cmpi eq, %broadcast_in_dim3A_2725, %eq3A_2787 : vector<512x1xi32>
    %broadcast_in_dim3A_2789 = vector.shape_cast %eq3A_2788 : vector<512x1xi1> to vector<512x1xi1>
    %broadcast_in_dim3A_2790 = vector.broadcast %broadcast_in_dim3A_2789 : vector<512x1xi1> to vector<512x128xi1>
    %select_n3A_2791 = arith.select %broadcast_in_dim3A_2790, %slice3A_39, %select_n3A_2785 : vector<512x128xi1>, vector<512x128xf32>
    %eq3A_2792 = arith.constant 19 : i32
    %eq3A_2793 = vector.broadcast %eq3A_2792 : i32 to vector<512x1xi32>
    %eq3A_2794 = arith.cmpi eq, %broadcast_in_dim3A_2725, %eq3A_2793 : vector<512x1xi32>
    %broadcast_in_dim3A_2795 = vector.shape_cast %eq3A_2794 : vector<512x1xi1> to vector<512x1xi1>
    %broadcast_in_dim3A_2796 = vector.broadcast %broadcast_in_dim3A_2795 : vector<512x1xi1> to vector<512x128xi1>
    %select_n3A_2797 = arith.select %broadcast_in_dim3A_2796, %slice3A_38, %select_n3A_2791 : vector<512x128xi1>, vector<512x128xf32>
    %eq3A_2798 = arith.constant 18 : i32
    %eq3A_2799 = vector.broadcast %eq3A_2798 : i32 to vector<512x1xi32>
    %eq3A_2800 = arith.cmpi eq, %broadcast_in_dim3A_2725, %eq3A_2799 : vector<512x1xi32>
    %broadcast_in_dim3A_2801 = vector.shape_cast %eq3A_2800 : vector<512x1xi1> to vector<512x1xi1>
    %broadcast_in_dim3A_2802 = vector.broadcast %broadcast_in_dim3A_2801 : vector<512x1xi1> to vector<512x128xi1>
    %select_n3A_2803 = arith.select %broadcast_in_dim3A_2802, %slice3A_37, %select_n3A_2797 : vector<512x128xi1>, vector<512x128xf32>
    %eq3A_2804 = arith.constant 17 : i32
    %eq3A_2805 = vector.broadcast %eq3A_2804 : i32 to vector<512x1xi32>
    %eq3A_2806 = arith.cmpi eq, %broadcast_in_dim3A_2725, %eq3A_2805 : vector<512x1xi32>
    %broadcast_in_dim3A_2807 = vector.shape_cast %eq3A_2806 : vector<512x1xi1> to vector<512x1xi1>
    %broadcast_in_dim3A_2808 = vector.broadcast %broadcast_in_dim3A_2807 : vector<512x1xi1> to vector<512x128xi1>
    %select_n3A_2809 = arith.select %broadcast_in_dim3A_2808, %slice3A_36, %select_n3A_2803 : vector<512x128xi1>, vector<512x128xf32>
    %eq3A_2810 = arith.constant 16 : i32
    %eq3A_2811 = vector.broadcast %eq3A_2810 : i32 to vector<512x1xi32>
    %eq3A_2812 = arith.cmpi eq, %broadcast_in_dim3A_2725, %eq3A_2811 : vector<512x1xi32>
    %broadcast_in_dim3A_2813 = vector.shape_cast %eq3A_2812 : vector<512x1xi1> to vector<512x1xi1>
    %broadcast_in_dim3A_2814 = vector.broadcast %broadcast_in_dim3A_2813 : vector<512x1xi1> to vector<512x128xi1>
    %select_n3A_2815 = arith.select %broadcast_in_dim3A_2814, %slice3A_35, %select_n3A_2809 : vector<512x128xi1>, vector<512x128xf32>
    %eq3A_2816 = arith.constant 15 : i32
    %eq3A_2817 = vector.broadcast %eq3A_2816 : i32 to vector<512x1xi32>
    %eq3A_2818 = arith.cmpi eq, %broadcast_in_dim3A_2725, %eq3A_2817 : vector<512x1xi32>
    %broadcast_in_dim3A_2819 = vector.shape_cast %eq3A_2818 : vector<512x1xi1> to vector<512x1xi1>
    %broadcast_in_dim3A_2820 = vector.broadcast %broadcast_in_dim3A_2819 : vector<512x1xi1> to vector<512x128xi1>
    %select_n3A_2821 = arith.select %broadcast_in_dim3A_2820, %slice3A_34, %select_n3A_2815 : vector<512x128xi1>, vector<512x128xf32>
    %eq3A_2822 = arith.constant 14 : i32
    %eq3A_2823 = vector.broadcast %eq3A_2822 : i32 to vector<512x1xi32>
    %eq3A_2824 = arith.cmpi eq, %broadcast_in_dim3A_2725, %eq3A_2823 : vector<512x1xi32>
    %broadcast_in_dim3A_2825 = vector.shape_cast %eq3A_2824 : vector<512x1xi1> to vector<512x1xi1>
    %broadcast_in_dim3A_2826 = vector.broadcast %broadcast_in_dim3A_2825 : vector<512x1xi1> to vector<512x128xi1>
    %select_n3A_2827 = arith.select %broadcast_in_dim3A_2826, %slice3A_33, %select_n3A_2821 : vector<512x128xi1>, vector<512x128xf32>
    %eq3A_2828 = arith.constant 13 : i32
    %eq3A_2829 = vector.broadcast %eq3A_2828 : i32 to vector<512x1xi32>
    %eq3A_2830 = arith.cmpi eq, %broadcast_in_dim3A_2725, %eq3A_2829 : vector<512x1xi32>
    %broadcast_in_dim3A_2831 = vector.shape_cast %eq3A_2830 : vector<512x1xi1> to vector<512x1xi1>
    %broadcast_in_dim3A_2832 = vector.broadcast %broadcast_in_dim3A_2831 : vector<512x1xi1> to vector<512x128xi1>
    %select_n3A_2833 = arith.select %broadcast_in_dim3A_2832, %slice3A_32, %select_n3A_2827 : vector<512x128xi1>, vector<512x128xf32>
    %eq3A_2834 = arith.constant 12 : i32
    %eq3A_2835 = vector.broadcast %eq3A_2834 : i32 to vector<512x1xi32>
    %eq3A_2836 = arith.cmpi eq, %broadcast_in_dim3A_2725, %eq3A_2835 : vector<512x1xi32>
    %broadcast_in_dim3A_2837 = vector.shape_cast %eq3A_2836 : vector<512x1xi1> to vector<512x1xi1>
    %broadcast_in_dim3A_2838 = vector.broadcast %broadcast_in_dim3A_2837 : vector<512x1xi1> to vector<512x128xi1>
    %select_n3A_2839 = arith.select %broadcast_in_dim3A_2838, %slice3A_31, %select_n3A_2833 : vector<512x128xi1>, vector<512x128xf32>
    %eq3A_2840 = arith.constant 11 : i32
    %eq3A_2841 = vector.broadcast %eq3A_2840 : i32 to vector<512x1xi32>
    %eq3A_2842 = arith.cmpi eq, %broadcast_in_dim3A_2725, %eq3A_2841 : vector<512x1xi32>
    %broadcast_in_dim3A_2843 = vector.shape_cast %eq3A_2842 : vector<512x1xi1> to vector<512x1xi1>
    %broadcast_in_dim3A_2844 = vector.broadcast %broadcast_in_dim3A_2843 : vector<512x1xi1> to vector<512x128xi1>
    %select_n3A_2845 = arith.select %broadcast_in_dim3A_2844, %slice3A_30, %select_n3A_2839 : vector<512x128xi1>, vector<512x128xf32>
    %eq3A_2846 = arith.constant 10 : i32
    %eq3A_2847 = vector.broadcast %eq3A_2846 : i32 to vector<512x1xi32>
    %eq3A_2848 = arith.cmpi eq, %broadcast_in_dim3A_2725, %eq3A_2847 : vector<512x1xi32>
    %broadcast_in_dim3A_2849 = vector.shape_cast %eq3A_2848 : vector<512x1xi1> to vector<512x1xi1>
    %broadcast_in_dim3A_2850 = vector.broadcast %broadcast_in_dim3A_2849 : vector<512x1xi1> to vector<512x128xi1>
    %select_n3A_2851 = arith.select %broadcast_in_dim3A_2850, %slice3A_29, %select_n3A_2845 : vector<512x128xi1>, vector<512x128xf32>
    %eq3A_2852 = arith.constant 9 : i32
    %eq3A_2853 = vector.broadcast %eq3A_2852 : i32 to vector<512x1xi32>
    %eq3A_2854 = arith.cmpi eq, %broadcast_in_dim3A_2725, %eq3A_2853 : vector<512x1xi32>
    %broadcast_in_dim3A_2855 = vector.shape_cast %eq3A_2854 : vector<512x1xi1> to vector<512x1xi1>
    %broadcast_in_dim3A_2856 = vector.broadcast %broadcast_in_dim3A_2855 : vector<512x1xi1> to vector<512x128xi1>
    %select_n3A_2857 = arith.select %broadcast_in_dim3A_2856, %slice3A_28, %select_n3A_2851 : vector<512x128xi1>, vector<512x128xf32>
    %eq3A_2858 = arith.constant 8 : i32
    %eq3A_2859 = vector.broadcast %eq3A_2858 : i32 to vector<512x1xi32>
    %eq3A_2860 = arith.cmpi eq, %broadcast_in_dim3A_2725, %eq3A_2859 : vector<512x1xi32>
    %broadcast_in_dim3A_2861 = vector.shape_cast %eq3A_2860 : vector<512x1xi1> to vector<512x1xi1>
    %broadcast_in_dim3A_2862 = vector.broadcast %broadcast_in_dim3A_2861 : vector<512x1xi1> to vector<512x128xi1>
    %select_n3A_2863 = arith.select %broadcast_in_dim3A_2862, %slice3A_27, %select_n3A_2857 : vector<512x128xi1>, vector<512x128xf32>
    %eq3A_2864 = arith.constant 7 : i32
    %eq3A_2865 = vector.broadcast %eq3A_2864 : i32 to vector<512x1xi32>
    %eq3A_2866 = arith.cmpi eq, %broadcast_in_dim3A_2725, %eq3A_2865 : vector<512x1xi32>
    %broadcast_in_dim3A_2867 = vector.shape_cast %eq3A_2866 : vector<512x1xi1> to vector<512x1xi1>
    %broadcast_in_dim3A_2868 = vector.broadcast %broadcast_in_dim3A_2867 : vector<512x1xi1> to vector<512x128xi1>
    %select_n3A_2869 = arith.select %broadcast_in_dim3A_2868, %slice3A_26, %select_n3A_2863 : vector<512x128xi1>, vector<512x128xf32>
    %eq3A_2870 = arith.constant 6 : i32
    %eq3A_2871 = vector.broadcast %eq3A_2870 : i32 to vector<512x1xi32>
    %eq3A_2872 = arith.cmpi eq, %broadcast_in_dim3A_2725, %eq3A_2871 : vector<512x1xi32>
    %broadcast_in_dim3A_2873 = vector.shape_cast %eq3A_2872 : vector<512x1xi1> to vector<512x1xi1>
    %broadcast_in_dim3A_2874 = vector.broadcast %broadcast_in_dim3A_2873 : vector<512x1xi1> to vector<512x128xi1>
    %select_n3A_2875 = arith.select %broadcast_in_dim3A_2874, %slice3A_25, %select_n3A_2869 : vector<512x128xi1>, vector<512x128xf32>
    %eq3A_2876 = arith.constant 5 : i32
    %eq3A_2877 = vector.broadcast %eq3A_2876 : i32 to vector<512x1xi32>
    %eq3A_2878 = arith.cmpi eq, %broadcast_in_dim3A_2725, %eq3A_2877 : vector<512x1xi32>
    %broadcast_in_dim3A_2879 = vector.shape_cast %eq3A_2878 : vector<512x1xi1> to vector<512x1xi1>
    %broadcast_in_dim3A_2880 = vector.broadcast %broadcast_in_dim3A_2879 : vector<512x1xi1> to vector<512x128xi1>
    %select_n3A_2881 = arith.select %broadcast_in_dim3A_2880, %slice3A_24, %select_n3A_2875 : vector<512x128xi1>, vector<512x128xf32>
    %eq3A_2882 = arith.constant 4 : i32
    %eq3A_2883 = vector.broadcast %eq3A_2882 : i32 to vector<512x1xi32>
    %eq3A_2884 = arith.cmpi eq, %broadcast_in_dim3A_2725, %eq3A_2883 : vector<512x1xi32>
    %broadcast_in_dim3A_2885 = vector.shape_cast %eq3A_2884 : vector<512x1xi1> to vector<512x1xi1>
    %broadcast_in_dim3A_2886 = vector.broadcast %broadcast_in_dim3A_2885 : vector<512x1xi1> to vector<512x128xi1>
    %select_n3A_2887 = arith.select %broadcast_in_dim3A_2886, %slice3A_23, %select_n3A_2881 : vector<512x128xi1>, vector<512x128xf32>
    %eq3A_2888 = arith.constant 3 : i32
    %eq3A_2889 = vector.broadcast %eq3A_2888 : i32 to vector<512x1xi32>
    %eq3A_2890 = arith.cmpi eq, %broadcast_in_dim3A_2725, %eq3A_2889 : vector<512x1xi32>
    %broadcast_in_dim3A_2891 = vector.shape_cast %eq3A_2890 : vector<512x1xi1> to vector<512x1xi1>
    %broadcast_in_dim3A_2892 = vector.broadcast %broadcast_in_dim3A_2891 : vector<512x1xi1> to vector<512x128xi1>
    %select_n3A_2893 = arith.select %broadcast_in_dim3A_2892, %slice3A_22, %select_n3A_2887 : vector<512x128xi1>, vector<512x128xf32>
    %eq3A_2894 = arith.constant 2 : i32
    %eq3A_2895 = vector.broadcast %eq3A_2894 : i32 to vector<512x1xi32>
    %eq3A_2896 = arith.cmpi eq, %broadcast_in_dim3A_2725, %eq3A_2895 : vector<512x1xi32>
    %broadcast_in_dim3A_2897 = vector.shape_cast %eq3A_2896 : vector<512x1xi1> to vector<512x1xi1>
    %broadcast_in_dim3A_2898 = vector.broadcast %broadcast_in_dim3A_2897 : vector<512x1xi1> to vector<512x128xi1>
    %select_n3A_2899 = arith.select %broadcast_in_dim3A_2898, %slice3A_21, %select_n3A_2893 : vector<512x128xi1>, vector<512x128xf32>
    %eq3A_2900 = arith.constant 1 : i32
    %eq3A_2901 = vector.broadcast %eq3A_2900 : i32 to vector<512x1xi32>
    %eq3A_2902 = arith.cmpi eq, %broadcast_in_dim3A_2725, %eq3A_2901 : vector<512x1xi32>
    %broadcast_in_dim3A_2903 = vector.shape_cast %eq3A_2902 : vector<512x1xi1> to vector<512x1xi1>
    %broadcast_in_dim3A_2904 = vector.broadcast %broadcast_in_dim3A_2903 : vector<512x1xi1> to vector<512x128xi1>
    %select_n3A_2905 = arith.select %broadcast_in_dim3A_2904, %slice3A_20, %select_n3A_2899 : vector<512x128xi1>, vector<512x128xf32>
    %eq3A_2906 = arith.constant 0 : i32
    %eq3A_2907 = vector.broadcast %eq3A_2906 : i32 to vector<512x1xi32>
    %eq3A_2908 = arith.cmpi eq, %broadcast_in_dim3A_2725, %eq3A_2907 : vector<512x1xi32>
    %broadcast_in_dim3A_2909 = vector.shape_cast %eq3A_2908 : vector<512x1xi1> to vector<512x1xi1>
    %broadcast_in_dim3A_2910 = vector.broadcast %broadcast_in_dim3A_2909 : vector<512x1xi1> to vector<512x128xi1>
    %select_n3A_2911 = arith.select %broadcast_in_dim3A_2910, %slice3A, %select_n3A_2905 : vector<512x128xi1>, vector<512x128xf32>
    %mul3A_2912 = arith.constant 128 : i32
    %mul3A_2913 = vector.broadcast %mul3A_2912 : i32 to vector<512x1xi32>
    %mul3A_2914 = arith.muli %broadcast_in_dim3A_2725, %mul3A_2913 : vector<512x1xi32>
    %add3A_2915 = vector.broadcast %mul3A_2914 : vector<512x1xi32> to vector<512x128xi32>
    %add3A_2916 = arith.addi %add3A_2915, %iota3A_146 : vector<512x128xi32>
    %eq3A_2917 = vector.broadcast %add3A_354 : vector<512x1xi32> to vector<512x128xi32>
    %eq3A_2918 = arith.cmpi eq, %add3A_2916, %eq3A_2917 : vector<512x128xi32>
    %jit3A_2919 = arith.constant 0x7F800000 : f32
    %broadcast_in_dim3A_2920 = vector.broadcast %jit3A_2919 : f32 to vector<512x128xf32>
    %select_n3A_2921 = arith.select %eq3A_2918, %broadcast_in_dim3A_2920, %select_n3A_2911 : vector<512x128xi1>, vector<512x128xf32>
    %eq3A_2922 = vector.broadcast %add3A_593 : vector<512x1xi32> to vector<512x128xi32>
    %eq3A_2923 = arith.cmpi eq, %add3A_2916, %eq3A_2922 : vector<512x128xi32>
    %jit3A_2924 = arith.constant 0x7F800000 : f32
    %broadcast_in_dim3A_2925 = vector.broadcast %jit3A_2924 : f32 to vector<512x128xf32>
    %select_n3A_2926 = arith.select %eq3A_2923, %broadcast_in_dim3A_2925, %select_n3A_2921 : vector<512x128xi1>, vector<512x128xf32>
    %eq3A_2927 = vector.broadcast %add3A_838 : vector<512x1xi32> to vector<512x128xi32>
    %eq3A_2928 = arith.cmpi eq, %add3A_2916, %eq3A_2927 : vector<512x128xi32>
    %jit3A_2929 = arith.constant 0x7F800000 : f32
    %broadcast_in_dim3A_2930 = vector.broadcast %jit3A_2929 : f32 to vector<512x128xf32>
    %select_n3A_2931 = arith.select %eq3A_2928, %broadcast_in_dim3A_2930, %select_n3A_2926 : vector<512x128xi1>, vector<512x128xf32>
    %eq3A_2932 = vector.broadcast %add3A_1088 : vector<512x1xi32> to vector<512x128xi32>
    %eq3A_2933 = arith.cmpi eq, %add3A_2916, %eq3A_2932 : vector<512x128xi32>
    %jit3A_2934 = arith.constant 0x7F800000 : f32
    %broadcast_in_dim3A_2935 = vector.broadcast %jit3A_2934 : f32 to vector<512x128xf32>
    %select_n3A_2936 = arith.select %eq3A_2933, %broadcast_in_dim3A_2935, %select_n3A_2931 : vector<512x128xi1>, vector<512x128xf32>
    %eq3A_2937 = vector.broadcast %add3A_1343 : vector<512x1xi32> to vector<512x128xi32>
    %eq3A_2938 = arith.cmpi eq, %add3A_2916, %eq3A_2937 : vector<512x128xi32>
    %jit3A_2939 = arith.constant 0x7F800000 : f32
    %broadcast_in_dim3A_2940 = vector.broadcast %jit3A_2939 : f32 to vector<512x128xf32>
    %select_n3A_2941 = arith.select %eq3A_2938, %broadcast_in_dim3A_2940, %select_n3A_2936 : vector<512x128xi1>, vector<512x128xf32>
    %eq3A_2942 = vector.broadcast %add3A_1603 : vector<512x1xi32> to vector<512x128xi32>
    %eq3A_2943 = arith.cmpi eq, %add3A_2916, %eq3A_2942 : vector<512x128xi32>
    %jit3A_2944 = arith.constant 0x7F800000 : f32
    %broadcast_in_dim3A_2945 = vector.broadcast %jit3A_2944 : f32 to vector<512x128xf32>
    %select_n3A_2946 = arith.select %eq3A_2943, %broadcast_in_dim3A_2945, %select_n3A_2941 : vector<512x128xi1>, vector<512x128xf32>
    %eq3A_2947 = vector.broadcast %add3A_1868 : vector<512x1xi32> to vector<512x128xi32>
    %eq3A_2948 = arith.cmpi eq, %add3A_2916, %eq3A_2947 : vector<512x128xi32>
    %jit3A_2949 = arith.constant 0x7F800000 : f32
    %broadcast_in_dim3A_2950 = vector.broadcast %jit3A_2949 : f32 to vector<512x128xf32>
    %select_n3A_2951 = arith.select %eq3A_2948, %broadcast_in_dim3A_2950, %select_n3A_2946 : vector<512x128xi1>, vector<512x128xf32>
    %eq3A_2952 = vector.broadcast %add3A_2138 : vector<512x1xi32> to vector<512x128xi32>
    %eq3A_2953 = arith.cmpi eq, %add3A_2916, %eq3A_2952 : vector<512x128xi32>
    %jit3A_2954 = arith.constant 0x7F800000 : f32
    %broadcast_in_dim3A_2955 = vector.broadcast %jit3A_2954 : f32 to vector<512x128xf32>
    %select_n3A_2956 = arith.select %eq3A_2953, %broadcast_in_dim3A_2955, %select_n3A_2951 : vector<512x128xi1>, vector<512x128xf32>
    %eq3A_2957 = vector.broadcast %add3A_2413 : vector<512x1xi32> to vector<512x128xi32>
    %eq3A_2958 = arith.cmpi eq, %add3A_2916, %eq3A_2957 : vector<512x128xi32>
    %jit3A_2959 = arith.constant 0x7F800000 : f32
    %broadcast_in_dim3A_2960 = vector.broadcast %jit3A_2959 : f32 to vector<512x128xf32>
    %select_n3A_2961 = arith.select %eq3A_2958, %broadcast_in_dim3A_2960, %select_n3A_2956 : vector<512x128xi1>, vector<512x128xf32>
    %eq3A_2962 = vector.broadcast %add3A_2693 : vector<512x1xi32> to vector<512x128xi32>
    %eq3A_2963 = arith.cmpi eq, %add3A_2916, %eq3A_2962 : vector<512x128xi32>
    %jit3A_2964 = arith.constant 0x7F800000 : f32
    %broadcast_in_dim3A_2965 = vector.broadcast %jit3A_2964 : f32 to vector<512x128xf32>
    %select_n3A_2966 = arith.select %eq3A_2963, %broadcast_in_dim3A_2965, %select_n3A_2961 : vector<512x128xi1>, vector<512x128xf32>
    %eq3A_2967 = vector.broadcast %broadcast_in_dim3A_2717 : vector<512x1xf32> to vector<512x128xf32>
    %eq3A_2968 = arith.cmpf oeq, %select_n3A_2966, %eq3A_2967 : vector<512x128xf32>
    %jit3A_2969 = arith.constant 128 : i32
    %broadcast_in_dim3A_2970 = vector.broadcast %jit3A_2969 : i32 to vector<512x128xi32>
    %select_n3A_2971 = arith.select %eq3A_2968, %iota3A_146, %broadcast_in_dim3A_2970 : vector<512x128xi1>, vector<512x128xi32>
    %reduce_min3A_2972 = arith.constant dense<2147483647> : vector<512xi32>
    %reduce_min3A_2973 = vector.multi_reduction <minsi>, %select_n3A_2971, %reduce_min3A_2972 [1] : vector<512x128xi32> to vector<512xi32>
    %broadcast_in_dim3A_2974 = vector.shape_cast %reduce_min3A_2973 : vector<512xi32> to vector<512x1xi32>
    %mul3A_2975 = arith.constant 128 : i32
    %mul3A_2976 = vector.broadcast %mul3A_2975 : i32 to vector<512x1xi32>
    %mul3A_2977 = arith.muli %broadcast_in_dim3A_2725, %mul3A_2976 : vector<512x1xi32>
    %add3A_2978 = arith.addi %mul3A_2977, %broadcast_in_dim3A_2974 : vector<512x1xi32>
    %add3A_2979 = vector.broadcast %mul3A_148 : i32 to vector<512x1xi32>
    %add3A_2980 = arith.addi %add3A_2978, %add3A_2979 : vector<512x1xi32>
    %swap3A_2981 = arith.constant 0 : index
    %swap3A_2982 = arith.constant 0 : index
    %swap3A_2983 = arith.constant 10 : index
    %swap3A_2984 = vector.load %arg4[%swap3A_2981, %swap3A_2982, %swap3A_2983] : memref<1x512x16xi32, #tpu.memory_space<vmem>>, vector<1x512x1xi32>
    %swap3A_2985 = vector.shape_cast %swap3A_2984 : vector<1x512x1xi32> to vector<512x1xi32>
    %swap3A_2986 = vector.shape_cast %add3A_2980 : vector<512x1xi32> to vector<1x512x1xi32>
    tpu.vector_store %arg4[%swap3A_2981, %swap3A_2982, %swap3A_2983], %swap3A_2986 {strides = array<i32>} : memref<1x512x16xi32, #tpu.memory_space<vmem>>, vector<1x512x1xi32>,
    %eq3A_2987 = vector.broadcast %broadcast_in_dim3A_2974 : vector<512x1xi32> to vector<512x128xi32>
    %eq3A_2988 = arith.cmpi eq, %iota3A_146, %eq3A_2987 : vector<512x128xi32>
    %jit3A_2989 = arith.constant 0x7F800000 : f32
    %broadcast_in_dim3A_2990 = vector.broadcast %jit3A_2989 : f32 to vector<512x128xf32>
    %select_n3A_2991 = arith.select %eq3A_2988, %broadcast_in_dim3A_2990, %select_n3A_2966 : vector<512x128xi1>, vector<512x128xf32>
    %reduce_min3A_2992 = arith.constant dense<0x7F800000> : vector<512xf32>
    %reduce_min3A_2993 = vector.multi_reduction <minimumf>, %select_n3A_2991, %reduce_min3A_2992 [1] : vector<512x128xf32> to vector<512xf32>
    %broadcast_in_dim3A_2994 = vector.shape_cast %reduce_min3A_2993 : vector<512xf32> to vector<512x1xf32>
    %eq3A_2995 = vector.broadcast %broadcast_in_dim3A_2725 : vector<512x1xi32> to vector<512x32xi32>
    %eq3A_2996 = arith.cmpi eq, %iota3A, %eq3A_2995 : vector<512x32xi32>
    %broadcast_in_dim3A_2997 = vector.shape_cast %broadcast_in_dim3A_2994 : vector<512x1xf32> to vector<512x1xf32>
    %broadcast_in_dim3A_2998 = vector.broadcast %broadcast_in_dim3A_2997 : vector<512x1xf32> to vector<512x32xf32>
    %select_n3A_2999 = arith.select %eq3A_2996, %broadcast_in_dim3A_2998, %select_n3A_2714 : vector<512x32xi1>, vector<512x32xf32>
    %reduce_min3A_3000 = arith.constant dense<0x7F800000> : vector<512xf32>
    %reduce_min3A_3001 = vector.multi_reduction <minimumf>, %select_n3A_2999, %reduce_min3A_3000 [1] : vector<512x32xf32> to vector<512xf32>
    %broadcast_in_dim3A_3002 = vector.shape_cast %reduce_min3A_3001 : vector<512xf32> to vector<512x1xf32>
    %eq3A_3003 = vector.broadcast %broadcast_in_dim3A_3002 : vector<512x1xf32> to vector<512x32xf32>
    %eq3A_3004 = arith.cmpf oeq, %select_n3A_2999, %eq3A_3003 : vector<512x32xf32>
    %jit3A_3005 = arith.constant 32 : i32
    %broadcast_in_dim3A_3006 = vector.broadcast %jit3A_3005 : i32 to vector<512x32xi32>
    %select_n3A_3007 = arith.select %eq3A_3004, %iota3A, %broadcast_in_dim3A_3006 : vector<512x32xi1>, vector<512x32xi32>
    %reduce_min3A_3008 = arith.constant dense<2147483647> : vector<512xi32>
    %reduce_min3A_3009 = vector.multi_reduction <minsi>, %select_n3A_3007, %reduce_min3A_3008 [1] : vector<512x32xi32> to vector<512xi32>
    %broadcast_in_dim3A_3010 = vector.shape_cast %reduce_min3A_3009 : vector<512xi32> to vector<512x1xi32>
    %eq3A_3011 = arith.constant 30 : i32
    %eq3A_3012 = vector.broadcast %eq3A_3011 : i32 to vector<512x1xi32>
    %eq3A_3013 = arith.cmpi eq, %broadcast_in_dim3A_3010, %eq3A_3012 : vector<512x1xi32>
    %broadcast_in_dim3A_3014 = vector.shape_cast %eq3A_3013 : vector<512x1xi1> to vector<512x1xi1>
    %broadcast_in_dim3A_3015 = vector.broadcast %broadcast_in_dim3A_3014 : vector<512x1xi1> to vector<512x128xi1>
    %select_n3A_3016 = arith.select %broadcast_in_dim3A_3015, %slice3A_49, %slice3A_50 : vector<512x128xi1>, vector<512x128xf32>
    %eq3A_3017 = arith.constant 29 : i32
    %eq3A_3018 = vector.broadcast %eq3A_3017 : i32 to vector<512x1xi32>
    %eq3A_3019 = arith.cmpi eq, %broadcast_in_dim3A_3010, %eq3A_3018 : vector<512x1xi32>
    %broadcast_in_dim3A_3020 = vector.shape_cast %eq3A_3019 : vector<512x1xi1> to vector<512x1xi1>
    %broadcast_in_dim3A_3021 = vector.broadcast %broadcast_in_dim3A_3020 : vector<512x1xi1> to vector<512x128xi1>
    %select_n3A_3022 = arith.select %broadcast_in_dim3A_3021, %slice3A_48, %select_n3A_3016 : vector<512x128xi1>, vector<512x128xf32>
    %eq3A_3023 = arith.constant 28 : i32
    %eq3A_3024 = vector.broadcast %eq3A_3023 : i32 to vector<512x1xi32>
    %eq3A_3025 = arith.cmpi eq, %broadcast_in_dim3A_3010, %eq3A_3024 : vector<512x1xi32>
    %broadcast_in_dim3A_3026 = vector.shape_cast %eq3A_3025 : vector<512x1xi1> to vector<512x1xi1>
    %broadcast_in_dim3A_3027 = vector.broadcast %broadcast_in_dim3A_3026 : vector<512x1xi1> to vector<512x128xi1>
    %select_n3A_3028 = arith.select %broadcast_in_dim3A_3027, %slice3A_47, %select_n3A_3022 : vector<512x128xi1>, vector<512x128xf32>
    %eq3A_3029 = arith.constant 27 : i32
    %eq3A_3030 = vector.broadcast %eq3A_3029 : i32 to vector<512x1xi32>
    %eq3A_3031 = arith.cmpi eq, %broadcast_in_dim3A_3010, %eq3A_3030 : vector<512x1xi32>
    %broadcast_in_dim3A_3032 = vector.shape_cast %eq3A_3031 : vector<512x1xi1> to vector<512x1xi1>
    %broadcast_in_dim3A_3033 = vector.broadcast %broadcast_in_dim3A_3032 : vector<512x1xi1> to vector<512x128xi1>
    %select_n3A_3034 = arith.select %broadcast_in_dim3A_3033, %slice3A_46, %select_n3A_3028 : vector<512x128xi1>, vector<512x128xf32>
    %eq3A_3035 = arith.constant 26 : i32
    %eq3A_3036 = vector.broadcast %eq3A_3035 : i32 to vector<512x1xi32>
    %eq3A_3037 = arith.cmpi eq, %broadcast_in_dim3A_3010, %eq3A_3036 : vector<512x1xi32>
    %broadcast_in_dim3A_3038 = vector.shape_cast %eq3A_3037 : vector<512x1xi1> to vector<512x1xi1>
    %broadcast_in_dim3A_3039 = vector.broadcast %broadcast_in_dim3A_3038 : vector<512x1xi1> to vector<512x128xi1>
    %select_n3A_3040 = arith.select %broadcast_in_dim3A_3039, %slice3A_45, %select_n3A_3034 : vector<512x128xi1>, vector<512x128xf32>
    %eq3A_3041 = arith.constant 25 : i32
    %eq3A_3042 = vector.broadcast %eq3A_3041 : i32 to vector<512x1xi32>
    %eq3A_3043 = arith.cmpi eq, %broadcast_in_dim3A_3010, %eq3A_3042 : vector<512x1xi32>
    %broadcast_in_dim3A_3044 = vector.shape_cast %eq3A_3043 : vector<512x1xi1> to vector<512x1xi1>
    %broadcast_in_dim3A_3045 = vector.broadcast %broadcast_in_dim3A_3044 : vector<512x1xi1> to vector<512x128xi1>
    %select_n3A_3046 = arith.select %broadcast_in_dim3A_3045, %slice3A_44, %select_n3A_3040 : vector<512x128xi1>, vector<512x128xf32>
    %eq3A_3047 = arith.constant 24 : i32
    %eq3A_3048 = vector.broadcast %eq3A_3047 : i32 to vector<512x1xi32>
    %eq3A_3049 = arith.cmpi eq, %broadcast_in_dim3A_3010, %eq3A_3048 : vector<512x1xi32>
    %broadcast_in_dim3A_3050 = vector.shape_cast %eq3A_3049 : vector<512x1xi1> to vector<512x1xi1>
    %broadcast_in_dim3A_3051 = vector.broadcast %broadcast_in_dim3A_3050 : vector<512x1xi1> to vector<512x128xi1>
    %select_n3A_3052 = arith.select %broadcast_in_dim3A_3051, %slice3A_43, %select_n3A_3046 : vector<512x128xi1>, vector<512x128xf32>
    %eq3A_3053 = arith.constant 23 : i32
    %eq3A_3054 = vector.broadcast %eq3A_3053 : i32 to vector<512x1xi32>
    %eq3A_3055 = arith.cmpi eq, %broadcast_in_dim3A_3010, %eq3A_3054 : vector<512x1xi32>
    %broadcast_in_dim3A_3056 = vector.shape_cast %eq3A_3055 : vector<512x1xi1> to vector<512x1xi1>
    %broadcast_in_dim3A_3057 = vector.broadcast %broadcast_in_dim3A_3056 : vector<512x1xi1> to vector<512x128xi1>
    %select_n3A_3058 = arith.select %broadcast_in_dim3A_3057, %slice3A_42, %select_n3A_3052 : vector<512x128xi1>, vector<512x128xf32>
    %eq3A_3059 = arith.constant 22 : i32
    %eq3A_3060 = vector.broadcast %eq3A_3059 : i32 to vector<512x1xi32>
    %eq3A_3061 = arith.cmpi eq, %broadcast_in_dim3A_3010, %eq3A_3060 : vector<512x1xi32>
    %broadcast_in_dim3A_3062 = vector.shape_cast %eq3A_3061 : vector<512x1xi1> to vector<512x1xi1>
    %broadcast_in_dim3A_3063 = vector.broadcast %broadcast_in_dim3A_3062 : vector<512x1xi1> to vector<512x128xi1>
    %select_n3A_3064 = arith.select %broadcast_in_dim3A_3063, %slice3A_41, %select_n3A_3058 : vector<512x128xi1>, vector<512x128xf32>
    %eq3A_3065 = arith.constant 21 : i32
    %eq3A_3066 = vector.broadcast %eq3A_3065 : i32 to vector<512x1xi32>
    %eq3A_3067 = arith.cmpi eq, %broadcast_in_dim3A_3010, %eq3A_3066 : vector<512x1xi32>
    %broadcast_in_dim3A_3068 = vector.shape_cast %eq3A_3067 : vector<512x1xi1> to vector<512x1xi1>
    %broadcast_in_dim3A_3069 = vector.broadcast %broadcast_in_dim3A_3068 : vector<512x1xi1> to vector<512x128xi1>
    %select_n3A_3070 = arith.select %broadcast_in_dim3A_3069, %slice3A_40, %select_n3A_3064 : vector<512x128xi1>, vector<512x128xf32>
    %eq3A_3071 = arith.constant 20 : i32
    %eq3A_3072 = vector.broadcast %eq3A_3071 : i32 to vector<512x1xi32>
    %eq3A_3073 = arith.cmpi eq, %broadcast_in_dim3A_3010, %eq3A_3072 : vector<512x1xi32>
    %broadcast_in_dim3A_3074 = vector.shape_cast %eq3A_3073 : vector<512x1xi1> to vector<512x1xi1>
    %broadcast_in_dim3A_3075 = vector.broadcast %broadcast_in_dim3A_3074 : vector<512x1xi1> to vector<512x128xi1>
    %select_n3A_3076 = arith.select %broadcast_in_dim3A_3075, %slice3A_39, %select_n3A_3070 : vector<512x128xi1>, vector<512x128xf32>
    %eq3A_3077 = arith.constant 19 : i32
    %eq3A_3078 = vector.broadcast %eq3A_3077 : i32 to vector<512x1xi32>
    %eq3A_3079 = arith.cmpi eq, %broadcast_in_dim3A_3010, %eq3A_3078 : vector<512x1xi32>
    %broadcast_in_dim3A_3080 = vector.shape_cast %eq3A_3079 : vector<512x1xi1> to vector<512x1xi1>
    %broadcast_in_dim3A_3081 = vector.broadcast %broadcast_in_dim3A_3080 : vector<512x1xi1> to vector<512x128xi1>
    %select_n3A_3082 = arith.select %broadcast_in_dim3A_3081, %slice3A_38, %select_n3A_3076 : vector<512x128xi1>, vector<512x128xf32>
    %eq3A_3083 = arith.constant 18 : i32
    %eq3A_3084 = vector.broadcast %eq3A_3083 : i32 to vector<512x1xi32>
    %eq3A_3085 = arith.cmpi eq, %broadcast_in_dim3A_3010, %eq3A_3084 : vector<512x1xi32>
    %broadcast_in_dim3A_3086 = vector.shape_cast %eq3A_3085 : vector<512x1xi1> to vector<512x1xi1>
    %broadcast_in_dim3A_3087 = vector.broadcast %broadcast_in_dim3A_3086 : vector<512x1xi1> to vector<512x128xi1>
    %select_n3A_3088 = arith.select %broadcast_in_dim3A_3087, %slice3A_37, %select_n3A_3082 : vector<512x128xi1>, vector<512x128xf32>
    %eq3A_3089 = arith.constant 17 : i32
    %eq3A_3090 = vector.broadcast %eq3A_3089 : i32 to vector<512x1xi32>
    %eq3A_3091 = arith.cmpi eq, %broadcast_in_dim3A_3010, %eq3A_3090 : vector<512x1xi32>
    %broadcast_in_dim3A_3092 = vector.shape_cast %eq3A_3091 : vector<512x1xi1> to vector<512x1xi1>
    %broadcast_in_dim3A_3093 = vector.broadcast %broadcast_in_dim3A_3092 : vector<512x1xi1> to vector<512x128xi1>
    %select_n3A_3094 = arith.select %broadcast_in_dim3A_3093, %slice3A_36, %select_n3A_3088 : vector<512x128xi1>, vector<512x128xf32>
    %eq3A_3095 = arith.constant 16 : i32
    %eq3A_3096 = vector.broadcast %eq3A_3095 : i32 to vector<512x1xi32>
    %eq3A_3097 = arith.cmpi eq, %broadcast_in_dim3A_3010, %eq3A_3096 : vector<512x1xi32>
    %broadcast_in_dim3A_3098 = vector.shape_cast %eq3A_3097 : vector<512x1xi1> to vector<512x1xi1>
    %broadcast_in_dim3A_3099 = vector.broadcast %broadcast_in_dim3A_3098 : vector<512x1xi1> to vector<512x128xi1>
    %select_n3A_3100 = arith.select %broadcast_in_dim3A_3099, %slice3A_35, %select_n3A_3094 : vector<512x128xi1>, vector<512x128xf32>
    %eq3A_3101 = arith.constant 15 : i32
    %eq3A_3102 = vector.broadcast %eq3A_3101 : i32 to vector<512x1xi32>
    %eq3A_3103 = arith.cmpi eq, %broadcast_in_dim3A_3010, %eq3A_3102 : vector<512x1xi32>
    %broadcast_in_dim3A_3104 = vector.shape_cast %eq3A_3103 : vector<512x1xi1> to vector<512x1xi1>
    %broadcast_in_dim3A_3105 = vector.broadcast %broadcast_in_dim3A_3104 : vector<512x1xi1> to vector<512x128xi1>
    %select_n3A_3106 = arith.select %broadcast_in_dim3A_3105, %slice3A_34, %select_n3A_3100 : vector<512x128xi1>, vector<512x128xf32>
    %eq3A_3107 = arith.constant 14 : i32
    %eq3A_3108 = vector.broadcast %eq3A_3107 : i32 to vector<512x1xi32>
    %eq3A_3109 = arith.cmpi eq, %broadcast_in_dim3A_3010, %eq3A_3108 : vector<512x1xi32>
    %broadcast_in_dim3A_3110 = vector.shape_cast %eq3A_3109 : vector<512x1xi1> to vector<512x1xi1>
    %broadcast_in_dim3A_3111 = vector.broadcast %broadcast_in_dim3A_3110 : vector<512x1xi1> to vector<512x128xi1>
    %select_n3A_3112 = arith.select %broadcast_in_dim3A_3111, %slice3A_33, %select_n3A_3106 : vector<512x128xi1>, vector<512x128xf32>
    %eq3A_3113 = arith.constant 13 : i32
    %eq3A_3114 = vector.broadcast %eq3A_3113 : i32 to vector<512x1xi32>
    %eq3A_3115 = arith.cmpi eq, %broadcast_in_dim3A_3010, %eq3A_3114 : vector<512x1xi32>
    %broadcast_in_dim3A_3116 = vector.shape_cast %eq3A_3115 : vector<512x1xi1> to vector<512x1xi1>
    %broadcast_in_dim3A_3117 = vector.broadcast %broadcast_in_dim3A_3116 : vector<512x1xi1> to vector<512x128xi1>
    %select_n3A_3118 = arith.select %broadcast_in_dim3A_3117, %slice3A_32, %select_n3A_3112 : vector<512x128xi1>, vector<512x128xf32>
    %eq3A_3119 = arith.constant 12 : i32
    %eq3A_3120 = vector.broadcast %eq3A_3119 : i32 to vector<512x1xi32>
    %eq3A_3121 = arith.cmpi eq, %broadcast_in_dim3A_3010, %eq3A_3120 : vector<512x1xi32>
    %broadcast_in_dim3A_3122 = vector.shape_cast %eq3A_3121 : vector<512x1xi1> to vector<512x1xi1>
    %broadcast_in_dim3A_3123 = vector.broadcast %broadcast_in_dim3A_3122 : vector<512x1xi1> to vector<512x128xi1>
    %select_n3A_3124 = arith.select %broadcast_in_dim3A_3123, %slice3A_31, %select_n3A_3118 : vector<512x128xi1>, vector<512x128xf32>
    %eq3A_3125 = arith.constant 11 : i32
    %eq3A_3126 = vector.broadcast %eq3A_3125 : i32 to vector<512x1xi32>
    %eq3A_3127 = arith.cmpi eq, %broadcast_in_dim3A_3010, %eq3A_3126 : vector<512x1xi32>
    %broadcast_in_dim3A_3128 = vector.shape_cast %eq3A_3127 : vector<512x1xi1> to vector<512x1xi1>
    %broadcast_in_dim3A_3129 = vector.broadcast %broadcast_in_dim3A_3128 : vector<512x1xi1> to vector<512x128xi1>
    %select_n3A_3130 = arith.select %broadcast_in_dim3A_3129, %slice3A_30, %select_n3A_3124 : vector<512x128xi1>, vector<512x128xf32>
    %eq3A_3131 = arith.constant 10 : i32
    %eq3A_3132 = vector.broadcast %eq3A_3131 : i32 to vector<512x1xi32>
    %eq3A_3133 = arith.cmpi eq, %broadcast_in_dim3A_3010, %eq3A_3132 : vector<512x1xi32>
    %broadcast_in_dim3A_3134 = vector.shape_cast %eq3A_3133 : vector<512x1xi1> to vector<512x1xi1>
    %broadcast_in_dim3A_3135 = vector.broadcast %broadcast_in_dim3A_3134 : vector<512x1xi1> to vector<512x128xi1>
    %select_n3A_3136 = arith.select %broadcast_in_dim3A_3135, %slice3A_29, %select_n3A_3130 : vector<512x128xi1>, vector<512x128xf32>
    %eq3A_3137 = arith.constant 9 : i32
    %eq3A_3138 = vector.broadcast %eq3A_3137 : i32 to vector<512x1xi32>
    %eq3A_3139 = arith.cmpi eq, %broadcast_in_dim3A_3010, %eq3A_3138 : vector<512x1xi32>
    %broadcast_in_dim3A_3140 = vector.shape_cast %eq3A_3139 : vector<512x1xi1> to vector<512x1xi1>
    %broadcast_in_dim3A_3141 = vector.broadcast %broadcast_in_dim3A_3140 : vector<512x1xi1> to vector<512x128xi1>
    %select_n3A_3142 = arith.select %broadcast_in_dim3A_3141, %slice3A_28, %select_n3A_3136 : vector<512x128xi1>, vector<512x128xf32>
    %eq3A_3143 = arith.constant 8 : i32
    %eq3A_3144 = vector.broadcast %eq3A_3143 : i32 to vector<512x1xi32>
    %eq3A_3145 = arith.cmpi eq, %broadcast_in_dim3A_3010, %eq3A_3144 : vector<512x1xi32>
    %broadcast_in_dim3A_3146 = vector.shape_cast %eq3A_3145 : vector<512x1xi1> to vector<512x1xi1>
    %broadcast_in_dim3A_3147 = vector.broadcast %broadcast_in_dim3A_3146 : vector<512x1xi1> to vector<512x128xi1>
    %select_n3A_3148 = arith.select %broadcast_in_dim3A_3147, %slice3A_27, %select_n3A_3142 : vector<512x128xi1>, vector<512x128xf32>
    %eq3A_3149 = arith.constant 7 : i32
    %eq3A_3150 = vector.broadcast %eq3A_3149 : i32 to vector<512x1xi32>
    %eq3A_3151 = arith.cmpi eq, %broadcast_in_dim3A_3010, %eq3A_3150 : vector<512x1xi32>
    %broadcast_in_dim3A_3152 = vector.shape_cast %eq3A_3151 : vector<512x1xi1> to vector<512x1xi1>
    %broadcast_in_dim3A_3153 = vector.broadcast %broadcast_in_dim3A_3152 : vector<512x1xi1> to vector<512x128xi1>
    %select_n3A_3154 = arith.select %broadcast_in_dim3A_3153, %slice3A_26, %select_n3A_3148 : vector<512x128xi1>, vector<512x128xf32>
    %eq3A_3155 = arith.constant 6 : i32
    %eq3A_3156 = vector.broadcast %eq3A_3155 : i32 to vector<512x1xi32>
    %eq3A_3157 = arith.cmpi eq, %broadcast_in_dim3A_3010, %eq3A_3156 : vector<512x1xi32>
    %broadcast_in_dim3A_3158 = vector.shape_cast %eq3A_3157 : vector<512x1xi1> to vector<512x1xi1>
    %broadcast_in_dim3A_3159 = vector.broadcast %broadcast_in_dim3A_3158 : vector<512x1xi1> to vector<512x128xi1>
    %select_n3A_3160 = arith.select %broadcast_in_dim3A_3159, %slice3A_25, %select_n3A_3154 : vector<512x128xi1>, vector<512x128xf32>
    %eq3A_3161 = arith.constant 5 : i32
    %eq3A_3162 = vector.broadcast %eq3A_3161 : i32 to vector<512x1xi32>
    %eq3A_3163 = arith.cmpi eq, %broadcast_in_dim3A_3010, %eq3A_3162 : vector<512x1xi32>
    %broadcast_in_dim3A_3164 = vector.shape_cast %eq3A_3163 : vector<512x1xi1> to vector<512x1xi1>
    %broadcast_in_dim3A_3165 = vector.broadcast %broadcast_in_dim3A_3164 : vector<512x1xi1> to vector<512x128xi1>
    %select_n3A_3166 = arith.select %broadcast_in_dim3A_3165, %slice3A_24, %select_n3A_3160 : vector<512x128xi1>, vector<512x128xf32>
    %eq3A_3167 = arith.constant 4 : i32
    %eq3A_3168 = vector.broadcast %eq3A_3167 : i32 to vector<512x1xi32>
    %eq3A_3169 = arith.cmpi eq, %broadcast_in_dim3A_3010, %eq3A_3168 : vector<512x1xi32>
    %broadcast_in_dim3A_3170 = vector.shape_cast %eq3A_3169 : vector<512x1xi1> to vector<512x1xi1>
    %broadcast_in_dim3A_3171 = vector.broadcast %broadcast_in_dim3A_3170 : vector<512x1xi1> to vector<512x128xi1>
    %select_n3A_3172 = arith.select %broadcast_in_dim3A_3171, %slice3A_23, %select_n3A_3166 : vector<512x128xi1>, vector<512x128xf32>
    %eq3A_3173 = arith.constant 3 : i32
    %eq3A_3174 = vector.broadcast %eq3A_3173 : i32 to vector<512x1xi32>
    %eq3A_3175 = arith.cmpi eq, %broadcast_in_dim3A_3010, %eq3A_3174 : vector<512x1xi32>
    %broadcast_in_dim3A_3176 = vector.shape_cast %eq3A_3175 : vector<512x1xi1> to vector<512x1xi1>
    %broadcast_in_dim3A_3177 = vector.broadcast %broadcast_in_dim3A_3176 : vector<512x1xi1> to vector<512x128xi1>
    %select_n3A_3178 = arith.select %broadcast_in_dim3A_3177, %slice3A_22, %select_n3A_3172 : vector<512x128xi1>, vector<512x128xf32>
    %eq3A_3179 = arith.constant 2 : i32
    %eq3A_3180 = vector.broadcast %eq3A_3179 : i32 to vector<512x1xi32>
    %eq3A_3181 = arith.cmpi eq, %broadcast_in_dim3A_3010, %eq3A_3180 : vector<512x1xi32>
    %broadcast_in_dim3A_3182 = vector.shape_cast %eq3A_3181 : vector<512x1xi1> to vector<512x1xi1>
    %broadcast_in_dim3A_3183 = vector.broadcast %broadcast_in_dim3A_3182 : vector<512x1xi1> to vector<512x128xi1>
    %select_n3A_3184 = arith.select %broadcast_in_dim3A_3183, %slice3A_21, %select_n3A_3178 : vector<512x128xi1>, vector<512x128xf32>
    %eq3A_3185 = arith.constant 1 : i32
    %eq3A_3186 = vector.broadcast %eq3A_3185 : i32 to vector<512x1xi32>
    %eq3A_3187 = arith.cmpi eq, %broadcast_in_dim3A_3010, %eq3A_3186 : vector<512x1xi32>
    %broadcast_in_dim3A_3188 = vector.shape_cast %eq3A_3187 : vector<512x1xi1> to vector<512x1xi1>
    %broadcast_in_dim3A_3189 = vector.broadcast %broadcast_in_dim3A_3188 : vector<512x1xi1> to vector<512x128xi1>
    %select_n3A_3190 = arith.select %broadcast_in_dim3A_3189, %slice3A_20, %select_n3A_3184 : vector<512x128xi1>, vector<512x128xf32>
    %eq3A_3191 = arith.constant 0 : i32
    %eq3A_3192 = vector.broadcast %eq3A_3191 : i32 to vector<512x1xi32>
    %eq3A_3193 = arith.cmpi eq, %broadcast_in_dim3A_3010, %eq3A_3192 : vector<512x1xi32>
    %broadcast_in_dim3A_3194 = vector.shape_cast %eq3A_3193 : vector<512x1xi1> to vector<512x1xi1>
    %broadcast_in_dim3A_3195 = vector.broadcast %broadcast_in_dim3A_3194 : vector<512x1xi1> to vector<512x128xi1>
    %select_n3A_3196 = arith.select %broadcast_in_dim3A_3195, %slice3A, %select_n3A_3190 : vector<512x128xi1>, vector<512x128xf32>
    %mul3A_3197 = arith.constant 128 : i32
    %mul3A_3198 = vector.broadcast %mul3A_3197 : i32 to vector<512x1xi32>
    %mul3A_3199 = arith.muli %broadcast_in_dim3A_3010, %mul3A_3198 : vector<512x1xi32>
    %add3A_3200 = vector.broadcast %mul3A_3199 : vector<512x1xi32> to vector<512x128xi32>
    %add3A_3201 = arith.addi %add3A_3200, %iota3A_146 : vector<512x128xi32>
    %eq3A_3202 = vector.broadcast %add3A_354 : vector<512x1xi32> to vector<512x128xi32>
    %eq3A_3203 = arith.cmpi eq, %add3A_3201, %eq3A_3202 : vector<512x128xi32>
    %jit3A_3204 = arith.constant 0x7F800000 : f32
    %broadcast_in_dim3A_3205 = vector.broadcast %jit3A_3204 : f32 to vector<512x128xf32>
    %select_n3A_3206 = arith.select %eq3A_3203, %broadcast_in_dim3A_3205, %select_n3A_3196 : vector<512x128xi1>, vector<512x128xf32>
    %eq3A_3207 = vector.broadcast %add3A_593 : vector<512x1xi32> to vector<512x128xi32>
    %eq3A_3208 = arith.cmpi eq, %add3A_3201, %eq3A_3207 : vector<512x128xi32>
    %jit3A_3209 = arith.constant 0x7F800000 : f32
    %broadcast_in_dim3A_3210 = vector.broadcast %jit3A_3209 : f32 to vector<512x128xf32>
    %select_n3A_3211 = arith.select %eq3A_3208, %broadcast_in_dim3A_3210, %select_n3A_3206 : vector<512x128xi1>, vector<512x128xf32>
    %eq3A_3212 = vector.broadcast %add3A_838 : vector<512x1xi32> to vector<512x128xi32>
    %eq3A_3213 = arith.cmpi eq, %add3A_3201, %eq3A_3212 : vector<512x128xi32>
    %jit3A_3214 = arith.constant 0x7F800000 : f32
    %broadcast_in_dim3A_3215 = vector.broadcast %jit3A_3214 : f32 to vector<512x128xf32>
    %select_n3A_3216 = arith.select %eq3A_3213, %broadcast_in_dim3A_3215, %select_n3A_3211 : vector<512x128xi1>, vector<512x128xf32>
    %eq3A_3217 = vector.broadcast %add3A_1088 : vector<512x1xi32> to vector<512x128xi32>
    %eq3A_3218 = arith.cmpi eq, %add3A_3201, %eq3A_3217 : vector<512x128xi32>
    %jit3A_3219 = arith.constant 0x7F800000 : f32
    %broadcast_in_dim3A_3220 = vector.broadcast %jit3A_3219 : f32 to vector<512x128xf32>
    %select_n3A_3221 = arith.select %eq3A_3218, %broadcast_in_dim3A_3220, %select_n3A_3216 : vector<512x128xi1>, vector<512x128xf32>
    %eq3A_3222 = vector.broadcast %add3A_1343 : vector<512x1xi32> to vector<512x128xi32>
    %eq3A_3223 = arith.cmpi eq, %add3A_3201, %eq3A_3222 : vector<512x128xi32>
    %jit3A_3224 = arith.constant 0x7F800000 : f32
    %broadcast_in_dim3A_3225 = vector.broadcast %jit3A_3224 : f32 to vector<512x128xf32>
    %select_n3A_3226 = arith.select %eq3A_3223, %broadcast_in_dim3A_3225, %select_n3A_3221 : vector<512x128xi1>, vector<512x128xf32>
    %eq3A_3227 = vector.broadcast %add3A_1603 : vector<512x1xi32> to vector<512x128xi32>
    %eq3A_3228 = arith.cmpi eq, %add3A_3201, %eq3A_3227 : vector<512x128xi32>
    %jit3A_3229 = arith.constant 0x7F800000 : f32
    %broadcast_in_dim3A_3230 = vector.broadcast %jit3A_3229 : f32 to vector<512x128xf32>
    %select_n3A_3231 = arith.select %eq3A_3228, %broadcast_in_dim3A_3230, %select_n3A_3226 : vector<512x128xi1>, vector<512x128xf32>
    %eq3A_3232 = vector.broadcast %add3A_1868 : vector<512x1xi32> to vector<512x128xi32>
    %eq3A_3233 = arith.cmpi eq, %add3A_3201, %eq3A_3232 : vector<512x128xi32>
    %jit3A_3234 = arith.constant 0x7F800000 : f32
    %broadcast_in_dim3A_3235 = vector.broadcast %jit3A_3234 : f32 to vector<512x128xf32>
    %select_n3A_3236 = arith.select %eq3A_3233, %broadcast_in_dim3A_3235, %select_n3A_3231 : vector<512x128xi1>, vector<512x128xf32>
    %eq3A_3237 = vector.broadcast %add3A_2138 : vector<512x1xi32> to vector<512x128xi32>
    %eq3A_3238 = arith.cmpi eq, %add3A_3201, %eq3A_3237 : vector<512x128xi32>
    %jit3A_3239 = arith.constant 0x7F800000 : f32
    %broadcast_in_dim3A_3240 = vector.broadcast %jit3A_3239 : f32 to vector<512x128xf32>
    %select_n3A_3241 = arith.select %eq3A_3238, %broadcast_in_dim3A_3240, %select_n3A_3236 : vector<512x128xi1>, vector<512x128xf32>
    %eq3A_3242 = vector.broadcast %add3A_2413 : vector<512x1xi32> to vector<512x128xi32>
    %eq3A_3243 = arith.cmpi eq, %add3A_3201, %eq3A_3242 : vector<512x128xi32>
    %jit3A_3244 = arith.constant 0x7F800000 : f32
    %broadcast_in_dim3A_3245 = vector.broadcast %jit3A_3244 : f32 to vector<512x128xf32>
    %select_n3A_3246 = arith.select %eq3A_3243, %broadcast_in_dim3A_3245, %select_n3A_3241 : vector<512x128xi1>, vector<512x128xf32>
    %eq3A_3247 = vector.broadcast %add3A_2693 : vector<512x1xi32> to vector<512x128xi32>
    %eq3A_3248 = arith.cmpi eq, %add3A_3201, %eq3A_3247 : vector<512x128xi32>
    %jit3A_3249 = arith.constant 0x7F800000 : f32
    %broadcast_in_dim3A_3250 = vector.broadcast %jit3A_3249 : f32 to vector<512x128xf32>
    %select_n3A_3251 = arith.select %eq3A_3248, %broadcast_in_dim3A_3250, %select_n3A_3246 : vector<512x128xi1>, vector<512x128xf32>
    %eq3A_3252 = vector.broadcast %add3A_2978 : vector<512x1xi32> to vector<512x128xi32>
    %eq3A_3253 = arith.cmpi eq, %add3A_3201, %eq3A_3252 : vector<512x128xi32>
    %jit3A_3254 = arith.constant 0x7F800000 : f32
    %broadcast_in_dim3A_3255 = vector.broadcast %jit3A_3254 : f32 to vector<512x128xf32>
    %select_n3A_3256 = arith.select %eq3A_3253, %broadcast_in_dim3A_3255, %select_n3A_3251 : vector<512x128xi1>, vector<512x128xf32>
    %eq3A_3257 = vector.broadcast %broadcast_in_dim3A_3002 : vector<512x1xf32> to vector<512x128xf32>
    %eq3A_3258 = arith.cmpf oeq, %select_n3A_3256, %eq3A_3257 : vector<512x128xf32>
    %jit3A_3259 = arith.constant 128 : i32
    %broadcast_in_dim3A_3260 = vector.broadcast %jit3A_3259 : i32 to vector<512x128xi32>
    %select_n3A_3261 = arith.select %eq3A_3258, %iota3A_146, %broadcast_in_dim3A_3260 : vector<512x128xi1>, vector<512x128xi32>
    %reduce_min3A_3262 = arith.constant dense<2147483647> : vector<512xi32>
    %reduce_min3A_3263 = vector.multi_reduction <minsi>, %select_n3A_3261, %reduce_min3A_3262 [1] : vector<512x128xi32> to vector<512xi32>
    %broadcast_in_dim3A_3264 = vector.shape_cast %reduce_min3A_3263 : vector<512xi32> to vector<512x1xi32>
    %mul3A_3265 = arith.constant 128 : i32
    %mul3A_3266 = vector.broadcast %mul3A_3265 : i32 to vector<512x1xi32>
    %mul3A_3267 = arith.muli %broadcast_in_dim3A_3010, %mul3A_3266 : vector<512x1xi32>
    %add3A_3268 = arith.addi %mul3A_3267, %broadcast_in_dim3A_3264 : vector<512x1xi32>
    %add3A_3269 = vector.broadcast %mul3A_148 : i32 to vector<512x1xi32>
    %add3A_3270 = arith.addi %add3A_3268, %add3A_3269 : vector<512x1xi32>
    %swap3A_3271 = arith.constant 0 : index
    %swap3A_3272 = arith.constant 0 : index
    %swap3A_3273 = arith.constant 11 : index
    %swap3A_3274 = vector.load %arg4[%swap3A_3271, %swap3A_3272, %swap3A_3273] : memref<1x512x16xi32, #tpu.memory_space<vmem>>, vector<1x512x1xi32>
    %swap3A_3275 = vector.shape_cast %swap3A_3274 : vector<1x512x1xi32> to vector<512x1xi32>
    %swap3A_3276 = vector.shape_cast %add3A_3270 : vector<512x1xi32> to vector<1x512x1xi32>
    tpu.vector_store %arg4[%swap3A_3271, %swap3A_3272, %swap3A_3273], %swap3A_3276 {strides = array<i32>} : memref<1x512x16xi32, #tpu.memory_space<vmem>>, vector<1x512x1xi32>,
    %eq3A_3277 = vector.broadcast %broadcast_in_dim3A_3264 : vector<512x1xi32> to vector<512x128xi32>
    %eq3A_3278 = arith.cmpi eq, %iota3A_146, %eq3A_3277 : vector<512x128xi32>
    %jit3A_3279 = arith.constant 0x7F800000 : f32
    %broadcast_in_dim3A_3280 = vector.broadcast %jit3A_3279 : f32 to vector<512x128xf32>
    %select_n3A_3281 = arith.select %eq3A_3278, %broadcast_in_dim3A_3280, %select_n3A_3256 : vector<512x128xi1>, vector<512x128xf32>
    %reduce_min3A_3282 = arith.constant dense<0x7F800000> : vector<512xf32>
    %reduce_min3A_3283 = vector.multi_reduction <minimumf>, %select_n3A_3281, %reduce_min3A_3282 [1] : vector<512x128xf32> to vector<512xf32>
    %broadcast_in_dim3A_3284 = vector.shape_cast %reduce_min3A_3283 : vector<512xf32> to vector<512x1xf32>
    %eq3A_3285 = vector.broadcast %broadcast_in_dim3A_3010 : vector<512x1xi32> to vector<512x32xi32>
    %eq3A_3286 = arith.cmpi eq, %iota3A, %eq3A_3285 : vector<512x32xi32>
    %broadcast_in_dim3A_3287 = vector.shape_cast %broadcast_in_dim3A_3284 : vector<512x1xf32> to vector<512x1xf32>
    %broadcast_in_dim3A_3288 = vector.broadcast %broadcast_in_dim3A_3287 : vector<512x1xf32> to vector<512x32xf32>
    %select_n3A_3289 = arith.select %eq3A_3286, %broadcast_in_dim3A_3288, %select_n3A_2999 : vector<512x32xi1>, vector<512x32xf32>
    %reduce_min3A_3290 = arith.constant dense<0x7F800000> : vector<512xf32>
    %reduce_min3A_3291 = vector.multi_reduction <minimumf>, %select_n3A_3289, %reduce_min3A_3290 [1] : vector<512x32xf32> to vector<512xf32>
    %broadcast_in_dim3A_3292 = vector.shape_cast %reduce_min3A_3291 : vector<512xf32> to vector<512x1xf32>
    %eq3A_3293 = vector.broadcast %broadcast_in_dim3A_3292 : vector<512x1xf32> to vector<512x32xf32>
    %eq3A_3294 = arith.cmpf oeq, %select_n3A_3289, %eq3A_3293 : vector<512x32xf32>
    %jit3A_3295 = arith.constant 32 : i32
    %broadcast_in_dim3A_3296 = vector.broadcast %jit3A_3295 : i32 to vector<512x32xi32>
    %select_n3A_3297 = arith.select %eq3A_3294, %iota3A, %broadcast_in_dim3A_3296 : vector<512x32xi1>, vector<512x32xi32>
    %reduce_min3A_3298 = arith.constant dense<2147483647> : vector<512xi32>
    %reduce_min3A_3299 = vector.multi_reduction <minsi>, %select_n3A_3297, %reduce_min3A_3298 [1] : vector<512x32xi32> to vector<512xi32>
    %broadcast_in_dim3A_3300 = vector.shape_cast %reduce_min3A_3299 : vector<512xi32> to vector<512x1xi32>
    %eq3A_3301 = arith.constant 30 : i32
    %eq3A_3302 = vector.broadcast %eq3A_3301 : i32 to vector<512x1xi32>
    %eq3A_3303 = arith.cmpi eq, %broadcast_in_dim3A_3300, %eq3A_3302 : vector<512x1xi32>
    %broadcast_in_dim3A_3304 = vector.shape_cast %eq3A_3303 : vector<512x1xi1> to vector<512x1xi1>
    %broadcast_in_dim3A_3305 = vector.broadcast %broadcast_in_dim3A_3304 : vector<512x1xi1> to vector<512x128xi1>
    %select_n3A_3306 = arith.select %broadcast_in_dim3A_3305, %slice3A_49, %slice3A_50 : vector<512x128xi1>, vector<512x128xf32>
    %eq3A_3307 = arith.constant 29 : i32
    %eq3A_3308 = vector.broadcast %eq3A_3307 : i32 to vector<512x1xi32>
    %eq3A_3309 = arith.cmpi eq, %broadcast_in_dim3A_3300, %eq3A_3308 : vector<512x1xi32>
    %broadcast_in_dim3A_3310 = vector.shape_cast %eq3A_3309 : vector<512x1xi1> to vector<512x1xi1>
    %broadcast_in_dim3A_3311 = vector.broadcast %broadcast_in_dim3A_3310 : vector<512x1xi1> to vector<512x128xi1>
    %select_n3A_3312 = arith.select %broadcast_in_dim3A_3311, %slice3A_48, %select_n3A_3306 : vector<512x128xi1>, vector<512x128xf32>
    %eq3A_3313 = arith.constant 28 : i32
    %eq3A_3314 = vector.broadcast %eq3A_3313 : i32 to vector<512x1xi32>
    %eq3A_3315 = arith.cmpi eq, %broadcast_in_dim3A_3300, %eq3A_3314 : vector<512x1xi32>
    %broadcast_in_dim3A_3316 = vector.shape_cast %eq3A_3315 : vector<512x1xi1> to vector<512x1xi1>
    %broadcast_in_dim3A_3317 = vector.broadcast %broadcast_in_dim3A_3316 : vector<512x1xi1> to vector<512x128xi1>
    %select_n3A_3318 = arith.select %broadcast_in_dim3A_3317, %slice3A_47, %select_n3A_3312 : vector<512x128xi1>, vector<512x128xf32>
    %eq3A_3319 = arith.constant 27 : i32
    %eq3A_3320 = vector.broadcast %eq3A_3319 : i32 to vector<512x1xi32>
    %eq3A_3321 = arith.cmpi eq, %broadcast_in_dim3A_3300, %eq3A_3320 : vector<512x1xi32>
    %broadcast_in_dim3A_3322 = vector.shape_cast %eq3A_3321 : vector<512x1xi1> to vector<512x1xi1>
    %broadcast_in_dim3A_3323 = vector.broadcast %broadcast_in_dim3A_3322 : vector<512x1xi1> to vector<512x128xi1>
    %select_n3A_3324 = arith.select %broadcast_in_dim3A_3323, %slice3A_46, %select_n3A_3318 : vector<512x128xi1>, vector<512x128xf32>
    %eq3A_3325 = arith.constant 26 : i32
    %eq3A_3326 = vector.broadcast %eq3A_3325 : i32 to vector<512x1xi32>
    %eq3A_3327 = arith.cmpi eq, %broadcast_in_dim3A_3300, %eq3A_3326 : vector<512x1xi32>
    %broadcast_in_dim3A_3328 = vector.shape_cast %eq3A_3327 : vector<512x1xi1> to vector<512x1xi1>
    %broadcast_in_dim3A_3329 = vector.broadcast %broadcast_in_dim3A_3328 : vector<512x1xi1> to vector<512x128xi1>
    %select_n3A_3330 = arith.select %broadcast_in_dim3A_3329, %slice3A_45, %select_n3A_3324 : vector<512x128xi1>, vector<512x128xf32>
    %eq3A_3331 = arith.constant 25 : i32
    %eq3A_3332 = vector.broadcast %eq3A_3331 : i32 to vector<512x1xi32>
    %eq3A_3333 = arith.cmpi eq, %broadcast_in_dim3A_3300, %eq3A_3332 : vector<512x1xi32>
    %broadcast_in_dim3A_3334 = vector.shape_cast %eq3A_3333 : vector<512x1xi1> to vector<512x1xi1>
    %broadcast_in_dim3A_3335 = vector.broadcast %broadcast_in_dim3A_3334 : vector<512x1xi1> to vector<512x128xi1>
    %select_n3A_3336 = arith.select %broadcast_in_dim3A_3335, %slice3A_44, %select_n3A_3330 : vector<512x128xi1>, vector<512x128xf32>
    %eq3A_3337 = arith.constant 24 : i32
    %eq3A_3338 = vector.broadcast %eq3A_3337 : i32 to vector<512x1xi32>
    %eq3A_3339 = arith.cmpi eq, %broadcast_in_dim3A_3300, %eq3A_3338 : vector<512x1xi32>
    %broadcast_in_dim3A_3340 = vector.shape_cast %eq3A_3339 : vector<512x1xi1> to vector<512x1xi1>
    %broadcast_in_dim3A_3341 = vector.broadcast %broadcast_in_dim3A_3340 : vector<512x1xi1> to vector<512x128xi1>
    %select_n3A_3342 = arith.select %broadcast_in_dim3A_3341, %slice3A_43, %select_n3A_3336 : vector<512x128xi1>, vector<512x128xf32>
    %eq3A_3343 = arith.constant 23 : i32
    %eq3A_3344 = vector.broadcast %eq3A_3343 : i32 to vector<512x1xi32>
    %eq3A_3345 = arith.cmpi eq, %broadcast_in_dim3A_3300, %eq3A_3344 : vector<512x1xi32>
    %broadcast_in_dim3A_3346 = vector.shape_cast %eq3A_3345 : vector<512x1xi1> to vector<512x1xi1>
    %broadcast_in_dim3A_3347 = vector.broadcast %broadcast_in_dim3A_3346 : vector<512x1xi1> to vector<512x128xi1>
    %select_n3A_3348 = arith.select %broadcast_in_dim3A_3347, %slice3A_42, %select_n3A_3342 : vector<512x128xi1>, vector<512x128xf32>
    %eq3A_3349 = arith.constant 22 : i32
    %eq3A_3350 = vector.broadcast %eq3A_3349 : i32 to vector<512x1xi32>
    %eq3A_3351 = arith.cmpi eq, %broadcast_in_dim3A_3300, %eq3A_3350 : vector<512x1xi32>
    %broadcast_in_dim3A_3352 = vector.shape_cast %eq3A_3351 : vector<512x1xi1> to vector<512x1xi1>
    %broadcast_in_dim3A_3353 = vector.broadcast %broadcast_in_dim3A_3352 : vector<512x1xi1> to vector<512x128xi1>
    %select_n3A_3354 = arith.select %broadcast_in_dim3A_3353, %slice3A_41, %select_n3A_3348 : vector<512x128xi1>, vector<512x128xf32>
    %eq3A_3355 = arith.constant 21 : i32
    %eq3A_3356 = vector.broadcast %eq3A_3355 : i32 to vector<512x1xi32>
    %eq3A_3357 = arith.cmpi eq, %broadcast_in_dim3A_3300, %eq3A_3356 : vector<512x1xi32>
    %broadcast_in_dim3A_3358 = vector.shape_cast %eq3A_3357 : vector<512x1xi1> to vector<512x1xi1>
    %broadcast_in_dim3A_3359 = vector.broadcast %broadcast_in_dim3A_3358 : vector<512x1xi1> to vector<512x128xi1>
    %select_n3A_3360 = arith.select %broadcast_in_dim3A_3359, %slice3A_40, %select_n3A_3354 : vector<512x128xi1>, vector<512x128xf32>
    %eq3A_3361 = arith.constant 20 : i32
    %eq3A_3362 = vector.broadcast %eq3A_3361 : i32 to vector<512x1xi32>
    %eq3A_3363 = arith.cmpi eq, %broadcast_in_dim3A_3300, %eq3A_3362 : vector<512x1xi32>
    %broadcast_in_dim3A_3364 = vector.shape_cast %eq3A_3363 : vector<512x1xi1> to vector<512x1xi1>
    %broadcast_in_dim3A_3365 = vector.broadcast %broadcast_in_dim3A_3364 : vector<512x1xi1> to vector<512x128xi1>
    %select_n3A_3366 = arith.select %broadcast_in_dim3A_3365, %slice3A_39, %select_n3A_3360 : vector<512x128xi1>, vector<512x128xf32>
    %eq3A_3367 = arith.constant 19 : i32
    %eq3A_3368 = vector.broadcast %eq3A_3367 : i32 to vector<512x1xi32>
    %eq3A_3369 = arith.cmpi eq, %broadcast_in_dim3A_3300, %eq3A_3368 : vector<512x1xi32>
    %broadcast_in_dim3A_3370 = vector.shape_cast %eq3A_3369 : vector<512x1xi1> to vector<512x1xi1>
    %broadcast_in_dim3A_3371 = vector.broadcast %broadcast_in_dim3A_3370 : vector<512x1xi1> to vector<512x128xi1>
    %select_n3A_3372 = arith.select %broadcast_in_dim3A_3371, %slice3A_38, %select_n3A_3366 : vector<512x128xi1>, vector<512x128xf32>
    %eq3A_3373 = arith.constant 18 : i32
    %eq3A_3374 = vector.broadcast %eq3A_3373 : i32 to vector<512x1xi32>
    %eq3A_3375 = arith.cmpi eq, %broadcast_in_dim3A_3300, %eq3A_3374 : vector<512x1xi32>
    %broadcast_in_dim3A_3376 = vector.shape_cast %eq3A_3375 : vector<512x1xi1> to vector<512x1xi1>
    %broadcast_in_dim3A_3377 = vector.broadcast %broadcast_in_dim3A_3376 : vector<512x1xi1> to vector<512x128xi1>
    %select_n3A_3378 = arith.select %broadcast_in_dim3A_3377, %slice3A_37, %select_n3A_3372 : vector<512x128xi1>, vector<512x128xf32>
    %eq3A_3379 = arith.constant 17 : i32
    %eq3A_3380 = vector.broadcast %eq3A_3379 : i32 to vector<512x1xi32>
    %eq3A_3381 = arith.cmpi eq, %broadcast_in_dim3A_3300, %eq3A_3380 : vector<512x1xi32>
    %broadcast_in_dim3A_3382 = vector.shape_cast %eq3A_3381 : vector<512x1xi1> to vector<512x1xi1>
    %broadcast_in_dim3A_3383 = vector.broadcast %broadcast_in_dim3A_3382 : vector<512x1xi1> to vector<512x128xi1>
    %select_n3A_3384 = arith.select %broadcast_in_dim3A_3383, %slice3A_36, %select_n3A_3378 : vector<512x128xi1>, vector<512x128xf32>
    %eq3A_3385 = arith.constant 16 : i32
    %eq3A_3386 = vector.broadcast %eq3A_3385 : i32 to vector<512x1xi32>
    %eq3A_3387 = arith.cmpi eq, %broadcast_in_dim3A_3300, %eq3A_3386 : vector<512x1xi32>
    %broadcast_in_dim3A_3388 = vector.shape_cast %eq3A_3387 : vector<512x1xi1> to vector<512x1xi1>
    %broadcast_in_dim3A_3389 = vector.broadcast %broadcast_in_dim3A_3388 : vector<512x1xi1> to vector<512x128xi1>
    %select_n3A_3390 = arith.select %broadcast_in_dim3A_3389, %slice3A_35, %select_n3A_3384 : vector<512x128xi1>, vector<512x128xf32>
    %eq3A_3391 = arith.constant 15 : i32
    %eq3A_3392 = vector.broadcast %eq3A_3391 : i32 to vector<512x1xi32>
    %eq3A_3393 = arith.cmpi eq, %broadcast_in_dim3A_3300, %eq3A_3392 : vector<512x1xi32>
    %broadcast_in_dim3A_3394 = vector.shape_cast %eq3A_3393 : vector<512x1xi1> to vector<512x1xi1>
    %broadcast_in_dim3A_3395 = vector.broadcast %broadcast_in_dim3A_3394 : vector<512x1xi1> to vector<512x128xi1>
    %select_n3A_3396 = arith.select %broadcast_in_dim3A_3395, %slice3A_34, %select_n3A_3390 : vector<512x128xi1>, vector<512x128xf32>
    %eq3A_3397 = arith.constant 14 : i32
    %eq3A_3398 = vector.broadcast %eq3A_3397 : i32 to vector<512x1xi32>
    %eq3A_3399 = arith.cmpi eq, %broadcast_in_dim3A_3300, %eq3A_3398 : vector<512x1xi32>
    %broadcast_in_dim3A_3400 = vector.shape_cast %eq3A_3399 : vector<512x1xi1> to vector<512x1xi1>
    %broadcast_in_dim3A_3401 = vector.broadcast %broadcast_in_dim3A_3400 : vector<512x1xi1> to vector<512x128xi1>
    %select_n3A_3402 = arith.select %broadcast_in_dim3A_3401, %slice3A_33, %select_n3A_3396 : vector<512x128xi1>, vector<512x128xf32>
    %eq3A_3403 = arith.constant 13 : i32
    %eq3A_3404 = vector.broadcast %eq3A_3403 : i32 to vector<512x1xi32>
    %eq3A_3405 = arith.cmpi eq, %broadcast_in_dim3A_3300, %eq3A_3404 : vector<512x1xi32>
    %broadcast_in_dim3A_3406 = vector.shape_cast %eq3A_3405 : vector<512x1xi1> to vector<512x1xi1>
    %broadcast_in_dim3A_3407 = vector.broadcast %broadcast_in_dim3A_3406 : vector<512x1xi1> to vector<512x128xi1>
    %select_n3A_3408 = arith.select %broadcast_in_dim3A_3407, %slice3A_32, %select_n3A_3402 : vector<512x128xi1>, vector<512x128xf32>
    %eq3A_3409 = arith.constant 12 : i32
    %eq3A_3410 = vector.broadcast %eq3A_3409 : i32 to vector<512x1xi32>
    %eq3A_3411 = arith.cmpi eq, %broadcast_in_dim3A_3300, %eq3A_3410 : vector<512x1xi32>
    %broadcast_in_dim3A_3412 = vector.shape_cast %eq3A_3411 : vector<512x1xi1> to vector<512x1xi1>
    %broadcast_in_dim3A_3413 = vector.broadcast %broadcast_in_dim3A_3412 : vector<512x1xi1> to vector<512x128xi1>
    %select_n3A_3414 = arith.select %broadcast_in_dim3A_3413, %slice3A_31, %select_n3A_3408 : vector<512x128xi1>, vector<512x128xf32>
    %eq3A_3415 = arith.constant 11 : i32
    %eq3A_3416 = vector.broadcast %eq3A_3415 : i32 to vector<512x1xi32>
    %eq3A_3417 = arith.cmpi eq, %broadcast_in_dim3A_3300, %eq3A_3416 : vector<512x1xi32>
    %broadcast_in_dim3A_3418 = vector.shape_cast %eq3A_3417 : vector<512x1xi1> to vector<512x1xi1>
    %broadcast_in_dim3A_3419 = vector.broadcast %broadcast_in_dim3A_3418 : vector<512x1xi1> to vector<512x128xi1>
    %select_n3A_3420 = arith.select %broadcast_in_dim3A_3419, %slice3A_30, %select_n3A_3414 : vector<512x128xi1>, vector<512x128xf32>
    %eq3A_3421 = arith.constant 10 : i32
    %eq3A_3422 = vector.broadcast %eq3A_3421 : i32 to vector<512x1xi32>
    %eq3A_3423 = arith.cmpi eq, %broadcast_in_dim3A_3300, %eq3A_3422 : vector<512x1xi32>
    %broadcast_in_dim3A_3424 = vector.shape_cast %eq3A_3423 : vector<512x1xi1> to vector<512x1xi1>
    %broadcast_in_dim3A_3425 = vector.broadcast %broadcast_in_dim3A_3424 : vector<512x1xi1> to vector<512x128xi1>
    %select_n3A_3426 = arith.select %broadcast_in_dim3A_3425, %slice3A_29, %select_n3A_3420 : vector<512x128xi1>, vector<512x128xf32>
    %eq3A_3427 = arith.constant 9 : i32
    %eq3A_3428 = vector.broadcast %eq3A_3427 : i32 to vector<512x1xi32>
    %eq3A_3429 = arith.cmpi eq, %broadcast_in_dim3A_3300, %eq3A_3428 : vector<512x1xi32>
    %broadcast_in_dim3A_3430 = vector.shape_cast %eq3A_3429 : vector<512x1xi1> to vector<512x1xi1>
    %broadcast_in_dim3A_3431 = vector.broadcast %broadcast_in_dim3A_3430 : vector<512x1xi1> to vector<512x128xi1>
    %select_n3A_3432 = arith.select %broadcast_in_dim3A_3431, %slice3A_28, %select_n3A_3426 : vector<512x128xi1>, vector<512x128xf32>
    %eq3A_3433 = arith.constant 8 : i32
    %eq3A_3434 = vector.broadcast %eq3A_3433 : i32 to vector<512x1xi32>
    %eq3A_3435 = arith.cmpi eq, %broadcast_in_dim3A_3300, %eq3A_3434 : vector<512x1xi32>
    %broadcast_in_dim3A_3436 = vector.shape_cast %eq3A_3435 : vector<512x1xi1> to vector<512x1xi1>
    %broadcast_in_dim3A_3437 = vector.broadcast %broadcast_in_dim3A_3436 : vector<512x1xi1> to vector<512x128xi1>
    %select_n3A_3438 = arith.select %broadcast_in_dim3A_3437, %slice3A_27, %select_n3A_3432 : vector<512x128xi1>, vector<512x128xf32>
    %eq3A_3439 = arith.constant 7 : i32
    %eq3A_3440 = vector.broadcast %eq3A_3439 : i32 to vector<512x1xi32>
    %eq3A_3441 = arith.cmpi eq, %broadcast_in_dim3A_3300, %eq3A_3440 : vector<512x1xi32>
    %broadcast_in_dim3A_3442 = vector.shape_cast %eq3A_3441 : vector<512x1xi1> to vector<512x1xi1>
    %broadcast_in_dim3A_3443 = vector.broadcast %broadcast_in_dim3A_3442 : vector<512x1xi1> to vector<512x128xi1>
    %select_n3A_3444 = arith.select %broadcast_in_dim3A_3443, %slice3A_26, %select_n3A_3438 : vector<512x128xi1>, vector<512x128xf32>
    %eq3A_3445 = arith.constant 6 : i32
    %eq3A_3446 = vector.broadcast %eq3A_3445 : i32 to vector<512x1xi32>
    %eq3A_3447 = arith.cmpi eq, %broadcast_in_dim3A_3300, %eq3A_3446 : vector<512x1xi32>
    %broadcast_in_dim3A_3448 = vector.shape_cast %eq3A_3447 : vector<512x1xi1> to vector<512x1xi1>
    %broadcast_in_dim3A_3449 = vector.broadcast %broadcast_in_dim3A_3448 : vector<512x1xi1> to vector<512x128xi1>
    %select_n3A_3450 = arith.select %broadcast_in_dim3A_3449, %slice3A_25, %select_n3A_3444 : vector<512x128xi1>, vector<512x128xf32>
    %eq3A_3451 = arith.constant 5 : i32
    %eq3A_3452 = vector.broadcast %eq3A_3451 : i32 to vector<512x1xi32>
    %eq3A_3453 = arith.cmpi eq, %broadcast_in_dim3A_3300, %eq3A_3452 : vector<512x1xi32>
    %broadcast_in_dim3A_3454 = vector.shape_cast %eq3A_3453 : vector<512x1xi1> to vector<512x1xi1>
    %broadcast_in_dim3A_3455 = vector.broadcast %broadcast_in_dim3A_3454 : vector<512x1xi1> to vector<512x128xi1>
    %select_n3A_3456 = arith.select %broadcast_in_dim3A_3455, %slice3A_24, %select_n3A_3450 : vector<512x128xi1>, vector<512x128xf32>
    %eq3A_3457 = arith.constant 4 : i32
    %eq3A_3458 = vector.broadcast %eq3A_3457 : i32 to vector<512x1xi32>
    %eq3A_3459 = arith.cmpi eq, %broadcast_in_dim3A_3300, %eq3A_3458 : vector<512x1xi32>
    %broadcast_in_dim3A_3460 = vector.shape_cast %eq3A_3459 : vector<512x1xi1> to vector<512x1xi1>
    %broadcast_in_dim3A_3461 = vector.broadcast %broadcast_in_dim3A_3460 : vector<512x1xi1> to vector<512x128xi1>
    %select_n3A_3462 = arith.select %broadcast_in_dim3A_3461, %slice3A_23, %select_n3A_3456 : vector<512x128xi1>, vector<512x128xf32>
    %eq3A_3463 = arith.constant 3 : i32
    %eq3A_3464 = vector.broadcast %eq3A_3463 : i32 to vector<512x1xi32>
    %eq3A_3465 = arith.cmpi eq, %broadcast_in_dim3A_3300, %eq3A_3464 : vector<512x1xi32>
    %broadcast_in_dim3A_3466 = vector.shape_cast %eq3A_3465 : vector<512x1xi1> to vector<512x1xi1>
    %broadcast_in_dim3A_3467 = vector.broadcast %broadcast_in_dim3A_3466 : vector<512x1xi1> to vector<512x128xi1>
    %select_n3A_3468 = arith.select %broadcast_in_dim3A_3467, %slice3A_22, %select_n3A_3462 : vector<512x128xi1>, vector<512x128xf32>
    %eq3A_3469 = arith.constant 2 : i32
    %eq3A_3470 = vector.broadcast %eq3A_3469 : i32 to vector<512x1xi32>
    %eq3A_3471 = arith.cmpi eq, %broadcast_in_dim3A_3300, %eq3A_3470 : vector<512x1xi32>
    %broadcast_in_dim3A_3472 = vector.shape_cast %eq3A_3471 : vector<512x1xi1> to vector<512x1xi1>
    %broadcast_in_dim3A_3473 = vector.broadcast %broadcast_in_dim3A_3472 : vector<512x1xi1> to vector<512x128xi1>
    %select_n3A_3474 = arith.select %broadcast_in_dim3A_3473, %slice3A_21, %select_n3A_3468 : vector<512x128xi1>, vector<512x128xf32>
    %eq3A_3475 = arith.constant 1 : i32
    %eq3A_3476 = vector.broadcast %eq3A_3475 : i32 to vector<512x1xi32>
    %eq3A_3477 = arith.cmpi eq, %broadcast_in_dim3A_3300, %eq3A_3476 : vector<512x1xi32>
    %broadcast_in_dim3A_3478 = vector.shape_cast %eq3A_3477 : vector<512x1xi1> to vector<512x1xi1>
    %broadcast_in_dim3A_3479 = vector.broadcast %broadcast_in_dim3A_3478 : vector<512x1xi1> to vector<512x128xi1>
    %select_n3A_3480 = arith.select %broadcast_in_dim3A_3479, %slice3A_20, %select_n3A_3474 : vector<512x128xi1>, vector<512x128xf32>
    %eq3A_3481 = arith.constant 0 : i32
    %eq3A_3482 = vector.broadcast %eq3A_3481 : i32 to vector<512x1xi32>
    %eq3A_3483 = arith.cmpi eq, %broadcast_in_dim3A_3300, %eq3A_3482 : vector<512x1xi32>
    %broadcast_in_dim3A_3484 = vector.shape_cast %eq3A_3483 : vector<512x1xi1> to vector<512x1xi1>
    %broadcast_in_dim3A_3485 = vector.broadcast %broadcast_in_dim3A_3484 : vector<512x1xi1> to vector<512x128xi1>
    %select_n3A_3486 = arith.select %broadcast_in_dim3A_3485, %slice3A, %select_n3A_3480 : vector<512x128xi1>, vector<512x128xf32>
    %mul3A_3487 = arith.constant 128 : i32
    %mul3A_3488 = vector.broadcast %mul3A_3487 : i32 to vector<512x1xi32>
    %mul3A_3489 = arith.muli %broadcast_in_dim3A_3300, %mul3A_3488 : vector<512x1xi32>
    %add3A_3490 = vector.broadcast %mul3A_3489 : vector<512x1xi32> to vector<512x128xi32>
    %add3A_3491 = arith.addi %add3A_3490, %iota3A_146 : vector<512x128xi32>
    %eq3A_3492 = vector.broadcast %add3A_354 : vector<512x1xi32> to vector<512x128xi32>
    %eq3A_3493 = arith.cmpi eq, %add3A_3491, %eq3A_3492 : vector<512x128xi32>
    %jit3A_3494 = arith.constant 0x7F800000 : f32
    %broadcast_in_dim3A_3495 = vector.broadcast %jit3A_3494 : f32 to vector<512x128xf32>
    %select_n3A_3496 = arith.select %eq3A_3493, %broadcast_in_dim3A_3495, %select_n3A_3486 : vector<512x128xi1>, vector<512x128xf32>
    %eq3A_3497 = vector.broadcast %add3A_593 : vector<512x1xi32> to vector<512x128xi32>
    %eq3A_3498 = arith.cmpi eq, %add3A_3491, %eq3A_3497 : vector<512x128xi32>
    %jit3A_3499 = arith.constant 0x7F800000 : f32
    %broadcast_in_dim3A_3500 = vector.broadcast %jit3A_3499 : f32 to vector<512x128xf32>
    %select_n3A_3501 = arith.select %eq3A_3498, %broadcast_in_dim3A_3500, %select_n3A_3496 : vector<512x128xi1>, vector<512x128xf32>
    %eq3A_3502 = vector.broadcast %add3A_838 : vector<512x1xi32> to vector<512x128xi32>
    %eq3A_3503 = arith.cmpi eq, %add3A_3491, %eq3A_3502 : vector<512x128xi32>
    %jit3A_3504 = arith.constant 0x7F800000 : f32
    %broadcast_in_dim3A_3505 = vector.broadcast %jit3A_3504 : f32 to vector<512x128xf32>
    %select_n3A_3506 = arith.select %eq3A_3503, %broadcast_in_dim3A_3505, %select_n3A_3501 : vector<512x128xi1>, vector<512x128xf32>
    %eq3A_3507 = vector.broadcast %add3A_1088 : vector<512x1xi32> to vector<512x128xi32>
    %eq3A_3508 = arith.cmpi eq, %add3A_3491, %eq3A_3507 : vector<512x128xi32>
    %jit3A_3509 = arith.constant 0x7F800000 : f32
    %broadcast_in_dim3A_3510 = vector.broadcast %jit3A_3509 : f32 to vector<512x128xf32>
    %select_n3A_3511 = arith.select %eq3A_3508, %broadcast_in_dim3A_3510, %select_n3A_3506 : vector<512x128xi1>, vector<512x128xf32>
    %eq3A_3512 = vector.broadcast %add3A_1343 : vector<512x1xi32> to vector<512x128xi32>
    %eq3A_3513 = arith.cmpi eq, %add3A_3491, %eq3A_3512 : vector<512x128xi32>
    %jit3A_3514 = arith.constant 0x7F800000 : f32
    %broadcast_in_dim3A_3515 = vector.broadcast %jit3A_3514 : f32 to vector<512x128xf32>
    %select_n3A_3516 = arith.select %eq3A_3513, %broadcast_in_dim3A_3515, %select_n3A_3511 : vector<512x128xi1>, vector<512x128xf32>
    %eq3A_3517 = vector.broadcast %add3A_1603 : vector<512x1xi32> to vector<512x128xi32>
    %eq3A_3518 = arith.cmpi eq, %add3A_3491, %eq3A_3517 : vector<512x128xi32>
    %jit3A_3519 = arith.constant 0x7F800000 : f32
    %broadcast_in_dim3A_3520 = vector.broadcast %jit3A_3519 : f32 to vector<512x128xf32>
    %select_n3A_3521 = arith.select %eq3A_3518, %broadcast_in_dim3A_3520, %select_n3A_3516 : vector<512x128xi1>, vector<512x128xf32>
    %eq3A_3522 = vector.broadcast %add3A_1868 : vector<512x1xi32> to vector<512x128xi32>
    %eq3A_3523 = arith.cmpi eq, %add3A_3491, %eq3A_3522 : vector<512x128xi32>
    %jit3A_3524 = arith.constant 0x7F800000 : f32
    %broadcast_in_dim3A_3525 = vector.broadcast %jit3A_3524 : f32 to vector<512x128xf32>
    %select_n3A_3526 = arith.select %eq3A_3523, %broadcast_in_dim3A_3525, %select_n3A_3521 : vector<512x128xi1>, vector<512x128xf32>
    %eq3A_3527 = vector.broadcast %add3A_2138 : vector<512x1xi32> to vector<512x128xi32>
    %eq3A_3528 = arith.cmpi eq, %add3A_3491, %eq3A_3527 : vector<512x128xi32>
    %jit3A_3529 = arith.constant 0x7F800000 : f32
    %broadcast_in_dim3A_3530 = vector.broadcast %jit3A_3529 : f32 to vector<512x128xf32>
    %select_n3A_3531 = arith.select %eq3A_3528, %broadcast_in_dim3A_3530, %select_n3A_3526 : vector<512x128xi1>, vector<512x128xf32>
    %eq3A_3532 = vector.broadcast %add3A_2413 : vector<512x1xi32> to vector<512x128xi32>
    %eq3A_3533 = arith.cmpi eq, %add3A_3491, %eq3A_3532 : vector<512x128xi32>
    %jit3A_3534 = arith.constant 0x7F800000 : f32
    %broadcast_in_dim3A_3535 = vector.broadcast %jit3A_3534 : f32 to vector<512x128xf32>
    %select_n3A_3536 = arith.select %eq3A_3533, %broadcast_in_dim3A_3535, %select_n3A_3531 : vector<512x128xi1>, vector<512x128xf32>
    %eq3A_3537 = vector.broadcast %add3A_2693 : vector<512x1xi32> to vector<512x128xi32>
    %eq3A_3538 = arith.cmpi eq, %add3A_3491, %eq3A_3537 : vector<512x128xi32>
    %jit3A_3539 = arith.constant 0x7F800000 : f32
    %broadcast_in_dim3A_3540 = vector.broadcast %jit3A_3539 : f32 to vector<512x128xf32>
    %select_n3A_3541 = arith.select %eq3A_3538, %broadcast_in_dim3A_3540, %select_n3A_3536 : vector<512x128xi1>, vector<512x128xf32>
    %eq3A_3542 = vector.broadcast %add3A_2978 : vector<512x1xi32> to vector<512x128xi32>
    %eq3A_3543 = arith.cmpi eq, %add3A_3491, %eq3A_3542 : vector<512x128xi32>
    %jit3A_3544 = arith.constant 0x7F800000 : f32
    %broadcast_in_dim3A_3545 = vector.broadcast %jit3A_3544 : f32 to vector<512x128xf32>
    %select_n3A_3546 = arith.select %eq3A_3543, %broadcast_in_dim3A_3545, %select_n3A_3541 : vector<512x128xi1>, vector<512x128xf32>
    %eq3A_3547 = vector.broadcast %add3A_3268 : vector<512x1xi32> to vector<512x128xi32>
    %eq3A_3548 = arith.cmpi eq, %add3A_3491, %eq3A_3547 : vector<512x128xi32>
    %jit3A_3549 = arith.constant 0x7F800000 : f32
    %broadcast_in_dim3A_3550 = vector.broadcast %jit3A_3549 : f32 to vector<512x128xf32>
    %select_n3A_3551 = arith.select %eq3A_3548, %broadcast_in_dim3A_3550, %select_n3A_3546 : vector<512x128xi1>, vector<512x128xf32>
    %eq3A_3552 = vector.broadcast %broadcast_in_dim3A_3292 : vector<512x1xf32> to vector<512x128xf32>
    %eq3A_3553 = arith.cmpf oeq, %select_n3A_3551, %eq3A_3552 : vector<512x128xf32>
    %jit3A_3554 = arith.constant 128 : i32
    %broadcast_in_dim3A_3555 = vector.broadcast %jit3A_3554 : i32 to vector<512x128xi32>
    %select_n3A_3556 = arith.select %eq3A_3553, %iota3A_146, %broadcast_in_dim3A_3555 : vector<512x128xi1>, vector<512x128xi32>
    %reduce_min3A_3557 = arith.constant dense<2147483647> : vector<512xi32>
    %reduce_min3A_3558 = vector.multi_reduction <minsi>, %select_n3A_3556, %reduce_min3A_3557 [1] : vector<512x128xi32> to vector<512xi32>
    %broadcast_in_dim3A_3559 = vector.shape_cast %reduce_min3A_3558 : vector<512xi32> to vector<512x1xi32>
    %mul3A_3560 = arith.constant 128 : i32
    %mul3A_3561 = vector.broadcast %mul3A_3560 : i32 to vector<512x1xi32>
    %mul3A_3562 = arith.muli %broadcast_in_dim3A_3300, %mul3A_3561 : vector<512x1xi32>
    %add3A_3563 = arith.addi %mul3A_3562, %broadcast_in_dim3A_3559 : vector<512x1xi32>
    %add3A_3564 = vector.broadcast %mul3A_148 : i32 to vector<512x1xi32>
    %add3A_3565 = arith.addi %add3A_3563, %add3A_3564 : vector<512x1xi32>
    %swap3A_3566 = arith.constant 0 : index
    %swap3A_3567 = arith.constant 0 : index
    %swap3A_3568 = arith.constant 12 : index
    %swap3A_3569 = vector.load %arg4[%swap3A_3566, %swap3A_3567, %swap3A_3568] : memref<1x512x16xi32, #tpu.memory_space<vmem>>, vector<1x512x1xi32>
    %swap3A_3570 = vector.shape_cast %swap3A_3569 : vector<1x512x1xi32> to vector<512x1xi32>
    %swap3A_3571 = vector.shape_cast %add3A_3565 : vector<512x1xi32> to vector<1x512x1xi32>
    tpu.vector_store %arg4[%swap3A_3566, %swap3A_3567, %swap3A_3568], %swap3A_3571 {strides = array<i32>} : memref<1x512x16xi32, #tpu.memory_space<vmem>>, vector<1x512x1xi32>,
    %eq3A_3572 = vector.broadcast %broadcast_in_dim3A_3559 : vector<512x1xi32> to vector<512x128xi32>
    %eq3A_3573 = arith.cmpi eq, %iota3A_146, %eq3A_3572 : vector<512x128xi32>
    %jit3A_3574 = arith.constant 0x7F800000 : f32
    %broadcast_in_dim3A_3575 = vector.broadcast %jit3A_3574 : f32 to vector<512x128xf32>
    %select_n3A_3576 = arith.select %eq3A_3573, %broadcast_in_dim3A_3575, %select_n3A_3551 : vector<512x128xi1>, vector<512x128xf32>
    %reduce_min3A_3577 = arith.constant dense<0x7F800000> : vector<512xf32>
    %reduce_min3A_3578 = vector.multi_reduction <minimumf>, %select_n3A_3576, %reduce_min3A_3577 [1] : vector<512x128xf32> to vector<512xf32>
    %broadcast_in_dim3A_3579 = vector.shape_cast %reduce_min3A_3578 : vector<512xf32> to vector<512x1xf32>
    %eq3A_3580 = vector.broadcast %broadcast_in_dim3A_3300 : vector<512x1xi32> to vector<512x32xi32>
    %eq3A_3581 = arith.cmpi eq, %iota3A, %eq3A_3580 : vector<512x32xi32>
    %broadcast_in_dim3A_3582 = vector.shape_cast %broadcast_in_dim3A_3579 : vector<512x1xf32> to vector<512x1xf32>
    %broadcast_in_dim3A_3583 = vector.broadcast %broadcast_in_dim3A_3582 : vector<512x1xf32> to vector<512x32xf32>
    %select_n3A_3584 = arith.select %eq3A_3581, %broadcast_in_dim3A_3583, %select_n3A_3289 : vector<512x32xi1>, vector<512x32xf32>
    %reduce_min3A_3585 = arith.constant dense<0x7F800000> : vector<512xf32>
    %reduce_min3A_3586 = vector.multi_reduction <minimumf>, %select_n3A_3584, %reduce_min3A_3585 [1] : vector<512x32xf32> to vector<512xf32>
    %broadcast_in_dim3A_3587 = vector.shape_cast %reduce_min3A_3586 : vector<512xf32> to vector<512x1xf32>
    %eq3A_3588 = vector.broadcast %broadcast_in_dim3A_3587 : vector<512x1xf32> to vector<512x32xf32>
    %eq3A_3589 = arith.cmpf oeq, %select_n3A_3584, %eq3A_3588 : vector<512x32xf32>
    %jit3A_3590 = arith.constant 32 : i32
    %broadcast_in_dim3A_3591 = vector.broadcast %jit3A_3590 : i32 to vector<512x32xi32>
    %select_n3A_3592 = arith.select %eq3A_3589, %iota3A, %broadcast_in_dim3A_3591 : vector<512x32xi1>, vector<512x32xi32>
    %reduce_min3A_3593 = arith.constant dense<2147483647> : vector<512xi32>
    %reduce_min3A_3594 = vector.multi_reduction <minsi>, %select_n3A_3592, %reduce_min3A_3593 [1] : vector<512x32xi32> to vector<512xi32>
    %broadcast_in_dim3A_3595 = vector.shape_cast %reduce_min3A_3594 : vector<512xi32> to vector<512x1xi32>
    %eq3A_3596 = arith.constant 30 : i32
    %eq3A_3597 = vector.broadcast %eq3A_3596 : i32 to vector<512x1xi32>
    %eq3A_3598 = arith.cmpi eq, %broadcast_in_dim3A_3595, %eq3A_3597 : vector<512x1xi32>
    %broadcast_in_dim3A_3599 = vector.shape_cast %eq3A_3598 : vector<512x1xi1> to vector<512x1xi1>
    %broadcast_in_dim3A_3600 = vector.broadcast %broadcast_in_dim3A_3599 : vector<512x1xi1> to vector<512x128xi1>
    %select_n3A_3601 = arith.select %broadcast_in_dim3A_3600, %slice3A_49, %slice3A_50 : vector<512x128xi1>, vector<512x128xf32>
    %eq3A_3602 = arith.constant 29 : i32
    %eq3A_3603 = vector.broadcast %eq3A_3602 : i32 to vector<512x1xi32>
    %eq3A_3604 = arith.cmpi eq, %broadcast_in_dim3A_3595, %eq3A_3603 : vector<512x1xi32>
    %broadcast_in_dim3A_3605 = vector.shape_cast %eq3A_3604 : vector<512x1xi1> to vector<512x1xi1>
    %broadcast_in_dim3A_3606 = vector.broadcast %broadcast_in_dim3A_3605 : vector<512x1xi1> to vector<512x128xi1>
    %select_n3A_3607 = arith.select %broadcast_in_dim3A_3606, %slice3A_48, %select_n3A_3601 : vector<512x128xi1>, vector<512x128xf32>
    %eq3A_3608 = arith.constant 28 : i32
    %eq3A_3609 = vector.broadcast %eq3A_3608 : i32 to vector<512x1xi32>
    %eq3A_3610 = arith.cmpi eq, %broadcast_in_dim3A_3595, %eq3A_3609 : vector<512x1xi32>
    %broadcast_in_dim3A_3611 = vector.shape_cast %eq3A_3610 : vector<512x1xi1> to vector<512x1xi1>
    %broadcast_in_dim3A_3612 = vector.broadcast %broadcast_in_dim3A_3611 : vector<512x1xi1> to vector<512x128xi1>
    %select_n3A_3613 = arith.select %broadcast_in_dim3A_3612, %slice3A_47, %select_n3A_3607 : vector<512x128xi1>, vector<512x128xf32>
    %eq3A_3614 = arith.constant 27 : i32
    %eq3A_3615 = vector.broadcast %eq3A_3614 : i32 to vector<512x1xi32>
    %eq3A_3616 = arith.cmpi eq, %broadcast_in_dim3A_3595, %eq3A_3615 : vector<512x1xi32>
    %broadcast_in_dim3A_3617 = vector.shape_cast %eq3A_3616 : vector<512x1xi1> to vector<512x1xi1>
    %broadcast_in_dim3A_3618 = vector.broadcast %broadcast_in_dim3A_3617 : vector<512x1xi1> to vector<512x128xi1>
    %select_n3A_3619 = arith.select %broadcast_in_dim3A_3618, %slice3A_46, %select_n3A_3613 : vector<512x128xi1>, vector<512x128xf32>
    %eq3A_3620 = arith.constant 26 : i32
    %eq3A_3621 = vector.broadcast %eq3A_3620 : i32 to vector<512x1xi32>
    %eq3A_3622 = arith.cmpi eq, %broadcast_in_dim3A_3595, %eq3A_3621 : vector<512x1xi32>
    %broadcast_in_dim3A_3623 = vector.shape_cast %eq3A_3622 : vector<512x1xi1> to vector<512x1xi1>
    %broadcast_in_dim3A_3624 = vector.broadcast %broadcast_in_dim3A_3623 : vector<512x1xi1> to vector<512x128xi1>
    %select_n3A_3625 = arith.select %broadcast_in_dim3A_3624, %slice3A_45, %select_n3A_3619 : vector<512x128xi1>, vector<512x128xf32>
    %eq3A_3626 = arith.constant 25 : i32
    %eq3A_3627 = vector.broadcast %eq3A_3626 : i32 to vector<512x1xi32>
    %eq3A_3628 = arith.cmpi eq, %broadcast_in_dim3A_3595, %eq3A_3627 : vector<512x1xi32>
    %broadcast_in_dim3A_3629 = vector.shape_cast %eq3A_3628 : vector<512x1xi1> to vector<512x1xi1>
    %broadcast_in_dim3A_3630 = vector.broadcast %broadcast_in_dim3A_3629 : vector<512x1xi1> to vector<512x128xi1>
    %select_n3A_3631 = arith.select %broadcast_in_dim3A_3630, %slice3A_44, %select_n3A_3625 : vector<512x128xi1>, vector<512x128xf32>
    %eq3A_3632 = arith.constant 24 : i32
    %eq3A_3633 = vector.broadcast %eq3A_3632 : i32 to vector<512x1xi32>
    %eq3A_3634 = arith.cmpi eq, %broadcast_in_dim3A_3595, %eq3A_3633 : vector<512x1xi32>
    %broadcast_in_dim3A_3635 = vector.shape_cast %eq3A_3634 : vector<512x1xi1> to vector<512x1xi1>
    %broadcast_in_dim3A_3636 = vector.broadcast %broadcast_in_dim3A_3635 : vector<512x1xi1> to vector<512x128xi1>
    %select_n3A_3637 = arith.select %broadcast_in_dim3A_3636, %slice3A_43, %select_n3A_3631 : vector<512x128xi1>, vector<512x128xf32>
    %eq3A_3638 = arith.constant 23 : i32
    %eq3A_3639 = vector.broadcast %eq3A_3638 : i32 to vector<512x1xi32>
    %eq3A_3640 = arith.cmpi eq, %broadcast_in_dim3A_3595, %eq3A_3639 : vector<512x1xi32>
    %broadcast_in_dim3A_3641 = vector.shape_cast %eq3A_3640 : vector<512x1xi1> to vector<512x1xi1>
    %broadcast_in_dim3A_3642 = vector.broadcast %broadcast_in_dim3A_3641 : vector<512x1xi1> to vector<512x128xi1>
    %select_n3A_3643 = arith.select %broadcast_in_dim3A_3642, %slice3A_42, %select_n3A_3637 : vector<512x128xi1>, vector<512x128xf32>
    %eq3A_3644 = arith.constant 22 : i32
    %eq3A_3645 = vector.broadcast %eq3A_3644 : i32 to vector<512x1xi32>
    %eq3A_3646 = arith.cmpi eq, %broadcast_in_dim3A_3595, %eq3A_3645 : vector<512x1xi32>
    %broadcast_in_dim3A_3647 = vector.shape_cast %eq3A_3646 : vector<512x1xi1> to vector<512x1xi1>
    %broadcast_in_dim3A_3648 = vector.broadcast %broadcast_in_dim3A_3647 : vector<512x1xi1> to vector<512x128xi1>
    %select_n3A_3649 = arith.select %broadcast_in_dim3A_3648, %slice3A_41, %select_n3A_3643 : vector<512x128xi1>, vector<512x128xf32>
    %eq3A_3650 = arith.constant 21 : i32
    %eq3A_3651 = vector.broadcast %eq3A_3650 : i32 to vector<512x1xi32>
    %eq3A_3652 = arith.cmpi eq, %broadcast_in_dim3A_3595, %eq3A_3651 : vector<512x1xi32>
    %broadcast_in_dim3A_3653 = vector.shape_cast %eq3A_3652 : vector<512x1xi1> to vector<512x1xi1>
    %broadcast_in_dim3A_3654 = vector.broadcast %broadcast_in_dim3A_3653 : vector<512x1xi1> to vector<512x128xi1>
    %select_n3A_3655 = arith.select %broadcast_in_dim3A_3654, %slice3A_40, %select_n3A_3649 : vector<512x128xi1>, vector<512x128xf32>
    %eq3A_3656 = arith.constant 20 : i32
    %eq3A_3657 = vector.broadcast %eq3A_3656 : i32 to vector<512x1xi32>
    %eq3A_3658 = arith.cmpi eq, %broadcast_in_dim3A_3595, %eq3A_3657 : vector<512x1xi32>
    %broadcast_in_dim3A_3659 = vector.shape_cast %eq3A_3658 : vector<512x1xi1> to vector<512x1xi1>
    %broadcast_in_dim3A_3660 = vector.broadcast %broadcast_in_dim3A_3659 : vector<512x1xi1> to vector<512x128xi1>
    %select_n3A_3661 = arith.select %broadcast_in_dim3A_3660, %slice3A_39, %select_n3A_3655 : vector<512x128xi1>, vector<512x128xf32>
    %eq3A_3662 = arith.constant 19 : i32
    %eq3A_3663 = vector.broadcast %eq3A_3662 : i32 to vector<512x1xi32>
    %eq3A_3664 = arith.cmpi eq, %broadcast_in_dim3A_3595, %eq3A_3663 : vector<512x1xi32>
    %broadcast_in_dim3A_3665 = vector.shape_cast %eq3A_3664 : vector<512x1xi1> to vector<512x1xi1>
    %broadcast_in_dim3A_3666 = vector.broadcast %broadcast_in_dim3A_3665 : vector<512x1xi1> to vector<512x128xi1>
    %select_n3A_3667 = arith.select %broadcast_in_dim3A_3666, %slice3A_38, %select_n3A_3661 : vector<512x128xi1>, vector<512x128xf32>
    %eq3A_3668 = arith.constant 18 : i32
    %eq3A_3669 = vector.broadcast %eq3A_3668 : i32 to vector<512x1xi32>
    %eq3A_3670 = arith.cmpi eq, %broadcast_in_dim3A_3595, %eq3A_3669 : vector<512x1xi32>
    %broadcast_in_dim3A_3671 = vector.shape_cast %eq3A_3670 : vector<512x1xi1> to vector<512x1xi1>
    %broadcast_in_dim3A_3672 = vector.broadcast %broadcast_in_dim3A_3671 : vector<512x1xi1> to vector<512x128xi1>
    %select_n3A_3673 = arith.select %broadcast_in_dim3A_3672, %slice3A_37, %select_n3A_3667 : vector<512x128xi1>, vector<512x128xf32>
    %eq3A_3674 = arith.constant 17 : i32
    %eq3A_3675 = vector.broadcast %eq3A_3674 : i32 to vector<512x1xi32>
    %eq3A_3676 = arith.cmpi eq, %broadcast_in_dim3A_3595, %eq3A_3675 : vector<512x1xi32>
    %broadcast_in_dim3A_3677 = vector.shape_cast %eq3A_3676 : vector<512x1xi1> to vector<512x1xi1>
    %broadcast_in_dim3A_3678 = vector.broadcast %broadcast_in_dim3A_3677 : vector<512x1xi1> to vector<512x128xi1>
    %select_n3A_3679 = arith.select %broadcast_in_dim3A_3678, %slice3A_36, %select_n3A_3673 : vector<512x128xi1>, vector<512x128xf32>
    %eq3A_3680 = arith.constant 16 : i32
    %eq3A_3681 = vector.broadcast %eq3A_3680 : i32 to vector<512x1xi32>
    %eq3A_3682 = arith.cmpi eq, %broadcast_in_dim3A_3595, %eq3A_3681 : vector<512x1xi32>
    %broadcast_in_dim3A_3683 = vector.shape_cast %eq3A_3682 : vector<512x1xi1> to vector<512x1xi1>
    %broadcast_in_dim3A_3684 = vector.broadcast %broadcast_in_dim3A_3683 : vector<512x1xi1> to vector<512x128xi1>
    %select_n3A_3685 = arith.select %broadcast_in_dim3A_3684, %slice3A_35, %select_n3A_3679 : vector<512x128xi1>, vector<512x128xf32>
    %eq3A_3686 = arith.constant 15 : i32
    %eq3A_3687 = vector.broadcast %eq3A_3686 : i32 to vector<512x1xi32>
    %eq3A_3688 = arith.cmpi eq, %broadcast_in_dim3A_3595, %eq3A_3687 : vector<512x1xi32>
    %broadcast_in_dim3A_3689 = vector.shape_cast %eq3A_3688 : vector<512x1xi1> to vector<512x1xi1>
    %broadcast_in_dim3A_3690 = vector.broadcast %broadcast_in_dim3A_3689 : vector<512x1xi1> to vector<512x128xi1>
    %select_n3A_3691 = arith.select %broadcast_in_dim3A_3690, %slice3A_34, %select_n3A_3685 : vector<512x128xi1>, vector<512x128xf32>
    %eq3A_3692 = arith.constant 14 : i32
    %eq3A_3693 = vector.broadcast %eq3A_3692 : i32 to vector<512x1xi32>
    %eq3A_3694 = arith.cmpi eq, %broadcast_in_dim3A_3595, %eq3A_3693 : vector<512x1xi32>
    %broadcast_in_dim3A_3695 = vector.shape_cast %eq3A_3694 : vector<512x1xi1> to vector<512x1xi1>
    %broadcast_in_dim3A_3696 = vector.broadcast %broadcast_in_dim3A_3695 : vector<512x1xi1> to vector<512x128xi1>
    %select_n3A_3697 = arith.select %broadcast_in_dim3A_3696, %slice3A_33, %select_n3A_3691 : vector<512x128xi1>, vector<512x128xf32>
    %eq3A_3698 = arith.constant 13 : i32
    %eq3A_3699 = vector.broadcast %eq3A_3698 : i32 to vector<512x1xi32>
    %eq3A_3700 = arith.cmpi eq, %broadcast_in_dim3A_3595, %eq3A_3699 : vector<512x1xi32>
    %broadcast_in_dim3A_3701 = vector.shape_cast %eq3A_3700 : vector<512x1xi1> to vector<512x1xi1>
    %broadcast_in_dim3A_3702 = vector.broadcast %broadcast_in_dim3A_3701 : vector<512x1xi1> to vector<512x128xi1>
    %select_n3A_3703 = arith.select %broadcast_in_dim3A_3702, %slice3A_32, %select_n3A_3697 : vector<512x128xi1>, vector<512x128xf32>
    %eq3A_3704 = arith.constant 12 : i32
    %eq3A_3705 = vector.broadcast %eq3A_3704 : i32 to vector<512x1xi32>
    %eq3A_3706 = arith.cmpi eq, %broadcast_in_dim3A_3595, %eq3A_3705 : vector<512x1xi32>
    %broadcast_in_dim3A_3707 = vector.shape_cast %eq3A_3706 : vector<512x1xi1> to vector<512x1xi1>
    %broadcast_in_dim3A_3708 = vector.broadcast %broadcast_in_dim3A_3707 : vector<512x1xi1> to vector<512x128xi1>
    %select_n3A_3709 = arith.select %broadcast_in_dim3A_3708, %slice3A_31, %select_n3A_3703 : vector<512x128xi1>, vector<512x128xf32>
    %eq3A_3710 = arith.constant 11 : i32
    %eq3A_3711 = vector.broadcast %eq3A_3710 : i32 to vector<512x1xi32>
    %eq3A_3712 = arith.cmpi eq, %broadcast_in_dim3A_3595, %eq3A_3711 : vector<512x1xi32>
    %broadcast_in_dim3A_3713 = vector.shape_cast %eq3A_3712 : vector<512x1xi1> to vector<512x1xi1>
    %broadcast_in_dim3A_3714 = vector.broadcast %broadcast_in_dim3A_3713 : vector<512x1xi1> to vector<512x128xi1>
    %select_n3A_3715 = arith.select %broadcast_in_dim3A_3714, %slice3A_30, %select_n3A_3709 : vector<512x128xi1>, vector<512x128xf32>
    %eq3A_3716 = arith.constant 10 : i32
    %eq3A_3717 = vector.broadcast %eq3A_3716 : i32 to vector<512x1xi32>
    %eq3A_3718 = arith.cmpi eq, %broadcast_in_dim3A_3595, %eq3A_3717 : vector<512x1xi32>
    %broadcast_in_dim3A_3719 = vector.shape_cast %eq3A_3718 : vector<512x1xi1> to vector<512x1xi1>
    %broadcast_in_dim3A_3720 = vector.broadcast %broadcast_in_dim3A_3719 : vector<512x1xi1> to vector<512x128xi1>
    %select_n3A_3721 = arith.select %broadcast_in_dim3A_3720, %slice3A_29, %select_n3A_3715 : vector<512x128xi1>, vector<512x128xf32>
    %eq3A_3722 = arith.constant 9 : i32
    %eq3A_3723 = vector.broadcast %eq3A_3722 : i32 to vector<512x1xi32>
    %eq3A_3724 = arith.cmpi eq, %broadcast_in_dim3A_3595, %eq3A_3723 : vector<512x1xi32>
    %broadcast_in_dim3A_3725 = vector.shape_cast %eq3A_3724 : vector<512x1xi1> to vector<512x1xi1>
    %broadcast_in_dim3A_3726 = vector.broadcast %broadcast_in_dim3A_3725 : vector<512x1xi1> to vector<512x128xi1>
    %select_n3A_3727 = arith.select %broadcast_in_dim3A_3726, %slice3A_28, %select_n3A_3721 : vector<512x128xi1>, vector<512x128xf32>
    %eq3A_3728 = arith.constant 8 : i32
    %eq3A_3729 = vector.broadcast %eq3A_3728 : i32 to vector<512x1xi32>
    %eq3A_3730 = arith.cmpi eq, %broadcast_in_dim3A_3595, %eq3A_3729 : vector<512x1xi32>
    %broadcast_in_dim3A_3731 = vector.shape_cast %eq3A_3730 : vector<512x1xi1> to vector<512x1xi1>
    %broadcast_in_dim3A_3732 = vector.broadcast %broadcast_in_dim3A_3731 : vector<512x1xi1> to vector<512x128xi1>
    %select_n3A_3733 = arith.select %broadcast_in_dim3A_3732, %slice3A_27, %select_n3A_3727 : vector<512x128xi1>, vector<512x128xf32>
    %eq3A_3734 = arith.constant 7 : i32
    %eq3A_3735 = vector.broadcast %eq3A_3734 : i32 to vector<512x1xi32>
    %eq3A_3736 = arith.cmpi eq, %broadcast_in_dim3A_3595, %eq3A_3735 : vector<512x1xi32>
    %broadcast_in_dim3A_3737 = vector.shape_cast %eq3A_3736 : vector<512x1xi1> to vector<512x1xi1>
    %broadcast_in_dim3A_3738 = vector.broadcast %broadcast_in_dim3A_3737 : vector<512x1xi1> to vector<512x128xi1>
    %select_n3A_3739 = arith.select %broadcast_in_dim3A_3738, %slice3A_26, %select_n3A_3733 : vector<512x128xi1>, vector<512x128xf32>
    %eq3A_3740 = arith.constant 6 : i32
    %eq3A_3741 = vector.broadcast %eq3A_3740 : i32 to vector<512x1xi32>
    %eq3A_3742 = arith.cmpi eq, %broadcast_in_dim3A_3595, %eq3A_3741 : vector<512x1xi32>
    %broadcast_in_dim3A_3743 = vector.shape_cast %eq3A_3742 : vector<512x1xi1> to vector<512x1xi1>
    %broadcast_in_dim3A_3744 = vector.broadcast %broadcast_in_dim3A_3743 : vector<512x1xi1> to vector<512x128xi1>
    %select_n3A_3745 = arith.select %broadcast_in_dim3A_3744, %slice3A_25, %select_n3A_3739 : vector<512x128xi1>, vector<512x128xf32>
    %eq3A_3746 = arith.constant 5 : i32
    %eq3A_3747 = vector.broadcast %eq3A_3746 : i32 to vector<512x1xi32>
    %eq3A_3748 = arith.cmpi eq, %broadcast_in_dim3A_3595, %eq3A_3747 : vector<512x1xi32>
    %broadcast_in_dim3A_3749 = vector.shape_cast %eq3A_3748 : vector<512x1xi1> to vector<512x1xi1>
    %broadcast_in_dim3A_3750 = vector.broadcast %broadcast_in_dim3A_3749 : vector<512x1xi1> to vector<512x128xi1>
    %select_n3A_3751 = arith.select %broadcast_in_dim3A_3750, %slice3A_24, %select_n3A_3745 : vector<512x128xi1>, vector<512x128xf32>
    %eq3A_3752 = arith.constant 4 : i32
    %eq3A_3753 = vector.broadcast %eq3A_3752 : i32 to vector<512x1xi32>
    %eq3A_3754 = arith.cmpi eq, %broadcast_in_dim3A_3595, %eq3A_3753 : vector<512x1xi32>
    %broadcast_in_dim3A_3755 = vector.shape_cast %eq3A_3754 : vector<512x1xi1> to vector<512x1xi1>
    %broadcast_in_dim3A_3756 = vector.broadcast %broadcast_in_dim3A_3755 : vector<512x1xi1> to vector<512x128xi1>
    %select_n3A_3757 = arith.select %broadcast_in_dim3A_3756, %slice3A_23, %select_n3A_3751 : vector<512x128xi1>, vector<512x128xf32>
    %eq3A_3758 = arith.constant 3 : i32
    %eq3A_3759 = vector.broadcast %eq3A_3758 : i32 to vector<512x1xi32>
    %eq3A_3760 = arith.cmpi eq, %broadcast_in_dim3A_3595, %eq3A_3759 : vector<512x1xi32>
    %broadcast_in_dim3A_3761 = vector.shape_cast %eq3A_3760 : vector<512x1xi1> to vector<512x1xi1>
    %broadcast_in_dim3A_3762 = vector.broadcast %broadcast_in_dim3A_3761 : vector<512x1xi1> to vector<512x128xi1>
    %select_n3A_3763 = arith.select %broadcast_in_dim3A_3762, %slice3A_22, %select_n3A_3757 : vector<512x128xi1>, vector<512x128xf32>
    %eq3A_3764 = arith.constant 2 : i32
    %eq3A_3765 = vector.broadcast %eq3A_3764 : i32 to vector<512x1xi32>
    %eq3A_3766 = arith.cmpi eq, %broadcast_in_dim3A_3595, %eq3A_3765 : vector<512x1xi32>
    %broadcast_in_dim3A_3767 = vector.shape_cast %eq3A_3766 : vector<512x1xi1> to vector<512x1xi1>
    %broadcast_in_dim3A_3768 = vector.broadcast %broadcast_in_dim3A_3767 : vector<512x1xi1> to vector<512x128xi1>
    %select_n3A_3769 = arith.select %broadcast_in_dim3A_3768, %slice3A_21, %select_n3A_3763 : vector<512x128xi1>, vector<512x128xf32>
    %eq3A_3770 = arith.constant 1 : i32
    %eq3A_3771 = vector.broadcast %eq3A_3770 : i32 to vector<512x1xi32>
    %eq3A_3772 = arith.cmpi eq, %broadcast_in_dim3A_3595, %eq3A_3771 : vector<512x1xi32>
    %broadcast_in_dim3A_3773 = vector.shape_cast %eq3A_3772 : vector<512x1xi1> to vector<512x1xi1>
    %broadcast_in_dim3A_3774 = vector.broadcast %broadcast_in_dim3A_3773 : vector<512x1xi1> to vector<512x128xi1>
    %select_n3A_3775 = arith.select %broadcast_in_dim3A_3774, %slice3A_20, %select_n3A_3769 : vector<512x128xi1>, vector<512x128xf32>
    %eq3A_3776 = arith.constant 0 : i32
    %eq3A_3777 = vector.broadcast %eq3A_3776 : i32 to vector<512x1xi32>
    %eq3A_3778 = arith.cmpi eq, %broadcast_in_dim3A_3595, %eq3A_3777 : vector<512x1xi32>
    %broadcast_in_dim3A_3779 = vector.shape_cast %eq3A_3778 : vector<512x1xi1> to vector<512x1xi1>
    %broadcast_in_dim3A_3780 = vector.broadcast %broadcast_in_dim3A_3779 : vector<512x1xi1> to vector<512x128xi1>
    %select_n3A_3781 = arith.select %broadcast_in_dim3A_3780, %slice3A, %select_n3A_3775 : vector<512x128xi1>, vector<512x128xf32>
    %mul3A_3782 = arith.constant 128 : i32
    %mul3A_3783 = vector.broadcast %mul3A_3782 : i32 to vector<512x1xi32>
    %mul3A_3784 = arith.muli %broadcast_in_dim3A_3595, %mul3A_3783 : vector<512x1xi32>
    %add3A_3785 = vector.broadcast %mul3A_3784 : vector<512x1xi32> to vector<512x128xi32>
    %add3A_3786 = arith.addi %add3A_3785, %iota3A_146 : vector<512x128xi32>
    %eq3A_3787 = vector.broadcast %add3A_354 : vector<512x1xi32> to vector<512x128xi32>
    %eq3A_3788 = arith.cmpi eq, %add3A_3786, %eq3A_3787 : vector<512x128xi32>
    %jit3A_3789 = arith.constant 0x7F800000 : f32
    %broadcast_in_dim3A_3790 = vector.broadcast %jit3A_3789 : f32 to vector<512x128xf32>
    %select_n3A_3791 = arith.select %eq3A_3788, %broadcast_in_dim3A_3790, %select_n3A_3781 : vector<512x128xi1>, vector<512x128xf32>
    %eq3A_3792 = vector.broadcast %add3A_593 : vector<512x1xi32> to vector<512x128xi32>
    %eq3A_3793 = arith.cmpi eq, %add3A_3786, %eq3A_3792 : vector<512x128xi32>
    %jit3A_3794 = arith.constant 0x7F800000 : f32
    %broadcast_in_dim3A_3795 = vector.broadcast %jit3A_3794 : f32 to vector<512x128xf32>
    %select_n3A_3796 = arith.select %eq3A_3793, %broadcast_in_dim3A_3795, %select_n3A_3791 : vector<512x128xi1>, vector<512x128xf32>
    %eq3A_3797 = vector.broadcast %add3A_838 : vector<512x1xi32> to vector<512x128xi32>
    %eq3A_3798 = arith.cmpi eq, %add3A_3786, %eq3A_3797 : vector<512x128xi32>
    %jit3A_3799 = arith.constant 0x7F800000 : f32
    %broadcast_in_dim3A_3800 = vector.broadcast %jit3A_3799 : f32 to vector<512x128xf32>
    %select_n3A_3801 = arith.select %eq3A_3798, %broadcast_in_dim3A_3800, %select_n3A_3796 : vector<512x128xi1>, vector<512x128xf32>
    %eq3A_3802 = vector.broadcast %add3A_1088 : vector<512x1xi32> to vector<512x128xi32>
    %eq3A_3803 = arith.cmpi eq, %add3A_3786, %eq3A_3802 : vector<512x128xi32>
    %jit3A_3804 = arith.constant 0x7F800000 : f32
    %broadcast_in_dim3A_3805 = vector.broadcast %jit3A_3804 : f32 to vector<512x128xf32>
    %select_n3A_3806 = arith.select %eq3A_3803, %broadcast_in_dim3A_3805, %select_n3A_3801 : vector<512x128xi1>, vector<512x128xf32>
    %eq3A_3807 = vector.broadcast %add3A_1343 : vector<512x1xi32> to vector<512x128xi32>
    %eq3A_3808 = arith.cmpi eq, %add3A_3786, %eq3A_3807 : vector<512x128xi32>
    %jit3A_3809 = arith.constant 0x7F800000 : f32
    %broadcast_in_dim3A_3810 = vector.broadcast %jit3A_3809 : f32 to vector<512x128xf32>
    %select_n3A_3811 = arith.select %eq3A_3808, %broadcast_in_dim3A_3810, %select_n3A_3806 : vector<512x128xi1>, vector<512x128xf32>
    %eq3A_3812 = vector.broadcast %add3A_1603 : vector<512x1xi32> to vector<512x128xi32>
    %eq3A_3813 = arith.cmpi eq, %add3A_3786, %eq3A_3812 : vector<512x128xi32>
    %jit3A_3814 = arith.constant 0x7F800000 : f32
    %broadcast_in_dim3A_3815 = vector.broadcast %jit3A_3814 : f32 to vector<512x128xf32>
    %select_n3A_3816 = arith.select %eq3A_3813, %broadcast_in_dim3A_3815, %select_n3A_3811 : vector<512x128xi1>, vector<512x128xf32>
    %eq3A_3817 = vector.broadcast %add3A_1868 : vector<512x1xi32> to vector<512x128xi32>
    %eq3A_3818 = arith.cmpi eq, %add3A_3786, %eq3A_3817 : vector<512x128xi32>
    %jit3A_3819 = arith.constant 0x7F800000 : f32
    %broadcast_in_dim3A_3820 = vector.broadcast %jit3A_3819 : f32 to vector<512x128xf32>
    %select_n3A_3821 = arith.select %eq3A_3818, %broadcast_in_dim3A_3820, %select_n3A_3816 : vector<512x128xi1>, vector<512x128xf32>
    %eq3A_3822 = vector.broadcast %add3A_2138 : vector<512x1xi32> to vector<512x128xi32>
    %eq3A_3823 = arith.cmpi eq, %add3A_3786, %eq3A_3822 : vector<512x128xi32>
    %jit3A_3824 = arith.constant 0x7F800000 : f32
    %broadcast_in_dim3A_3825 = vector.broadcast %jit3A_3824 : f32 to vector<512x128xf32>
    %select_n3A_3826 = arith.select %eq3A_3823, %broadcast_in_dim3A_3825, %select_n3A_3821 : vector<512x128xi1>, vector<512x128xf32>
    %eq3A_3827 = vector.broadcast %add3A_2413 : vector<512x1xi32> to vector<512x128xi32>
    %eq3A_3828 = arith.cmpi eq, %add3A_3786, %eq3A_3827 : vector<512x128xi32>
    %jit3A_3829 = arith.constant 0x7F800000 : f32
    %broadcast_in_dim3A_3830 = vector.broadcast %jit3A_3829 : f32 to vector<512x128xf32>
    %select_n3A_3831 = arith.select %eq3A_3828, %broadcast_in_dim3A_3830, %select_n3A_3826 : vector<512x128xi1>, vector<512x128xf32>
    %eq3A_3832 = vector.broadcast %add3A_2693 : vector<512x1xi32> to vector<512x128xi32>
    %eq3A_3833 = arith.cmpi eq, %add3A_3786, %eq3A_3832 : vector<512x128xi32>
    %jit3A_3834 = arith.constant 0x7F800000 : f32
    %broadcast_in_dim3A_3835 = vector.broadcast %jit3A_3834 : f32 to vector<512x128xf32>
    %select_n3A_3836 = arith.select %eq3A_3833, %broadcast_in_dim3A_3835, %select_n3A_3831 : vector<512x128xi1>, vector<512x128xf32>
    %eq3A_3837 = vector.broadcast %add3A_2978 : vector<512x1xi32> to vector<512x128xi32>
    %eq3A_3838 = arith.cmpi eq, %add3A_3786, %eq3A_3837 : vector<512x128xi32>
    %jit3A_3839 = arith.constant 0x7F800000 : f32
    %broadcast_in_dim3A_3840 = vector.broadcast %jit3A_3839 : f32 to vector<512x128xf32>
    %select_n3A_3841 = arith.select %eq3A_3838, %broadcast_in_dim3A_3840, %select_n3A_3836 : vector<512x128xi1>, vector<512x128xf32>
    %eq3A_3842 = vector.broadcast %add3A_3268 : vector<512x1xi32> to vector<512x128xi32>
    %eq3A_3843 = arith.cmpi eq, %add3A_3786, %eq3A_3842 : vector<512x128xi32>
    %jit3A_3844 = arith.constant 0x7F800000 : f32
    %broadcast_in_dim3A_3845 = vector.broadcast %jit3A_3844 : f32 to vector<512x128xf32>
    %select_n3A_3846 = arith.select %eq3A_3843, %broadcast_in_dim3A_3845, %select_n3A_3841 : vector<512x128xi1>, vector<512x128xf32>
    %eq3A_3847 = vector.broadcast %add3A_3563 : vector<512x1xi32> to vector<512x128xi32>
    %eq3A_3848 = arith.cmpi eq, %add3A_3786, %eq3A_3847 : vector<512x128xi32>
    %jit3A_3849 = arith.constant 0x7F800000 : f32
    %broadcast_in_dim3A_3850 = vector.broadcast %jit3A_3849 : f32 to vector<512x128xf32>
    %select_n3A_3851 = arith.select %eq3A_3848, %broadcast_in_dim3A_3850, %select_n3A_3846 : vector<512x128xi1>, vector<512x128xf32>
    %eq3A_3852 = vector.broadcast %broadcast_in_dim3A_3587 : vector<512x1xf32> to vector<512x128xf32>
    %eq3A_3853 = arith.cmpf oeq, %select_n3A_3851, %eq3A_3852 : vector<512x128xf32>
    %jit3A_3854 = arith.constant 128 : i32
    %broadcast_in_dim3A_3855 = vector.broadcast %jit3A_3854 : i32 to vector<512x128xi32>
    %select_n3A_3856 = arith.select %eq3A_3853, %iota3A_146, %broadcast_in_dim3A_3855 : vector<512x128xi1>, vector<512x128xi32>
    %reduce_min3A_3857 = arith.constant dense<2147483647> : vector<512xi32>
    %reduce_min3A_3858 = vector.multi_reduction <minsi>, %select_n3A_3856, %reduce_min3A_3857 [1] : vector<512x128xi32> to vector<512xi32>
    %broadcast_in_dim3A_3859 = vector.shape_cast %reduce_min3A_3858 : vector<512xi32> to vector<512x1xi32>
    %mul3A_3860 = arith.constant 128 : i32
    %mul3A_3861 = vector.broadcast %mul3A_3860 : i32 to vector<512x1xi32>
    %mul3A_3862 = arith.muli %broadcast_in_dim3A_3595, %mul3A_3861 : vector<512x1xi32>
    %add3A_3863 = arith.addi %mul3A_3862, %broadcast_in_dim3A_3859 : vector<512x1xi32>
    %add3A_3864 = vector.broadcast %mul3A_148 : i32 to vector<512x1xi32>
    %add3A_3865 = arith.addi %add3A_3863, %add3A_3864 : vector<512x1xi32>
    %swap3A_3866 = arith.constant 0 : index
    %swap3A_3867 = arith.constant 0 : index
    %swap3A_3868 = arith.constant 13 : index
    %swap3A_3869 = vector.load %arg4[%swap3A_3866, %swap3A_3867, %swap3A_3868] : memref<1x512x16xi32, #tpu.memory_space<vmem>>, vector<1x512x1xi32>
    %swap3A_3870 = vector.shape_cast %swap3A_3869 : vector<1x512x1xi32> to vector<512x1xi32>
    %swap3A_3871 = vector.shape_cast %add3A_3865 : vector<512x1xi32> to vector<1x512x1xi32>
    tpu.vector_store %arg4[%swap3A_3866, %swap3A_3867, %swap3A_3868], %swap3A_3871 {strides = array<i32>} : memref<1x512x16xi32, #tpu.memory_space<vmem>>, vector<1x512x1xi32>,
    %eq3A_3872 = vector.broadcast %broadcast_in_dim3A_3859 : vector<512x1xi32> to vector<512x128xi32>
    %eq3A_3873 = arith.cmpi eq, %iota3A_146, %eq3A_3872 : vector<512x128xi32>
    %jit3A_3874 = arith.constant 0x7F800000 : f32
    %broadcast_in_dim3A_3875 = vector.broadcast %jit3A_3874 : f32 to vector<512x128xf32>
    %select_n3A_3876 = arith.select %eq3A_3873, %broadcast_in_dim3A_3875, %select_n3A_3851 : vector<512x128xi1>, vector<512x128xf32>
    %reduce_min3A_3877 = arith.constant dense<0x7F800000> : vector<512xf32>
    %reduce_min3A_3878 = vector.multi_reduction <minimumf>, %select_n3A_3876, %reduce_min3A_3877 [1] : vector<512x128xf32> to vector<512xf32>
    %broadcast_in_dim3A_3879 = vector.shape_cast %reduce_min3A_3878 : vector<512xf32> to vector<512x1xf32>
    %eq3A_3880 = vector.broadcast %broadcast_in_dim3A_3595 : vector<512x1xi32> to vector<512x32xi32>
    %eq3A_3881 = arith.cmpi eq, %iota3A, %eq3A_3880 : vector<512x32xi32>
    %broadcast_in_dim3A_3882 = vector.shape_cast %broadcast_in_dim3A_3879 : vector<512x1xf32> to vector<512x1xf32>
    %broadcast_in_dim3A_3883 = vector.broadcast %broadcast_in_dim3A_3882 : vector<512x1xf32> to vector<512x32xf32>
    %select_n3A_3884 = arith.select %eq3A_3881, %broadcast_in_dim3A_3883, %select_n3A_3584 : vector<512x32xi1>, vector<512x32xf32>
    %reduce_min3A_3885 = arith.constant dense<0x7F800000> : vector<512xf32>
    %reduce_min3A_3886 = vector.multi_reduction <minimumf>, %select_n3A_3884, %reduce_min3A_3885 [1] : vector<512x32xf32> to vector<512xf32>
    %broadcast_in_dim3A_3887 = vector.shape_cast %reduce_min3A_3886 : vector<512xf32> to vector<512x1xf32>
    %eq3A_3888 = vector.broadcast %broadcast_in_dim3A_3887 : vector<512x1xf32> to vector<512x32xf32>
    %eq3A_3889 = arith.cmpf oeq, %select_n3A_3884, %eq3A_3888 : vector<512x32xf32>
    %jit3A_3890 = arith.constant 32 : i32
    %broadcast_in_dim3A_3891 = vector.broadcast %jit3A_3890 : i32 to vector<512x32xi32>
    %select_n3A_3892 = arith.select %eq3A_3889, %iota3A, %broadcast_in_dim3A_3891 : vector<512x32xi1>, vector<512x32xi32>
    %reduce_min3A_3893 = arith.constant dense<2147483647> : vector<512xi32>
    %reduce_min3A_3894 = vector.multi_reduction <minsi>, %select_n3A_3892, %reduce_min3A_3893 [1] : vector<512x32xi32> to vector<512xi32>
    %broadcast_in_dim3A_3895 = vector.shape_cast %reduce_min3A_3894 : vector<512xi32> to vector<512x1xi32>
    %eq3A_3896 = arith.constant 30 : i32
    %eq3A_3897 = vector.broadcast %eq3A_3896 : i32 to vector<512x1xi32>
    %eq3A_3898 = arith.cmpi eq, %broadcast_in_dim3A_3895, %eq3A_3897 : vector<512x1xi32>
    %broadcast_in_dim3A_3899 = vector.shape_cast %eq3A_3898 : vector<512x1xi1> to vector<512x1xi1>
    %broadcast_in_dim3A_3900 = vector.broadcast %broadcast_in_dim3A_3899 : vector<512x1xi1> to vector<512x128xi1>
    %select_n3A_3901 = arith.select %broadcast_in_dim3A_3900, %slice3A_49, %slice3A_50 : vector<512x128xi1>, vector<512x128xf32>
    %eq3A_3902 = arith.constant 29 : i32
    %eq3A_3903 = vector.broadcast %eq3A_3902 : i32 to vector<512x1xi32>
    %eq3A_3904 = arith.cmpi eq, %broadcast_in_dim3A_3895, %eq3A_3903 : vector<512x1xi32>
    %broadcast_in_dim3A_3905 = vector.shape_cast %eq3A_3904 : vector<512x1xi1> to vector<512x1xi1>
    %broadcast_in_dim3A_3906 = vector.broadcast %broadcast_in_dim3A_3905 : vector<512x1xi1> to vector<512x128xi1>
    %select_n3A_3907 = arith.select %broadcast_in_dim3A_3906, %slice3A_48, %select_n3A_3901 : vector<512x128xi1>, vector<512x128xf32>
    %eq3A_3908 = arith.constant 28 : i32
    %eq3A_3909 = vector.broadcast %eq3A_3908 : i32 to vector<512x1xi32>
    %eq3A_3910 = arith.cmpi eq, %broadcast_in_dim3A_3895, %eq3A_3909 : vector<512x1xi32>
    %broadcast_in_dim3A_3911 = vector.shape_cast %eq3A_3910 : vector<512x1xi1> to vector<512x1xi1>
    %broadcast_in_dim3A_3912 = vector.broadcast %broadcast_in_dim3A_3911 : vector<512x1xi1> to vector<512x128xi1>
    %select_n3A_3913 = arith.select %broadcast_in_dim3A_3912, %slice3A_47, %select_n3A_3907 : vector<512x128xi1>, vector<512x128xf32>
    %eq3A_3914 = arith.constant 27 : i32
    %eq3A_3915 = vector.broadcast %eq3A_3914 : i32 to vector<512x1xi32>
    %eq3A_3916 = arith.cmpi eq, %broadcast_in_dim3A_3895, %eq3A_3915 : vector<512x1xi32>
    %broadcast_in_dim3A_3917 = vector.shape_cast %eq3A_3916 : vector<512x1xi1> to vector<512x1xi1>
    %broadcast_in_dim3A_3918 = vector.broadcast %broadcast_in_dim3A_3917 : vector<512x1xi1> to vector<512x128xi1>
    %select_n3A_3919 = arith.select %broadcast_in_dim3A_3918, %slice3A_46, %select_n3A_3913 : vector<512x128xi1>, vector<512x128xf32>
    %eq3A_3920 = arith.constant 26 : i32
    %eq3A_3921 = vector.broadcast %eq3A_3920 : i32 to vector<512x1xi32>
    %eq3A_3922 = arith.cmpi eq, %broadcast_in_dim3A_3895, %eq3A_3921 : vector<512x1xi32>
    %broadcast_in_dim3A_3923 = vector.shape_cast %eq3A_3922 : vector<512x1xi1> to vector<512x1xi1>
    %broadcast_in_dim3A_3924 = vector.broadcast %broadcast_in_dim3A_3923 : vector<512x1xi1> to vector<512x128xi1>
    %select_n3A_3925 = arith.select %broadcast_in_dim3A_3924, %slice3A_45, %select_n3A_3919 : vector<512x128xi1>, vector<512x128xf32>
    %eq3A_3926 = arith.constant 25 : i32
    %eq3A_3927 = vector.broadcast %eq3A_3926 : i32 to vector<512x1xi32>
    %eq3A_3928 = arith.cmpi eq, %broadcast_in_dim3A_3895, %eq3A_3927 : vector<512x1xi32>
    %broadcast_in_dim3A_3929 = vector.shape_cast %eq3A_3928 : vector<512x1xi1> to vector<512x1xi1>
    %broadcast_in_dim3A_3930 = vector.broadcast %broadcast_in_dim3A_3929 : vector<512x1xi1> to vector<512x128xi1>
    %select_n3A_3931 = arith.select %broadcast_in_dim3A_3930, %slice3A_44, %select_n3A_3925 : vector<512x128xi1>, vector<512x128xf32>
    %eq3A_3932 = arith.constant 24 : i32
    %eq3A_3933 = vector.broadcast %eq3A_3932 : i32 to vector<512x1xi32>
    %eq3A_3934 = arith.cmpi eq, %broadcast_in_dim3A_3895, %eq3A_3933 : vector<512x1xi32>
    %broadcast_in_dim3A_3935 = vector.shape_cast %eq3A_3934 : vector<512x1xi1> to vector<512x1xi1>
    %broadcast_in_dim3A_3936 = vector.broadcast %broadcast_in_dim3A_3935 : vector<512x1xi1> to vector<512x128xi1>
    %select_n3A_3937 = arith.select %broadcast_in_dim3A_3936, %slice3A_43, %select_n3A_3931 : vector<512x128xi1>, vector<512x128xf32>
    %eq3A_3938 = arith.constant 23 : i32
    %eq3A_3939 = vector.broadcast %eq3A_3938 : i32 to vector<512x1xi32>
    %eq3A_3940 = arith.cmpi eq, %broadcast_in_dim3A_3895, %eq3A_3939 : vector<512x1xi32>
    %broadcast_in_dim3A_3941 = vector.shape_cast %eq3A_3940 : vector<512x1xi1> to vector<512x1xi1>
    %broadcast_in_dim3A_3942 = vector.broadcast %broadcast_in_dim3A_3941 : vector<512x1xi1> to vector<512x128xi1>
    %select_n3A_3943 = arith.select %broadcast_in_dim3A_3942, %slice3A_42, %select_n3A_3937 : vector<512x128xi1>, vector<512x128xf32>
    %eq3A_3944 = arith.constant 22 : i32
    %eq3A_3945 = vector.broadcast %eq3A_3944 : i32 to vector<512x1xi32>
    %eq3A_3946 = arith.cmpi eq, %broadcast_in_dim3A_3895, %eq3A_3945 : vector<512x1xi32>
    %broadcast_in_dim3A_3947 = vector.shape_cast %eq3A_3946 : vector<512x1xi1> to vector<512x1xi1>
    %broadcast_in_dim3A_3948 = vector.broadcast %broadcast_in_dim3A_3947 : vector<512x1xi1> to vector<512x128xi1>
    %select_n3A_3949 = arith.select %broadcast_in_dim3A_3948, %slice3A_41, %select_n3A_3943 : vector<512x128xi1>, vector<512x128xf32>
    %eq3A_3950 = arith.constant 21 : i32
    %eq3A_3951 = vector.broadcast %eq3A_3950 : i32 to vector<512x1xi32>
    %eq3A_3952 = arith.cmpi eq, %broadcast_in_dim3A_3895, %eq3A_3951 : vector<512x1xi32>
    %broadcast_in_dim3A_3953 = vector.shape_cast %eq3A_3952 : vector<512x1xi1> to vector<512x1xi1>
    %broadcast_in_dim3A_3954 = vector.broadcast %broadcast_in_dim3A_3953 : vector<512x1xi1> to vector<512x128xi1>
    %select_n3A_3955 = arith.select %broadcast_in_dim3A_3954, %slice3A_40, %select_n3A_3949 : vector<512x128xi1>, vector<512x128xf32>
    %eq3A_3956 = arith.constant 20 : i32
    %eq3A_3957 = vector.broadcast %eq3A_3956 : i32 to vector<512x1xi32>
    %eq3A_3958 = arith.cmpi eq, %broadcast_in_dim3A_3895, %eq3A_3957 : vector<512x1xi32>
    %broadcast_in_dim3A_3959 = vector.shape_cast %eq3A_3958 : vector<512x1xi1> to vector<512x1xi1>
    %broadcast_in_dim3A_3960 = vector.broadcast %broadcast_in_dim3A_3959 : vector<512x1xi1> to vector<512x128xi1>
    %select_n3A_3961 = arith.select %broadcast_in_dim3A_3960, %slice3A_39, %select_n3A_3955 : vector<512x128xi1>, vector<512x128xf32>
    %eq3A_3962 = arith.constant 19 : i32
    %eq3A_3963 = vector.broadcast %eq3A_3962 : i32 to vector<512x1xi32>
    %eq3A_3964 = arith.cmpi eq, %broadcast_in_dim3A_3895, %eq3A_3963 : vector<512x1xi32>
    %broadcast_in_dim3A_3965 = vector.shape_cast %eq3A_3964 : vector<512x1xi1> to vector<512x1xi1>
    %broadcast_in_dim3A_3966 = vector.broadcast %broadcast_in_dim3A_3965 : vector<512x1xi1> to vector<512x128xi1>
    %select_n3A_3967 = arith.select %broadcast_in_dim3A_3966, %slice3A_38, %select_n3A_3961 : vector<512x128xi1>, vector<512x128xf32>
    %eq3A_3968 = arith.constant 18 : i32
    %eq3A_3969 = vector.broadcast %eq3A_3968 : i32 to vector<512x1xi32>
    %eq3A_3970 = arith.cmpi eq, %broadcast_in_dim3A_3895, %eq3A_3969 : vector<512x1xi32>
    %broadcast_in_dim3A_3971 = vector.shape_cast %eq3A_3970 : vector<512x1xi1> to vector<512x1xi1>
    %broadcast_in_dim3A_3972 = vector.broadcast %broadcast_in_dim3A_3971 : vector<512x1xi1> to vector<512x128xi1>
    %select_n3A_3973 = arith.select %broadcast_in_dim3A_3972, %slice3A_37, %select_n3A_3967 : vector<512x128xi1>, vector<512x128xf32>
    %eq3A_3974 = arith.constant 17 : i32
    %eq3A_3975 = vector.broadcast %eq3A_3974 : i32 to vector<512x1xi32>
    %eq3A_3976 = arith.cmpi eq, %broadcast_in_dim3A_3895, %eq3A_3975 : vector<512x1xi32>
    %broadcast_in_dim3A_3977 = vector.shape_cast %eq3A_3976 : vector<512x1xi1> to vector<512x1xi1>
    %broadcast_in_dim3A_3978 = vector.broadcast %broadcast_in_dim3A_3977 : vector<512x1xi1> to vector<512x128xi1>
    %select_n3A_3979 = arith.select %broadcast_in_dim3A_3978, %slice3A_36, %select_n3A_3973 : vector<512x128xi1>, vector<512x128xf32>
    %eq3A_3980 = arith.constant 16 : i32
    %eq3A_3981 = vector.broadcast %eq3A_3980 : i32 to vector<512x1xi32>
    %eq3A_3982 = arith.cmpi eq, %broadcast_in_dim3A_3895, %eq3A_3981 : vector<512x1xi32>
    %broadcast_in_dim3A_3983 = vector.shape_cast %eq3A_3982 : vector<512x1xi1> to vector<512x1xi1>
    %broadcast_in_dim3A_3984 = vector.broadcast %broadcast_in_dim3A_3983 : vector<512x1xi1> to vector<512x128xi1>
    %select_n3A_3985 = arith.select %broadcast_in_dim3A_3984, %slice3A_35, %select_n3A_3979 : vector<512x128xi1>, vector<512x128xf32>
    %eq3A_3986 = arith.constant 15 : i32
    %eq3A_3987 = vector.broadcast %eq3A_3986 : i32 to vector<512x1xi32>
    %eq3A_3988 = arith.cmpi eq, %broadcast_in_dim3A_3895, %eq3A_3987 : vector<512x1xi32>
    %broadcast_in_dim3A_3989 = vector.shape_cast %eq3A_3988 : vector<512x1xi1> to vector<512x1xi1>
    %broadcast_in_dim3A_3990 = vector.broadcast %broadcast_in_dim3A_3989 : vector<512x1xi1> to vector<512x128xi1>
    %select_n3A_3991 = arith.select %broadcast_in_dim3A_3990, %slice3A_34, %select_n3A_3985 : vector<512x128xi1>, vector<512x128xf32>
    %eq3A_3992 = arith.constant 14 : i32
    %eq3A_3993 = vector.broadcast %eq3A_3992 : i32 to vector<512x1xi32>
    %eq3A_3994 = arith.cmpi eq, %broadcast_in_dim3A_3895, %eq3A_3993 : vector<512x1xi32>
    %broadcast_in_dim3A_3995 = vector.shape_cast %eq3A_3994 : vector<512x1xi1> to vector<512x1xi1>
    %broadcast_in_dim3A_3996 = vector.broadcast %broadcast_in_dim3A_3995 : vector<512x1xi1> to vector<512x128xi1>
    %select_n3A_3997 = arith.select %broadcast_in_dim3A_3996, %slice3A_33, %select_n3A_3991 : vector<512x128xi1>, vector<512x128xf32>
    %eq3A_3998 = arith.constant 13 : i32
    %eq3A_3999 = vector.broadcast %eq3A_3998 : i32 to vector<512x1xi32>
    %eq3A_4000 = arith.cmpi eq, %broadcast_in_dim3A_3895, %eq3A_3999 : vector<512x1xi32>
    %broadcast_in_dim3A_4001 = vector.shape_cast %eq3A_4000 : vector<512x1xi1> to vector<512x1xi1>
    %broadcast_in_dim3A_4002 = vector.broadcast %broadcast_in_dim3A_4001 : vector<512x1xi1> to vector<512x128xi1>
    %select_n3A_4003 = arith.select %broadcast_in_dim3A_4002, %slice3A_32, %select_n3A_3997 : vector<512x128xi1>, vector<512x128xf32>
    %eq3A_4004 = arith.constant 12 : i32
    %eq3A_4005 = vector.broadcast %eq3A_4004 : i32 to vector<512x1xi32>
    %eq3A_4006 = arith.cmpi eq, %broadcast_in_dim3A_3895, %eq3A_4005 : vector<512x1xi32>
    %broadcast_in_dim3A_4007 = vector.shape_cast %eq3A_4006 : vector<512x1xi1> to vector<512x1xi1>
    %broadcast_in_dim3A_4008 = vector.broadcast %broadcast_in_dim3A_4007 : vector<512x1xi1> to vector<512x128xi1>
    %select_n3A_4009 = arith.select %broadcast_in_dim3A_4008, %slice3A_31, %select_n3A_4003 : vector<512x128xi1>, vector<512x128xf32>
    %eq3A_4010 = arith.constant 11 : i32
    %eq3A_4011 = vector.broadcast %eq3A_4010 : i32 to vector<512x1xi32>
    %eq3A_4012 = arith.cmpi eq, %broadcast_in_dim3A_3895, %eq3A_4011 : vector<512x1xi32>
    %broadcast_in_dim3A_4013 = vector.shape_cast %eq3A_4012 : vector<512x1xi1> to vector<512x1xi1>
    %broadcast_in_dim3A_4014 = vector.broadcast %broadcast_in_dim3A_4013 : vector<512x1xi1> to vector<512x128xi1>
    %select_n3A_4015 = arith.select %broadcast_in_dim3A_4014, %slice3A_30, %select_n3A_4009 : vector<512x128xi1>, vector<512x128xf32>
    %eq3A_4016 = arith.constant 10 : i32
    %eq3A_4017 = vector.broadcast %eq3A_4016 : i32 to vector<512x1xi32>
    %eq3A_4018 = arith.cmpi eq, %broadcast_in_dim3A_3895, %eq3A_4017 : vector<512x1xi32>
    %broadcast_in_dim3A_4019 = vector.shape_cast %eq3A_4018 : vector<512x1xi1> to vector<512x1xi1>
    %broadcast_in_dim3A_4020 = vector.broadcast %broadcast_in_dim3A_4019 : vector<512x1xi1> to vector<512x128xi1>
    %select_n3A_4021 = arith.select %broadcast_in_dim3A_4020, %slice3A_29, %select_n3A_4015 : vector<512x128xi1>, vector<512x128xf32>
    %eq3A_4022 = arith.constant 9 : i32
    %eq3A_4023 = vector.broadcast %eq3A_4022 : i32 to vector<512x1xi32>
    %eq3A_4024 = arith.cmpi eq, %broadcast_in_dim3A_3895, %eq3A_4023 : vector<512x1xi32>
    %broadcast_in_dim3A_4025 = vector.shape_cast %eq3A_4024 : vector<512x1xi1> to vector<512x1xi1>
    %broadcast_in_dim3A_4026 = vector.broadcast %broadcast_in_dim3A_4025 : vector<512x1xi1> to vector<512x128xi1>
    %select_n3A_4027 = arith.select %broadcast_in_dim3A_4026, %slice3A_28, %select_n3A_4021 : vector<512x128xi1>, vector<512x128xf32>
    %eq3A_4028 = arith.constant 8 : i32
    %eq3A_4029 = vector.broadcast %eq3A_4028 : i32 to vector<512x1xi32>
    %eq3A_4030 = arith.cmpi eq, %broadcast_in_dim3A_3895, %eq3A_4029 : vector<512x1xi32>
    %broadcast_in_dim3A_4031 = vector.shape_cast %eq3A_4030 : vector<512x1xi1> to vector<512x1xi1>
    %broadcast_in_dim3A_4032 = vector.broadcast %broadcast_in_dim3A_4031 : vector<512x1xi1> to vector<512x128xi1>
    %select_n3A_4033 = arith.select %broadcast_in_dim3A_4032, %slice3A_27, %select_n3A_4027 : vector<512x128xi1>, vector<512x128xf32>
    %eq3A_4034 = arith.constant 7 : i32
    %eq3A_4035 = vector.broadcast %eq3A_4034 : i32 to vector<512x1xi32>
    %eq3A_4036 = arith.cmpi eq, %broadcast_in_dim3A_3895, %eq3A_4035 : vector<512x1xi32>
    %broadcast_in_dim3A_4037 = vector.shape_cast %eq3A_4036 : vector<512x1xi1> to vector<512x1xi1>
    %broadcast_in_dim3A_4038 = vector.broadcast %broadcast_in_dim3A_4037 : vector<512x1xi1> to vector<512x128xi1>
    %select_n3A_4039 = arith.select %broadcast_in_dim3A_4038, %slice3A_26, %select_n3A_4033 : vector<512x128xi1>, vector<512x128xf32>
    %eq3A_4040 = arith.constant 6 : i32
    %eq3A_4041 = vector.broadcast %eq3A_4040 : i32 to vector<512x1xi32>
    %eq3A_4042 = arith.cmpi eq, %broadcast_in_dim3A_3895, %eq3A_4041 : vector<512x1xi32>
    %broadcast_in_dim3A_4043 = vector.shape_cast %eq3A_4042 : vector<512x1xi1> to vector<512x1xi1>
    %broadcast_in_dim3A_4044 = vector.broadcast %broadcast_in_dim3A_4043 : vector<512x1xi1> to vector<512x128xi1>
    %select_n3A_4045 = arith.select %broadcast_in_dim3A_4044, %slice3A_25, %select_n3A_4039 : vector<512x128xi1>, vector<512x128xf32>
    %eq3A_4046 = arith.constant 5 : i32
    %eq3A_4047 = vector.broadcast %eq3A_4046 : i32 to vector<512x1xi32>
    %eq3A_4048 = arith.cmpi eq, %broadcast_in_dim3A_3895, %eq3A_4047 : vector<512x1xi32>
    %broadcast_in_dim3A_4049 = vector.shape_cast %eq3A_4048 : vector<512x1xi1> to vector<512x1xi1>
    %broadcast_in_dim3A_4050 = vector.broadcast %broadcast_in_dim3A_4049 : vector<512x1xi1> to vector<512x128xi1>
    %select_n3A_4051 = arith.select %broadcast_in_dim3A_4050, %slice3A_24, %select_n3A_4045 : vector<512x128xi1>, vector<512x128xf32>
    %eq3A_4052 = arith.constant 4 : i32
    %eq3A_4053 = vector.broadcast %eq3A_4052 : i32 to vector<512x1xi32>
    %eq3A_4054 = arith.cmpi eq, %broadcast_in_dim3A_3895, %eq3A_4053 : vector<512x1xi32>
    %broadcast_in_dim3A_4055 = vector.shape_cast %eq3A_4054 : vector<512x1xi1> to vector<512x1xi1>
    %broadcast_in_dim3A_4056 = vector.broadcast %broadcast_in_dim3A_4055 : vector<512x1xi1> to vector<512x128xi1>
    %select_n3A_4057 = arith.select %broadcast_in_dim3A_4056, %slice3A_23, %select_n3A_4051 : vector<512x128xi1>, vector<512x128xf32>
    %eq3A_4058 = arith.constant 3 : i32
    %eq3A_4059 = vector.broadcast %eq3A_4058 : i32 to vector<512x1xi32>
    %eq3A_4060 = arith.cmpi eq, %broadcast_in_dim3A_3895, %eq3A_4059 : vector<512x1xi32>
    %broadcast_in_dim3A_4061 = vector.shape_cast %eq3A_4060 : vector<512x1xi1> to vector<512x1xi1>
    %broadcast_in_dim3A_4062 = vector.broadcast %broadcast_in_dim3A_4061 : vector<512x1xi1> to vector<512x128xi1>
    %select_n3A_4063 = arith.select %broadcast_in_dim3A_4062, %slice3A_22, %select_n3A_4057 : vector<512x128xi1>, vector<512x128xf32>
    %eq3A_4064 = arith.constant 2 : i32
    %eq3A_4065 = vector.broadcast %eq3A_4064 : i32 to vector<512x1xi32>
    %eq3A_4066 = arith.cmpi eq, %broadcast_in_dim3A_3895, %eq3A_4065 : vector<512x1xi32>
    %broadcast_in_dim3A_4067 = vector.shape_cast %eq3A_4066 : vector<512x1xi1> to vector<512x1xi1>
    %broadcast_in_dim3A_4068 = vector.broadcast %broadcast_in_dim3A_4067 : vector<512x1xi1> to vector<512x128xi1>
    %select_n3A_4069 = arith.select %broadcast_in_dim3A_4068, %slice3A_21, %select_n3A_4063 : vector<512x128xi1>, vector<512x128xf32>
    %eq3A_4070 = arith.constant 1 : i32
    %eq3A_4071 = vector.broadcast %eq3A_4070 : i32 to vector<512x1xi32>
    %eq3A_4072 = arith.cmpi eq, %broadcast_in_dim3A_3895, %eq3A_4071 : vector<512x1xi32>
    %broadcast_in_dim3A_4073 = vector.shape_cast %eq3A_4072 : vector<512x1xi1> to vector<512x1xi1>
    %broadcast_in_dim3A_4074 = vector.broadcast %broadcast_in_dim3A_4073 : vector<512x1xi1> to vector<512x128xi1>
    %select_n3A_4075 = arith.select %broadcast_in_dim3A_4074, %slice3A_20, %select_n3A_4069 : vector<512x128xi1>, vector<512x128xf32>
    %eq3A_4076 = arith.constant 0 : i32
    %eq3A_4077 = vector.broadcast %eq3A_4076 : i32 to vector<512x1xi32>
    %eq3A_4078 = arith.cmpi eq, %broadcast_in_dim3A_3895, %eq3A_4077 : vector<512x1xi32>
    %broadcast_in_dim3A_4079 = vector.shape_cast %eq3A_4078 : vector<512x1xi1> to vector<512x1xi1>
    %broadcast_in_dim3A_4080 = vector.broadcast %broadcast_in_dim3A_4079 : vector<512x1xi1> to vector<512x128xi1>
    %select_n3A_4081 = arith.select %broadcast_in_dim3A_4080, %slice3A, %select_n3A_4075 : vector<512x128xi1>, vector<512x128xf32>
    %mul3A_4082 = arith.constant 128 : i32
    %mul3A_4083 = vector.broadcast %mul3A_4082 : i32 to vector<512x1xi32>
    %mul3A_4084 = arith.muli %broadcast_in_dim3A_3895, %mul3A_4083 : vector<512x1xi32>
    %add3A_4085 = vector.broadcast %mul3A_4084 : vector<512x1xi32> to vector<512x128xi32>
    %add3A_4086 = arith.addi %add3A_4085, %iota3A_146 : vector<512x128xi32>
    %eq3A_4087 = vector.broadcast %add3A_354 : vector<512x1xi32> to vector<512x128xi32>
    %eq3A_4088 = arith.cmpi eq, %add3A_4086, %eq3A_4087 : vector<512x128xi32>
    %jit3A_4089 = arith.constant 0x7F800000 : f32
    %broadcast_in_dim3A_4090 = vector.broadcast %jit3A_4089 : f32 to vector<512x128xf32>
    %select_n3A_4091 = arith.select %eq3A_4088, %broadcast_in_dim3A_4090, %select_n3A_4081 : vector<512x128xi1>, vector<512x128xf32>
    %eq3A_4092 = vector.broadcast %add3A_593 : vector<512x1xi32> to vector<512x128xi32>
    %eq3A_4093 = arith.cmpi eq, %add3A_4086, %eq3A_4092 : vector<512x128xi32>
    %jit3A_4094 = arith.constant 0x7F800000 : f32
    %broadcast_in_dim3A_4095 = vector.broadcast %jit3A_4094 : f32 to vector<512x128xf32>
    %select_n3A_4096 = arith.select %eq3A_4093, %broadcast_in_dim3A_4095, %select_n3A_4091 : vector<512x128xi1>, vector<512x128xf32>
    %eq3A_4097 = vector.broadcast %add3A_838 : vector<512x1xi32> to vector<512x128xi32>
    %eq3A_4098 = arith.cmpi eq, %add3A_4086, %eq3A_4097 : vector<512x128xi32>
    %jit3A_4099 = arith.constant 0x7F800000 : f32
    %broadcast_in_dim3A_4100 = vector.broadcast %jit3A_4099 : f32 to vector<512x128xf32>
    %select_n3A_4101 = arith.select %eq3A_4098, %broadcast_in_dim3A_4100, %select_n3A_4096 : vector<512x128xi1>, vector<512x128xf32>
    %eq3A_4102 = vector.broadcast %add3A_1088 : vector<512x1xi32> to vector<512x128xi32>
    %eq3A_4103 = arith.cmpi eq, %add3A_4086, %eq3A_4102 : vector<512x128xi32>
    %jit3A_4104 = arith.constant 0x7F800000 : f32
    %broadcast_in_dim3A_4105 = vector.broadcast %jit3A_4104 : f32 to vector<512x128xf32>
    %select_n3A_4106 = arith.select %eq3A_4103, %broadcast_in_dim3A_4105, %select_n3A_4101 : vector<512x128xi1>, vector<512x128xf32>
    %eq3A_4107 = vector.broadcast %add3A_1343 : vector<512x1xi32> to vector<512x128xi32>
    %eq3A_4108 = arith.cmpi eq, %add3A_4086, %eq3A_4107 : vector<512x128xi32>
    %jit3A_4109 = arith.constant 0x7F800000 : f32
    %broadcast_in_dim3A_4110 = vector.broadcast %jit3A_4109 : f32 to vector<512x128xf32>
    %select_n3A_4111 = arith.select %eq3A_4108, %broadcast_in_dim3A_4110, %select_n3A_4106 : vector<512x128xi1>, vector<512x128xf32>
    %eq3A_4112 = vector.broadcast %add3A_1603 : vector<512x1xi32> to vector<512x128xi32>
    %eq3A_4113 = arith.cmpi eq, %add3A_4086, %eq3A_4112 : vector<512x128xi32>
    %jit3A_4114 = arith.constant 0x7F800000 : f32
    %broadcast_in_dim3A_4115 = vector.broadcast %jit3A_4114 : f32 to vector<512x128xf32>
    %select_n3A_4116 = arith.select %eq3A_4113, %broadcast_in_dim3A_4115, %select_n3A_4111 : vector<512x128xi1>, vector<512x128xf32>
    %eq3A_4117 = vector.broadcast %add3A_1868 : vector<512x1xi32> to vector<512x128xi32>
    %eq3A_4118 = arith.cmpi eq, %add3A_4086, %eq3A_4117 : vector<512x128xi32>
    %jit3A_4119 = arith.constant 0x7F800000 : f32
    %broadcast_in_dim3A_4120 = vector.broadcast %jit3A_4119 : f32 to vector<512x128xf32>
    %select_n3A_4121 = arith.select %eq3A_4118, %broadcast_in_dim3A_4120, %select_n3A_4116 : vector<512x128xi1>, vector<512x128xf32>
    %eq3A_4122 = vector.broadcast %add3A_2138 : vector<512x1xi32> to vector<512x128xi32>
    %eq3A_4123 = arith.cmpi eq, %add3A_4086, %eq3A_4122 : vector<512x128xi32>
    %jit3A_4124 = arith.constant 0x7F800000 : f32
    %broadcast_in_dim3A_4125 = vector.broadcast %jit3A_4124 : f32 to vector<512x128xf32>
    %select_n3A_4126 = arith.select %eq3A_4123, %broadcast_in_dim3A_4125, %select_n3A_4121 : vector<512x128xi1>, vector<512x128xf32>
    %eq3A_4127 = vector.broadcast %add3A_2413 : vector<512x1xi32> to vector<512x128xi32>
    %eq3A_4128 = arith.cmpi eq, %add3A_4086, %eq3A_4127 : vector<512x128xi32>
    %jit3A_4129 = arith.constant 0x7F800000 : f32
    %broadcast_in_dim3A_4130 = vector.broadcast %jit3A_4129 : f32 to vector<512x128xf32>
    %select_n3A_4131 = arith.select %eq3A_4128, %broadcast_in_dim3A_4130, %select_n3A_4126 : vector<512x128xi1>, vector<512x128xf32>
    %eq3A_4132 = vector.broadcast %add3A_2693 : vector<512x1xi32> to vector<512x128xi32>
    %eq3A_4133 = arith.cmpi eq, %add3A_4086, %eq3A_4132 : vector<512x128xi32>
    %jit3A_4134 = arith.constant 0x7F800000 : f32
    %broadcast_in_dim3A_4135 = vector.broadcast %jit3A_4134 : f32 to vector<512x128xf32>
    %select_n3A_4136 = arith.select %eq3A_4133, %broadcast_in_dim3A_4135, %select_n3A_4131 : vector<512x128xi1>, vector<512x128xf32>
    %eq3A_4137 = vector.broadcast %add3A_2978 : vector<512x1xi32> to vector<512x128xi32>
    %eq3A_4138 = arith.cmpi eq, %add3A_4086, %eq3A_4137 : vector<512x128xi32>
    %jit3A_4139 = arith.constant 0x7F800000 : f32
    %broadcast_in_dim3A_4140 = vector.broadcast %jit3A_4139 : f32 to vector<512x128xf32>
    %select_n3A_4141 = arith.select %eq3A_4138, %broadcast_in_dim3A_4140, %select_n3A_4136 : vector<512x128xi1>, vector<512x128xf32>
    %eq3A_4142 = vector.broadcast %add3A_3268 : vector<512x1xi32> to vector<512x128xi32>
    %eq3A_4143 = arith.cmpi eq, %add3A_4086, %eq3A_4142 : vector<512x128xi32>
    %jit3A_4144 = arith.constant 0x7F800000 : f32
    %broadcast_in_dim3A_4145 = vector.broadcast %jit3A_4144 : f32 to vector<512x128xf32>
    %select_n3A_4146 = arith.select %eq3A_4143, %broadcast_in_dim3A_4145, %select_n3A_4141 : vector<512x128xi1>, vector<512x128xf32>
    %eq3A_4147 = vector.broadcast %add3A_3563 : vector<512x1xi32> to vector<512x128xi32>
    %eq3A_4148 = arith.cmpi eq, %add3A_4086, %eq3A_4147 : vector<512x128xi32>
    %jit3A_4149 = arith.constant 0x7F800000 : f32
    %broadcast_in_dim3A_4150 = vector.broadcast %jit3A_4149 : f32 to vector<512x128xf32>
    %select_n3A_4151 = arith.select %eq3A_4148, %broadcast_in_dim3A_4150, %select_n3A_4146 : vector<512x128xi1>, vector<512x128xf32>
    %eq3A_4152 = vector.broadcast %add3A_3863 : vector<512x1xi32> to vector<512x128xi32>
    %eq3A_4153 = arith.cmpi eq, %add3A_4086, %eq3A_4152 : vector<512x128xi32>
    %jit3A_4154 = arith.constant 0x7F800000 : f32
    %broadcast_in_dim3A_4155 = vector.broadcast %jit3A_4154 : f32 to vector<512x128xf32>
    %select_n3A_4156 = arith.select %eq3A_4153, %broadcast_in_dim3A_4155, %select_n3A_4151 : vector<512x128xi1>, vector<512x128xf32>
    %eq3A_4157 = vector.broadcast %broadcast_in_dim3A_3887 : vector<512x1xf32> to vector<512x128xf32>
    %eq3A_4158 = arith.cmpf oeq, %select_n3A_4156, %eq3A_4157 : vector<512x128xf32>
    %jit3A_4159 = arith.constant 128 : i32
    %broadcast_in_dim3A_4160 = vector.broadcast %jit3A_4159 : i32 to vector<512x128xi32>
    %select_n3A_4161 = arith.select %eq3A_4158, %iota3A_146, %broadcast_in_dim3A_4160 : vector<512x128xi1>, vector<512x128xi32>
    %reduce_min3A_4162 = arith.constant dense<2147483647> : vector<512xi32>
    %reduce_min3A_4163 = vector.multi_reduction <minsi>, %select_n3A_4161, %reduce_min3A_4162 [1] : vector<512x128xi32> to vector<512xi32>
    %broadcast_in_dim3A_4164 = vector.shape_cast %reduce_min3A_4163 : vector<512xi32> to vector<512x1xi32>
    %mul3A_4165 = arith.constant 128 : i32
    %mul3A_4166 = vector.broadcast %mul3A_4165 : i32 to vector<512x1xi32>
    %mul3A_4167 = arith.muli %broadcast_in_dim3A_3895, %mul3A_4166 : vector<512x1xi32>
    %add3A_4168 = arith.addi %mul3A_4167, %broadcast_in_dim3A_4164 : vector<512x1xi32>
    %add3A_4169 = vector.broadcast %mul3A_148 : i32 to vector<512x1xi32>
    %add3A_4170 = arith.addi %add3A_4168, %add3A_4169 : vector<512x1xi32>
    %swap3A_4171 = arith.constant 0 : index
    %swap3A_4172 = arith.constant 0 : index
    %swap3A_4173 = arith.constant 14 : index
    %swap3A_4174 = vector.load %arg4[%swap3A_4171, %swap3A_4172, %swap3A_4173] : memref<1x512x16xi32, #tpu.memory_space<vmem>>, vector<1x512x1xi32>
    %swap3A_4175 = vector.shape_cast %swap3A_4174 : vector<1x512x1xi32> to vector<512x1xi32>
    %swap3A_4176 = vector.shape_cast %add3A_4170 : vector<512x1xi32> to vector<1x512x1xi32>
    tpu.vector_store %arg4[%swap3A_4171, %swap3A_4172, %swap3A_4173], %swap3A_4176 {strides = array<i32>} : memref<1x512x16xi32, #tpu.memory_space<vmem>>, vector<1x512x1xi32>,
    %eq3A_4177 = vector.broadcast %broadcast_in_dim3A_4164 : vector<512x1xi32> to vector<512x128xi32>
    %eq3A_4178 = arith.cmpi eq, %iota3A_146, %eq3A_4177 : vector<512x128xi32>
    %jit3A_4179 = arith.constant 0x7F800000 : f32
    %broadcast_in_dim3A_4180 = vector.broadcast %jit3A_4179 : f32 to vector<512x128xf32>
    %select_n3A_4181 = arith.select %eq3A_4178, %broadcast_in_dim3A_4180, %select_n3A_4156 : vector<512x128xi1>, vector<512x128xf32>
    %reduce_min3A_4182 = arith.constant dense<0x7F800000> : vector<512xf32>
    %reduce_min3A_4183 = vector.multi_reduction <minimumf>, %select_n3A_4181, %reduce_min3A_4182 [1] : vector<512x128xf32> to vector<512xf32>
    %broadcast_in_dim3A_4184 = vector.shape_cast %reduce_min3A_4183 : vector<512xf32> to vector<512x1xf32>
    %eq3A_4185 = vector.broadcast %broadcast_in_dim3A_3895 : vector<512x1xi32> to vector<512x32xi32>
    %eq3A_4186 = arith.cmpi eq, %iota3A, %eq3A_4185 : vector<512x32xi32>
    %broadcast_in_dim3A_4187 = vector.shape_cast %broadcast_in_dim3A_4184 : vector<512x1xf32> to vector<512x1xf32>
    %broadcast_in_dim3A_4188 = vector.broadcast %broadcast_in_dim3A_4187 : vector<512x1xf32> to vector<512x32xf32>
    %select_n3A_4189 = arith.select %eq3A_4186, %broadcast_in_dim3A_4188, %select_n3A_3884 : vector<512x32xi1>, vector<512x32xf32>
    %reduce_min3A_4190 = arith.constant dense<0x7F800000> : vector<512xf32>
    %reduce_min3A_4191 = vector.multi_reduction <minimumf>, %select_n3A_4189, %reduce_min3A_4190 [1] : vector<512x32xf32> to vector<512xf32>
    %broadcast_in_dim3A_4192 = vector.shape_cast %reduce_min3A_4191 : vector<512xf32> to vector<512x1xf32>
    %eq3A_4193 = vector.broadcast %broadcast_in_dim3A_4192 : vector<512x1xf32> to vector<512x32xf32>
    %eq3A_4194 = arith.cmpf oeq, %select_n3A_4189, %eq3A_4193 : vector<512x32xf32>
    %jit3A_4195 = arith.constant 32 : i32
    %broadcast_in_dim3A_4196 = vector.broadcast %jit3A_4195 : i32 to vector<512x32xi32>
    %select_n3A_4197 = arith.select %eq3A_4194, %iota3A, %broadcast_in_dim3A_4196 : vector<512x32xi1>, vector<512x32xi32>
    %reduce_min3A_4198 = arith.constant dense<2147483647> : vector<512xi32>
    %reduce_min3A_4199 = vector.multi_reduction <minsi>, %select_n3A_4197, %reduce_min3A_4198 [1] : vector<512x32xi32> to vector<512xi32>
    %broadcast_in_dim3A_4200 = vector.shape_cast %reduce_min3A_4199 : vector<512xi32> to vector<512x1xi32>
    %eq3A_4201 = arith.constant 30 : i32
    %eq3A_4202 = vector.broadcast %eq3A_4201 : i32 to vector<512x1xi32>
    %eq3A_4203 = arith.cmpi eq, %broadcast_in_dim3A_4200, %eq3A_4202 : vector<512x1xi32>
    %broadcast_in_dim3A_4204 = vector.shape_cast %eq3A_4203 : vector<512x1xi1> to vector<512x1xi1>
    %broadcast_in_dim3A_4205 = vector.broadcast %broadcast_in_dim3A_4204 : vector<512x1xi1> to vector<512x128xi1>
    %select_n3A_4206 = arith.select %broadcast_in_dim3A_4205, %slice3A_49, %slice3A_50 : vector<512x128xi1>, vector<512x128xf32>
    %eq3A_4207 = arith.constant 29 : i32
    %eq3A_4208 = vector.broadcast %eq3A_4207 : i32 to vector<512x1xi32>
    %eq3A_4209 = arith.cmpi eq, %broadcast_in_dim3A_4200, %eq3A_4208 : vector<512x1xi32>
    %broadcast_in_dim3A_4210 = vector.shape_cast %eq3A_4209 : vector<512x1xi1> to vector<512x1xi1>
    %broadcast_in_dim3A_4211 = vector.broadcast %broadcast_in_dim3A_4210 : vector<512x1xi1> to vector<512x128xi1>
    %select_n3A_4212 = arith.select %broadcast_in_dim3A_4211, %slice3A_48, %select_n3A_4206 : vector<512x128xi1>, vector<512x128xf32>
    %eq3A_4213 = arith.constant 28 : i32
    %eq3A_4214 = vector.broadcast %eq3A_4213 : i32 to vector<512x1xi32>
    %eq3A_4215 = arith.cmpi eq, %broadcast_in_dim3A_4200, %eq3A_4214 : vector<512x1xi32>
    %broadcast_in_dim3A_4216 = vector.shape_cast %eq3A_4215 : vector<512x1xi1> to vector<512x1xi1>
    %broadcast_in_dim3A_4217 = vector.broadcast %broadcast_in_dim3A_4216 : vector<512x1xi1> to vector<512x128xi1>
    %select_n3A_4218 = arith.select %broadcast_in_dim3A_4217, %slice3A_47, %select_n3A_4212 : vector<512x128xi1>, vector<512x128xf32>
    %eq3A_4219 = arith.constant 27 : i32
    %eq3A_4220 = vector.broadcast %eq3A_4219 : i32 to vector<512x1xi32>
    %eq3A_4221 = arith.cmpi eq, %broadcast_in_dim3A_4200, %eq3A_4220 : vector<512x1xi32>
    %broadcast_in_dim3A_4222 = vector.shape_cast %eq3A_4221 : vector<512x1xi1> to vector<512x1xi1>
    %broadcast_in_dim3A_4223 = vector.broadcast %broadcast_in_dim3A_4222 : vector<512x1xi1> to vector<512x128xi1>
    %select_n3A_4224 = arith.select %broadcast_in_dim3A_4223, %slice3A_46, %select_n3A_4218 : vector<512x128xi1>, vector<512x128xf32>
    %eq3A_4225 = arith.constant 26 : i32
    %eq3A_4226 = vector.broadcast %eq3A_4225 : i32 to vector<512x1xi32>
    %eq3A_4227 = arith.cmpi eq, %broadcast_in_dim3A_4200, %eq3A_4226 : vector<512x1xi32>
    %broadcast_in_dim3A_4228 = vector.shape_cast %eq3A_4227 : vector<512x1xi1> to vector<512x1xi1>
    %broadcast_in_dim3A_4229 = vector.broadcast %broadcast_in_dim3A_4228 : vector<512x1xi1> to vector<512x128xi1>
    %select_n3A_4230 = arith.select %broadcast_in_dim3A_4229, %slice3A_45, %select_n3A_4224 : vector<512x128xi1>, vector<512x128xf32>
    %eq3A_4231 = arith.constant 25 : i32
    %eq3A_4232 = vector.broadcast %eq3A_4231 : i32 to vector<512x1xi32>
    %eq3A_4233 = arith.cmpi eq, %broadcast_in_dim3A_4200, %eq3A_4232 : vector<512x1xi32>
    %broadcast_in_dim3A_4234 = vector.shape_cast %eq3A_4233 : vector<512x1xi1> to vector<512x1xi1>
    %broadcast_in_dim3A_4235 = vector.broadcast %broadcast_in_dim3A_4234 : vector<512x1xi1> to vector<512x128xi1>
    %select_n3A_4236 = arith.select %broadcast_in_dim3A_4235, %slice3A_44, %select_n3A_4230 : vector<512x128xi1>, vector<512x128xf32>
    %eq3A_4237 = arith.constant 24 : i32
    %eq3A_4238 = vector.broadcast %eq3A_4237 : i32 to vector<512x1xi32>
    %eq3A_4239 = arith.cmpi eq, %broadcast_in_dim3A_4200, %eq3A_4238 : vector<512x1xi32>
    %broadcast_in_dim3A_4240 = vector.shape_cast %eq3A_4239 : vector<512x1xi1> to vector<512x1xi1>
    %broadcast_in_dim3A_4241 = vector.broadcast %broadcast_in_dim3A_4240 : vector<512x1xi1> to vector<512x128xi1>
    %select_n3A_4242 = arith.select %broadcast_in_dim3A_4241, %slice3A_43, %select_n3A_4236 : vector<512x128xi1>, vector<512x128xf32>
    %eq3A_4243 = arith.constant 23 : i32
    %eq3A_4244 = vector.broadcast %eq3A_4243 : i32 to vector<512x1xi32>
    %eq3A_4245 = arith.cmpi eq, %broadcast_in_dim3A_4200, %eq3A_4244 : vector<512x1xi32>
    %broadcast_in_dim3A_4246 = vector.shape_cast %eq3A_4245 : vector<512x1xi1> to vector<512x1xi1>
    %broadcast_in_dim3A_4247 = vector.broadcast %broadcast_in_dim3A_4246 : vector<512x1xi1> to vector<512x128xi1>
    %select_n3A_4248 = arith.select %broadcast_in_dim3A_4247, %slice3A_42, %select_n3A_4242 : vector<512x128xi1>, vector<512x128xf32>
    %eq3A_4249 = arith.constant 22 : i32
    %eq3A_4250 = vector.broadcast %eq3A_4249 : i32 to vector<512x1xi32>
    %eq3A_4251 = arith.cmpi eq, %broadcast_in_dim3A_4200, %eq3A_4250 : vector<512x1xi32>
    %broadcast_in_dim3A_4252 = vector.shape_cast %eq3A_4251 : vector<512x1xi1> to vector<512x1xi1>
    %broadcast_in_dim3A_4253 = vector.broadcast %broadcast_in_dim3A_4252 : vector<512x1xi1> to vector<512x128xi1>
    %select_n3A_4254 = arith.select %broadcast_in_dim3A_4253, %slice3A_41, %select_n3A_4248 : vector<512x128xi1>, vector<512x128xf32>
    %eq3A_4255 = arith.constant 21 : i32
    %eq3A_4256 = vector.broadcast %eq3A_4255 : i32 to vector<512x1xi32>
    %eq3A_4257 = arith.cmpi eq, %broadcast_in_dim3A_4200, %eq3A_4256 : vector<512x1xi32>
    %broadcast_in_dim3A_4258 = vector.shape_cast %eq3A_4257 : vector<512x1xi1> to vector<512x1xi1>
    %broadcast_in_dim3A_4259 = vector.broadcast %broadcast_in_dim3A_4258 : vector<512x1xi1> to vector<512x128xi1>
    %select_n3A_4260 = arith.select %broadcast_in_dim3A_4259, %slice3A_40, %select_n3A_4254 : vector<512x128xi1>, vector<512x128xf32>
    %eq3A_4261 = arith.constant 20 : i32
    %eq3A_4262 = vector.broadcast %eq3A_4261 : i32 to vector<512x1xi32>
    %eq3A_4263 = arith.cmpi eq, %broadcast_in_dim3A_4200, %eq3A_4262 : vector<512x1xi32>
    %broadcast_in_dim3A_4264 = vector.shape_cast %eq3A_4263 : vector<512x1xi1> to vector<512x1xi1>
    %broadcast_in_dim3A_4265 = vector.broadcast %broadcast_in_dim3A_4264 : vector<512x1xi1> to vector<512x128xi1>
    %select_n3A_4266 = arith.select %broadcast_in_dim3A_4265, %slice3A_39, %select_n3A_4260 : vector<512x128xi1>, vector<512x128xf32>
    %eq3A_4267 = arith.constant 19 : i32
    %eq3A_4268 = vector.broadcast %eq3A_4267 : i32 to vector<512x1xi32>
    %eq3A_4269 = arith.cmpi eq, %broadcast_in_dim3A_4200, %eq3A_4268 : vector<512x1xi32>
    %broadcast_in_dim3A_4270 = vector.shape_cast %eq3A_4269 : vector<512x1xi1> to vector<512x1xi1>
    %broadcast_in_dim3A_4271 = vector.broadcast %broadcast_in_dim3A_4270 : vector<512x1xi1> to vector<512x128xi1>
    %select_n3A_4272 = arith.select %broadcast_in_dim3A_4271, %slice3A_38, %select_n3A_4266 : vector<512x128xi1>, vector<512x128xf32>
    %eq3A_4273 = arith.constant 18 : i32
    %eq3A_4274 = vector.broadcast %eq3A_4273 : i32 to vector<512x1xi32>
    %eq3A_4275 = arith.cmpi eq, %broadcast_in_dim3A_4200, %eq3A_4274 : vector<512x1xi32>
    %broadcast_in_dim3A_4276 = vector.shape_cast %eq3A_4275 : vector<512x1xi1> to vector<512x1xi1>
    %broadcast_in_dim3A_4277 = vector.broadcast %broadcast_in_dim3A_4276 : vector<512x1xi1> to vector<512x128xi1>
    %select_n3A_4278 = arith.select %broadcast_in_dim3A_4277, %slice3A_37, %select_n3A_4272 : vector<512x128xi1>, vector<512x128xf32>
    %eq3A_4279 = arith.constant 17 : i32
    %eq3A_4280 = vector.broadcast %eq3A_4279 : i32 to vector<512x1xi32>
    %eq3A_4281 = arith.cmpi eq, %broadcast_in_dim3A_4200, %eq3A_4280 : vector<512x1xi32>
    %broadcast_in_dim3A_4282 = vector.shape_cast %eq3A_4281 : vector<512x1xi1> to vector<512x1xi1>
    %broadcast_in_dim3A_4283 = vector.broadcast %broadcast_in_dim3A_4282 : vector<512x1xi1> to vector<512x128xi1>
    %select_n3A_4284 = arith.select %broadcast_in_dim3A_4283, %slice3A_36, %select_n3A_4278 : vector<512x128xi1>, vector<512x128xf32>
    %eq3A_4285 = arith.constant 16 : i32
    %eq3A_4286 = vector.broadcast %eq3A_4285 : i32 to vector<512x1xi32>
    %eq3A_4287 = arith.cmpi eq, %broadcast_in_dim3A_4200, %eq3A_4286 : vector<512x1xi32>
    %broadcast_in_dim3A_4288 = vector.shape_cast %eq3A_4287 : vector<512x1xi1> to vector<512x1xi1>
    %broadcast_in_dim3A_4289 = vector.broadcast %broadcast_in_dim3A_4288 : vector<512x1xi1> to vector<512x128xi1>
    %select_n3A_4290 = arith.select %broadcast_in_dim3A_4289, %slice3A_35, %select_n3A_4284 : vector<512x128xi1>, vector<512x128xf32>
    %eq3A_4291 = arith.constant 15 : i32
    %eq3A_4292 = vector.broadcast %eq3A_4291 : i32 to vector<512x1xi32>
    %eq3A_4293 = arith.cmpi eq, %broadcast_in_dim3A_4200, %eq3A_4292 : vector<512x1xi32>
    %broadcast_in_dim3A_4294 = vector.shape_cast %eq3A_4293 : vector<512x1xi1> to vector<512x1xi1>
    %broadcast_in_dim3A_4295 = vector.broadcast %broadcast_in_dim3A_4294 : vector<512x1xi1> to vector<512x128xi1>
    %select_n3A_4296 = arith.select %broadcast_in_dim3A_4295, %slice3A_34, %select_n3A_4290 : vector<512x128xi1>, vector<512x128xf32>
    %eq3A_4297 = arith.constant 14 : i32
    %eq3A_4298 = vector.broadcast %eq3A_4297 : i32 to vector<512x1xi32>
    %eq3A_4299 = arith.cmpi eq, %broadcast_in_dim3A_4200, %eq3A_4298 : vector<512x1xi32>
    %broadcast_in_dim3A_4300 = vector.shape_cast %eq3A_4299 : vector<512x1xi1> to vector<512x1xi1>
    %broadcast_in_dim3A_4301 = vector.broadcast %broadcast_in_dim3A_4300 : vector<512x1xi1> to vector<512x128xi1>
    %select_n3A_4302 = arith.select %broadcast_in_dim3A_4301, %slice3A_33, %select_n3A_4296 : vector<512x128xi1>, vector<512x128xf32>
    %eq3A_4303 = arith.constant 13 : i32
    %eq3A_4304 = vector.broadcast %eq3A_4303 : i32 to vector<512x1xi32>
    %eq3A_4305 = arith.cmpi eq, %broadcast_in_dim3A_4200, %eq3A_4304 : vector<512x1xi32>
    %broadcast_in_dim3A_4306 = vector.shape_cast %eq3A_4305 : vector<512x1xi1> to vector<512x1xi1>
    %broadcast_in_dim3A_4307 = vector.broadcast %broadcast_in_dim3A_4306 : vector<512x1xi1> to vector<512x128xi1>
    %select_n3A_4308 = arith.select %broadcast_in_dim3A_4307, %slice3A_32, %select_n3A_4302 : vector<512x128xi1>, vector<512x128xf32>
    %eq3A_4309 = arith.constant 12 : i32
    %eq3A_4310 = vector.broadcast %eq3A_4309 : i32 to vector<512x1xi32>
    %eq3A_4311 = arith.cmpi eq, %broadcast_in_dim3A_4200, %eq3A_4310 : vector<512x1xi32>
    %broadcast_in_dim3A_4312 = vector.shape_cast %eq3A_4311 : vector<512x1xi1> to vector<512x1xi1>
    %broadcast_in_dim3A_4313 = vector.broadcast %broadcast_in_dim3A_4312 : vector<512x1xi1> to vector<512x128xi1>
    %select_n3A_4314 = arith.select %broadcast_in_dim3A_4313, %slice3A_31, %select_n3A_4308 : vector<512x128xi1>, vector<512x128xf32>
    %eq3A_4315 = arith.constant 11 : i32
    %eq3A_4316 = vector.broadcast %eq3A_4315 : i32 to vector<512x1xi32>
    %eq3A_4317 = arith.cmpi eq, %broadcast_in_dim3A_4200, %eq3A_4316 : vector<512x1xi32>
    %broadcast_in_dim3A_4318 = vector.shape_cast %eq3A_4317 : vector<512x1xi1> to vector<512x1xi1>
    %broadcast_in_dim3A_4319 = vector.broadcast %broadcast_in_dim3A_4318 : vector<512x1xi1> to vector<512x128xi1>
    %select_n3A_4320 = arith.select %broadcast_in_dim3A_4319, %slice3A_30, %select_n3A_4314 : vector<512x128xi1>, vector<512x128xf32>
    %eq3A_4321 = arith.constant 10 : i32
    %eq3A_4322 = vector.broadcast %eq3A_4321 : i32 to vector<512x1xi32>
    %eq3A_4323 = arith.cmpi eq, %broadcast_in_dim3A_4200, %eq3A_4322 : vector<512x1xi32>
    %broadcast_in_dim3A_4324 = vector.shape_cast %eq3A_4323 : vector<512x1xi1> to vector<512x1xi1>
    %broadcast_in_dim3A_4325 = vector.broadcast %broadcast_in_dim3A_4324 : vector<512x1xi1> to vector<512x128xi1>
    %select_n3A_4326 = arith.select %broadcast_in_dim3A_4325, %slice3A_29, %select_n3A_4320 : vector<512x128xi1>, vector<512x128xf32>
    %eq3A_4327 = arith.constant 9 : i32
    %eq3A_4328 = vector.broadcast %eq3A_4327 : i32 to vector<512x1xi32>
    %eq3A_4329 = arith.cmpi eq, %broadcast_in_dim3A_4200, %eq3A_4328 : vector<512x1xi32>
    %broadcast_in_dim3A_4330 = vector.shape_cast %eq3A_4329 : vector<512x1xi1> to vector<512x1xi1>
    %broadcast_in_dim3A_4331 = vector.broadcast %broadcast_in_dim3A_4330 : vector<512x1xi1> to vector<512x128xi1>
    %select_n3A_4332 = arith.select %broadcast_in_dim3A_4331, %slice3A_28, %select_n3A_4326 : vector<512x128xi1>, vector<512x128xf32>
    %eq3A_4333 = arith.constant 8 : i32
    %eq3A_4334 = vector.broadcast %eq3A_4333 : i32 to vector<512x1xi32>
    %eq3A_4335 = arith.cmpi eq, %broadcast_in_dim3A_4200, %eq3A_4334 : vector<512x1xi32>
    %broadcast_in_dim3A_4336 = vector.shape_cast %eq3A_4335 : vector<512x1xi1> to vector<512x1xi1>
    %broadcast_in_dim3A_4337 = vector.broadcast %broadcast_in_dim3A_4336 : vector<512x1xi1> to vector<512x128xi1>
    %select_n3A_4338 = arith.select %broadcast_in_dim3A_4337, %slice3A_27, %select_n3A_4332 : vector<512x128xi1>, vector<512x128xf32>
    %eq3A_4339 = arith.constant 7 : i32
    %eq3A_4340 = vector.broadcast %eq3A_4339 : i32 to vector<512x1xi32>
    %eq3A_4341 = arith.cmpi eq, %broadcast_in_dim3A_4200, %eq3A_4340 : vector<512x1xi32>
    %broadcast_in_dim3A_4342 = vector.shape_cast %eq3A_4341 : vector<512x1xi1> to vector<512x1xi1>
    %broadcast_in_dim3A_4343 = vector.broadcast %broadcast_in_dim3A_4342 : vector<512x1xi1> to vector<512x128xi1>
    %select_n3A_4344 = arith.select %broadcast_in_dim3A_4343, %slice3A_26, %select_n3A_4338 : vector<512x128xi1>, vector<512x128xf32>
    %eq3A_4345 = arith.constant 6 : i32
    %eq3A_4346 = vector.broadcast %eq3A_4345 : i32 to vector<512x1xi32>
    %eq3A_4347 = arith.cmpi eq, %broadcast_in_dim3A_4200, %eq3A_4346 : vector<512x1xi32>
    %broadcast_in_dim3A_4348 = vector.shape_cast %eq3A_4347 : vector<512x1xi1> to vector<512x1xi1>
    %broadcast_in_dim3A_4349 = vector.broadcast %broadcast_in_dim3A_4348 : vector<512x1xi1> to vector<512x128xi1>
    %select_n3A_4350 = arith.select %broadcast_in_dim3A_4349, %slice3A_25, %select_n3A_4344 : vector<512x128xi1>, vector<512x128xf32>
    %eq3A_4351 = arith.constant 5 : i32
    %eq3A_4352 = vector.broadcast %eq3A_4351 : i32 to vector<512x1xi32>
    %eq3A_4353 = arith.cmpi eq, %broadcast_in_dim3A_4200, %eq3A_4352 : vector<512x1xi32>
    %broadcast_in_dim3A_4354 = vector.shape_cast %eq3A_4353 : vector<512x1xi1> to vector<512x1xi1>
    %broadcast_in_dim3A_4355 = vector.broadcast %broadcast_in_dim3A_4354 : vector<512x1xi1> to vector<512x128xi1>
    %select_n3A_4356 = arith.select %broadcast_in_dim3A_4355, %slice3A_24, %select_n3A_4350 : vector<512x128xi1>, vector<512x128xf32>
    %eq3A_4357 = arith.constant 4 : i32
    %eq3A_4358 = vector.broadcast %eq3A_4357 : i32 to vector<512x1xi32>
    %eq3A_4359 = arith.cmpi eq, %broadcast_in_dim3A_4200, %eq3A_4358 : vector<512x1xi32>
    %broadcast_in_dim3A_4360 = vector.shape_cast %eq3A_4359 : vector<512x1xi1> to vector<512x1xi1>
    %broadcast_in_dim3A_4361 = vector.broadcast %broadcast_in_dim3A_4360 : vector<512x1xi1> to vector<512x128xi1>
    %select_n3A_4362 = arith.select %broadcast_in_dim3A_4361, %slice3A_23, %select_n3A_4356 : vector<512x128xi1>, vector<512x128xf32>
    %eq3A_4363 = arith.constant 3 : i32
    %eq3A_4364 = vector.broadcast %eq3A_4363 : i32 to vector<512x1xi32>
    %eq3A_4365 = arith.cmpi eq, %broadcast_in_dim3A_4200, %eq3A_4364 : vector<512x1xi32>
    %broadcast_in_dim3A_4366 = vector.shape_cast %eq3A_4365 : vector<512x1xi1> to vector<512x1xi1>
    %broadcast_in_dim3A_4367 = vector.broadcast %broadcast_in_dim3A_4366 : vector<512x1xi1> to vector<512x128xi1>
    %select_n3A_4368 = arith.select %broadcast_in_dim3A_4367, %slice3A_22, %select_n3A_4362 : vector<512x128xi1>, vector<512x128xf32>
    %eq3A_4369 = arith.constant 2 : i32
    %eq3A_4370 = vector.broadcast %eq3A_4369 : i32 to vector<512x1xi32>
    %eq3A_4371 = arith.cmpi eq, %broadcast_in_dim3A_4200, %eq3A_4370 : vector<512x1xi32>
    %broadcast_in_dim3A_4372 = vector.shape_cast %eq3A_4371 : vector<512x1xi1> to vector<512x1xi1>
    %broadcast_in_dim3A_4373 = vector.broadcast %broadcast_in_dim3A_4372 : vector<512x1xi1> to vector<512x128xi1>
    %select_n3A_4374 = arith.select %broadcast_in_dim3A_4373, %slice3A_21, %select_n3A_4368 : vector<512x128xi1>, vector<512x128xf32>
    %eq3A_4375 = arith.constant 1 : i32
    %eq3A_4376 = vector.broadcast %eq3A_4375 : i32 to vector<512x1xi32>
    %eq3A_4377 = arith.cmpi eq, %broadcast_in_dim3A_4200, %eq3A_4376 : vector<512x1xi32>
    %broadcast_in_dim3A_4378 = vector.shape_cast %eq3A_4377 : vector<512x1xi1> to vector<512x1xi1>
    %broadcast_in_dim3A_4379 = vector.broadcast %broadcast_in_dim3A_4378 : vector<512x1xi1> to vector<512x128xi1>
    %select_n3A_4380 = arith.select %broadcast_in_dim3A_4379, %slice3A_20, %select_n3A_4374 : vector<512x128xi1>, vector<512x128xf32>
    %eq3A_4381 = arith.constant 0 : i32
    %eq3A_4382 = vector.broadcast %eq3A_4381 : i32 to vector<512x1xi32>
    %eq3A_4383 = arith.cmpi eq, %broadcast_in_dim3A_4200, %eq3A_4382 : vector<512x1xi32>
    %broadcast_in_dim3A_4384 = vector.shape_cast %eq3A_4383 : vector<512x1xi1> to vector<512x1xi1>
    %broadcast_in_dim3A_4385 = vector.broadcast %broadcast_in_dim3A_4384 : vector<512x1xi1> to vector<512x128xi1>
    %select_n3A_4386 = arith.select %broadcast_in_dim3A_4385, %slice3A, %select_n3A_4380 : vector<512x128xi1>, vector<512x128xf32>
    %mul3A_4387 = arith.constant 128 : i32
    %mul3A_4388 = vector.broadcast %mul3A_4387 : i32 to vector<512x1xi32>
    %mul3A_4389 = arith.muli %broadcast_in_dim3A_4200, %mul3A_4388 : vector<512x1xi32>
    %add3A_4390 = vector.broadcast %mul3A_4389 : vector<512x1xi32> to vector<512x128xi32>
    %add3A_4391 = arith.addi %add3A_4390, %iota3A_146 : vector<512x128xi32>
    %eq3A_4392 = vector.broadcast %add3A_354 : vector<512x1xi32> to vector<512x128xi32>
    %eq3A_4393 = arith.cmpi eq, %add3A_4391, %eq3A_4392 : vector<512x128xi32>
    %jit3A_4394 = arith.constant 0x7F800000 : f32
    %broadcast_in_dim3A_4395 = vector.broadcast %jit3A_4394 : f32 to vector<512x128xf32>
    %select_n3A_4396 = arith.select %eq3A_4393, %broadcast_in_dim3A_4395, %select_n3A_4386 : vector<512x128xi1>, vector<512x128xf32>
    %eq3A_4397 = vector.broadcast %add3A_593 : vector<512x1xi32> to vector<512x128xi32>
    %eq3A_4398 = arith.cmpi eq, %add3A_4391, %eq3A_4397 : vector<512x128xi32>
    %jit3A_4399 = arith.constant 0x7F800000 : f32
    %broadcast_in_dim3A_4400 = vector.broadcast %jit3A_4399 : f32 to vector<512x128xf32>
    %select_n3A_4401 = arith.select %eq3A_4398, %broadcast_in_dim3A_4400, %select_n3A_4396 : vector<512x128xi1>, vector<512x128xf32>
    %eq3A_4402 = vector.broadcast %add3A_838 : vector<512x1xi32> to vector<512x128xi32>
    %eq3A_4403 = arith.cmpi eq, %add3A_4391, %eq3A_4402 : vector<512x128xi32>
    %jit3A_4404 = arith.constant 0x7F800000 : f32
    %broadcast_in_dim3A_4405 = vector.broadcast %jit3A_4404 : f32 to vector<512x128xf32>
    %select_n3A_4406 = arith.select %eq3A_4403, %broadcast_in_dim3A_4405, %select_n3A_4401 : vector<512x128xi1>, vector<512x128xf32>
    %eq3A_4407 = vector.broadcast %add3A_1088 : vector<512x1xi32> to vector<512x128xi32>
    %eq3A_4408 = arith.cmpi eq, %add3A_4391, %eq3A_4407 : vector<512x128xi32>
    %jit3A_4409 = arith.constant 0x7F800000 : f32
    %broadcast_in_dim3A_4410 = vector.broadcast %jit3A_4409 : f32 to vector<512x128xf32>
    %select_n3A_4411 = arith.select %eq3A_4408, %broadcast_in_dim3A_4410, %select_n3A_4406 : vector<512x128xi1>, vector<512x128xf32>
    %eq3A_4412 = vector.broadcast %add3A_1343 : vector<512x1xi32> to vector<512x128xi32>
    %eq3A_4413 = arith.cmpi eq, %add3A_4391, %eq3A_4412 : vector<512x128xi32>
    %jit3A_4414 = arith.constant 0x7F800000 : f32
    %broadcast_in_dim3A_4415 = vector.broadcast %jit3A_4414 : f32 to vector<512x128xf32>
    %select_n3A_4416 = arith.select %eq3A_4413, %broadcast_in_dim3A_4415, %select_n3A_4411 : vector<512x128xi1>, vector<512x128xf32>
    %eq3A_4417 = vector.broadcast %add3A_1603 : vector<512x1xi32> to vector<512x128xi32>
    %eq3A_4418 = arith.cmpi eq, %add3A_4391, %eq3A_4417 : vector<512x128xi32>
    %jit3A_4419 = arith.constant 0x7F800000 : f32
    %broadcast_in_dim3A_4420 = vector.broadcast %jit3A_4419 : f32 to vector<512x128xf32>
    %select_n3A_4421 = arith.select %eq3A_4418, %broadcast_in_dim3A_4420, %select_n3A_4416 : vector<512x128xi1>, vector<512x128xf32>
    %eq3A_4422 = vector.broadcast %add3A_1868 : vector<512x1xi32> to vector<512x128xi32>
    %eq3A_4423 = arith.cmpi eq, %add3A_4391, %eq3A_4422 : vector<512x128xi32>
    %jit3A_4424 = arith.constant 0x7F800000 : f32
    %broadcast_in_dim3A_4425 = vector.broadcast %jit3A_4424 : f32 to vector<512x128xf32>
    %select_n3A_4426 = arith.select %eq3A_4423, %broadcast_in_dim3A_4425, %select_n3A_4421 : vector<512x128xi1>, vector<512x128xf32>
    %eq3A_4427 = vector.broadcast %add3A_2138 : vector<512x1xi32> to vector<512x128xi32>
    %eq3A_4428 = arith.cmpi eq, %add3A_4391, %eq3A_4427 : vector<512x128xi32>
    %jit3A_4429 = arith.constant 0x7F800000 : f32
    %broadcast_in_dim3A_4430 = vector.broadcast %jit3A_4429 : f32 to vector<512x128xf32>
    %select_n3A_4431 = arith.select %eq3A_4428, %broadcast_in_dim3A_4430, %select_n3A_4426 : vector<512x128xi1>, vector<512x128xf32>
    %eq3A_4432 = vector.broadcast %add3A_2413 : vector<512x1xi32> to vector<512x128xi32>
    %eq3A_4433 = arith.cmpi eq, %add3A_4391, %eq3A_4432 : vector<512x128xi32>
    %jit3A_4434 = arith.constant 0x7F800000 : f32
    %broadcast_in_dim3A_4435 = vector.broadcast %jit3A_4434 : f32 to vector<512x128xf32>
    %select_n3A_4436 = arith.select %eq3A_4433, %broadcast_in_dim3A_4435, %select_n3A_4431 : vector<512x128xi1>, vector<512x128xf32>
    %eq3A_4437 = vector.broadcast %add3A_2693 : vector<512x1xi32> to vector<512x128xi32>
    %eq3A_4438 = arith.cmpi eq, %add3A_4391, %eq3A_4437 : vector<512x128xi32>
    %jit3A_4439 = arith.constant 0x7F800000 : f32
    %broadcast_in_dim3A_4440 = vector.broadcast %jit3A_4439 : f32 to vector<512x128xf32>
    %select_n3A_4441 = arith.select %eq3A_4438, %broadcast_in_dim3A_4440, %select_n3A_4436 : vector<512x128xi1>, vector<512x128xf32>
    %eq3A_4442 = vector.broadcast %add3A_2978 : vector<512x1xi32> to vector<512x128xi32>
    %eq3A_4443 = arith.cmpi eq, %add3A_4391, %eq3A_4442 : vector<512x128xi32>
    %jit3A_4444 = arith.constant 0x7F800000 : f32
    %broadcast_in_dim3A_4445 = vector.broadcast %jit3A_4444 : f32 to vector<512x128xf32>
    %select_n3A_4446 = arith.select %eq3A_4443, %broadcast_in_dim3A_4445, %select_n3A_4441 : vector<512x128xi1>, vector<512x128xf32>
    %eq3A_4447 = vector.broadcast %add3A_3268 : vector<512x1xi32> to vector<512x128xi32>
    %eq3A_4448 = arith.cmpi eq, %add3A_4391, %eq3A_4447 : vector<512x128xi32>
    %jit3A_4449 = arith.constant 0x7F800000 : f32
    %broadcast_in_dim3A_4450 = vector.broadcast %jit3A_4449 : f32 to vector<512x128xf32>
    %select_n3A_4451 = arith.select %eq3A_4448, %broadcast_in_dim3A_4450, %select_n3A_4446 : vector<512x128xi1>, vector<512x128xf32>
    %eq3A_4452 = vector.broadcast %add3A_3563 : vector<512x1xi32> to vector<512x128xi32>
    %eq3A_4453 = arith.cmpi eq, %add3A_4391, %eq3A_4452 : vector<512x128xi32>
    %jit3A_4454 = arith.constant 0x7F800000 : f32
    %broadcast_in_dim3A_4455 = vector.broadcast %jit3A_4454 : f32 to vector<512x128xf32>
    %select_n3A_4456 = arith.select %eq3A_4453, %broadcast_in_dim3A_4455, %select_n3A_4451 : vector<512x128xi1>, vector<512x128xf32>
    %eq3A_4457 = vector.broadcast %add3A_3863 : vector<512x1xi32> to vector<512x128xi32>
    %eq3A_4458 = arith.cmpi eq, %add3A_4391, %eq3A_4457 : vector<512x128xi32>
    %jit3A_4459 = arith.constant 0x7F800000 : f32
    %broadcast_in_dim3A_4460 = vector.broadcast %jit3A_4459 : f32 to vector<512x128xf32>
    %select_n3A_4461 = arith.select %eq3A_4458, %broadcast_in_dim3A_4460, %select_n3A_4456 : vector<512x128xi1>, vector<512x128xf32>
    %eq3A_4462 = vector.broadcast %add3A_4168 : vector<512x1xi32> to vector<512x128xi32>
    %eq3A_4463 = arith.cmpi eq, %add3A_4391, %eq3A_4462 : vector<512x128xi32>
    %jit3A_4464 = arith.constant 0x7F800000 : f32
    %broadcast_in_dim3A_4465 = vector.broadcast %jit3A_4464 : f32 to vector<512x128xf32>
    %select_n3A_4466 = arith.select %eq3A_4463, %broadcast_in_dim3A_4465, %select_n3A_4461 : vector<512x128xi1>, vector<512x128xf32>
    %eq3A_4467 = vector.broadcast %broadcast_in_dim3A_4192 : vector<512x1xf32> to vector<512x128xf32>
    %eq3A_4468 = arith.cmpf oeq, %select_n3A_4466, %eq3A_4467 : vector<512x128xf32>
    %jit3A_4469 = arith.constant 128 : i32
    %broadcast_in_dim3A_4470 = vector.broadcast %jit3A_4469 : i32 to vector<512x128xi32>
    %select_n3A_4471 = arith.select %eq3A_4468, %iota3A_146, %broadcast_in_dim3A_4470 : vector<512x128xi1>, vector<512x128xi32>
    %reduce_min3A_4472 = arith.constant dense<2147483647> : vector<512xi32>
    %reduce_min3A_4473 = vector.multi_reduction <minsi>, %select_n3A_4471, %reduce_min3A_4472 [1] : vector<512x128xi32> to vector<512xi32>
    %broadcast_in_dim3A_4474 = vector.shape_cast %reduce_min3A_4473 : vector<512xi32> to vector<512x1xi32>
    %mul3A_4475 = arith.constant 128 : i32
    %mul3A_4476 = vector.broadcast %mul3A_4475 : i32 to vector<512x1xi32>
    %mul3A_4477 = arith.muli %broadcast_in_dim3A_4200, %mul3A_4476 : vector<512x1xi32>
    %add3A_4478 = arith.addi %mul3A_4477, %broadcast_in_dim3A_4474 : vector<512x1xi32>
    %add3A_4479 = vector.broadcast %mul3A_148 : i32 to vector<512x1xi32>
    %add3A_4480 = arith.addi %add3A_4478, %add3A_4479 : vector<512x1xi32>
    %swap3A_4481 = arith.constant 0 : index
    %swap3A_4482 = arith.constant 0 : index
    %swap3A_4483 = arith.constant 15 : index
    %swap3A_4484 = vector.load %arg4[%swap3A_4481, %swap3A_4482, %swap3A_4483] : memref<1x512x16xi32, #tpu.memory_space<vmem>>, vector<1x512x1xi32>
    %swap3A_4485 = vector.shape_cast %swap3A_4484 : vector<1x512x1xi32> to vector<512x1xi32>
    %swap3A_4486 = vector.shape_cast %add3A_4480 : vector<512x1xi32> to vector<1x512x1xi32>
    tpu.vector_store %arg4[%swap3A_4481, %swap3A_4482, %swap3A_4483], %swap3A_4486 {strides = array<i32>} : memref<1x512x16xi32, #tpu.memory_space<vmem>>, vector<1x512x1xi32>,
    return
  }
  func.func @transform_0(%arg0: i32, %arg1: i32) -> (i32, i32, i32) {
    %c0_i32 = arith.constant 0 : i32
    %c0_i32_0 = arith.constant 0 : i32
    return %arg0, %c0_i32, %arg1 : i32, i32, i32
  }
  func.func @transform_1(%arg0: i32, %arg1: i32) -> (i32, i32, i32) {
    %c0_i32 = arith.constant 0 : i32
    %c0_i32_0 = arith.constant 0 : i32
    %c0_i32_1 = arith.constant 0 : i32
    return %arg0, %c0_i32, %c0_i32_0 : i32, i32, i32
  }
  func.func @transform_2(%arg0: i32, %arg1: i32) -> (i32, i32, i32) {
    %c0_i32 = arith.constant 0 : i32
    %c0_i32_0 = arith.constant 0 : i32
    return %arg0, %arg1, %c0_i32 : i32, i32, i32
  }
}

module attributes {stable_mosaic.version = 14 : i64} {
  func.func @_mlp_body(%arg0: i32, %arg1: i32, %arg2: memref<1x64x16x256xf32, #tpu.memory_space<vmem>>, %arg3: memref<1x1024x4xf32, #tpu.memory_space<vmem>>, %arg4: memref<4x128xf32, #tpu.memory_space<vmem>>, %arg5: memref<256x128xf32, #tpu.memory_space<vmem>>, %arg6: memref<1x128xf32, #tpu.memory_space<vmem>>, %arg7: memref<128x64xf32, #tpu.memory_space<vmem>>, %arg8: memref<1x64xf32, #tpu.memory_space<vmem>>, %arg9: memref<1x64x256xf32, #tpu.memory_space<vmem>>) attributes {dimension_semantics = [#tpu.dimension_semantics<arbitrary>, #tpu.dimension_semantics<arbitrary>], iteration_bounds = array<i64: 2, 64>, scalar_prefetch = 0 : i64, scratch_operands = 0 : i64, tpu.core_type = #tpu.core_type<tc>, window_params = [{transform_indices = @transform_0, window_bounds = array<i64: 1, 64, 16, 256>}, {transform_indices = @transform_1, window_bounds = array<i64: 1, 1024, 4>}, {pipeline_mode = #tpu.pipeline_mode<synchronous>, transform_indices = @transform_2, window_bounds = array<i64: 4, 128>}, {pipeline_mode = #tpu.pipeline_mode<synchronous>, transform_indices = @transform_3, window_bounds = array<i64: 256, 128>}, {pipeline_mode = #tpu.pipeline_mode<synchronous>, transform_indices = @transform_4, window_bounds = array<i64: 1, 128>}, {pipeline_mode = #tpu.pipeline_mode<synchronous>, transform_indices = @transform_5, window_bounds = array<i64: 128, 64>}, {pipeline_mode = #tpu.pipeline_mode<synchronous>, transform_indices = @transform_6, window_bounds = array<i64: 1, 64>}, {transform_indices = @transform_7, window_bounds = array<i64: 1, 64, 256>}]} {
    %get3A = arith.constant 0 : index
    %get3A_0 = arith.constant 0 : index
    %get3A_1 = arith.constant 0 : index
    %get3A_2 = arith.constant 0 : index
    %get3A_3 = vector.load %arg2[%get3A, %get3A_0, %get3A_1, %get3A_2] : memref<1x64x16x256xf32, #tpu.memory_space<vmem>>, vector<1x64x16x256xf32>
    %get3A_4 = vector.shape_cast %get3A_3 : vector<1x64x16x256xf32> to vector<64x16x256xf32>
    %reshape3A = vector.shape_cast %get3A_4 : vector<64x16x256xf32> to vector<1024x256xf32>
    %get3A_5 = arith.constant 0 : index
    %get3A_6 = arith.constant 0 : index
    %get3A_7 = arith.constant 0 : index
    %get3A_8 = vector.load %arg3[%get3A_5, %get3A_6, %get3A_7] : memref<1x1024x4xf32, #tpu.memory_space<vmem>>, vector<1x1024x4xf32>
    %get3A_9 = vector.shape_cast %get3A_8 : vector<1x1024x4xf32> to vector<1024x4xf32>
    %slice3A = vector.extract_strided_slice %get3A_9 {offsets = [0, 0], sizes = [1024, 3], strides = [1, 1]} : vector<1024x4xf32> to vector<1024x3xf32>
    %slice3A_10 = vector.extract_strided_slice %get3A_9 {offsets = [0, 3], sizes = [1024, 1], strides = [1, 1]} : vector<1024x4xf32> to vector<1024x1xf32>
    %sqrt3A = math.sqrt %slice3A_10 : vector<1024x1xf32>
    %concatenate3A = tpu.concatenate %slice3A, %sqrt3A in 1 : vector<1024x3xf32>, vector<1024x1xf32> -> vector<1024x4xf32>
    %get3A_11 = arith.constant 0 : index
    %get3A_12 = arith.constant 0 : index
    %get3A_13 = vector.load %arg5[%get3A_11, %get3A_12] : memref<256x128xf32, #tpu.memory_space<vmem>>, vector<256x128xf32>
    %dot_general3A = arith.constant dense<0.000000e+00> : vector<1024x128xf32>
    %dot_general3A_14 = tpu.matmul %reshape3A, %get3A_13, %dot_general3A {dimension_numbers = #tpu.dot_dimension_numbers<[1], [0], [0], [1], [0, 0, 1, 1], [], []>, transpose_lhs_hint = false} : vector<1024x256xf32>, vector<256x128xf32>, vector<1024x128xf32> -> vector<1024x128xf32>
    %get3A_15 = arith.constant 0 : index
    %get3A_16 = arith.constant 0 : index
    %get3A_17 = vector.load %arg4[%get3A_15, %get3A_16] : memref<4x128xf32, #tpu.memory_space<vmem>>, vector<4x128xf32>
    %dot_general3A_18 = arith.constant dense<0.000000e+00> : vector<1024x128xf32>
    %dot_general3A_19 = tpu.matmul %concatenate3A, %get3A_17, %dot_general3A_18 {dimension_numbers = #tpu.dot_dimension_numbers<[1], [0], [0], [1], [0, 0, 1, 1], [], []>, transpose_lhs_hint = false} : vector<1024x4xf32>, vector<4x128xf32>, vector<1024x128xf32> -> vector<1024x128xf32>
    %add3A = arith.addf %dot_general3A_14, %dot_general3A_19 : vector<1024x128xf32>
    %get3A_20 = arith.constant 0 : index
    %get3A_21 = arith.constant 0 : index
    %get3A_22 = vector.load %arg6[%get3A_20, %get3A_21] : memref<1x128xf32, #tpu.memory_space<vmem>>, vector<1x128xf32>
    %add3A_23 = vector.broadcast %get3A_22 : vector<1x128xf32> to vector<1024x128xf32>
    %add3A_24 = arith.addf %add3A, %add3A_23 : vector<1024x128xf32>
    %get3A_25 = arith.constant 0 : index
    %get3A_26 = arith.constant 0 : index
    %get3A_27 = vector.load %arg7[%get3A_25, %get3A_26] : memref<128x64xf32, #tpu.memory_space<vmem>>, vector<128x64xf32>
    %dot_general3A_28 = arith.constant dense<0.000000e+00> : vector<1024x64xf32>
    %dot_general3A_29 = tpu.matmul %add3A_24, %get3A_27, %dot_general3A_28 {dimension_numbers = #tpu.dot_dimension_numbers<[1], [0], [0], [1], [0, 0, 1, 1], [], []>, transpose_lhs_hint = false} : vector<1024x128xf32>, vector<128x64xf32>, vector<1024x64xf32> -> vector<1024x64xf32>
    %get3A_30 = arith.constant 0 : index
    %get3A_31 = arith.constant 0 : index
    %get3A_32 = vector.load %arg8[%get3A_30, %get3A_31] : memref<1x64xf32, #tpu.memory_space<vmem>>, vector<1x64xf32>
    %add3A_33 = vector.broadcast %get3A_32 : vector<1x64xf32> to vector<1024x64xf32>
    %add3A_34 = arith.addf %dot_general3A_29, %add3A_33 : vector<1024x64xf32>
    %reduce_max3A = arith.constant dense<0xFF800000> : vector<1024xf32>
    %reduce_max3A_35 = vector.multi_reduction <maximumf>, %add3A_34, %reduce_max3A [1] : vector<1024x64xf32> to vector<1024xf32>
    %reshape3A_36 = vector.shape_cast %reduce_max3A_35 : vector<1024xf32> to vector<64x16xf32>
    %reduce_max3A_37 = arith.constant dense<0xFF800000> : vector<64xf32>
    %reduce_max3A_38 = vector.multi_reduction <maximumf>, %reshape3A_36, %reduce_max3A_37 [1] : vector<64x16xf32> to vector<64xf32>
    %broadcast_in_dim3A = vector.shape_cast %reduce_max3A_38 : vector<64xf32> to vector<64x1xf32>
    %sub3A = vector.broadcast %broadcast_in_dim3A : vector<64x1xf32> to vector<64x16xf32>
    %sub3A_39 = arith.subf %reshape3A_36, %sub3A : vector<64x16xf32>
    %exp3A = math.exp %sub3A_39 : vector<64x16xf32>
    %reduce_sum3A = arith.constant dense<0.000000e+00> : vector<64xf32>
    %reduce_sum3A_40 = vector.multi_reduction <add>, %exp3A, %reduce_sum3A [1] : vector<64x16xf32> to vector<64xf32>
    %broadcast_in_dim3A_41 = vector.shape_cast %reduce_sum3A_40 : vector<64xf32> to vector<64x1xf32>
    %div3A = vector.broadcast %broadcast_in_dim3A_41 : vector<64x1xf32> to vector<64x16xf32>
    %div3A_42 = arith.divf %exp3A, %div3A : vector<64x16xf32>
    %reshape3A_43 = vector.shape_cast %reshape3A : vector<1024x256xf32> to vector<64x16x256xf32>
    %broadcast_in_dim3A_44 = vector.shape_cast %div3A_42 : vector<64x16xf32> to vector<64x16x1xf32>
    %mul3A = vector.broadcast %broadcast_in_dim3A_44 : vector<64x16x1xf32> to vector<64x16x256xf32>
    %mul3A_45 = arith.mulf %reshape3A_43, %mul3A : vector<64x16x256xf32>
    %reduce_sum3A_46 = arith.constant dense<0.000000e+00> : vector<64x256xf32>
    %reduce_sum3A_47 = vector.multi_reduction <add>, %mul3A_45, %reduce_sum3A_46 [1] : vector<64x16x256xf32> to vector<64x256xf32>
    %swap3A = arith.constant 0 : index
    %swap3A_48 = arith.constant 0 : index
    %swap3A_49 = arith.constant 0 : index
    %swap3A_50 = vector.load %arg9[%swap3A, %swap3A_48, %swap3A_49] : memref<1x64x256xf32, #tpu.memory_space<vmem>>, vector<1x64x256xf32>
    %swap3A_51 = vector.shape_cast %swap3A_50 : vector<1x64x256xf32> to vector<64x256xf32>
    %swap3A_52 = vector.shape_cast %reduce_sum3A_47 : vector<64x256xf32> to vector<1x64x256xf32>
    tpu.vector_store %arg9[%swap3A, %swap3A_48, %swap3A_49], %swap3A_52 {strides = array<i32>} : memref<1x64x256xf32, #tpu.memory_space<vmem>>, vector<1x64x256xf32>,
    return
  }
  func.func @transform_0(%arg0: i32, %arg1: i32) -> (i32, i32, i32, i32) {
    %c0_i32 = arith.constant 0 : i32
    %c0_i32_0 = arith.constant 0 : i32
    %c0_i32_1 = arith.constant 0 : i32
    return %arg0, %arg1, %c0_i32, %c0_i32_0 : i32, i32, i32, i32
  }
  func.func @transform_1(%arg0: i32, %arg1: i32) -> (i32, i32, i32) {
    %c0_i32 = arith.constant 0 : i32
    %c0_i32_0 = arith.constant 0 : i32
    return %arg0, %arg1, %c0_i32 : i32, i32, i32
  }
  func.func @transform_2(%arg0: i32, %arg1: i32) -> (i32, i32) {
    %c0_i32 = arith.constant 0 : i32
    %c0_i32_0 = arith.constant 0 : i32
    %c0_i32_1 = arith.constant 0 : i32
    return %c0_i32, %c0_i32_0 : i32, i32
  }
  func.func @transform_3(%arg0: i32, %arg1: i32) -> (i32, i32) {
    %c0_i32 = arith.constant 0 : i32
    %c0_i32_0 = arith.constant 0 : i32
    %c0_i32_1 = arith.constant 0 : i32
    return %c0_i32, %c0_i32_0 : i32, i32
  }
  func.func @transform_4(%arg0: i32, %arg1: i32) -> (i32, i32) {
    %c0_i32 = arith.constant 0 : i32
    %c0_i32_0 = arith.constant 0 : i32
    %c0_i32_1 = arith.constant 0 : i32
    return %c0_i32, %c0_i32_0 : i32, i32
  }
  func.func @transform_5(%arg0: i32, %arg1: i32) -> (i32, i32) {
    %c0_i32 = arith.constant 0 : i32
    %c0_i32_0 = arith.constant 0 : i32
    %c0_i32_1 = arith.constant 0 : i32
    return %c0_i32, %c0_i32_0 : i32, i32
  }
  func.func @transform_6(%arg0: i32, %arg1: i32) -> (i32, i32) {
    %c0_i32 = arith.constant 0 : i32
    %c0_i32_0 = arith.constant 0 : i32
    %c0_i32_1 = arith.constant 0 : i32
    return %c0_i32, %c0_i32_0 : i32, i32
  }
  func.func @transform_7(%arg0: i32, %arg1: i32) -> (i32, i32, i32) {
    %c0_i32 = arith.constant 0 : i32
    %c0_i32_0 = arith.constant 0 : i32
    return %arg0, %arg1, %c0_i32 : i32, i32, i32
  }
}

</mosaic_0001>

<sc_bundles>
// kernel: kernel.5.cloned.1.call-start
scs
__scs_entry_jumppad:
0x0: {  	(pc) =	sbr.rel $0x88, $3  }
0x1: {  	(tag) =	ssettag $0x0;
	lr =	simm.s32 $0x1  }
0x2: {  	[smem:$0x3F9A] =	sst lr;
	_ =	strace $0xD0000000  }
0x3: {  	_ = 	snop  }
0x4: {  	_ = 	snop  }
0x5: {  	_ = 	snop  }
0x6: {  	_ = 	snop  }
0x7: {  	_ = 	snop  }
__scs_overlays_trampoline_lowered:
0x8: {  	[smem:$0x3FA9] =	sst s0  }
0x9: {  	[smem:$0x3FAA] =	sst s1  }
0xa: {  	[smem:$0x3FAB] =	sst s2  }
0xb: {  	[smem:$0x3FAC] =	sst s3  }
0xc: {  	[smem:$0x3FAD] =	sst s4  }
0xd: {  	[smem:$0x3FAE] =	sst s5  }
0xe: {  	[smem:$0x3FAF] =	sst s6  }
0xf: {  	[smem:$0x3FB0] =	sst s7  }
0x10: {  	[smem:$0x3FB1] =	sst s8  }
0x11: {  	[smem:$0x3FB2] =	sst s9;
	s0 =	simm.s32 @!p0 $0x0  }
0x12: {  	s1 =	sld [smem:$0x3F98];
	s0 =	simm.s32 @p0 $0x1  }
0x13: {  	[smem:$0x3FB3] =	sst s0;
	s0 =	simm.s32 @!p1 $0x0  }
0x14: {  	s2 =	sld [smem:$0x3F97];
	s0 =	simm.s32 @p1 $0x1  }
0x15: {  	[smem:$0x3FB4] =	sst s0;
	s0 =	simm.s32 @!p2 $0x0  }
0x16: {  	s3 =	sld [smem:$0x3FDB];
	s0 =	simm.s32 @p2 $0x1  }
0x17: {  	s4 =	simm.s32 $0x1BF5;
	[smem:$0x3FB6] =	sst s0  }
0x18: {  	s0 =	sld [smem:$0x3F99];
	_ =	swait.ge [sflag:s4], $0x0  }
0x19: {  	s7 =	sld [smem:$0x3F9A]  }
0x1a: {  	s8 =	sadd.s32 $0xFFFFE003, lr  }
0x1b: {  	s9 =	sadd.s32 $0xFFFFFEF7, lr;
	s5 =	simm.s32 $0xFFFFFFFF;
	p2 =	slt.u32 s8, $0xFFFFF086  }
0x1c: {  	p1 =	slt.u32 s9, $0xF7A;
	s5 =	simm.s32 @!p2 $0x0  }
0x1d: {  	s5 =	simm.s32 @p1 $0x1;
	p0 =	seq.s32 s7, s2  }
0x1e: {  	s7 =	smul.u32 @!p0 $0xF7A, s2;
	p2 =	seq.s32 @!p0 s5, $0x0  }
0x1f: {  	s9 =	smul.u32 $0xF7A, s1;
	s8 =	simm.s32 @!p0 $0x1BF5;
	p2 =	por !p2, p0  }
0x20: {  	[sflag:s8] =	ssyncset.s32 @!p0 $0xFFFFF086;
	s6 =	sadd.s32 @!p0 s3, s7;
	s7 =	simm.s32 @!p0 $0x108  }
0x21: {  	s3 =	sadd.s32 s3, s9;
	s6 =	sadd.s32 @!p0 $0x88, s6;
	s7 =	simm.s32 @p2 $0x1082  }
0x22: {  	[simem:s7], [sflag:s8] =	dma.local @!p0 [hbm:s6], $0xF7A  }
0x23: {  	s9 =	sor.u32 $0xD0000000, s2;
	s6 =	simm.s32 $0x108;
	_ =	swait.ge @!p0 [sflag:s8], $0x0  }
0x24: {  	s3 =	sadd.s32 $0x88, s3;
	s6 =	simm.s32 @!p1 $0x1082;
	[sflag:s4] =	ssyncset.s32 $0xFFFFF086  }
0x25: {  	[simem:s6], [sflag:s4] =	dma.local [hbm:s3], $0xF7A  }
0x26: {  	[smem:$0x3F9A] =	sst s1;
	(tag) =	ssettag s2;
	_ =	strace s9  }
0x27: {  	s1 =	sld [smem:$0x3FAA]  }
0x28: {  	s2 =	sld [smem:$0x3FAB]  }
0x29: {  	s4 =	sld [smem:$0x3FAD]  }
0x2a: {  	p0 =	seq.s32 s5, $0x0;
	s5 =	sld [smem:$0x3FAE]  }
0x2b: {  	s6 =	sld [smem:$0x3FAF]  }
0x2c: {  	s7 =	sld [smem:$0x3FB0]  }
0x2d: {  	s3 =	simm.s32 $0x108;
	s8 =	sld [smem:$0x3FB1]  }
0x2e: {  	s3 =	simm.s32 @!p0 $0x1082;
	s9 =	sld [smem:$0x3FB2]  }
0x2f: {  	lr =	sadd.s32 s0, s3;
	s0 =	sld [smem:$0x3FA9]  }
0x30: {  	s3 =	sld [smem:$0x3FAC]  }
0x31: {  	[smem:$0x3FB5] =	sst s10  }
0x32: {  	s10 =	sld [smem:$0x3FB3];
	_ =	sdelay $0x3  }
0x33: {  	p0 =	seq.s32 s10, $0x1;
	s10 =	sld [smem:$0x3FB5];
	_ =	sdelay $0x3  }
0x34: {  	[smem:$0x3FB5] =	sst s10  }
0x35: {  	s10 =	sld [smem:$0x3FB4];
	_ =	sdelay $0x3  }
0x36: {  	p1 =	seq.s32 s10, $0x1;
	s10 =	sld [smem:$0x3FB5];
	_ =	sdelay $0x3  }
0x37: {  	[smem:$0x3FB5] =	sst s10  }
0x38: {  	s10 =	sld [smem:$0x3FB6]  }
0x39: {  	_ = 	snop;
	(pc) =	sbr.ind lr, $3  }
0x3a: {  	_ = 	snop  }
0x3b: {  	_ = 	snop  }
0x3c: {  	p2 =	seq.s32 s10, $0x1;
	s10 =	sld [smem:$0x3FB5]  }
0x3d: {  	_ =	shalt  }
0x3e: {  	_ =	shalt  }
0x3f: {  	_ =	shalt  }
0x40: {  	_ =	shalt  }
0x41: {  	_ =	shalt  }
0x42: {  	_ =	shalt  }
0x43: {  	_ =	shalt  }
0x44: {  	_ =	shalt  }
0x45: {  	_ =	shalt  }
0x46: {  	_ =	shalt  }
0x47: {  	_ =	shalt  }
0x48: {  	_ =	shalt  }
0x49: {  	_ =	shalt  }
0x4a: {  	_ =	shalt  }
0x4b: {  	_ =	shalt  }
0x4c: {  	_ =	shalt  }
0x4d: {  	_ =	shalt  }
0x4e: {  	_ =	shalt  }
0x4f: {  	_ =	shalt  }
0x50: {  	_ =	shalt  }
0x51: {  	_ =	shalt  }
0x52: {  	_ =	shalt  }
0x53: {  	_ =	shalt  }
0x54: {  	_ =	shalt  }
0x55: {  	_ =	shalt  }
0x56: {  	_ =	shalt  }
0x57: {  	_ =	shalt  }
0x58: {  	_ =	shalt  }
0x59: {  	_ =	shalt  }
0x5a: {  	_ =	shalt  }
0x5b: {  	_ =	shalt  }
0x5c: {  	_ =	shalt  }
0x5d: {  	_ =	shalt  }
0x5e: {  	_ =	shalt  }
0x5f: {  	_ =	shalt  }
0x60: {  	_ =	shalt  }
0x61: {  	_ =	shalt  }
0x62: {  	_ =	shalt  }
0x63: {  	_ =	shalt  }
0x64: {  	_ =	shalt  }
0x65: {  	_ =	shalt  }
0x66: {  	_ =	shalt  }
0x67: {  	_ =	shalt  }
0x68: {  	_ =	shalt  }
0x69: {  	_ =	shalt  }
0x6a: {  	_ =	shalt  }
0x6b: {  	_ =	shalt  }
0x6c: {  	_ =	shalt  }
0x6d: {  	_ =	shalt  }
0x6e: {  	_ =	shalt  }
0x6f: {  	_ =	shalt  }
0x70: {  	_ =	shalt  }
0x71: {  	_ =	shalt  }
0x72: {  	_ =	shalt  }
0x73: {  	_ =	shalt  }
0x74: {  	_ =	shalt  }
0x75: {  	_ =	shalt  }
0x76: {  	_ =	shalt  }
0x77: {  	_ =	shalt  }
0x78: {  	_ =	shalt  }
0x79: {  	_ =	shalt  }
0x7a: {  	_ =	shalt  }
0x7b: {  	_ =	shalt  }
0x7c: {  	_ =	shalt  }
0x7d: {  	_ =	shalt  }
0x7e: {  	_ =	shalt  }
0x7f: {  	_ =	shalt  }
0x80: {  	_ =	shalt  }
0x81: {  	_ =	shalt  }
0x82: {  	_ =	shalt  }
0x83: {  	_ =	shalt  }
0x84: {  	_ =	shalt  }
0x85: {  	_ =	shalt  }
0x86: {  	_ =	shalt  }
0x87: {  	_ =	shalt  }
.Lfunc_end0:
.L_simem_size_0:
called_computation_lowered:
.L_overlay_start_0:
0x88: {  	s2 =	sld [smem:$0x3FD9]  }
0x89: {  	s3 =	sld [smem:$0x3FFE];
	_ =	sdelay $0x1  }
0x8a: {  	s1 =	srdreg.scid  }
0x8b: {  	s0 =	sand.u32 $0x1, s1  }
0x8c: {  	s17 =	sshll.u32 s0, $0xA;
	s2 =	sadd.s32 s3, s2  }
0x8d: {  	s2 =	sadd.s32 s2, s17  }
0x8e: {  	[smem:$0x3FC1] =	sst s2  }
0x8f: {  	_ = 	snop  }
0x90: {  	s2 =	sld [smem:$0x3FD0];
	(tm) =	ssettm $0x1  }
0x91: {  	s18 =	sld [smem:$0x3FFB];
	_ =	sdelay $0x3  }
0x92: {  	_ =	strace s18  }
0x93: {  	s3 =	sld [smem:$0x3FFC];
	_ =	sdelay $0x3  }
0x94: {  	_ =	strace s3  }
0x95: {  	s3 =	sld [smem:$0x3FFD];
	_ =	sdelay $0x3  }
0x96: {  	_ =	strace s3  }
0x97: {  	_ =	strace $0x8FFFFFFF  }
0x98: {  	s19 =	sld [smem:$0x3FDB];
	_ =	sdelay $0x1  }
0x99: {  	s4 =	simm.s32 $_scs_section_size  }
0x9a: {  	s5 =	simm.s32 $_size__tile_overlayer_lowered;
	s6 =	simm.s32 $_tile_overlayer_lowered  }
0x9b: {  	s22 =	simm.s32 $0x1BFF;
	s21 =	sshll.u32 s6, $0x1;
	s3 =	sadd.s32 s4, s19  }
0x9c: {  	s7 =	simm.s32 $0x0;
	s20 =	sshll.u32 s5, $0x1;
	s5 =	sadd.s32 s21, s3  }
0x9d: {  	[timem:s7], [sflag:s22] =	dma.local [hbm:s5], s20  }
0x9e: {  	_ =	swait.ge [sflag:s22], s20  }
0x9f: {  	s4 =	ssub.s32 $0x0, s20;
	[sflag:s22] =	ssyncset.done $0x0  }
0xa0: {  	[sflag:s22] =	ssyncadd.s32 s4;
	_ =	sdelay $0x1  }
0xa1: {  	s23 =	simm.s32 $0x1B8B  }
0xa2: {  	_ =	swait.ge [sflag:s23], $0x1  }
0xa3: {  	[sflag:s23] =	ssyncset.done $0x0  }
0xa4: {  	s25 =	simm.s32 $0x1B8E;
	s24 =	sld [smem:$0x3FFE];
	[sflag:s23] =	ssyncadd.s32 $0xFFFFFFFF  }
0xa5: {  	s26 =	simm.s32 $execute0_lowered;
	[smem:$0x3FD2] =	sst s25  }
0xa6: {  	s5 =	sshll.u32 s26, $0x1;
	_ =	strace $0x80000046;
	[dreg:$0x1] =	wrdreg $0xFFFFFFFF  }
0xa7: {  	s28 =	simm.s32 $_size_execute0_lowered;
	s3 =	sadd.s32 s3, s5;
	[dreg:$0x0] =	wrdreg $0x0  }
0xa8: {  	s5 =	sshll.u32 s28, $0x1;
	[dreg:$0x2] =	wrdreg s3  }
0xa9: {  	[dreg:$0x3] =	wrdreg s5  }
0xaa: {  	[dreg:$0x4] =	wrdreg $0xC0  }
0xab: {  	_ =	task [dreg:s7], $0x5FFFF  }
0xac: {  	[dreg:$0x1] =	wrdreg $0xFFFFFFFF  }
0xad: {  	[dreg:$0x0] =	wrdreg $0x60  }
0xae: {  	[dreg:$0x2] =	wrdreg s2  }
0xaf: {  	[dreg:$0x3] =	wrdreg s24  }
0xb0: {  	[dreg:$0x4] =	wrdreg $0x9  }
0xb1: {  	_ =	task.clear_ibuf [dreg:s7], $0x5FFFF;
	_ =	strace $0x90000046  }
0xb2: {  	s29 =	simm.s32 $0x9;
	_ =	strace $0x80000048  }
0xb3: {  	_ =	swait.ge [sflag:s29], $0x1  }
0xb4: {  	[sflag:s29] =	ssyncadd.s32 $0xFFFFFFFF  }
0xb5: {  	_ =	strace $0x90000048  }
0xb6: {  	_ =	sfence  }
0xb7: {  	s30 =	sld [smem:$0x0];
	_ =	sdelay $0x2  }
0xb8: {  	s31 =	sshll.u32 s1, $0xD;
	s1 =	sshrl.u32 s1, $0x2  }
0xb9: {  	s3 =	sand.u32 $0x4000, s31;
	s1 =	sadd.s32 s1, s30  }
0xba: {  	s0 =	sor.u32 s3, s0;
	s1 =	sshll.u32 s1, $0x11  }
0xbb: {  	s0 =	sor.u32 s1, s0  }
0xbc: {  	s0 =	sadd.s32 $0x8F2B, s0  }
0xbd: {  	[sflag:s0] =	ssyncadd.remote.s32 $0x1  }
0xbe: {  	_ =	sfence.sel $0xFFFF  }
0xbf: {  	[dreg:$0x0] =	wrdreg $0xFFFFFFFF;
	(pc) =	sbr.abs _section_cstart, $3  }
0xc0: {  	[dreg:$0x1] =	wrdreg $0xFFFFFFFF  }
0xc1: {  	_ =	task.clear_ibuf [dreg:s7], $0x2FFFF;
	_ =	strace $0x9FFFFFFF  }
0xc2: {  	(tm) =	ssettm $0x7FFFFFFF  }
0xc3: {  	_ =	shalt  }
tec
execute0_lowered:
.L_overlay_start_1:
0x0: {  	(tag) =	ssettag $0x1  }
0x1: {  	s1 =	rddreg [dreg:$0x0]  }
0x2: {  	s0 =	rddreg [dreg:$0x1];
	s2 =	simm.s32 $0x0  }
0x3: {  	s9 =	srdreg.scid;
	[smem:$0x7FF] =	sst s2;
	s3 =	sadd.s32 $0x1C00, s0  }
0x4: {  	s4 =	sadd.s32 $0x2000, s0;
	_ =	strace $0x80000047;
	[dreg:$0x13] =	wrdreg s3  }
0x5: {  	s6 =	stileid.u32;
	s10 =	sadd.s32 $0x2400, s0;
	[dreg:$0x14] =	wrdreg s4  }
0x6: {  	s13 =	simm.s32 $0x1080;
	s15 =	simm.s32 $0x1880;
	[dreg:$0x15] =	wrdreg s10  }
0x7: {  	s16 =	simm.s32 $0x2080;
	s17 =	simm.s32 $0x2880;
	[dreg:$0x5] =	wrdreg s13  }
0x8: {  	s18 =	simm.s32 $0x3080;
	s19 =	simm.s32 $0x3880;
	[dreg:$0x6] =	wrdreg s15  }
0x9: {  	s20 =	simm.s32 $0x4080;
	s21 =	simm.s32 $0x4880;
	[dreg:$0x7] =	wrdreg s16  }
0xa: {  	s22 =	simm.s32 $0x5080;
	s23 =	simm.s32 $0x5880;
	[dreg:$0x8] =	wrdreg s17  }
0xb: {  	s24 =	simm.s32 $0x6080;
	s25 =	simm.s32 $0x6880;
	[dreg:$0x9] =	wrdreg s18  }
0xc: {  	s26 =	simm.s32 $0x7080;
	s28 =	simm.s32 $0x7880;
	[dreg:$0xa] =	wrdreg s19  }
0xd: {  	s31 =	simm.s32 $0x0;
	s11 =	sshll.u32 s6, $0xD;
	[dreg:$0xb] =	wrdreg s20  }
0xe: {  	s7 =	sadd.s32 $0x2800, s0;
	s8 =	sadd.s32 $0x2C00, s0;
	[dreg:$0xc] =	wrdreg s21  }
0xf: {  	s3 =	sand.u32 $0x1, s9;
	s9 =	sadd.s32 $0x3000, s0;
	[dreg:$0xd] =	wrdreg s22  }
0x10: {  	s17 =	simm.s32 $0x8080;
	s18 =	simm.s32 $0x2;
	[dreg:$0xe] =	wrdreg s23  }
0x11: {  	s19 =	simm.s32 $0xA080;
	s20 =	simm.s32 $0xC080;
	[dreg:$0xf] =	wrdreg s24  }
0x12: {  	s21 =	simm.s32 $0xE080;
	[dreg:$0x10] =	wrdreg s25;
	s22 =	simm.s32 $0x10080  }
0x13: {  	[dreg:$0x11] =	wrdreg s26;
	s23 =	simm.s32 $0x12080;
	s24 =	simm.s32 $0x80  }
0x14: {  	[dreg:$0x12] =	wrdreg s28;
	s25 =	simm.s32 $0x1;
	s5 =	sshll.u32 s3, $0xC  }
0x15: {  	s10 =	ssub.s32 $0x2, s3;
	s3 =	sshll.u32 s3, $0x11;
	s4 =	sor.u32 s5, s11  }
0x16: {  	s11 =	sshll.u32 s6, $0x12;
	s12 =	sshrl.u32 s10, $0x1;
	s5 =	sshrl.u32 s4, $0x3  }
0x17: {  	s14 =	ssub.s32 s10, s12;
	s4 =	sshrl.u32 s4, $0x4;
	s12 =	simm.s32 $0x880  }
0x18: {  	s5 =	sadd.s32 s5, s0;
	s0 =	sadd.s32 s11, s0;
	[dreg:$0x3] =	wrdreg s4  }
0x19: {  	v2 =	vlaneseq.u32;
	[dreg:$0x4] =	wrdreg s12;
	s14 =	smax.u32 s14, $0x1;
	s10 =	sadd.s32 $0x13400, s5  }
0x1a: {  	vm0 =	vmmov $0xffff;
	v1 =	vshrl.u32 v2, $0x3;
	s11 =	sadd.s32 $0xF400, s5;
	s12 =	sadd.s32 $0xB400, s5;
	s0 =	sadd.s32 s3, s0  }
0x1b: {  	v0 =	vand.u32 $0x7, v2;
	v2 =	vor.u32 $0x8, v2;
	v1 =	vmul.u32 $0x8, v1;
	s13 =	sadd.s32 $0x7400, s5;
	s30 =	sadd.s32 $0x3400, s5;
	s29 =	sadd.s32 $0x17400, s0  }
.LBB2_1:
0x1c: {  	s0 =	rddreg [dreg:$0x13]  }
0x1d: {  	[tilespmem:s17], [sflag:$0x2] =	stream.linear.gather [hbm4b:s0+s2], $0x2000, $0x38;
	[tilespmem:$0x18080] =	vst v63  }
0x1e: {  	_ =	swait.ge [sflag:s18], $0x2000  }
0x1f: {  	[sflag:s18] =	ssyncset.done $0x0  }
0x20: {  	s16 =	rddreg [dreg:$0x14];
	[sflag:s18] =	ssyncadd.s32 $0xFFFFE000  }
0x21: {  	[tilespmem:s19], [sflag:$0x2] =	stream.linear.gather [hbm4b:s16+s2], $0x2000, $0x38;
	[tilespmem:$0x18080] =	vst v63  }
0x22: {  	_ =	swait.ge [sflag:s18], $0x2000  }
0x23: {  	[sflag:s18] =	ssyncset.done $0x0  }
0x24: {  	s26 =	rddreg [dreg:$0x15];
	[sflag:s18] =	ssyncadd.s32 $0xFFFFE000  }
0x25: {  	[tilespmem:s20], [sflag:$0x2] =	stream.linear.gather [hbm4b:s26+s2], $0x2000, $0x38;
	[tilespmem:$0x18080] =	vst v63  }
0x26: {  	_ =	swait.ge [sflag:s18], $0x2000  }
0x27: {  	[sflag:s18] =	ssyncset.done $0x0  }
0x28: {  	[sflag:s18] =	ssyncadd.s32 $0xFFFFE000  }
0x29: {  	[tilespmem:s21], [sflag:$0x2] =	stream.linear.gather [hbm4b:s7+s2], $0x2000, $0x38;
	[tilespmem:$0x18080] =	vst v63  }
0x2a: {  	_ =	swait.ge [sflag:s18], $0x2000  }
0x2b: {  	[sflag:s18] =	ssyncset.done $0x0  }
0x2c: {  	[sflag:s18] =	ssyncadd.s32 $0xFFFFE000  }
0x2d: {  	[tilespmem:s22], [sflag:$0x2] =	stream.linear.gather [hbm4b:s8+s2], $0x2000, $0x38;
	[tilespmem:$0x18080] =	vst v63  }
0x2e: {  	_ =	swait.ge [sflag:s18], $0x2000  }
0x2f: {  	[sflag:s18] =	ssyncset.done $0x0  }
0x30: {  	s3 =	simm.s32 $0x160C0;
	[sflag:s18] =	ssyncadd.s32 $0xFFFFE000  }
0x31: {  	[tilespmem:s23], [sflag:$0x2] =	stream.linear.gather [hbm4b:s9+s2], $0x2000, $0x38;
	[tilespmem:$0x18080] =	vst v63  }
0x32: {  	s28 =	simm.s32 $0x150C0;
	s15 =	smov.u32 s30;
	_ =	swait.ge [sflag:s18], $0x2000  }
0x33: {  	s4 =	simm.s32 $0x0;
	s0 =	simm.s32 $0x170C0;
	[sflag:s18] =	ssyncset.done $0x0  }
0x34: {  	s16 =	smov.u32 s29;
	s26 =	simm.s32 $0x140C0;
	[sflag:s18] =	ssyncadd.s32 $0xFFFFE000  }
.LBB2_2:
0x35: {  	[tilespmem:s2], [sflag:$0x2] =	stream.linear.gather [hbm4b:s15+s2], $0x80, $0x38;
	[tilespmem:$0x18080] =	vst v63  }
0x36: {  	_ =	swait.ge [sflag:s18], $0x80  }
0x37: {  	[sflag:s18] =	ssyncset.done $0x0  }
0x38: {  	[sflag:s18] =	ssyncadd.s32 $0xFFFFFF80  }
0x39: {  	v3 =	vld [tilespmem:$0x0];
	_ =	sdelay $0x4  }
0x3a: {  	v4 =	vshll.u32 v3, $0x1  }
0x3b: {  	v3 =	vand.u32 $0x7, v3;
	v4 =	vand.u32 $0xFFFFFFF0, v4  }
0x3c: {  	v3 =	vor.u32 v3, v4  }
0x3d: {  	v4 =	vperm.xlane v3, v0;
	_ =	sdelay $0x1  }
0x3e: {  	v3 =	vperm.xlane v3, v2;
	v4 =	vadd.s32 v1, v4;
	_ =	sdelay $0x1  }
0x3f: {  	v3 =	vadd.s32 v1, v3;
	_ =	sdelay $0x2  }
0x40: {  	[tilespmem:s24], [sflag:$0x1] =	stream.indirect_vreg.gather [hbm4b:s1+s2], $0x80, v4, vm0, $0xb8;
	[tilespmem:$0x18080] =	vst v63  }
0x41: {  	s5 =	rddreg [dreg:$0x4]  }
0x42: {  	[tilespmem:s5], [sflag:$0x1] =	stream.indirect_vreg.gather [hbm4b:s1+s2], $0x80, v3, vm0, $0xb8;
	[tilespmem:$0x18080] =	vst v63  }
0x43: {  	v3 =	vld [tilespmem:$0x10];
	_ =	sdelay $0x4  }
0x44: {  	v11 =	vshll.u32 v3, $0x1  }
0x45: {  	v3 =	vand.u32 $0x7, v3;
	v4 =	vand.u32 $0xFFFFFFF0, v11  }
0x46: {  	v3 =	vor.u32 v3, v4  }
0x47: {  	v4 =	vperm.xlane v3, v0;
	_ =	sdelay $0x1  }
0x48: {  	v3 =	vperm.xlane v3, v2;
	v4 =	vadd.s32 v1, v4;
	_ =	sdelay $0x1  }
0x49: {  	v3 =	vadd.s32 v1, v3;
	_ =	sdelay $0x1  }
0x4a: {  	s5 =	rddreg [dreg:$0x5]  }
0x4b: {  	[tilespmem:s5], [sflag:$0x1] =	stream.indirect_vreg.gather [hbm4b:s1+s2], $0x80, v4, vm0, $0xb8;
	[tilespmem:$0x18080] =	vst v63  }
0x4c: {  	s6 =	rddreg [dreg:$0x6]  }
0x4d: {  	[tilespmem:s6], [sflag:$0x1] =	stream.indirect_vreg.gather [hbm4b:s1+s2], $0x80, v3, vm0, $0xb8;
	[tilespmem:$0x18080] =	vst v63  }
0x4e: {  	v3 =	vld [tilespmem:$0x20];
	_ =	sdelay $0x4  }
0x4f: {  	v12 =	vshll.u32 v3, $0x1  }
0x50: {  	v3 =	vand.u32 $0x7, v3;
	v4 =	vand.u32 $0xFFFFFFF0, v12  }
0x51: {  	v3 =	vor.u32 v3, v4  }
0x52: {  	v4 =	vperm.xlane v3, v0;
	_ =	sdelay $0x1  }
0x53: {  	v3 =	vperm.xlane v3, v2;
	v4 =	vadd.s32 v1, v4;
	_ =	sdelay $0x1  }
0x54: {  	v3 =	vadd.s32 v1, v3;
	_ =	sdelay $0x1  }
0x55: {  	s5 =	rddreg [dreg:$0x7]  }
0x56: {  	[tilespmem:s5], [sflag:$0x1] =	stream.indirect_vreg.gather [hbm4b:s1+s2], $0x80, v4, vm0, $0xb8;
	[tilespmem:$0x18080] =	vst v63  }
0x57: {  	s6 =	rddreg [dreg:$0x8]  }
0x58: {  	[tilespmem:s6], [sflag:$0x1] =	stream.indirect_vreg.gather [hbm4b:s1+s2], $0x80, v3, vm0, $0xb8;
	[tilespmem:$0x18080] =	vst v63  }
0x59: {  	v3 =	vld [tilespmem:$0x30];
	_ =	sdelay $0x4  }
0x5a: {  	v13 =	vshll.u32 v3, $0x1  }
0x5b: {  	v3 =	vand.u32 $0x7, v3;
	v4 =	vand.u32 $0xFFFFFFF0, v13  }
0x5c: {  	v3 =	vor.u32 v3, v4  }
0x5d: {  	v4 =	vperm.xlane v3, v0;
	_ =	sdelay $0x1  }
0x5e: {  	v3 =	vperm.xlane v3, v2;
	v4 =	vadd.s32 v1, v4;
	_ =	sdelay $0x1  }
0x5f: {  	v3 =	vadd.s32 v1, v3;
	_ =	sdelay $0x1  }
0x60: {  	s5 =	rddreg [dreg:$0x9]  }
0x61: {  	[tilespmem:s5], [sflag:$0x1] =	stream.indirect_vreg.gather [hbm4b:s1+s2], $0x80, v4, vm0, $0xb8;
	[tilespmem:$0x18080] =	vst v63  }
0x62: {  	s6 =	rddreg [dreg:$0xa]  }
0x63: {  	[tilespmem:s6], [sflag:$0x1] =	stream.indirect_vreg.gather [hbm4b:s1+s2], $0x80, v3, vm0, $0xb8;
	[tilespmem:$0x18080] =	vst v63  }
0x64: {  	v3 =	vld [tilespmem:$0x40];
	_ =	sdelay $0x4  }
0x65: {  	v14 =	vshll.u32 v3, $0x1  }
0x66: {  	v3 =	vand.u32 $0x7, v3;
	v4 =	vand.u32 $0xFFFFFFF0, v14  }
0x67: {  	v3 =	vor.u32 v3, v4  }
0x68: {  	v4 =	vperm.xlane v3, v0;
	_ =	sdelay $0x1  }
0x69: {  	v3 =	vperm.xlane v3, v2;
	v4 =	vadd.s32 v1, v4;
	_ =	sdelay $0x1  }
0x6a: {  	v3 =	vadd.s32 v1, v3;
	_ =	sdelay $0x1  }
0x6b: {  	s5 =	rddreg [dreg:$0xb]  }
0x6c: {  	[tilespmem:s5], [sflag:$0x1] =	stream.indirect_vreg.gather [hbm4b:s1+s2], $0x80, v4, vm0, $0xb8;
	[tilespmem:$0x18080] =	vst v63  }
0x6d: {  	s6 =	rddreg [dreg:$0xc]  }
0x6e: {  	[tilespmem:s6], [sflag:$0x1] =	stream.indirect_vreg.gather [hbm4b:s1+s2], $0x80, v3, vm0, $0xb8;
	[tilespmem:$0x18080] =	vst v63  }
0x6f: {  	v3 =	vld [tilespmem:$0x50];
	_ =	sdelay $0x4  }
0x70: {  	v15 =	vshll.u32 v3, $0x1  }
0x71: {  	v3 =	vand.u32 $0x7, v3;
	v4 =	vand.u32 $0xFFFFFFF0, v15  }
0x72: {  	v3 =	vor.u32 v3, v4  }
0x73: {  	v4 =	vperm.xlane v3, v0;
	_ =	sdelay $0x1  }
0x74: {  	v3 =	vperm.xlane v3, v2;
	v4 =	vadd.s32 v1, v4;
	_ =	sdelay $0x1  }
0x75: {  	v3 =	vadd.s32 v1, v3;
	_ =	sdelay $0x1  }
0x76: {  	s5 =	rddreg [dreg:$0xd]  }
0x77: {  	[tilespmem:s5], [sflag:$0x1] =	stream.indirect_vreg.gather [hbm4b:s1+s2], $0x80, v4, vm0, $0xb8;
	[tilespmem:$0x18080] =	vst v63  }
0x78: {  	s6 =	rddreg [dreg:$0xe]  }
0x79: {  	[tilespmem:s6], [sflag:$0x1] =	stream.indirect_vreg.gather [hbm4b:s1+s2], $0x80, v3, vm0, $0xb8;
	[tilespmem:$0x18080] =	vst v63  }
0x7a: {  	v3 =	vld [tilespmem:$0x60];
	_ =	sdelay $0x4  }
0x7b: {  	v16 =	vshll.u32 v3, $0x1  }
0x7c: {  	v3 =	vand.u32 $0x7, v3;
	v4 =	vand.u32 $0xFFFFFFF0, v16  }
0x7d: {  	v3 =	vor.u32 v3, v4  }
0x7e: {  	v4 =	vperm.xlane v3, v0;
	_ =	sdelay $0x1  }
0x7f: {  	v3 =	vperm.xlane v3, v2;
	v4 =	vadd.s32 v1, v4;
	_ =	sdelay $0x1  }
0x80: {  	v3 =	vadd.s32 v1, v3;
	_ =	sdelay $0x1  }
0x81: {  	s5 =	rddreg [dreg:$0xf]  }
0x82: {  	[tilespmem:s5], [sflag:$0x1] =	stream.indirect_vreg.gather [hbm4b:s1+s2], $0x80, v4, vm0, $0xb8;
	[tilespmem:$0x18080] =	vst v63  }
0x83: {  	s6 =	rddreg [dreg:$0x10]  }
0x84: {  	[tilespmem:s6], [sflag:$0x1] =	stream.indirect_vreg.gather [hbm4b:s1+s2], $0x80, v3, vm0, $0xb8;
	[tilespmem:$0x18080] =	vst v63  }
0x85: {  	v3 =	vld [tilespmem:$0x70];
	_ =	sdelay $0x4  }
0x86: {  	v17 =	vshll.u32 v3, $0x1  }
0x87: {  	v3 =	vand.u32 $0x7, v3;
	v4 =	vand.u32 $0xFFFFFFF0, v17  }
0x88: {  	v3 =	vor.u32 v3, v4  }
0x89: {  	v4 =	vperm.xlane v3, v0;
	_ =	sdelay $0x1  }
0x8a: {  	v3 =	vperm.xlane v3, v2;
	v4 =	vadd.s32 v1, v4;
	_ =	sdelay $0x1  }
0x8b: {  	v3 =	vadd.s32 v1, v3;
	_ =	sdelay $0x1  }
0x8c: {  	s5 =	rddreg [dreg:$0x11]  }
0x8d: {  	[tilespmem:s5], [sflag:$0x1] =	stream.indirect_vreg.gather [hbm4b:s1+s2], $0x80, v4, vm0, $0xb8;
	[tilespmem:$0x18080] =	vst v63  }
0x8e: {  	s6 =	rddreg [dreg:$0x12]  }
0x8f: {  	[tilespmem:s6], [sflag:$0x1] =	stream.indirect_vreg.gather [hbm4b:s1+s2], $0x80, v3, vm0, $0xb8;
	[tilespmem:$0x18080] =	vst v63  }
0x90: {  	_ =	swait.ge [sflag:s25], $0x8000  }
0x91: {  	[sflag:s25] =	ssyncset.done $0x0  }
0x92: {  	[sflag:s25] =	ssyncadd.s32 $0xFFFF8000  }
0x93: {  	[hbm4b:s16+s2] =	stream.linear.scatter [tilespmem:s24], [sflag:$0x2], $0x8000, $0x38;
	[tilespmem:$0x18080] =	vst v63  }
0x94: {  	_ =	swait.ge [sflag:s18], $0x8000  }
0x95: {  	[sflag:s18] =	ssyncset.done $0x0  }
0x96: {  	s6 =	rddreg [dreg:$0x3];
	[sflag:s18] =	ssyncadd.s32 $0xFFFF8000  }
0x97: {  	s5 =	sadd.s32 s4, s6;
	v3 =	vld [tilespmem:$0x0]  }
0x98: {  	v18 =	vmov s5  }
0x99: {  	v4 =	vand.u32 $0xFFFFFFF8, v18  }
0x9a: {  	v4 =	vbroadcast v4, $0x0;
	_ =	sdelay $0x4  }
0x9b: {  	v5 =	vld.idx.msk [tilespmem:v3+s17+$0x0], $0xffff  }
0x9c: {  	v6 =	vld.idx.msk [tilespmem:v4+s21+$0x0], $0xffff  }
0x9d: {  	v7 =	vld.idx.msk [tilespmem:v3+s19+$0x0], $0xffff  }
0x9e: {  	v8 =	vld.idx.msk [tilespmem:v4+s22+$0x0], $0xffff  }
0x9f: {  	v3 =	vld.idx.msk [tilespmem:v3+s20+$0x0], $0xffff  }
0xa0: {  	v4 =	vld.idx.msk [tilespmem:v4+s23+$0x0], $0xffff;
	_ =	sdelay $0x2  }
0xa1: {  	v5 =	vsub.f32 v5, v6;
	v19 =	vsub.f32 v7, v8;
	_ =	sdelay $0x1  }
0xa2: {  	v3 =	vsub.f32 v3, v4;
	v20 =	vmul.f32 v5, v5;
	v7 =	vmul.f32 v19, v19;
	_ =	sdelay $0x1  }
0xa3: {  	v21 =	vmul.f32 v3, v3;
	v4 =	vadd.f32 v7, v20  }
0xa4: {  	[tilespmem:s26+$0xFFFFFFC0] =	vst v5  }
0xa5: {  	[tilespmem:s28+$0xFFFFFFC0] =	vst v19;
	v4 =	vadd.f32 v21, v4  }
0xa6: {  	[tilespmem:s3+$0xFFFFFFC0] =	vst v3  }
0xa7: {  	[tilespmem:s0+$0xFFFFFFC0] =	vst v4  }
0xa8: {  	s6 =	sadd.s32 $0x1, s5;
	v3 =	vld [tilespmem:$0x10]  }
0xa9: {  	v22 =	vmov s6;
	_ =	sdelay $0x4  }
0xaa: {  	v6 =	vld.idx.msk [tilespmem:v22+s21+$0x0], $0xffff  }
0xab: {  	v24 =	vld.idx.msk [tilespmem:v22+s22+$0x0], $0xffff  }
0xac: {  	v5 =	vld.idx.msk [tilespmem:v3+s17+$0x0], $0xffff  }
0xad: {  	v23 =	vld.idx.msk [tilespmem:v3+s19+$0x0], $0xffff  }
0xae: {  	v4 =	vld.idx.msk [tilespmem:v22+s23+$0x0], $0xffff  }
0xaf: {  	v3 =	vld.idx.msk [tilespmem:v3+s20+$0x0], $0xffff;
	_ =	sdelay $0x2  }
0xb0: {  	v5 =	vsub.f32 v5, v6;
	v25 =	vsub.f32 v23, v24;
	_ =	sdelay $0x1  }
0xb1: {  	v3 =	vsub.f32 v3, v4;
	v26 =	vmul.f32 v5, v5;
	v7 =	vmul.f32 v25, v25;
	_ =	sdelay $0x1  }
0xb2: {  	v27 =	vmul.f32 v3, v3;
	v4 =	vadd.f32 v7, v26  }
0xb3: {  	[tilespmem:s26+$0xFFFFFFD0] =	vst v5  }
0xb4: {  	[tilespmem:s28+$0xFFFFFFD0] =	vst v25;
	v4 =	vadd.f32 v27, v4  }
0xb5: {  	[tilespmem:s3+$0xFFFFFFD0] =	vst v3  }
0xb6: {  	[tilespmem:s0+$0xFFFFFFD0] =	vst v4  }
0xb7: {  	s6 =	sadd.s32 $0x2, s5;
	v3 =	vld [tilespmem:$0x20]  }
0xb8: {  	v28 =	vmov s6;
	_ =	sdelay $0x4  }
0xb9: {  	v6 =	vld.idx.msk [tilespmem:v28+s21+$0x0], $0xffff  }
0xba: {  	v30 =	vld.idx.msk [tilespmem:v28+s22+$0x0], $0xffff  }
0xbb: {  	v5 =	vld.idx.msk [tilespmem:v3+s17+$0x0], $0xffff  }
0xbc: {  	v29 =	vld.idx.msk [tilespmem:v3+s19+$0x0], $0xffff  }
0xbd: {  	v4 =	vld.idx.msk [tilespmem:v28+s23+$0x0], $0xffff  }
0xbe: {  	v3 =	vld.idx.msk [tilespmem:v3+s20+$0x0], $0xffff;
	_ =	sdelay $0x2  }
0xbf: {  	v5 =	vsub.f32 v5, v6;
	v31 =	vsub.f32 v29, v30;
	_ =	sdelay $0x1  }
0xc0: {  	v3 =	vsub.f32 v3, v4;
	v32 =	vmul.f32 v5, v5;
	v7 =	vmul.f32 v31, v31;
	_ =	sdelay $0x1  }
0xc1: {  	v33 =	vmul.f32 v3, v3;
	v4 =	vadd.f32 v7, v32  }
0xc2: {  	[tilespmem:s26+$0xFFFFFFE0] =	vst v5  }
0xc3: {  	[tilespmem:s28+$0xFFFFFFE0] =	vst v31;
	v4 =	vadd.f32 v33, v4  }
0xc4: {  	[tilespmem:s3+$0xFFFFFFE0] =	vst v3  }
0xc5: {  	[tilespmem:s0+$0xFFFFFFE0] =	vst v4  }
0xc6: {  	s6 =	sadd.s32 $0x3, s5;
	v3 =	vld [tilespmem:$0x30]  }
0xc7: {  	v34 =	vmov s6;
	_ =	sdelay $0x4  }
0xc8: {  	v6 =	vld.idx.msk [tilespmem:v34+s21+$0x0], $0xffff  }
0xc9: {  	v36 =	vld.idx.msk [tilespmem:v34+s22+$0x0], $0xffff  }
0xca: {  	v5 =	vld.idx.msk [tilespmem:v3+s17+$0x0], $0xffff  }
0xcb: {  	v35 =	vld.idx.msk [tilespmem:v3+s19+$0x0], $0xffff  }
0xcc: {  	v4 =	vld.idx.msk [tilespmem:v34+s23+$0x0], $0xffff  }
0xcd: {  	v3 =	vld.idx.msk [tilespmem:v3+s20+$0x0], $0xffff;
	_ =	sdelay $0x2  }
0xce: {  	v5 =	vsub.f32 v5, v6;
	v37 =	vsub.f32 v35, v36;
	_ =	sdelay $0x1  }
0xcf: {  	v3 =	vsub.f32 v3, v4;
	v38 =	vmul.f32 v5, v5;
	v7 =	vmul.f32 v37, v37;
	_ =	sdelay $0x1  }
0xd0: {  	v39 =	vmul.f32 v3, v3;
	v4 =	vadd.f32 v7, v38  }
0xd1: {  	[tilespmem:s26+$0xFFFFFFF0] =	vst v5  }
0xd2: {  	[tilespmem:s28+$0xFFFFFFF0] =	vst v37;
	v4 =	vadd.f32 v39, v4  }
0xd3: {  	[tilespmem:s3+$0xFFFFFFF0] =	vst v3  }
0xd4: {  	[tilespmem:s0+$0xFFFFFFF0] =	vst v4  }
0xd5: {  	s6 =	sadd.s32 $0x4, s5;
	v3 =	vld [tilespmem:$0x40]  }
0xd6: {  	v40 =	vmov s6;
	_ =	sdelay $0x4  }
0xd7: {  	v6 =	vld.idx.msk [tilespmem:v40+s21+$0x0], $0xffff  }
0xd8: {  	v42 =	vld.idx.msk [tilespmem:v40+s22+$0x0], $0xffff  }
0xd9: {  	v5 =	vld.idx.msk [tilespmem:v3+s17+$0x0], $0xffff  }
0xda: {  	v41 =	vld.idx.msk [tilespmem:v3+s19+$0x0], $0xffff  }
0xdb: {  	v4 =	vld.idx.msk [tilespmem:v40+s23+$0x0], $0xffff  }
0xdc: {  	v3 =	vld.idx.msk [tilespmem:v3+s20+$0x0], $0xffff;
	_ =	sdelay $0x2  }
0xdd: {  	v5 =	vsub.f32 v5, v6;
	v43 =	vsub.f32 v41, v42;
	_ =	sdelay $0x1  }
0xde: {  	v3 =	vsub.f32 v3, v4;
	v44 =	vmul.f32 v5, v5;
	v7 =	vmul.f32 v43, v43;
	_ =	sdelay $0x1  }
0xdf: {  	v45 =	vmul.f32 v3, v3;
	v4 =	vadd.f32 v7, v44  }
0xe0: {  	[tilespmem:s26+$0x0] =	vst v5  }
0xe1: {  	[tilespmem:s28+$0x0] =	vst v43;
	v4 =	vadd.f32 v45, v4  }
0xe2: {  	[tilespmem:s3+$0x0] =	vst v3  }
0xe3: {  	[tilespmem:s0+$0x0] =	vst v4  }
0xe4: {  	s6 =	sadd.s32 $0x5, s5;
	v3 =	vld [tilespmem:$0x50]  }
0xe5: {  	v46 =	vmov s6;
	_ =	sdelay $0x4  }
0xe6: {  	v6 =	vld.idx.msk [tilespmem:v46+s21+$0x0], $0xffff  }
0xe7: {  	v48 =	vld.idx.msk [tilespmem:v46+s22+$0x0], $0xffff  }
0xe8: {  	v5 =	vld.idx.msk [tilespmem:v3+s17+$0x0], $0xffff  }
0xe9: {  	v47 =	vld.idx.msk [tilespmem:v3+s19+$0x0], $0xffff  }
0xea: {  	v4 =	vld.idx.msk [tilespmem:v46+s23+$0x0], $0xffff  }
0xeb: {  	v3 =	vld.idx.msk [tilespmem:v3+s20+$0x0], $0xffff;
	_ =	sdelay $0x2  }
0xec: {  	v5 =	vsub.f32 v5, v6;
	v49 =	vsub.f32 v47, v48;
	_ =	sdelay $0x1  }
0xed: {  	v3 =	vsub.f32 v3, v4;
	v50 =	vmul.f32 v5, v5;
	v7 =	vmul.f32 v49, v49;
	_ =	sdelay $0x1  }
0xee: {  	v51 =	vmul.f32 v3, v3;
	v4 =	vadd.f32 v7, v50  }
0xef: {  	[tilespmem:s26+$0x10] =	vst v5  }
0xf0: {  	[tilespmem:s28+$0x10] =	vst v49;
	v4 =	vadd.f32 v51, v4  }
0xf1: {  	[tilespmem:s3+$0x10] =	vst v3  }
0xf2: {  	[tilespmem:s0+$0x10] =	vst v4  }
0xf3: {  	s6 =	sadd.s32 $0x6, s5;
	v3 =	vld [tilespmem:$0x60]  }
0xf4: {  	v52 =	vmov s6;
	_ =	sdelay $0x4  }
0xf5: {  	v6 =	vld.idx.msk [tilespmem:v52+s21+$0x0], $0xffff  }
0xf6: {  	v54 =	vld.idx.msk [tilespmem:v52+s22+$0x0], $0xffff  }
0xf7: {  	v5 =	vld.idx.msk [tilespmem:v3+s17+$0x0], $0xffff  }
0xf8: {  	v53 =	vld.idx.msk [tilespmem:v3+s19+$0x0], $0xffff  }
0xf9: {  	v4 =	vld.idx.msk [tilespmem:v52+s23+$0x0], $0xffff  }
0xfa: {  	v3 =	vld.idx.msk [tilespmem:v3+s20+$0x0], $0xffff;
	_ =	sdelay $0x2  }
0xfb: {  	v5 =	vsub.f32 v5, v6;
	v55 =	vsub.f32 v53, v54;
	_ =	sdelay $0x1  }
0xfc: {  	v3 =	vsub.f32 v3, v4;
	v56 =	vmul.f32 v5, v5;
	v7 =	vmul.f32 v55, v55;
	_ =	sdelay $0x1  }
0xfd: {  	v57 =	vmul.f32 v3, v3;
	v4 =	vadd.f32 v7, v56  }
0xfe: {  	[tilespmem:s26+$0x20] =	vst v5  }
0xff: {  	[tilespmem:s28+$0x20] =	vst v55;
	v4 =	vadd.f32 v57, v4  }
0x100: {  	[tilespmem:s3+$0x20] =	vst v3  }
0x101: {  	[tilespmem:s0+$0x20] =	vst v4  }
0x102: {  	s5 =	sadd.s32 $0x7, s5;
	v3 =	vld [tilespmem:$0x70]  }
0x103: {  	v58 =	vmov s5;
	_ =	sdelay $0x4  }
0x104: {  	v6 =	vld.idx.msk [tilespmem:v58+s21+$0x0], $0xffff  }
0x105: {  	v60 =	vld.idx.msk [tilespmem:v58+s22+$0x0], $0xffff  }
0x106: {  	v5 =	vld.idx.msk [tilespmem:v3+s17+$0x0], $0xffff  }
0x107: {  	v59 =	vld.idx.msk [tilespmem:v3+s19+$0x0], $0xffff  }
0x108: {  	v4 =	vld.idx.msk [tilespmem:v58+s23+$0x0], $0xffff  }
0x109: {  	v3 =	vld.idx.msk [tilespmem:v3+s20+$0x0], $0xffff;
	_ =	sdelay $0x2  }
0x10a: {  	v5 =	vsub.f32 v5, v6;
	v61 =	vsub.f32 v59, v60;
	_ =	sdelay $0x1  }
0x10b: {  	v3 =	vsub.f32 v3, v4;
	v62 =	vmul.f32 v5, v5;
	v7 =	vmul.f32 v61, v61  }
0x10c: {  	p0 =	sne.s32 s4, $0xF8  }
.Ltmp0:
0x10d: {  	v63 =	vmul.f32 v3, v3;
	v4 =	vadd.f32 v7, v62;
	(pc) =	sbr.rel @p0 .LBB2_2-.Ltmp0, $4  }
0x10e: {  	[tilespmem:s26+$0x30] =	vst v5  }
0x10f: {  	s15 =	sadd.s32 $0x10, s15;
	[tilespmem:s28+$0x30] =	vst v61;
	v4 =	vadd.f32 v63, v4  }
0x110: {  	s16 =	sadd.s32 $0x1000, s16;
	s4 =	sadd.s32 $0x8, s4;
	s26 =	sadd.s32 $0x80, s26;
	[tilespmem:s3+$0x30] =	vst v3  }
0x111: {  	s28 =	sadd.s32 $0x80, s28;
	s3 =	sadd.s32 $0x80, s3;
	[tilespmem:s0+$0x30] =	vst v4;
	s0 =	sadd.s32 $0x80, s0  }
0x112: {  	s0 =	simm.s32 $0x14080  }
0x113: {  	[hbm4b:s10+s2] =	stream.linear.scatter [tilespmem:s0], [sflag:$0x2], $0x1000, $0x38;
	[tilespmem:$0x18080] =	vst v63  }
0x114: {  	_ =	swait.ge [sflag:s18], $0x1000  }
0x115: {  	[sflag:s18] =	ssyncset.done $0x0  }
0x116: {  	s16 =	simm.s32 $0x15080;
	[sflag:s18] =	ssyncadd.s32 $0xFFFFF000  }
0x117: {  	[hbm4b:s11+s2] =	stream.linear.scatter [tilespmem:s16], [sflag:$0x2], $0x1000, $0x38;
	[tilespmem:$0x18080] =	vst v63  }
0x118: {  	_ =	swait.ge [sflag:s18], $0x1000  }
0x119: {  	[sflag:s18] =	ssyncset.done $0x0  }
0x11a: {  	s26 =	simm.s32 $0x16080;
	[sflag:s18] =	ssyncadd.s32 $0xFFFFF000  }
0x11b: {  	[hbm4b:s12+s2] =	stream.linear.scatter [tilespmem:s26], [sflag:$0x2], $0x1000, $0x38;
	[tilespmem:$0x18080] =	vst v63  }
0x11c: {  	s31 =	sadd.s32 $0x1, s31;
	_ =	swait.ge [sflag:s18], $0x1000  }
0x11d: {  	p0 =	sne.s32 s31, s14;
	[sflag:s18] =	ssyncset.done $0x0  }
.Ltmp1:
0x11e: {  	s28 =	simm.s32 $0x17080;
	[sflag:s18] =	ssyncadd.s32 $0xFFFFF000;
	(pc) =	sbr.rel @p0 .LBB2_1-.Ltmp1, $4  }
0x11f: {  	[hbm4b:s13+s2] =	stream.linear.scatter [tilespmem:s28], [sflag:$0x2], $0x1000, $0x38;
	[tilespmem:$0x18080] =	vst v63  }
0x120: {  	_ =	swait.ge [sflag:s18], $0x1000  }
0x121: {  	[sflag:s18] =	ssyncset.done $0x0  }
0x122: {  	[sflag:s18] =	ssyncadd.s32 $0xFFFFF000  }
0x123: {  	_ =	sfence.sel $0x180000  }
0x124: {  	[bflag:$0x0] =	sbarrier.arrive $0xFFFF  }
0x125: {  	_ =	strace $0x90000047  }
0x126: {  	s0 =	stileid.u32;
	[bflag:$0x2] =	sbarrier.arrive $0xFFFF  }
0x127: {  	p0 =	sne.s32 s0, $0x0;
	s0 =	rddreg [dreg:$0x2]  }
0x128: {  	s0 =	sadd.s32 @!p0 $0x100000, s0  }
0x129: {  	[sflag:s0] =	ssyncadd.tile.s32 @!p0 $0x1;
	_ =	shalt  }
.Lfunc_end2:
_tile_overlayer_lowered:
.L_overlay_start_2:
0x12a: {  	(tag) =	ssettag $0x2  }
0x12b: {  	s0 =	rddreg [dreg:$0x0];
	s2 =	stileid.u32  }
0x12c: {  	s1 =	rddreg [dreg:$0x1];
	p0 =	sne.s32 s2, $0x0  }
0x12d: {  	s3 =	rddreg [dreg:$0x2];
	[bflag:$0x3] =	sbarrier.arrive $0xFFFF;
	s2 =	simm.s32 @!p0 $0x1C02  }
0x12e: {  	[timem:s3], [sflag:s2] =	dma.local @!p0 [hbm:s0], s1  }
0x12f: {  	s0 =	simm.s32 @!p0 $0x2  }
0x130: {  	_ =	swait.ge @!p0 [sflag:s0], s1  }
0x131: {  	s1 =	ssub.s32 @!p0 $0x0, s1;
	[sflag:s0] =	ssyncset.done @!p0 $0x0  }
0x132: {  	[sflag:s0] =	ssyncadd.s32 @!p0 s1  }
0x133: {  	[bflag:$0x3] =	sbarrier.arrive $0xFFFF  }
0x134: {  	_ =	shalt  }

</sc_bundles>
